<compile_context>
chip_gen: v7x
topology: tpu7x:2x2x1
jax: 0.10.2.dev20260603
libtpu: 0.0.44.dev20260713+nightly
codegen_flags: <defaults>
</compile_context>

<pallas_src>
import jax
import jax.numpy as jnp
from jax import lax
from jax.experimental import pallas as pl
from jax.experimental.pallas import tpu as pltpu
from jax.experimental.pallas import tpu_sc as plsc

B, C, H, W = 2, 96, 512, 512
HW = H * W
NS = 16
SLICE = HW // NS
CH = 512
NCH = SLICE // CH
NV = CH // 16
L = 16
PAD = 520
PLANE = HW + 1048
CORNER_OFF = (0, 1, W, W + 1)


def _floor16(v):
    t = v.astype(jnp.int32)
    tf = t.astype(jnp.float32)
    adj = tf > v
    return jnp.where(adj, t - 1, t), jnp.where(adj, tf - 1.0, tf)


def _sc_body(ten_hbm, flow_hbm, mask_hbm, out_hbm,
             acc_sh, den_sh,
             base_c, w00_c, w10_c, w01_c, w11_c,
             src_b, ia_set, ib_set, va_set, vb_set, zz_b,
             sem_l0, sem_l1, sem_a, sem_b, sem_w0, sem_w1,
             sem_r0, sem_r1, sem_z):
    b = lax.axis_index("c")
    s = lax.axis_index("s")
    s0 = s * SLICE
    wrefs = (w00_c, w10_c, w01_c, w11_c)
    idx_sets = (ia_set, ib_set)
    val_sets = (va_set, vb_set)
    sc_sems = (sem_a, sem_b)
    ld_sems = (sem_l0, sem_l1)
    wr_sems = (sem_w0, sem_w1)
    rd_sems = (sem_r0, sem_r1)

    def meta_chunk(j, _):
        off = j * CH
        pltpu.sync_copy(mask_hbm.at[b, pl.ds(s0 + off, CH)],
                        va_set.at[pl.ds(0, CH)])

        def mvec(i, _):
            w11_c[pl.ds(off + i * L, L)] = jnp.exp(va_set[pl.ds(i * L, L)])
            return 0

        lax.fori_loop(0, NV, mvec, 0, unroll=4)

        pltpu.sync_copy(flow_hbm.at[2 * b, pl.ds(s0 + off, CH)],
                        va_set.at[pl.ds(0, CH)])
        pltpu.sync_copy(flow_hbm.at[2 * b + 1, pl.ds(s0 + off, CH)],
                        va_set.at[pl.ds(CH, CH)])

        def vec(i, _):
            sl = pl.ds(i * L, L)
            gsl = pl.ds(off + i * L, L)
            m = w11_c[gsl]
            p = (s0 + off + i * L) + lax.iota(jnp.int32, L)
            xg = jnp.bitwise_and(p, W - 1).astype(jnp.float32)
            yg = jnp.right_shift(p, 9).astype(jnp.float32)
            fx = jnp.minimum(jnp.maximum(xg + va_set[sl], -2.0), W + 1.0)
            fy = jnp.minimum(jnp.maximum(yg + va_set[pl.ds(CH + i * L, L)],
                                         -2.0), H + 1.0)
            x0, x0f = _floor16(fx)
            y0, y0f = _floor16(fy)
            frx = fx - x0f
            fry = fy - y0f
            zero = jnp.zeros((L,), jnp.float32)
            vx0 = (x0 >= 0) & (x0 < W)
            vx1 = (x0 >= -1) & (x0 < W - 1)
            vy0 = (y0 >= 0) & (y0 < H)
            vy1 = (y0 >= -1) & (y0 < H - 1)
            wx0 = 1.0 - frx
            wy0 = 1.0 - fry
            bi = y0 * W + x0 + PAD
            base_c[gsl] = jnp.minimum(jnp.maximum(bi, 0), HW + PAD + 7)
            w00_c[gsl] = jnp.where(vx0 & vy0, m * (wx0 * wy0), zero)
            w10_c[gsl] = jnp.where(vx1 & vy0, m * (frx * wy0), zero)
            w01_c[gsl] = jnp.where(vx0 & vy1, m * (wx0 * fry), zero)
            w11_c[gsl] = jnp.where(vx1 & vy1, m * (frx * fry), zero)
            return 0

        lax.fori_loop(0, NV, vec, 0, unroll=2)
        return 0

    lax.fori_loop(0, NCH, meta_chunk, 0)

    def zvec(i, _):
        zz_b[pl.ds(i * L, L)] = jnp.zeros((L,), jnp.float32)
        return 0

    lax.fori_loop(0, NV, zvec, 0)

    def zero_plane(plane):
        def zc(j, _):
            pltpu.sync_copy(zz_b, plane.at[pl.ds(PAD + s0 + j * CH, CH)])
            return 0
        lax.fori_loop(0, NCH, zc, 0)

    def scatter_wait_set(st, plane):
        pltpu.make_async_copy(val_sets[st], plane.at[idx_sets[st]],
                              sc_sems[st]).wait()

    def do_chunk(j, plane, with_src, st, soff, first):
        off = j * CH
        iref, vref = idx_sets[st], val_sets[st]
        if not first:
            scatter_wait_set(st, plane)

        @plsc.parallel_loop(0, NV, 1, unroll=8)
        def _(i):
            gsl = pl.ds(pl.multiple_of(off + i * L, L), L)
            bb = base_c[gsl]
            if with_src:
                sv = src_b[pl.ds(pl.multiple_of(soff + i * L, L), L)]
            for k in range(4):
                ksl = pl.ds(pl.multiple_of(k * CH + i * L, L), L)
                iref[ksl] = bb + CORNER_OFF[k]
                wv = wrefs[k][gsl]
                vref[ksl] = wv * sv if with_src else wv

        pltpu.async_copy(vref, plane.at[iref], sc_sems[st], add=True)

    def fire_load(j, row, sslot):
        pltpu.async_copy(ten_hbm.at[row, pl.ds(s0 + j * CH, CH)],
                         src_b.at[pl.ds(sslot * CH, CH)], ld_sems[sslot])

    def wait_load(j, row, sslot):
        pltpu.make_async_copy(ten_hbm.at[row, pl.ds(s0 + j * CH, CH)],
                              src_b.at[pl.ds(sslot * CH, CH)],
                              ld_sems[sslot]).wait()

    def scatter_plane(plane, row, with_src):
        if with_src:
            fire_load(0, row, 0)

        def pair(t, first):
            j0 = 2 * t
            j1 = 2 * t + 1
            if with_src:
                wait_load(j0, row, 0)
                fire_load(j1, row, 1)
            do_chunk(j0, plane, with_src, 0, 0, first)
            if with_src:
                wait_load(j1, row, 1)
                fire_load(lax.rem(j0 + 2, NCH), row, 0)
            do_chunk(j1, plane, with_src, 1, CH, first)
            return 0

        pair(0, True)
        lax.fori_loop(1, NCH // 2, lambda t, _: pair(t, False), 0)
        if with_src:
            wait_load(0, row, 0)
        scatter_wait_set(0, plane)
        scatter_wait_set(1, plane)

    zero_plane(den_sh)
    zero_plane(acc_sh)
    plsc.subcore_barrier()
    scatter_plane(den_sh, 0, with_src=False)
    plsc.subcore_barrier()

    RD = (0, 2 * CH)
    RS = (0, CH)

    def fire_reads(j, st):
        dsl = pl.ds(PAD + s0 + j * CH, CH)
        pltpu.async_copy(acc_sh.at[dsl],
                         va_set.at[pl.ds(RD[st], CH)], rd_sems[st])
        pltpu.async_copy(den_sh.at[dsl],
                         va_set.at[pl.ds(RD[st] + CH, CH)], rd_sems[st])

    def out_chunk(j, st, row, fire_next, first_pair):
        osl = pl.ds(s0 + j * CH, CH)
        pltpu.make_async_copy(ten_hbm.at[0, pl.ds(0, 2 * CH)], src_b,
                              rd_sems[st]).wait()
        if not first_pair:
            pltpu.make_async_copy(vb_set.at[pl.ds(RS[st], CH)],
                                  out_hbm.at[row, osl], wr_sems[st]).wait()

        @plsc.parallel_loop(0, NV, 1, unroll=8)
        def _(i):
            num = va_set[pl.ds(pl.multiple_of(RD[st] + i * L, L), L)]
            den = va_set[pl.ds(pl.multiple_of(RD[st] + CH + i * L, L), L)]
            vb_set[pl.ds(pl.multiple_of(RS[st] + i * L, L), L)] = (
                num / (den + 1e-7))

        pltpu.async_copy(vb_set.at[pl.ds(RS[st], CH)],
                         out_hbm.at[row, osl], wr_sems[st])
        pltpu.async_copy(zz_b, acc_sh.at[pl.ds(PAD + s0 + j * CH, CH)],
                         sem_z)
        if fire_next:
            fire_reads(j + 2, st)

    def channel(c, _):
        row = b * C + c
        scatter_plane(acc_sh, row, with_src=True)
        plsc.subcore_barrier()

        fire_reads(0, 0)
        fire_reads(1, 1)

        def opair(t, first_pair, fire_next):
            out_chunk(2 * t, 0, row, fire_next, first_pair)
            out_chunk(2 * t + 1, 1, row, fire_next, first_pair)
            return 0

        opair(0, True, True)
        lax.fori_loop(1, NCH // 2 - 1, lambda t, _: opair(t, False, True), 0)
        opair(NCH // 2 - 1, False, False)
        for st, j in ((0, NCH - 2), (1, NCH - 1)):
            pltpu.make_async_copy(vb_set.at[pl.ds(RS[st], CH)],
                                  out_hbm.at[row, pl.ds(s0 + j * CH, CH)],
                                  wr_sems[st]).wait()
        pltpu.make_async_copy(ten_hbm.at[0, pl.ds(0, SLICE)], base_c,
                              sem_z).wait()
        plsc.subcore_barrier()
        return 0

    lax.fori_loop(0, C, channel, 0)


@jax.jit
def _softsplat_sc(ten2d, flow2d, mask2d):
    mesh = plsc.VectorSubcoreMesh(core_axis_name="c", subcore_axis_name="s")
    fn = pl.kernel(
        _sc_body,
        mesh=mesh,
        out_type=jax.ShapeDtypeStruct((B * C, HW), jnp.float32),
        scratch_types=[
            pltpu.VMEM_SHARED((PLANE,), jnp.float32),
            pltpu.VMEM_SHARED((PLANE,), jnp.float32),
            pltpu.VMEM((SLICE,), jnp.int32),
            pltpu.VMEM((SLICE,), jnp.float32),
            pltpu.VMEM((SLICE,), jnp.float32),
            pltpu.VMEM((SLICE,), jnp.float32),
            pltpu.VMEM((SLICE,), jnp.float32),
            pltpu.VMEM((2 * CH,), jnp.float32),
            pltpu.VMEM((4 * CH,), jnp.int32),
            pltpu.VMEM((4 * CH,), jnp.int32),
            pltpu.VMEM((4 * CH,), jnp.float32),
            pltpu.VMEM((4 * CH,), jnp.float32),
            pltpu.VMEM((CH,), jnp.float32),
            pltpu.SemaphoreType.DMA,
            pltpu.SemaphoreType.DMA,
            pltpu.SemaphoreType.DMA,
            pltpu.SemaphoreType.DMA,
            pltpu.SemaphoreType.DMA,
            pltpu.SemaphoreType.DMA,
            pltpu.SemaphoreType.DMA,
            pltpu.SemaphoreType.DMA,
            pltpu.SemaphoreType.DMA,
        ],
    )
    return fn(ten2d, flow2d, mask2d)


def kernel(tenInput, tenFlow, importance_mask):
    ten2d = tenInput.reshape(B * C, HW)
    flow2d = tenFlow.reshape(B * 2, HW)
    mask2d = importance_mask.reshape(B, HW)
    out = _softsplat_sc(ten2d, flow2d, mask2d)
    return out.reshape(B, C, H, W)

# --- scband reference (transcript-rebuilt; emitter-appended) ---
"""Pipeline reference for scband-soft-splat-49830210568300 (READ-ONLY COPY).

The authoritative reference and input builder live on the scoring server;
editing this copy changes nothing except your own understanding.
"""

import jax, jax.numpy as jnp
import numpy as np


def _softsplat_sum(inp, flow):
    # Forward (summation) splatting: each source pixel is bilinearly scattered
    # to the 4 integer neighbours of its flow-displaced target location.
    B, C, H, W = inp.shape
    gx = jnp.arange(W, dtype=jnp.float32)[None, None, :]
    gy = jnp.arange(H, dtype=jnp.float32)[None, :, None]
    fltX = gx + flow[:, 0]  # [B,H,W]
    fltY = gy + flow[:, 1]  # [B,H,W]
    x0 = jnp.floor(fltX).astype(jnp.int32)
    x1 = x0 + 1
    y0 = jnp.floor(fltY).astype(jnp.int32)
    y1 = y0 + 1
    x0f = x0.astype(jnp.float32)
    x1f = x1.astype(jnp.float32)
    y0f = y0.astype(jnp.float32)
    y1f = y1.astype(jnp.float32)
    corners = [
        (x0, y0, (x1f - fltX) * (y1f - fltY)),
        (x1, y0, (fltX - x0f) * (y1f - fltY)),
        (x0, y1, (x1f - fltX) * (fltY - y0f)),
        (x1, y1, (fltX - x0f) * (fltY - y0f)),
    ]
    boff = jnp.arange(B, dtype=jnp.int32)[:, None, None] * (H * W)
    out = jnp.zeros((C, B * H * W), dtype=inp.dtype)
    for xi, yi, wi in corners:
        valid = (xi >= 0) & (xi < W) & (yi >= 0) & (yi < H)
        w = jnp.where(valid, wi, 0.0)  # [B,H,W]
        idx = jnp.where(valid, boff + yi * W + xi, 0)  # [B,H,W]
        vals = inp * w[:, None, :, :]  # [B,C,H,W]
        out = out.at[:, idx.ravel()].add(vals.transpose(1, 0, 2, 3).reshape(C, -1))
    return out.reshape(C, B, H, W).transpose(1, 0, 2, 3)


def setup_inputs(seed: int = 0) -> dict:
    key = jax.random.key(seed)
    k1, k2, k3 = jax.random.split(key, 3)
    B, C, H, W = 2, 96, 512, 512
    tenInput = jax.random.normal(k1, (B, C, H, W), dtype=jnp.float32)
    tenFlow = jax.random.normal(k2, (B, 2, H, W), dtype=jnp.float32)
    importance_mask = jax.random.normal(k3, (B, 1, H, W), dtype=jnp.float32)
    return {"tenInput": tenInput, "tenFlow": tenFlow, "importance_mask": importance_mask}


def reference(tenInput, tenFlow, importance_mask):
    m = jnp.exp(importance_mask)
    inp = jnp.concatenate([tenInput * m, m], axis=1)
    out = _softsplat_sum(inp, tenFlow)
    return out[:, :-1, :, :] / (out[:, -1:, :, :] + 1e-07)

if __name__ == "__main__":
    import jax
    _d = setup_inputs()
    print(jax.jit(kernel)(*tuple(_d.values())))

</pallas_src>

<mosaic_0001>
#map = affine_map<(d0, d1) -> (0, 0)>
module attributes {stable_mosaic.version = 14 : i64} {
  func.func @_sc_body(%arg0: i32, %arg1: i32, %arg2: memref<192x262144xf32, #tpu.memory_space<hbm>>, %arg3: memref<4x262144xf32, #tpu.memory_space<hbm>>, %arg4: memref<2x262144xf32, #tpu.memory_space<hbm>>, %arg5: memref<192x262144xf32, #tpu.memory_space<hbm>>, %arg6: memref<263192xf32, #tpu.memory_space<vmem_shared>>, %arg7: memref<263192xf32, #tpu.memory_space<vmem_shared>>, %arg8: memref<16384xi32, #tpu.memory_space<vmem>>, %arg9: memref<16384xf32, #tpu.memory_space<vmem>>, %arg10: memref<16384xf32, #tpu.memory_space<vmem>>, %arg11: memref<16384xf32, #tpu.memory_space<vmem>>, %arg12: memref<16384xf32, #tpu.memory_space<vmem>>, %arg13: memref<1024xf32, #tpu.memory_space<vmem>>, %arg14: memref<2048xi32, #tpu.memory_space<vmem>>, %arg15: memref<2048xi32, #tpu.memory_space<vmem>>, %arg16: memref<2048xf32, #tpu.memory_space<vmem>>, %arg17: memref<2048xf32, #tpu.memory_space<vmem>>, %arg18: memref<512xf32, #tpu.memory_space<vmem>>, %arg19: memref<!tpu.dma_semaphore, #tpu.memory_space<semaphore_mem>>, %arg20: memref<!tpu.dma_semaphore, #tpu.memory_space<semaphore_mem>>, %arg21: memref<!tpu.dma_semaphore, #tpu.memory_space<semaphore_mem>>, %arg22: memref<!tpu.dma_semaphore, #tpu.memory_space<semaphore_mem>>, %arg23: memref<!tpu.dma_semaphore, #tpu.memory_space<semaphore_mem>>, %arg24: memref<!tpu.dma_semaphore, #tpu.memory_space<semaphore_mem>>, %arg25: memref<!tpu.dma_semaphore, #tpu.memory_space<semaphore_mem>>, %arg26: memref<!tpu.dma_semaphore, #tpu.memory_space<semaphore_mem>>, %arg27: memref<!tpu.dma_semaphore, #tpu.memory_space<semaphore_mem>>) attributes {dimension_semantics = [#tpu.dimension_semantics<core_parallel>, #tpu.dimension_semantics<subcore_parallel>], iteration_bounds = array<i64: 2, 16>, scalar_prefetch = 0 : i64, scratch_operands = 22 : i64, tpu.core_type = #tpu.core_type<sc_vector_subcore>, window_params = [{transform_indices = #map}, {transform_indices = #map}, {transform_indices = #map}, {transform_indices = #map}]} {
    %mul3A = arith.constant 16384 : i32
    %mul3A_0 = arith.muli %arg1, %mul3A : i32
    %scan3A = arith.constant 0 : i32
    %scan3A_1 = arith.constant 0 : i32
    %scan3A_2 = arith.constant 32 : i32
    %scan3A_3 = arith.addi %scan3A_1, %scan3A_2 : i32
    %scan3A_4 = arith.constant 1 : i32
    %scan3A_5 = scf.for %scan3A_54 = %scan3A_1 to %scan3A_3 step %scan3A_4 iter_args(%scan3A_55 = %scan3A) -> (i32)  : i32 {
      %mul3A_56 = arith.constant 512 : i32
      %mul3A_57 = arith.muli %scan3A_54, %mul3A_56 : i32
      %add3A = arith.addi %mul3A_0, %mul3A_57 : i32
      "tpu.region"() ({
        %run_scoped3A = tpu.sem_alloc : memref<!tpu.dma_semaphore, #tpu.memory_space<semaphore_mem>>
        %dma_start3A_81 = arith.constant 0 : i32
        %dma_start3A_82 = tpu.memref_slice %arg16[%dma_start3A_81] : memref<2048xf32, #tpu.memory_space<vmem>> -> memref<512xf32, #tpu.memory_space<vmem>>
        %dma_start3A_83 = tpu.memref_slice %arg4[%arg0, %add3A] : memref<2x262144xf32, #tpu.memory_space<hbm>> -> memref<1x512xf32, #tpu.memory_space<hbm>>
        %dma_start3A_84 = tpu.memref_squeeze %dma_start3A_83 : memref<1x512xf32, #tpu.memory_space<hbm>> -> memref<512xf32, #tpu.memory_space<hbm>>
        %dma_start3A_85 = arith.constant 0 : i32
        %dma_start3A_86 = tpu.memref_slice %arg16[%dma_start3A_85] : memref<2048xf32, #tpu.memory_space<vmem>> -> memref<512xf32, #tpu.memory_space<vmem>>
        %dma_start3A_87 = tpu.memref_slice %arg4[%arg0, %add3A] : memref<2x262144xf32, #tpu.memory_space<hbm>> -> memref<1x512xf32, #tpu.memory_space<hbm>>
        %dma_start3A_88 = tpu.memref_squeeze %dma_start3A_87 : memref<1x512xf32, #tpu.memory_space<hbm>> -> memref<512xf32, #tpu.memory_space<hbm>>
        tpu.enqueue_dma source(%dma_start3A_88 : memref<512xf32, #tpu.memory_space<hbm>>) target(%dma_start3A_86 : memref<512xf32, #tpu.memory_space<vmem>>) target_semaphore(%run_scoped3A : memref<!tpu.dma_semaphore, #tpu.memory_space<semaphore_mem>>)
        %dma_wait3A_89 = arith.constant 0 : i32
        %dma_wait3A_90 = tpu.memref_slice %arg16[%dma_wait3A_89] : memref<2048xf32, #tpu.memory_space<vmem>> -> memref<512xf32, #tpu.memory_space<vmem>>
        %dma_wait3A_91 = tpu.memref_slice %arg4[%arg0, %add3A] : memref<2x262144xf32, #tpu.memory_space<hbm>> -> memref<1x512xf32, #tpu.memory_space<hbm>>
        %dma_wait3A_92 = tpu.memref_squeeze %dma_wait3A_91 : memref<1x512xf32, #tpu.memory_space<hbm>> -> memref<512xf32, #tpu.memory_space<hbm>>
        %dma_wait3A_93 = arith.constant 0 : i32
        %dma_wait3A_94 = tpu.memref_slice %arg16[%dma_wait3A_93] : memref<2048xf32, #tpu.memory_space<vmem>> -> memref<512xf32, #tpu.memory_space<vmem>>
        %dma_wait3A_95 = tpu.memref_slice %arg4[%arg0, %add3A] : memref<2x262144xf32, #tpu.memory_space<hbm>> -> memref<1x512xf32, #tpu.memory_space<hbm>>
        %dma_wait3A_96 = tpu.memref_squeeze %dma_wait3A_95 : memref<1x512xf32, #tpu.memory_space<hbm>> -> memref<512xf32, #tpu.memory_space<hbm>>
        tpu.wait_dma2 semaphore(%run_scoped3A : memref<!tpu.dma_semaphore, #tpu.memory_space<semaphore_mem>>) src(%dma_wait3A_96 : memref<512xf32, #tpu.memory_space<hbm>>) dst(%dma_wait3A_94 : memref<512xf32, #tpu.memory_space<vmem>>)
        tpu.yield
      }) : () -> ()
      %scan3A_58 = arith.constant 0 : i32
      %scan3A_59 = arith.constant 0 : i32
      %scan3A_60 = arith.constant 32 : i32
      %scan3A_61 = arith.addi %scan3A_59, %scan3A_60 : i32
      %scan3A_62 = arith.constant 4 : i32
      %scan3A_63 = scf.for %scan3A_81 = %scan3A_59 to %scan3A_61 step %scan3A_62 iter_args(%scan3A_82 = %scan3A_58) -> (i32)  : i32 {
        %mul3A_83 = arith.constant 16 : i32
        %mul3A_84 = arith.muli %scan3A_81, %mul3A_83 : i32
        %get3A = arith.index_cast %mul3A_84 : i32 to index
        %get3A_85 = tpu.vector_load %arg16[%get3A] {strides = array<i32>} : memref<2048xf32, #tpu.memory_space<vmem>>, vector<16xf32>,
        %get3A_86 = vector.shape_cast %get3A_85 : vector<16xf32> to vector<16xf32>
        %exp3A = math.exp %get3A_86 : vector<16xf32>
        %mul3A_87 = arith.constant 16 : i32
        %mul3A_88 = arith.muli %scan3A_81, %mul3A_87 : i32
        %add3A_89 = arith.addi %mul3A_57, %mul3A_88 : i32
        %swap3A = arith.index_cast %add3A_89 : i32 to index
        %swap3A_90 = tpu.vector_load %arg12[%swap3A] {strides = array<i32>} : memref<16384xf32, #tpu.memory_space<vmem>>, vector<16xf32>,
        %swap3A_91 = vector.shape_cast %swap3A_90 : vector<16xf32> to vector<16xf32>
        %swap3A_92 = vector.shape_cast %exp3A : vector<16xf32> to vector<16xf32>
        tpu.vector_store %arg12[%swap3A], %swap3A_92 {strides = array<i32>} : memref<16384xf32, #tpu.memory_space<vmem>>, vector<16xf32>,
        %scan3A_93 = arith.constant 0 : i32
        %scan3A_94 = arith.constant 1 : i32
        %scan3A_95 = arith.addi %scan3A_81, %scan3A_94 : i32
        %mul3A_96 = arith.constant 16 : i32
        %mul3A_97 = arith.muli %scan3A_95, %mul3A_96 : i32
        %get3A_98 = arith.index_cast %mul3A_97 : i32 to index
        %get3A_99 = tpu.vector_load %arg16[%get3A_98] {strides = array<i32>} : memref<2048xf32, #tpu.memory_space<vmem>>, vector<16xf32>,
        %get3A_100 = vector.shape_cast %get3A_99 : vector<16xf32> to vector<16xf32>
        %exp3A_101 = math.exp %get3A_100 : vector<16xf32>
        %mul3A_102 = arith.constant 16 : i32
        %mul3A_103 = arith.muli %scan3A_95, %mul3A_102 : i32
        %add3A_104 = arith.addi %mul3A_57, %mul3A_103 : i32
        %swap3A_105 = arith.index_cast %add3A_104 : i32 to index
        %swap3A_106 = tpu.vector_load %arg12[%swap3A_105] {strides = array<i32>} : memref<16384xf32, #tpu.memory_space<vmem>>, vector<16xf32>,
        %swap3A_107 = vector.shape_cast %swap3A_106 : vector<16xf32> to vector<16xf32>
        %swap3A_108 = vector.shape_cast %exp3A_101 : vector<16xf32> to vector<16xf32>
        tpu.vector_store %arg12[%swap3A_105], %swap3A_108 {strides = array<i32>} : memref<16384xf32, #tpu.memory_space<vmem>>, vector<16xf32>,
        %scan3A_109 = arith.constant 0 : i32
        %scan3A_110 = arith.constant 2 : i32
        %scan3A_111 = arith.addi %scan3A_81, %scan3A_110 : i32
        %mul3A_112 = arith.constant 16 : i32
        %mul3A_113 = arith.muli %scan3A_111, %mul3A_112 : i32
        %get3A_114 = arith.index_cast %mul3A_113 : i32 to index
        %get3A_115 = tpu.vector_load %arg16[%get3A_114] {strides = array<i32>} : memref<2048xf32, #tpu.memory_space<vmem>>, vector<16xf32>,
        %get3A_116 = vector.shape_cast %get3A_115 : vector<16xf32> to vector<16xf32>
        %exp3A_117 = math.exp %get3A_116 : vector<16xf32>
        %mul3A_118 = arith.constant 16 : i32
        %mul3A_119 = arith.muli %scan3A_111, %mul3A_118 : i32
        %add3A_120 = arith.addi %mul3A_57, %mul3A_119 : i32
        %swap3A_121 = arith.index_cast %add3A_120 : i32 to index
        %swap3A_122 = tpu.vector_load %arg12[%swap3A_121] {strides = array<i32>} : memref<16384xf32, #tpu.memory_space<vmem>>, vector<16xf32>,
        %swap3A_123 = vector.shape_cast %swap3A_122 : vector<16xf32> to vector<16xf32>
        %swap3A_124 = vector.shape_cast %exp3A_117 : vector<16xf32> to vector<16xf32>
        tpu.vector_store %arg12[%swap3A_121], %swap3A_124 {strides = array<i32>} : memref<16384xf32, #tpu.memory_space<vmem>>, vector<16xf32>,
        %scan3A_125 = arith.constant 0 : i32
        %scan3A_126 = arith.constant 3 : i32
        %scan3A_127 = arith.addi %scan3A_81, %scan3A_126 : i32
        %mul3A_128 = arith.constant 16 : i32
        %mul3A_129 = arith.muli %scan3A_127, %mul3A_128 : i32
        %get3A_130 = arith.index_cast %mul3A_129 : i32 to index
        %get3A_131 = tpu.vector_load %arg16[%get3A_130] {strides = array<i32>} : memref<2048xf32, #tpu.memory_space<vmem>>, vector<16xf32>,
        %get3A_132 = vector.shape_cast %get3A_131 : vector<16xf32> to vector<16xf32>
        %exp3A_133 = math.exp %get3A_132 : vector<16xf32>
        %mul3A_134 = arith.constant 16 : i32
        %mul3A_135 = arith.muli %scan3A_127, %mul3A_134 : i32
        %add3A_136 = arith.addi %mul3A_57, %mul3A_135 : i32
        %swap3A_137 = arith.index_cast %add3A_136 : i32 to index
        %swap3A_138 = tpu.vector_load %arg12[%swap3A_137] {strides = array<i32>} : memref<16384xf32, #tpu.memory_space<vmem>>, vector<16xf32>,
        %swap3A_139 = vector.shape_cast %swap3A_138 : vector<16xf32> to vector<16xf32>
        %swap3A_140 = vector.shape_cast %exp3A_133 : vector<16xf32> to vector<16xf32>
        tpu.vector_store %arg12[%swap3A_137], %swap3A_140 {strides = array<i32>} : memref<16384xf32, #tpu.memory_space<vmem>>, vector<16xf32>,
        %scan3A_141 = arith.constant 0 : i32
        scf.yield %scan3A_141 : i32
      }
      %scan3A_64 = arith.constant 32 : i32
      %mul3A_65 = arith.constant 2 : i32
      %mul3A_66 = arith.muli %mul3A_65, %arg0 : i32
      %add3A_67 = arith.addi %mul3A_0, %mul3A_57 : i32
      "tpu.region"() ({
        %run_scoped3A = tpu.sem_alloc : memref<!tpu.dma_semaphore, #tpu.memory_space<semaphore_mem>>
        %dma_start3A_81 = arith.constant 0 : i32
        %dma_start3A_82 = tpu.memref_slice %arg16[%dma_start3A_81] : memref<2048xf32, #tpu.memory_space<vmem>> -> memref<512xf32, #tpu.memory_space<vmem>>
        %dma_start3A_83 = tpu.memref_slice %arg3[%mul3A_66, %add3A_67] : memref<4x262144xf32, #tpu.memory_space<hbm>> -> memref<1x512xf32, #tpu.memory_space<hbm>>
        %dma_start3A_84 = tpu.memref_squeeze %dma_start3A_83 : memref<1x512xf32, #tpu.memory_space<hbm>> -> memref<512xf32, #tpu.memory_space<hbm>>
        %dma_start3A_85 = arith.constant 0 : i32
        %dma_start3A_86 = tpu.memref_slice %arg16[%dma_start3A_85] : memref<2048xf32, #tpu.memory_space<vmem>> -> memref<512xf32, #tpu.memory_space<vmem>>
        %dma_start3A_87 = tpu.memref_slice %arg3[%mul3A_66, %add3A_67] : memref<4x262144xf32, #tpu.memory_space<hbm>> -> memref<1x512xf32, #tpu.memory_space<hbm>>
        %dma_start3A_88 = tpu.memref_squeeze %dma_start3A_87 : memref<1x512xf32, #tpu.memory_space<hbm>> -> memref<512xf32, #tpu.memory_space<hbm>>
        tpu.enqueue_dma source(%dma_start3A_88 : memref<512xf32, #tpu.memory_space<hbm>>) target(%dma_start3A_86 : memref<512xf32, #tpu.memory_space<vmem>>) target_semaphore(%run_scoped3A : memref<!tpu.dma_semaphore, #tpu.memory_space<semaphore_mem>>)
        %dma_wait3A_89 = arith.constant 0 : i32
        %dma_wait3A_90 = tpu.memref_slice %arg16[%dma_wait3A_89] : memref<2048xf32, #tpu.memory_space<vmem>> -> memref<512xf32, #tpu.memory_space<vmem>>
        %dma_wait3A_91 = tpu.memref_slice %arg3[%mul3A_66, %add3A_67] : memref<4x262144xf32, #tpu.memory_space<hbm>> -> memref<1x512xf32, #tpu.memory_space<hbm>>
        %dma_wait3A_92 = tpu.memref_squeeze %dma_wait3A_91 : memref<1x512xf32, #tpu.memory_space<hbm>> -> memref<512xf32, #tpu.memory_space<hbm>>
        %dma_wait3A_93 = arith.constant 0 : i32
        %dma_wait3A_94 = tpu.memref_slice %arg16[%dma_wait3A_93] : memref<2048xf32, #tpu.memory_space<vmem>> -> memref<512xf32, #tpu.memory_space<vmem>>
        %dma_wait3A_95 = tpu.memref_slice %arg3[%mul3A_66, %add3A_67] : memref<4x262144xf32, #tpu.memory_space<hbm>> -> memref<1x512xf32, #tpu.memory_space<hbm>>
        %dma_wait3A_96 = tpu.memref_squeeze %dma_wait3A_95 : memref<1x512xf32, #tpu.memory_space<hbm>> -> memref<512xf32, #tpu.memory_space<hbm>>
        tpu.wait_dma2 semaphore(%run_scoped3A : memref<!tpu.dma_semaphore, #tpu.memory_space<semaphore_mem>>) src(%dma_wait3A_96 : memref<512xf32, #tpu.memory_space<hbm>>) dst(%dma_wait3A_94 : memref<512xf32, #tpu.memory_space<vmem>>)
        tpu.yield
      }) : () -> ()
      %mul3A_68 = arith.constant 2 : i32
      %mul3A_69 = arith.muli %mul3A_68, %arg0 : i32
      %add3A_70 = arith.constant 1 : i32
      %add3A_71 = arith.addi %mul3A_69, %add3A_70 : i32
      %add3A_72 = arith.addi %mul3A_0, %mul3A_57 : i32
      "tpu.region"() ({
        %run_scoped3A = tpu.sem_alloc : memref<!tpu.dma_semaphore, #tpu.memory_space<semaphore_mem>>
        %dma_start3A_81 = arith.constant 512 : i32
        %dma_start3A_82 = tpu.memref_slice %arg16[%dma_start3A_81] : memref<2048xf32, #tpu.memory_space<vmem>> -> memref<512xf32, #tpu.memory_space<vmem>>
        %dma_start3A_83 = tpu.memref_slice %arg3[%add3A_71, %add3A_72] : memref<4x262144xf32, #tpu.memory_space<hbm>> -> memref<1x512xf32, #tpu.memory_space<hbm>>
        %dma_start3A_84 = tpu.memref_squeeze %dma_start3A_83 : memref<1x512xf32, #tpu.memory_space<hbm>> -> memref<512xf32, #tpu.memory_space<hbm>>
        %dma_start3A_85 = arith.constant 512 : i32
        %dma_start3A_86 = tpu.memref_slice %arg16[%dma_start3A_85] : memref<2048xf32, #tpu.memory_space<vmem>> -> memref<512xf32, #tpu.memory_space<vmem>>
        %dma_start3A_87 = tpu.memref_slice %arg3[%add3A_71, %add3A_72] : memref<4x262144xf32, #tpu.memory_space<hbm>> -> memref<1x512xf32, #tpu.memory_space<hbm>>
        %dma_start3A_88 = tpu.memref_squeeze %dma_start3A_87 : memref<1x512xf32, #tpu.memory_space<hbm>> -> memref<512xf32, #tpu.memory_space<hbm>>
        tpu.enqueue_dma source(%dma_start3A_88 : memref<512xf32, #tpu.memory_space<hbm>>) target(%dma_start3A_86 : memref<512xf32, #tpu.memory_space<vmem>>) target_semaphore(%run_scoped3A : memref<!tpu.dma_semaphore, #tpu.memory_space<semaphore_mem>>)
        %dma_wait3A_89 = arith.constant 512 : i32
        %dma_wait3A_90 = tpu.memref_slice %arg16[%dma_wait3A_89] : memref<2048xf32, #tpu.memory_space<vmem>> -> memref<512xf32, #tpu.memory_space<vmem>>
        %dma_wait3A_91 = tpu.memref_slice %arg3[%add3A_71, %add3A_72] : memref<4x262144xf32, #tpu.memory_space<hbm>> -> memref<1x512xf32, #tpu.memory_space<hbm>>
        %dma_wait3A_92 = tpu.memref_squeeze %dma_wait3A_91 : memref<1x512xf32, #tpu.memory_space<hbm>> -> memref<512xf32, #tpu.memory_space<hbm>>
        %dma_wait3A_93 = arith.constant 512 : i32
        %dma_wait3A_94 = tpu.memref_slice %arg16[%dma_wait3A_93] : memref<2048xf32, #tpu.memory_space<vmem>> -> memref<512xf32, #tpu.memory_space<vmem>>
        %dma_wait3A_95 = tpu.memref_slice %arg3[%add3A_71, %add3A_72] : memref<4x262144xf32, #tpu.memory_space<hbm>> -> memref<1x512xf32, #tpu.memory_space<hbm>>
        %dma_wait3A_96 = tpu.memref_squeeze %dma_wait3A_95 : memref<1x512xf32, #tpu.memory_space<hbm>> -> memref<512xf32, #tpu.memory_space<hbm>>
        tpu.wait_dma2 semaphore(%run_scoped3A : memref<!tpu.dma_semaphore, #tpu.memory_space<semaphore_mem>>) src(%dma_wait3A_96 : memref<512xf32, #tpu.memory_space<hbm>>) dst(%dma_wait3A_94 : memref<512xf32, #tpu.memory_space<vmem>>)
        tpu.yield
      }) : () -> ()
      %scan3A_73 = arith.constant 0 : i32
      %scan3A_74 = arith.constant 0 : i32
      %scan3A_75 = arith.constant 32 : i32
      %scan3A_76 = arith.addi %scan3A_74, %scan3A_75 : i32
      %scan3A_77 = arith.constant 2 : i32
      %scan3A_78 = scf.for %scan3A_81 = %scan3A_74 to %scan3A_76 step %scan3A_77 iter_args(%scan3A_82 = %scan3A_73) -> (i32)  : i32 {
        %mul3A_83 = arith.constant 16 : i32
        %mul3A_84 = arith.muli %scan3A_81, %mul3A_83 : i32
        %mul3A_85 = arith.constant 16 : i32
        %mul3A_86 = arith.muli %scan3A_81, %mul3A_85 : i32
        %add3A_87 = arith.addi %mul3A_57, %mul3A_86 : i32
        %get3A = arith.index_cast %add3A_87 : i32 to index
        %get3A_88 = tpu.vector_load %arg12[%get3A] {strides = array<i32>} : memref<16384xf32, #tpu.memory_space<vmem>>, vector<16xf32>,
        %get3A_89 = vector.shape_cast %get3A_88 : vector<16xf32> to vector<16xf32>
        %add3A_90 = arith.addi %mul3A_0, %mul3A_57 : i32
        %mul3A_91 = arith.constant 16 : i32
        %mul3A_92 = arith.muli %scan3A_81, %mul3A_91 : i32
        %add3A_93 = arith.addi %add3A_90, %mul3A_92 : i32
        %iota3A = tpu.iota {dimensions = array<i32: 0>} : vector<16xi32>
        %add3A_94 = vector.broadcast %add3A_93 : i32 to vector<16xi32>
        %add3A_95 = arith.addi %add3A_94, %iota3A : vector<16xi32>
        %and3A = arith.constant 511 : i32
        %and3A_96 = vector.broadcast %and3A : i32 to vector<16xi32>
        %and3A_97 = arith.andi %add3A_95, %and3A_96 : vector<16xi32>
        %convert_element_type3A = arith.sitofp %and3A_97 : vector<16xi32> to vector<16xf32>
        %shift_right_arithmetic3A = arith.constant 9 : i32
        %shift_right_arithmetic3A_98 = vector.broadcast %shift_right_arithmetic3A : i32 to vector<16xi32>
        %shift_right_arithmetic3A_99 = arith.shrsi %add3A_95, %shift_right_arithmetic3A_98 : vector<16xi32>
        %convert_element_type3A_100 = arith.sitofp %shift_right_arithmetic3A_99 : vector<16xi32> to vector<16xf32>
        %get3A_101 = arith.index_cast %mul3A_84 : i32 to index
        %get3A_102 = tpu.vector_load %arg16[%get3A_101] {strides = array<i32>} : memref<2048xf32, #tpu.memory_space<vmem>>, vector<16xf32>,
        %get3A_103 = vector.shape_cast %get3A_102 : vector<16xf32> to vector<16xf32>
        %add3A_104 = arith.addf %convert_element_type3A, %get3A_103 : vector<16xf32>
        %max3A = arith.constant -2.000000e+00 : f32
        %max3A_105 = vector.broadcast %max3A : f32 to vector<16xf32>
        %max3A_106 = arith.maximumf %add3A_104, %max3A_105 : vector<16xf32>
        %min3A = arith.constant 5.130000e+02 : f32
        %min3A_107 = vector.broadcast %min3A : f32 to vector<16xf32>
        %min3A_108 = arith.minimumf %max3A_106, %min3A_107 : vector<16xf32>
        %mul3A_109 = arith.constant 16 : i32
        %mul3A_110 = arith.muli %scan3A_81, %mul3A_109 : i32
        %add3A_111 = arith.constant 512 : i32
        %add3A_112 = arith.addi %add3A_111, %mul3A_110 : i32
        %get3A_113 = arith.index_cast %add3A_112 : i32 to index
        %get3A_114 = tpu.vector_load %arg16[%get3A_113] {strides = array<i32>} : memref<2048xf32, #tpu.memory_space<vmem>>, vector<16xf32>,
        %get3A_115 = vector.shape_cast %get3A_114 : vector<16xf32> to vector<16xf32>
        %add3A_116 = arith.addf %convert_element_type3A_100, %get3A_115 : vector<16xf32>
        %max3A_117 = arith.constant -2.000000e+00 : f32
        %max3A_118 = vector.broadcast %max3A_117 : f32 to vector<16xf32>
        %max3A_119 = arith.maximumf %add3A_116, %max3A_118 : vector<16xf32>
        %min3A_120 = arith.constant 5.130000e+02 : f32
        %min3A_121 = vector.broadcast %min3A_120 : f32 to vector<16xf32>
        %min3A_122 = arith.minimumf %max3A_119, %min3A_121 : vector<16xf32>
        %convert_element_type3A_123 = arith.fptosi %min3A_108 : vector<16xf32> to vector<16xi32>
        %convert_element_type3A_124 = arith.sitofp %convert_element_type3A_123 : vector<16xi32> to vector<16xf32>
        %gt3A = arith.cmpf ogt, %convert_element_type3A_124, %min3A_108 : vector<16xf32>
        %sub3A = arith.constant 1 : i32
        %sub3A_125 = vector.broadcast %sub3A : i32 to vector<16xi32>
        %sub3A_126 = arith.subi %convert_element_type3A_123, %sub3A_125 : vector<16xi32>
        %select_n3A = arith.select %gt3A, %sub3A_126, %convert_element_type3A_123 : vector<16xi1>, vector<16xi32>
        %sub3A_127 = arith.constant 1.000000e+00 : f32
        %sub3A_128 = vector.broadcast %sub3A_127 : f32 to vector<16xf32>
        %sub3A_129 = arith.subf %convert_element_type3A_124, %sub3A_128 : vector<16xf32>
        %select_n3A_130 = arith.select %gt3A, %sub3A_129, %convert_element_type3A_124 : vector<16xi1>, vector<16xf32>
        %convert_element_type3A_131 = arith.fptosi %min3A_122 : vector<16xf32> to vector<16xi32>
        %convert_element_type3A_132 = arith.sitofp %convert_element_type3A_131 : vector<16xi32> to vector<16xf32>
        %gt3A_133 = arith.cmpf ogt, %convert_element_type3A_132, %min3A_122 : vector<16xf32>
        %sub3A_134 = arith.constant 1 : i32
        %sub3A_135 = vector.broadcast %sub3A_134 : i32 to vector<16xi32>
        %sub3A_136 = arith.subi %convert_element_type3A_131, %sub3A_135 : vector<16xi32>
        %select_n3A_137 = arith.select %gt3A_133, %sub3A_136, %convert_element_type3A_131 : vector<16xi1>, vector<16xi32>
        %sub3A_138 = arith.constant 1.000000e+00 : f32
        %sub3A_139 = vector.broadcast %sub3A_138 : f32 to vector<16xf32>
        %sub3A_140 = arith.subf %convert_element_type3A_132, %sub3A_139 : vector<16xf32>
        %select_n3A_141 = arith.select %gt3A_133, %sub3A_140, %convert_element_type3A_132 : vector<16xi1>, vector<16xf32>
        %sub3A_142 = arith.subf %min3A_108, %select_n3A_130 : vector<16xf32>
        %sub3A_143 = arith.subf %min3A_122, %select_n3A_141 : vector<16xf32>
        %broadcast_in_dim3A = arith.constant 0.000000e+00 : f32
        %broadcast_in_dim3A_144 = vector.broadcast %broadcast_in_dim3A : f32 to vector<16xf32>
        %ge3A = arith.constant 0 : i32
        %ge3A_145 = vector.broadcast %ge3A : i32 to vector<16xi32>
        %ge3A_146 = arith.cmpi sge, %select_n3A, %ge3A_145 : vector<16xi32>
        %lt3A = arith.constant 512 : i32
        %lt3A_147 = vector.broadcast %lt3A : i32 to vector<16xi32>
        %lt3A_148 = arith.cmpi slt, %select_n3A, %lt3A_147 : vector<16xi32>
        %and3A_149 = arith.andi %ge3A_146, %lt3A_148 : vector<16xi1>
        %ge3A_150 = arith.constant -1 : i32
        %ge3A_151 = vector.broadcast %ge3A_150 : i32 to vector<16xi32>
        %ge3A_152 = arith.cmpi sge, %select_n3A, %ge3A_151 : vector<16xi32>
        %lt3A_153 = arith.constant 511 : i32
        %lt3A_154 = vector.broadcast %lt3A_153 : i32 to vector<16xi32>
        %lt3A_155 = arith.cmpi slt, %select_n3A, %lt3A_154 : vector<16xi32>
        %and3A_156 = arith.andi %ge3A_152, %lt3A_155 : vector<16xi1>
        %ge3A_157 = arith.constant 0 : i32
        %ge3A_158 = vector.broadcast %ge3A_157 : i32 to vector<16xi32>
        %ge3A_159 = arith.cmpi sge, %select_n3A_137, %ge3A_158 : vector<16xi32>
        %lt3A_160 = arith.constant 512 : i32
        %lt3A_161 = vector.broadcast %lt3A_160 : i32 to vector<16xi32>
        %lt3A_162 = arith.cmpi slt, %select_n3A_137, %lt3A_161 : vector<16xi32>
        %and3A_163 = arith.andi %ge3A_159, %lt3A_162 : vector<16xi1>
        %ge3A_164 = arith.constant -1 : i32
        %ge3A_165 = vector.broadcast %ge3A_164 : i32 to vector<16xi32>
        %ge3A_166 = arith.cmpi sge, %select_n3A_137, %ge3A_165 : vector<16xi32>
        %lt3A_167 = arith.constant 511 : i32
        %lt3A_168 = vector.broadcast %lt3A_167 : i32 to vector<16xi32>
        %lt3A_169 = arith.cmpi slt, %select_n3A_137, %lt3A_168 : vector<16xi32>
        %and3A_170 = arith.andi %ge3A_166, %lt3A_169 : vector<16xi1>
        %sub3A_171 = arith.constant 1.000000e+00 : f32
        %sub3A_172 = vector.broadcast %sub3A_171 : f32 to vector<16xf32>
        %sub3A_173 = arith.subf %sub3A_172, %sub3A_142 : vector<16xf32>
        %sub3A_174 = arith.constant 1.000000e+00 : f32
        %sub3A_175 = vector.broadcast %sub3A_174 : f32 to vector<16xf32>
        %sub3A_176 = arith.subf %sub3A_175, %sub3A_143 : vector<16xf32>
        %mul3A_177 = arith.constant 512 : i32
        %mul3A_178 = vector.broadcast %mul3A_177 : i32 to vector<16xi32>
        %mul3A_179 = arith.muli %select_n3A_137, %mul3A_178 : vector<16xi32>
        %add3A_180 = arith.addi %mul3A_179, %select_n3A : vector<16xi32>
        %add3A_181 = arith.constant 520 : i32
        %add3A_182 = vector.broadcast %add3A_181 : i32 to vector<16xi32>
        %add3A_183 = arith.addi %add3A_180, %add3A_182 : vector<16xi32>
        %max3A_184 = arith.constant 0 : i32
        %max3A_185 = vector.broadcast %max3A_184 : i32 to vector<16xi32>
        %max3A_186 = arith.maxsi %add3A_183, %max3A_185 : vector<16xi32>
        %min3A_187 = arith.constant 262671 : i32
        %min3A_188 = vector.broadcast %min3A_187 : i32 to vector<16xi32>
        %min3A_189 = arith.minsi %max3A_186, %min3A_188 : vector<16xi32>
        %swap3A = arith.index_cast %add3A_87 : i32 to index
        %swap3A_190 = tpu.vector_load %arg8[%swap3A] {strides = array<i32>} : memref<16384xi32, #tpu.memory_space<vmem>>, vector<16xi32>,
        %swap3A_191 = vector.shape_cast %swap3A_190 : vector<16xi32> to vector<16xi32>
        %swap3A_192 = vector.shape_cast %min3A_189 : vector<16xi32> to vector<16xi32>
        tpu.vector_store %arg8[%swap3A], %swap3A_192 {strides = array<i32>} : memref<16384xi32, #tpu.memory_space<vmem>>, vector<16xi32>,
        %and3A_193 = arith.andi %and3A_149, %and3A_163 : vector<16xi1>
        %mul3A_194 = arith.mulf %sub3A_173, %sub3A_176 : vector<16xf32>
        %mul3A_195 = arith.mulf %get3A_89, %mul3A_194 : vector<16xf32>
        %select_n3A_196 = arith.select %and3A_193, %mul3A_195, %broadcast_in_dim3A_144 : vector<16xi1>, vector<16xf32>
        %swap3A_197 = arith.index_cast %add3A_87 : i32 to index
        %swap3A_198 = tpu.vector_load %arg9[%swap3A_197] {strides = array<i32>} : memref<16384xf32, #tpu.memory_space<vmem>>, vector<16xf32>,
        %swap3A_199 = vector.shape_cast %swap3A_198 : vector<16xf32> to vector<16xf32>
        %swap3A_200 = vector.shape_cast %select_n3A_196 : vector<16xf32> to vector<16xf32>
        tpu.vector_store %arg9[%swap3A_197], %swap3A_200 {strides = array<i32>} : memref<16384xf32, #tpu.memory_space<vmem>>, vector<16xf32>,
        %and3A_201 = arith.andi %and3A_156, %and3A_163 : vector<16xi1>
        %mul3A_202 = arith.mulf %sub3A_142, %sub3A_176 : vector<16xf32>
        %mul3A_203 = arith.mulf %get3A_89, %mul3A_202 : vector<16xf32>
        %select_n3A_204 = arith.select %and3A_201, %mul3A_203, %broadcast_in_dim3A_144 : vector<16xi1>, vector<16xf32>
        %swap3A_205 = arith.index_cast %add3A_87 : i32 to index
        %swap3A_206 = tpu.vector_load %arg10[%swap3A_205] {strides = array<i32>} : memref<16384xf32, #tpu.memory_space<vmem>>, vector<16xf32>,
        %swap3A_207 = vector.shape_cast %swap3A_206 : vector<16xf32> to vector<16xf32>
        %swap3A_208 = vector.shape_cast %select_n3A_204 : vector<16xf32> to vector<16xf32>
        tpu.vector_store %arg10[%swap3A_205], %swap3A_208 {strides = array<i32>} : memref<16384xf32, #tpu.memory_space<vmem>>, vector<16xf32>,
        %and3A_209 = arith.andi %and3A_149, %and3A_170 : vector<16xi1>
        %mul3A_210 = arith.mulf %sub3A_173, %sub3A_143 : vector<16xf32>
        %mul3A_211 = arith.mulf %get3A_89, %mul3A_210 : vector<16xf32>
        %select_n3A_212 = arith.select %and3A_209, %mul3A_211, %broadcast_in_dim3A_144 : vector<16xi1>, vector<16xf32>
        %swap3A_213 = arith.index_cast %add3A_87 : i32 to index
        %swap3A_214 = tpu.vector_load %arg11[%swap3A_213] {strides = array<i32>} : memref<16384xf32, #tpu.memory_space<vmem>>, vector<16xf32>,
        %swap3A_215 = vector.shape_cast %swap3A_214 : vector<16xf32> to vector<16xf32>
        %swap3A_216 = vector.shape_cast %select_n3A_212 : vector<16xf32> to vector<16xf32>
        tpu.vector_store %arg11[%swap3A_213], %swap3A_216 {strides = array<i32>} : memref<16384xf32, #tpu.memory_space<vmem>>, vector<16xf32>,
        %and3A_217 = arith.andi %and3A_156, %and3A_170 : vector<16xi1>
        %mul3A_218 = arith.mulf %sub3A_142, %sub3A_143 : vector<16xf32>
        %mul3A_219 = arith.mulf %get3A_89, %mul3A_218 : vector<16xf32>
        %select_n3A_220 = arith.select %and3A_217, %mul3A_219, %broadcast_in_dim3A_144 : vector<16xi1>, vector<16xf32>
        %swap3A_221 = arith.index_cast %add3A_87 : i32 to index
        %swap3A_222 = tpu.vector_load %arg12[%swap3A_221] {strides = array<i32>} : memref<16384xf32, #tpu.memory_space<vmem>>, vector<16xf32>,
        %swap3A_223 = vector.shape_cast %swap3A_222 : vector<16xf32> to vector<16xf32>
        %swap3A_224 = vector.shape_cast %select_n3A_220 : vector<16xf32> to vector<16xf32>
        tpu.vector_store %arg12[%swap3A_221], %swap3A_224 {strides = array<i32>} : memref<16384xf32, #tpu.memory_space<vmem>>, vector<16xf32>,
        %scan3A_225 = arith.constant 0 : i32
        %scan3A_226 = arith.constant 1 : i32
        %scan3A_227 = arith.addi %scan3A_81, %scan3A_226 : i32
        %mul3A_228 = arith.constant 16 : i32
        %mul3A_229 = arith.muli %scan3A_227, %mul3A_228 : i32
        %mul3A_230 = arith.constant 16 : i32
        %mul3A_231 = arith.muli %scan3A_227, %mul3A_230 : i32
        %add3A_232 = arith.addi %mul3A_57, %mul3A_231 : i32
        %get3A_233 = arith.index_cast %add3A_232 : i32 to index
        %get3A_234 = tpu.vector_load %arg12[%get3A_233] {strides = array<i32>} : memref<16384xf32, #tpu.memory_space<vmem>>, vector<16xf32>,
        %get3A_235 = vector.shape_cast %get3A_234 : vector<16xf32> to vector<16xf32>
        %add3A_236 = arith.addi %mul3A_0, %mul3A_57 : i32
        %mul3A_237 = arith.constant 16 : i32
        %mul3A_238 = arith.muli %scan3A_227, %mul3A_237 : i32
        %add3A_239 = arith.addi %add3A_236, %mul3A_238 : i32
        %iota3A_240 = tpu.iota {dimensions = array<i32: 0>} : vector<16xi32>
        %add3A_241 = vector.broadcast %add3A_239 : i32 to vector<16xi32>
        %add3A_242 = arith.addi %add3A_241, %iota3A_240 : vector<16xi32>
        %and3A_243 = arith.constant 511 : i32
        %and3A_244 = vector.broadcast %and3A_243 : i32 to vector<16xi32>
        %and3A_245 = arith.andi %add3A_242, %and3A_244 : vector<16xi32>
        %convert_element_type3A_246 = arith.sitofp %and3A_245 : vector<16xi32> to vector<16xf32>
        %shift_right_arithmetic3A_247 = arith.constant 9 : i32
        %shift_right_arithmetic3A_248 = vector.broadcast %shift_right_arithmetic3A_247 : i32 to vector<16xi32>
        %shift_right_arithmetic3A_249 = arith.shrsi %add3A_242, %shift_right_arithmetic3A_248 : vector<16xi32>
        %convert_element_type3A_250 = arith.sitofp %shift_right_arithmetic3A_249 : vector<16xi32> to vector<16xf32>
        %get3A_251 = arith.index_cast %mul3A_229 : i32 to index
        %get3A_252 = tpu.vector_load %arg16[%get3A_251] {strides = array<i32>} : memref<2048xf32, #tpu.memory_space<vmem>>, vector<16xf32>,
        %get3A_253 = vector.shape_cast %get3A_252 : vector<16xf32> to vector<16xf32>
        %add3A_254 = arith.addf %convert_element_type3A_246, %get3A_253 : vector<16xf32>
        %max3A_255 = arith.constant -2.000000e+00 : f32
        %max3A_256 = vector.broadcast %max3A_255 : f32 to vector<16xf32>
        %max3A_257 = arith.maximumf %add3A_254, %max3A_256 : vector<16xf32>
        %min3A_258 = arith.constant 5.130000e+02 : f32
        %min3A_259 = vector.broadcast %min3A_258 : f32 to vector<16xf32>
        %min3A_260 = arith.minimumf %max3A_257, %min3A_259 : vector<16xf32>
        %mul3A_261 = arith.constant 16 : i32
        %mul3A_262 = arith.muli %scan3A_227, %mul3A_261 : i32
        %add3A_263 = arith.constant 512 : i32
        %add3A_264 = arith.addi %add3A_263, %mul3A_262 : i32
        %get3A_265 = arith.index_cast %add3A_264 : i32 to index
        %get3A_266 = tpu.vector_load %arg16[%get3A_265] {strides = array<i32>} : memref<2048xf32, #tpu.memory_space<vmem>>, vector<16xf32>,
        %get3A_267 = vector.shape_cast %get3A_266 : vector<16xf32> to vector<16xf32>
        %add3A_268 = arith.addf %convert_element_type3A_250, %get3A_267 : vector<16xf32>
        %max3A_269 = arith.constant -2.000000e+00 : f32
        %max3A_270 = vector.broadcast %max3A_269 : f32 to vector<16xf32>
        %max3A_271 = arith.maximumf %add3A_268, %max3A_270 : vector<16xf32>
        %min3A_272 = arith.constant 5.130000e+02 : f32
        %min3A_273 = vector.broadcast %min3A_272 : f32 to vector<16xf32>
        %min3A_274 = arith.minimumf %max3A_271, %min3A_273 : vector<16xf32>
        %convert_element_type3A_275 = arith.fptosi %min3A_260 : vector<16xf32> to vector<16xi32>
        %convert_element_type3A_276 = arith.sitofp %convert_element_type3A_275 : vector<16xi32> to vector<16xf32>
        %gt3A_277 = arith.cmpf ogt, %convert_element_type3A_276, %min3A_260 : vector<16xf32>
        %sub3A_278 = arith.constant 1 : i32
        %sub3A_279 = vector.broadcast %sub3A_278 : i32 to vector<16xi32>
        %sub3A_280 = arith.subi %convert_element_type3A_275, %sub3A_279 : vector<16xi32>
        %select_n3A_281 = arith.select %gt3A_277, %sub3A_280, %convert_element_type3A_275 : vector<16xi1>, vector<16xi32>
        %sub3A_282 = arith.constant 1.000000e+00 : f32
        %sub3A_283 = vector.broadcast %sub3A_282 : f32 to vector<16xf32>
        %sub3A_284 = arith.subf %convert_element_type3A_276, %sub3A_283 : vector<16xf32>
        %select_n3A_285 = arith.select %gt3A_277, %sub3A_284, %convert_element_type3A_276 : vector<16xi1>, vector<16xf32>
        %convert_element_type3A_286 = arith.fptosi %min3A_274 : vector<16xf32> to vector<16xi32>
        %convert_element_type3A_287 = arith.sitofp %convert_element_type3A_286 : vector<16xi32> to vector<16xf32>
        %gt3A_288 = arith.cmpf ogt, %convert_element_type3A_287, %min3A_274 : vector<16xf32>
        %sub3A_289 = arith.constant 1 : i32
        %sub3A_290 = vector.broadcast %sub3A_289 : i32 to vector<16xi32>
        %sub3A_291 = arith.subi %convert_element_type3A_286, %sub3A_290 : vector<16xi32>
        %select_n3A_292 = arith.select %gt3A_288, %sub3A_291, %convert_element_type3A_286 : vector<16xi1>, vector<16xi32>
        %sub3A_293 = arith.constant 1.000000e+00 : f32
        %sub3A_294 = vector.broadcast %sub3A_293 : f32 to vector<16xf32>
        %sub3A_295 = arith.subf %convert_element_type3A_287, %sub3A_294 : vector<16xf32>
        %select_n3A_296 = arith.select %gt3A_288, %sub3A_295, %convert_element_type3A_287 : vector<16xi1>, vector<16xf32>
        %sub3A_297 = arith.subf %min3A_260, %select_n3A_285 : vector<16xf32>
        %sub3A_298 = arith.subf %min3A_274, %select_n3A_296 : vector<16xf32>
        %broadcast_in_dim3A_299 = arith.constant 0.000000e+00 : f32
        %broadcast_in_dim3A_300 = vector.broadcast %broadcast_in_dim3A_299 : f32 to vector<16xf32>
        %ge3A_301 = arith.constant 0 : i32
        %ge3A_302 = vector.broadcast %ge3A_301 : i32 to vector<16xi32>
        %ge3A_303 = arith.cmpi sge, %select_n3A_281, %ge3A_302 : vector<16xi32>
        %lt3A_304 = arith.constant 512 : i32
        %lt3A_305 = vector.broadcast %lt3A_304 : i32 to vector<16xi32>
        %lt3A_306 = arith.cmpi slt, %select_n3A_281, %lt3A_305 : vector<16xi32>
        %and3A_307 = arith.andi %ge3A_303, %lt3A_306 : vector<16xi1>
        %ge3A_308 = arith.constant -1 : i32
        %ge3A_309 = vector.broadcast %ge3A_308 : i32 to vector<16xi32>
        %ge3A_310 = arith.cmpi sge, %select_n3A_281, %ge3A_309 : vector<16xi32>
        %lt3A_311 = arith.constant 511 : i32
        %lt3A_312 = vector.broadcast %lt3A_311 : i32 to vector<16xi32>
        %lt3A_313 = arith.cmpi slt, %select_n3A_281, %lt3A_312 : vector<16xi32>
        %and3A_314 = arith.andi %ge3A_310, %lt3A_313 : vector<16xi1>
        %ge3A_315 = arith.constant 0 : i32
        %ge3A_316 = vector.broadcast %ge3A_315 : i32 to vector<16xi32>
        %ge3A_317 = arith.cmpi sge, %select_n3A_292, %ge3A_316 : vector<16xi32>
        %lt3A_318 = arith.constant 512 : i32
        %lt3A_319 = vector.broadcast %lt3A_318 : i32 to vector<16xi32>
        %lt3A_320 = arith.cmpi slt, %select_n3A_292, %lt3A_319 : vector<16xi32>
        %and3A_321 = arith.andi %ge3A_317, %lt3A_320 : vector<16xi1>
        %ge3A_322 = arith.constant -1 : i32
        %ge3A_323 = vector.broadcast %ge3A_322 : i32 to vector<16xi32>
        %ge3A_324 = arith.cmpi sge, %select_n3A_292, %ge3A_323 : vector<16xi32>
        %lt3A_325 = arith.constant 511 : i32
        %lt3A_326 = vector.broadcast %lt3A_325 : i32 to vector<16xi32>
        %lt3A_327 = arith.cmpi slt, %select_n3A_292, %lt3A_326 : vector<16xi32>
        %and3A_328 = arith.andi %ge3A_324, %lt3A_327 : vector<16xi1>
        %sub3A_329 = arith.constant 1.000000e+00 : f32
        %sub3A_330 = vector.broadcast %sub3A_329 : f32 to vector<16xf32>
        %sub3A_331 = arith.subf %sub3A_330, %sub3A_297 : vector<16xf32>
        %sub3A_332 = arith.constant 1.000000e+00 : f32
        %sub3A_333 = vector.broadcast %sub3A_332 : f32 to vector<16xf32>
        %sub3A_334 = arith.subf %sub3A_333, %sub3A_298 : vector<16xf32>
        %mul3A_335 = arith.constant 512 : i32
        %mul3A_336 = vector.broadcast %mul3A_335 : i32 to vector<16xi32>
        %mul3A_337 = arith.muli %select_n3A_292, %mul3A_336 : vector<16xi32>
        %add3A_338 = arith.addi %mul3A_337, %select_n3A_281 : vector<16xi32>
        %add3A_339 = arith.constant 520 : i32
        %add3A_340 = vector.broadcast %add3A_339 : i32 to vector<16xi32>
        %add3A_341 = arith.addi %add3A_338, %add3A_340 : vector<16xi32>
        %max3A_342 = arith.constant 0 : i32
        %max3A_343 = vector.broadcast %max3A_342 : i32 to vector<16xi32>
        %max3A_344 = arith.maxsi %add3A_341, %max3A_343 : vector<16xi32>
        %min3A_345 = arith.constant 262671 : i32
        %min3A_346 = vector.broadcast %min3A_345 : i32 to vector<16xi32>
        %min3A_347 = arith.minsi %max3A_344, %min3A_346 : vector<16xi32>
        %swap3A_348 = arith.index_cast %add3A_232 : i32 to index
        %swap3A_349 = tpu.vector_load %arg8[%swap3A_348] {strides = array<i32>} : memref<16384xi32, #tpu.memory_space<vmem>>, vector<16xi32>,
        %swap3A_350 = vector.shape_cast %swap3A_349 : vector<16xi32> to vector<16xi32>
        %swap3A_351 = vector.shape_cast %min3A_347 : vector<16xi32> to vector<16xi32>
        tpu.vector_store %arg8[%swap3A_348], %swap3A_351 {strides = array<i32>} : memref<16384xi32, #tpu.memory_space<vmem>>, vector<16xi32>,
        %and3A_352 = arith.andi %and3A_307, %and3A_321 : vector<16xi1>
        %mul3A_353 = arith.mulf %sub3A_331, %sub3A_334 : vector<16xf32>
        %mul3A_354 = arith.mulf %get3A_235, %mul3A_353 : vector<16xf32>
        %select_n3A_355 = arith.select %and3A_352, %mul3A_354, %broadcast_in_dim3A_300 : vector<16xi1>, vector<16xf32>
        %swap3A_356 = arith.index_cast %add3A_232 : i32 to index
        %swap3A_357 = tpu.vector_load %arg9[%swap3A_356] {strides = array<i32>} : memref<16384xf32, #tpu.memory_space<vmem>>, vector<16xf32>,
        %swap3A_358 = vector.shape_cast %swap3A_357 : vector<16xf32> to vector<16xf32>
        %swap3A_359 = vector.shape_cast %select_n3A_355 : vector<16xf32> to vector<16xf32>
        tpu.vector_store %arg9[%swap3A_356], %swap3A_359 {strides = array<i32>} : memref<16384xf32, #tpu.memory_space<vmem>>, vector<16xf32>,
        %and3A_360 = arith.andi %and3A_314, %and3A_321 : vector<16xi1>
        %mul3A_361 = arith.mulf %sub3A_297, %sub3A_334 : vector<16xf32>
        %mul3A_362 = arith.mulf %get3A_235, %mul3A_361 : vector<16xf32>
        %select_n3A_363 = arith.select %and3A_360, %mul3A_362, %broadcast_in_dim3A_300 : vector<16xi1>, vector<16xf32>
        %swap3A_364 = arith.index_cast %add3A_232 : i32 to index
        %swap3A_365 = tpu.vector_load %arg10[%swap3A_364] {strides = array<i32>} : memref<16384xf32, #tpu.memory_space<vmem>>, vector<16xf32>,
        %swap3A_366 = vector.shape_cast %swap3A_365 : vector<16xf32> to vector<16xf32>
        %swap3A_367 = vector.shape_cast %select_n3A_363 : vector<16xf32> to vector<16xf32>
        tpu.vector_store %arg10[%swap3A_364], %swap3A_367 {strides = array<i32>} : memref<16384xf32, #tpu.memory_space<vmem>>, vector<16xf32>,
        %and3A_368 = arith.andi %and3A_307, %and3A_328 : vector<16xi1>
        %mul3A_369 = arith.mulf %sub3A_331, %sub3A_298 : vector<16xf32>
        %mul3A_370 = arith.mulf %get3A_235, %mul3A_369 : vector<16xf32>
        %select_n3A_371 = arith.select %and3A_368, %mul3A_370, %broadcast_in_dim3A_300 : vector<16xi1>, vector<16xf32>
        %swap3A_372 = arith.index_cast %add3A_232 : i32 to index
        %swap3A_373 = tpu.vector_load %arg11[%swap3A_372] {strides = array<i32>} : memref<16384xf32, #tpu.memory_space<vmem>>, vector<16xf32>,
        %swap3A_374 = vector.shape_cast %swap3A_373 : vector<16xf32> to vector<16xf32>
        %swap3A_375 = vector.shape_cast %select_n3A_371 : vector<16xf32> to vector<16xf32>
        tpu.vector_store %arg11[%swap3A_372], %swap3A_375 {strides = array<i32>} : memref<16384xf32, #tpu.memory_space<vmem>>, vector<16xf32>,
        %and3A_376 = arith.andi %and3A_314, %and3A_328 : vector<16xi1>
        %mul3A_377 = arith.mulf %sub3A_297, %sub3A_298 : vector<16xf32>
        %mul3A_378 = arith.mulf %get3A_235, %mul3A_377 : vector<16xf32>
        %select_n3A_379 = arith.select %and3A_376, %mul3A_378, %broadcast_in_dim3A_300 : vector<16xi1>, vector<16xf32>
        %swap3A_380 = arith.index_cast %add3A_232 : i32 to index
        %swap3A_381 = tpu.vector_load %arg12[%swap3A_380] {strides = array<i32>} : memref<16384xf32, #tpu.memory_space<vmem>>, vector<16xf32>,
        %swap3A_382 = vector.shape_cast %swap3A_381 : vector<16xf32> to vector<16xf32>
        %swap3A_383 = vector.shape_cast %select_n3A_379 : vector<16xf32> to vector<16xf32>
        tpu.vector_store %arg12[%swap3A_380], %swap3A_383 {strides = array<i32>} : memref<16384xf32, #tpu.memory_space<vmem>>, vector<16xf32>,
        %scan3A_384 = arith.constant 0 : i32
        scf.yield %scan3A_384 : i32
      }
      %scan3A_79 = arith.constant 32 : i32
      %scan3A_80 = arith.constant 0 : i32
      scf.yield %scan3A_80 : i32
    }
    %scan3A_6 = arith.constant 32 : i32
    %scan3A_7 = arith.constant 0 : i32
    %scan3A_8 = arith.constant 0 : i32
    %scan3A_9 = arith.constant 32 : i32
    %scan3A_10 = arith.addi %scan3A_8, %scan3A_9 : i32
    %scan3A_11 = arith.constant 1 : i32
    %scan3A_12 = scf.for %scan3A_54 = %scan3A_8 to %scan3A_10 step %scan3A_11 iter_args(%scan3A_55 = %scan3A_7) -> (i32)  : i32 {
      %broadcast_in_dim3A = arith.constant 0.000000e+00 : f32
      %broadcast_in_dim3A_56 = vector.broadcast %broadcast_in_dim3A : f32 to vector<16xf32>
      %mul3A_57 = arith.constant 16 : i32
      %mul3A_58 = arith.muli %scan3A_54, %mul3A_57 : i32
      %swap3A = arith.index_cast %mul3A_58 : i32 to index
      %swap3A_59 = tpu.vector_load %arg18[%swap3A] {strides = array<i32>} : memref<512xf32, #tpu.memory_space<vmem>>, vector<16xf32>,
      %swap3A_60 = vector.shape_cast %swap3A_59 : vector<16xf32> to vector<16xf32>
      %swap3A_61 = vector.shape_cast %broadcast_in_dim3A_56 : vector<16xf32> to vector<16xf32>
      tpu.vector_store %arg18[%swap3A], %swap3A_61 {strides = array<i32>} : memref<512xf32, #tpu.memory_space<vmem>>, vector<16xf32>,
      %scan3A_62 = arith.constant 0 : i32
      scf.yield %scan3A_62 : i32
    }
    %scan3A_13 = arith.constant 32 : i32
    %scan3A_14 = arith.constant 0 : i32
    %scan3A_15 = arith.constant 0 : i32
    %scan3A_16 = arith.constant 32 : i32
    %scan3A_17 = arith.addi %scan3A_15, %scan3A_16 : i32
    %scan3A_18 = arith.constant 1 : i32
    %scan3A_19 = scf.for %scan3A_54 = %scan3A_15 to %scan3A_17 step %scan3A_18 iter_args(%scan3A_55 = %scan3A_14) -> (i32)  : i32 {
      %add3A = arith.constant 520 : i32
      %add3A_56 = arith.addi %add3A, %mul3A_0 : i32
      %mul3A_57 = arith.constant 512 : i32
      %mul3A_58 = arith.muli %scan3A_54, %mul3A_57 : i32
      %add3A_59 = arith.addi %add3A_56, %mul3A_58 : i32
      "tpu.region"() ({
        %run_scoped3A = tpu.sem_alloc : memref<!tpu.dma_semaphore, #tpu.memory_space<semaphore_mem>>
        %dma_start3A_61 = tpu.memref_slice %arg7[%add3A_59] : memref<263192xf32, #tpu.memory_space<vmem_shared>> -> memref<512xf32, #tpu.memory_space<vmem_shared>>
        %dma_start3A_62 = tpu.memref_slice %arg7[%add3A_59] : memref<263192xf32, #tpu.memory_space<vmem_shared>> -> memref<512xf32, #tpu.memory_space<vmem_shared>>
        tpu.enqueue_dma source(%arg18 : memref<512xf32, #tpu.memory_space<vmem>>) target(%dma_start3A_62 : memref<512xf32, #tpu.memory_space<vmem_shared>>) target_semaphore(%run_scoped3A : memref<!tpu.dma_semaphore, #tpu.memory_space<semaphore_mem>>)
        %dma_wait3A_63 = tpu.memref_slice %arg7[%add3A_59] : memref<263192xf32, #tpu.memory_space<vmem_shared>> -> memref<512xf32, #tpu.memory_space<vmem_shared>>
        %dma_wait3A_64 = tpu.memref_slice %arg7[%add3A_59] : memref<263192xf32, #tpu.memory_space<vmem_shared>> -> memref<512xf32, #tpu.memory_space<vmem_shared>>
        tpu.wait_dma2 semaphore(%run_scoped3A : memref<!tpu.dma_semaphore, #tpu.memory_space<semaphore_mem>>) src(%arg18 : memref<512xf32, #tpu.memory_space<vmem>>) dst(%dma_wait3A_64 : memref<512xf32, #tpu.memory_space<vmem_shared>>)
        tpu.yield
      }) : () -> ()
      %scan3A_60 = arith.constant 0 : i32
      scf.yield %scan3A_60 : i32
    }
    %scan3A_20 = arith.constant 32 : i32
    %scan3A_21 = arith.constant 0 : i32
    %scan3A_22 = arith.constant 0 : i32
    %scan3A_23 = arith.constant 32 : i32
    %scan3A_24 = arith.addi %scan3A_22, %scan3A_23 : i32
    %scan3A_25 = arith.constant 1 : i32
    %scan3A_26 = scf.for %scan3A_54 = %scan3A_22 to %scan3A_24 step %scan3A_25 iter_args(%scan3A_55 = %scan3A_21) -> (i32)  : i32 {
      %add3A = arith.constant 520 : i32
      %add3A_56 = arith.addi %add3A, %mul3A_0 : i32
      %mul3A_57 = arith.constant 512 : i32
      %mul3A_58 = arith.muli %scan3A_54, %mul3A_57 : i32
      %add3A_59 = arith.addi %add3A_56, %mul3A_58 : i32
      "tpu.region"() ({
        %run_scoped3A = tpu.sem_alloc : memref<!tpu.dma_semaphore, #tpu.memory_space<semaphore_mem>>
        %dma_start3A_61 = tpu.memref_slice %arg6[%add3A_59] : memref<263192xf32, #tpu.memory_space<vmem_shared>> -> memref<512xf32, #tpu.memory_space<vmem_shared>>
        %dma_start3A_62 = tpu.memref_slice %arg6[%add3A_59] : memref<263192xf32, #tpu.memory_space<vmem_shared>> -> memref<512xf32, #tpu.memory_space<vmem_shared>>
        tpu.enqueue_dma source(%arg18 : memref<512xf32, #tpu.memory_space<vmem>>) target(%dma_start3A_62 : memref<512xf32, #tpu.memory_space<vmem_shared>>) target_semaphore(%run_scoped3A : memref<!tpu.dma_semaphore, #tpu.memory_space<semaphore_mem>>)
        %dma_wait3A_63 = tpu.memref_slice %arg6[%add3A_59] : memref<263192xf32, #tpu.memory_space<vmem_shared>> -> memref<512xf32, #tpu.memory_space<vmem_shared>>
        %dma_wait3A_64 = tpu.memref_slice %arg6[%add3A_59] : memref<263192xf32, #tpu.memory_space<vmem_shared>> -> memref<512xf32, #tpu.memory_space<vmem_shared>>
        tpu.wait_dma2 semaphore(%run_scoped3A : memref<!tpu.dma_semaphore, #tpu.memory_space<semaphore_mem>>) src(%arg18 : memref<512xf32, #tpu.memory_space<vmem>>) dst(%dma_wait3A_64 : memref<512xf32, #tpu.memory_space<vmem_shared>>)
        tpu.yield
      }) : () -> ()
      %scan3A_60 = arith.constant 0 : i32
      scf.yield %scan3A_60 : i32
    }
    %scan3A_27 = arith.constant 32 : i32
    %barrier3A = arith.constant 0 : index
    tpu.barrier barrier_id(%barrier3A)
    %parallel_loop3A = arith.constant 0 : i32
    %parallel_loop3A_28 = arith.constant 32 : i32
    %parallel_loop3A_29 = arith.constant 1 : i32
    scf.for %parallel_loop3A_54 = %parallel_loop3A to %parallel_loop3A_28 step %parallel_loop3A_29  : i32 {
      %parallel_loop3A_55 = arith.constant 16 : i32
      %parallel_loop3A_56 = arith.muli %parallel_loop3A_54, %parallel_loop3A_55 : i32
      %parallel_loop3A_57 = arith.constant 0 : i32
      %parallel_loop3A_58 = arith.addi %parallel_loop3A_57, %parallel_loop3A_56 : i32
      %parallel_loop3A_59 = tpu.assume_multiple %parallel_loop3A_58, 16 : i32
      %parallel_loop3A_60 = arith.index_cast %parallel_loop3A_59 : i32 to index
      %parallel_loop3A_61 = tpu.vector_load %arg8[%parallel_loop3A_60] {strides = array<i32>} : memref<16384xi32, #tpu.memory_space<vmem>>, vector<16xi32>,
      %parallel_loop3A_62 = vector.shape_cast %parallel_loop3A_61 : vector<16xi32> to vector<16xi32>
      %parallel_loop3A_63 = arith.constant 16 : i32
      %parallel_loop3A_64 = arith.muli %parallel_loop3A_54, %parallel_loop3A_63 : i32
      %parallel_loop3A_65 = arith.constant 0 : i32
      %parallel_loop3A_66 = arith.addi %parallel_loop3A_65, %parallel_loop3A_64 : i32
      %parallel_loop3A_67 = tpu.assume_multiple %parallel_loop3A_66, 16 : i32
      %parallel_loop3A_68 = arith.constant 0 : i32
      %parallel_loop3A_69 = vector.broadcast %parallel_loop3A_68 : i32 to vector<16xi32>
      %parallel_loop3A_70 = arith.addi %parallel_loop3A_62, %parallel_loop3A_69 : vector<16xi32>
      %parallel_loop3A_71 = arith.index_cast %parallel_loop3A_67 : i32 to index
      %parallel_loop3A_72 = tpu.vector_load %arg14[%parallel_loop3A_71] {strides = array<i32>} : memref<2048xi32, #tpu.memory_space<vmem>>, vector<16xi32>,
      %parallel_loop3A_73 = vector.shape_cast %parallel_loop3A_72 : vector<16xi32> to vector<16xi32>
      %parallel_loop3A_74 = vector.shape_cast %parallel_loop3A_70 : vector<16xi32> to vector<16xi32>
      tpu.vector_store %arg14[%parallel_loop3A_71], %parallel_loop3A_74 {strides = array<i32>} : memref<2048xi32, #tpu.memory_space<vmem>>, vector<16xi32>,
      %parallel_loop3A_75 = arith.index_cast %parallel_loop3A_59 : i32 to index
      %parallel_loop3A_76 = tpu.vector_load %arg9[%parallel_loop3A_75] {strides = array<i32>} : memref<16384xf32, #tpu.memory_space<vmem>>, vector<16xf32>,
      %parallel_loop3A_77 = vector.shape_cast %parallel_loop3A_76 : vector<16xf32> to vector<16xf32>
      %parallel_loop3A_78 = arith.index_cast %parallel_loop3A_67 : i32 to index
      %parallel_loop3A_79 = tpu.vector_load %arg16[%parallel_loop3A_78] {strides = array<i32>} : memref<2048xf32, #tpu.memory_space<vmem>>, vector<16xf32>,
      %parallel_loop3A_80 = vector.shape_cast %parallel_loop3A_79 : vector<16xf32> to vector<16xf32>
      %parallel_loop3A_81 = vector.shape_cast %parallel_loop3A_77 : vector<16xf32> to vector<16xf32>
      tpu.vector_store %arg16[%parallel_loop3A_78], %parallel_loop3A_81 {strides = array<i32>} : memref<2048xf32, #tpu.memory_space<vmem>>, vector<16xf32>,
      %parallel_loop3A_82 = arith.constant 16 : i32
      %parallel_loop3A_83 = arith.muli %parallel_loop3A_54, %parallel_loop3A_82 : i32
      %parallel_loop3A_84 = arith.constant 512 : i32
      %parallel_loop3A_85 = arith.addi %parallel_loop3A_84, %parallel_loop3A_83 : i32
      %parallel_loop3A_86 = tpu.assume_multiple %parallel_loop3A_85, 16 : i32
      %parallel_loop3A_87 = arith.constant 1 : i32
      %parallel_loop3A_88 = vector.broadcast %parallel_loop3A_87 : i32 to vector<16xi32>
      %parallel_loop3A_89 = arith.addi %parallel_loop3A_62, %parallel_loop3A_88 : vector<16xi32>
      %parallel_loop3A_90 = arith.index_cast %parallel_loop3A_86 : i32 to index
      %parallel_loop3A_91 = tpu.vector_load %arg14[%parallel_loop3A_90] {strides = array<i32>} : memref<2048xi32, #tpu.memory_space<vmem>>, vector<16xi32>,
      %parallel_loop3A_92 = vector.shape_cast %parallel_loop3A_91 : vector<16xi32> to vector<16xi32>
      %parallel_loop3A_93 = vector.shape_cast %parallel_loop3A_89 : vector<16xi32> to vector<16xi32>
      tpu.vector_store %arg14[%parallel_loop3A_90], %parallel_loop3A_93 {strides = array<i32>} : memref<2048xi32, #tpu.memory_space<vmem>>, vector<16xi32>,
      %parallel_loop3A_94 = arith.index_cast %parallel_loop3A_59 : i32 to index
      %parallel_loop3A_95 = tpu.vector_load %arg10[%parallel_loop3A_94] {strides = array<i32>} : memref<16384xf32, #tpu.memory_space<vmem>>, vector<16xf32>,
      %parallel_loop3A_96 = vector.shape_cast %parallel_loop3A_95 : vector<16xf32> to vector<16xf32>
      %parallel_loop3A_97 = arith.index_cast %parallel_loop3A_86 : i32 to index
      %parallel_loop3A_98 = tpu.vector_load %arg16[%parallel_loop3A_97] {strides = array<i32>} : memref<2048xf32, #tpu.memory_space<vmem>>, vector<16xf32>,
      %parallel_loop3A_99 = vector.shape_cast %parallel_loop3A_98 : vector<16xf32> to vector<16xf32>
      %parallel_loop3A_100 = vector.shape_cast %parallel_loop3A_96 : vector<16xf32> to vector<16xf32>
      tpu.vector_store %arg16[%parallel_loop3A_97], %parallel_loop3A_100 {strides = array<i32>} : memref<2048xf32, #tpu.memory_space<vmem>>, vector<16xf32>,
      %parallel_loop3A_101 = arith.constant 16 : i32
      %parallel_loop3A_102 = arith.muli %parallel_loop3A_54, %parallel_loop3A_101 : i32
      %parallel_loop3A_103 = arith.constant 1024 : i32
      %parallel_loop3A_104 = arith.addi %parallel_loop3A_103, %parallel_loop3A_102 : i32
      %parallel_loop3A_105 = tpu.assume_multiple %parallel_loop3A_104, 16 : i32
      %parallel_loop3A_106 = arith.constant 512 : i32
      %parallel_loop3A_107 = vector.broadcast %parallel_loop3A_106 : i32 to vector<16xi32>
      %parallel_loop3A_108 = arith.addi %parallel_loop3A_62, %parallel_loop3A_107 : vector<16xi32>
      %parallel_loop3A_109 = arith.index_cast %parallel_loop3A_105 : i32 to index
      %parallel_loop3A_110 = tpu.vector_load %arg14[%parallel_loop3A_109] {strides = array<i32>} : memref<2048xi32, #tpu.memory_space<vmem>>, vector<16xi32>,
      %parallel_loop3A_111 = vector.shape_cast %parallel_loop3A_110 : vector<16xi32> to vector<16xi32>
      %parallel_loop3A_112 = vector.shape_cast %parallel_loop3A_108 : vector<16xi32> to vector<16xi32>
      tpu.vector_store %arg14[%parallel_loop3A_109], %parallel_loop3A_112 {strides = array<i32>} : memref<2048xi32, #tpu.memory_space<vmem>>, vector<16xi32>,
      %parallel_loop3A_113 = arith.index_cast %parallel_loop3A_59 : i32 to index
      %parallel_loop3A_114 = tpu.vector_load %arg11[%parallel_loop3A_113] {strides = array<i32>} : memref<16384xf32, #tpu.memory_space<vmem>>, vector<16xf32>,
      %parallel_loop3A_115 = vector.shape_cast %parallel_loop3A_114 : vector<16xf32> to vector<16xf32>
      %parallel_loop3A_116 = arith.index_cast %parallel_loop3A_105 : i32 to index
      %parallel_loop3A_117 = tpu.vector_load %arg16[%parallel_loop3A_116] {strides = array<i32>} : memref<2048xf32, #tpu.memory_space<vmem>>, vector<16xf32>,
      %parallel_loop3A_118 = vector.shape_cast %parallel_loop3A_117 : vector<16xf32> to vector<16xf32>
      %parallel_loop3A_119 = vector.shape_cast %parallel_loop3A_115 : vector<16xf32> to vector<16xf32>
      tpu.vector_store %arg16[%parallel_loop3A_116], %parallel_loop3A_119 {strides = array<i32>} : memref<2048xf32, #tpu.memory_space<vmem>>, vector<16xf32>,
      %parallel_loop3A_120 = arith.constant 16 : i32
      %parallel_loop3A_121 = arith.muli %parallel_loop3A_54, %parallel_loop3A_120 : i32
      %parallel_loop3A_122 = arith.constant 1536 : i32
      %parallel_loop3A_123 = arith.addi %parallel_loop3A_122, %parallel_loop3A_121 : i32
      %parallel_loop3A_124 = tpu.assume_multiple %parallel_loop3A_123, 16 : i32
      %parallel_loop3A_125 = arith.constant 513 : i32
      %parallel_loop3A_126 = vector.broadcast %parallel_loop3A_125 : i32 to vector<16xi32>
      %parallel_loop3A_127 = arith.addi %parallel_loop3A_62, %parallel_loop3A_126 : vector<16xi32>
      %parallel_loop3A_128 = arith.index_cast %parallel_loop3A_124 : i32 to index
      %parallel_loop3A_129 = tpu.vector_load %arg14[%parallel_loop3A_128] {strides = array<i32>} : memref<2048xi32, #tpu.memory_space<vmem>>, vector<16xi32>,
      %parallel_loop3A_130 = vector.shape_cast %parallel_loop3A_129 : vector<16xi32> to vector<16xi32>
      %parallel_loop3A_131 = vector.shape_cast %parallel_loop3A_127 : vector<16xi32> to vector<16xi32>
      tpu.vector_store %arg14[%parallel_loop3A_128], %parallel_loop3A_131 {strides = array<i32>} : memref<2048xi32, #tpu.memory_space<vmem>>, vector<16xi32>,
      %parallel_loop3A_132 = arith.index_cast %parallel_loop3A_59 : i32 to index
      %parallel_loop3A_133 = tpu.vector_load %arg12[%parallel_loop3A_132] {strides = array<i32>} : memref<16384xf32, #tpu.memory_space<vmem>>, vector<16xf32>,
      %parallel_loop3A_134 = vector.shape_cast %parallel_loop3A_133 : vector<16xf32> to vector<16xf32>
      %parallel_loop3A_135 = arith.index_cast %parallel_loop3A_124 : i32 to index
      %parallel_loop3A_136 = tpu.vector_load %arg16[%parallel_loop3A_135] {strides = array<i32>} : memref<2048xf32, #tpu.memory_space<vmem>>, vector<16xf32>,
      %parallel_loop3A_137 = vector.shape_cast %parallel_loop3A_136 : vector<16xf32> to vector<16xf32>
      %parallel_loop3A_138 = vector.shape_cast %parallel_loop3A_134 : vector<16xf32> to vector<16xf32>
      tpu.vector_store %arg16[%parallel_loop3A_135], %parallel_loop3A_138 {strides = array<i32>} : memref<2048xf32, #tpu.memory_space<vmem>>, vector<16xf32>,
    } {sc.loop_unroll_factor = 8 : i64, sc.parallel_access}
    %dma_start3A = arith.constant 0 : i32
    %dma_start3A_30 = tpu.memref_slice %arg7[%dma_start3A] : memref<263192xf32, #tpu.memory_space<vmem_shared>> -> memref<263192xf32, #tpu.memory_space<vmem_shared>>
    tpu.enqueue_indirect_dma source(%arg16 : memref<2048xf32, #tpu.memory_space<vmem>>) target(%dma_start3A_30 : memref<263192xf32, #tpu.memory_space<vmem_shared>>) offsets(%arg14 : memref<2048xi32, #tpu.memory_space<vmem>>) semaphore(%arg21 : memref<!tpu.dma_semaphore, #tpu.memory_space<semaphore_mem>>) {add = true}
    %parallel_loop3A_31 = arith.constant 0 : i32
    %parallel_loop3A_32 = arith.constant 32 : i32
    %parallel_loop3A_33 = arith.constant 1 : i32
    scf.for %parallel_loop3A_54 = %parallel_loop3A_31 to %parallel_loop3A_32 step %parallel_loop3A_33  : i32 {
      %parallel_loop3A_55 = arith.constant 16 : i32
      %parallel_loop3A_56 = arith.muli %parallel_loop3A_54, %parallel_loop3A_55 : i32
      %parallel_loop3A_57 = arith.constant 512 : i32
      %parallel_loop3A_58 = arith.addi %parallel_loop3A_57, %parallel_loop3A_56 : i32
      %parallel_loop3A_59 = tpu.assume_multiple %parallel_loop3A_58, 16 : i32
      %parallel_loop3A_60 = arith.index_cast %parallel_loop3A_59 : i32 to index
      %parallel_loop3A_61 = tpu.vector_load %arg8[%parallel_loop3A_60] {strides = array<i32>} : memref<16384xi32, #tpu.memory_space<vmem>>, vector<16xi32>,
      %parallel_loop3A_62 = vector.shape_cast %parallel_loop3A_61 : vector<16xi32> to vector<16xi32>
      %parallel_loop3A_63 = arith.constant 16 : i32
      %parallel_loop3A_64 = arith.muli %parallel_loop3A_54, %parallel_loop3A_63 : i32
      %parallel_loop3A_65 = arith.constant 0 : i32
      %parallel_loop3A_66 = arith.addi %parallel_loop3A_65, %parallel_loop3A_64 : i32
      %parallel_loop3A_67 = tpu.assume_multiple %parallel_loop3A_66, 16 : i32
      %parallel_loop3A_68 = arith.constant 0 : i32
      %parallel_loop3A_69 = vector.broadcast %parallel_loop3A_68 : i32 to vector<16xi32>
      %parallel_loop3A_70 = arith.addi %parallel_loop3A_62, %parallel_loop3A_69 : vector<16xi32>
      %parallel_loop3A_71 = arith.index_cast %parallel_loop3A_67 : i32 to index
      %parallel_loop3A_72 = tpu.vector_load %arg15[%parallel_loop3A_71] {strides = array<i32>} : memref<2048xi32, #tpu.memory_space<vmem>>, vector<16xi32>,
      %parallel_loop3A_73 = vector.shape_cast %parallel_loop3A_72 : vector<16xi32> to vector<16xi32>
      %parallel_loop3A_74 = vector.shape_cast %parallel_loop3A_70 : vector<16xi32> to vector<16xi32>
      tpu.vector_store %arg15[%parallel_loop3A_71], %parallel_loop3A_74 {strides = array<i32>} : memref<2048xi32, #tpu.memory_space<vmem>>, vector<16xi32>,
      %parallel_loop3A_75 = arith.index_cast %parallel_loop3A_59 : i32 to index
      %parallel_loop3A_76 = tpu.vector_load %arg9[%parallel_loop3A_75] {strides = array<i32>} : memref<16384xf32, #tpu.memory_space<vmem>>, vector<16xf32>,
      %parallel_loop3A_77 = vector.shape_cast %parallel_loop3A_76 : vector<16xf32> to vector<16xf32>
      %parallel_loop3A_78 = arith.index_cast %parallel_loop3A_67 : i32 to index
      %parallel_loop3A_79 = tpu.vector_load %arg17[%parallel_loop3A_78] {strides = array<i32>} : memref<2048xf32, #tpu.memory_space<vmem>>, vector<16xf32>,
      %parallel_loop3A_80 = vector.shape_cast %parallel_loop3A_79 : vector<16xf32> to vector<16xf32>
      %parallel_loop3A_81 = vector.shape_cast %parallel_loop3A_77 : vector<16xf32> to vector<16xf32>
      tpu.vector_store %arg17[%parallel_loop3A_78], %parallel_loop3A_81 {strides = array<i32>} : memref<2048xf32, #tpu.memory_space<vmem>>, vector<16xf32>,
      %parallel_loop3A_82 = arith.constant 16 : i32
      %parallel_loop3A_83 = arith.muli %parallel_loop3A_54, %parallel_loop3A_82 : i32
      %parallel_loop3A_84 = arith.constant 512 : i32
      %parallel_loop3A_85 = arith.addi %parallel_loop3A_84, %parallel_loop3A_83 : i32
      %parallel_loop3A_86 = tpu.assume_multiple %parallel_loop3A_85, 16 : i32
      %parallel_loop3A_87 = arith.constant 1 : i32
      %parallel_loop3A_88 = vector.broadcast %parallel_loop3A_87 : i32 to vector<16xi32>
      %parallel_loop3A_89 = arith.addi %parallel_loop3A_62, %parallel_loop3A_88 : vector<16xi32>
      %parallel_loop3A_90 = arith.index_cast %parallel_loop3A_86 : i32 to index
      %parallel_loop3A_91 = tpu.vector_load %arg15[%parallel_loop3A_90] {strides = array<i32>} : memref<2048xi32, #tpu.memory_space<vmem>>, vector<16xi32>,
      %parallel_loop3A_92 = vector.shape_cast %parallel_loop3A_91 : vector<16xi32> to vector<16xi32>
      %parallel_loop3A_93 = vector.shape_cast %parallel_loop3A_89 : vector<16xi32> to vector<16xi32>
      tpu.vector_store %arg15[%parallel_loop3A_90], %parallel_loop3A_93 {strides = array<i32>} : memref<2048xi32, #tpu.memory_space<vmem>>, vector<16xi32>,
      %parallel_loop3A_94 = arith.index_cast %parallel_loop3A_59 : i32 to index
      %parallel_loop3A_95 = tpu.vector_load %arg10[%parallel_loop3A_94] {strides = array<i32>} : memref<16384xf32, #tpu.memory_space<vmem>>, vector<16xf32>,
      %parallel_loop3A_96 = vector.shape_cast %parallel_loop3A_95 : vector<16xf32> to vector<16xf32>
      %parallel_loop3A_97 = arith.index_cast %parallel_loop3A_86 : i32 to index
      %parallel_loop3A_98 = tpu.vector_load %arg17[%parallel_loop3A_97] {strides = array<i32>} : memref<2048xf32, #tpu.memory_space<vmem>>, vector<16xf32>,
      %parallel_loop3A_99 = vector.shape_cast %parallel_loop3A_98 : vector<16xf32> to vector<16xf32>
      %parallel_loop3A_100 = vector.shape_cast %parallel_loop3A_96 : vector<16xf32> to vector<16xf32>
      tpu.vector_store %arg17[%parallel_loop3A_97], %parallel_loop3A_100 {strides = array<i32>} : memref<2048xf32, #tpu.memory_space<vmem>>, vector<16xf32>,
      %parallel_loop3A_101 = arith.constant 16 : i32
      %parallel_loop3A_102 = arith.muli %parallel_loop3A_54, %parallel_loop3A_101 : i32
      %parallel_loop3A_103 = arith.constant 1024 : i32
      %parallel_loop3A_104 = arith.addi %parallel_loop3A_103, %parallel_loop3A_102 : i32
      %parallel_loop3A_105 = tpu.assume_multiple %parallel_loop3A_104, 16 : i32
      %parallel_loop3A_106 = arith.constant 512 : i32
      %parallel_loop3A_107 = vector.broadcast %parallel_loop3A_106 : i32 to vector<16xi32>
      %parallel_loop3A_108 = arith.addi %parallel_loop3A_62, %parallel_loop3A_107 : vector<16xi32>
      %parallel_loop3A_109 = arith.index_cast %parallel_loop3A_105 : i32 to index
      %parallel_loop3A_110 = tpu.vector_load %arg15[%parallel_loop3A_109] {strides = array<i32>} : memref<2048xi32, #tpu.memory_space<vmem>>, vector<16xi32>,
      %parallel_loop3A_111 = vector.shape_cast %parallel_loop3A_110 : vector<16xi32> to vector<16xi32>
      %parallel_loop3A_112 = vector.shape_cast %parallel_loop3A_108 : vector<16xi32> to vector<16xi32>
      tpu.vector_store %arg15[%parallel_loop3A_109], %parallel_loop3A_112 {strides = array<i32>} : memref<2048xi32, #tpu.memory_space<vmem>>, vector<16xi32>,
      %parallel_loop3A_113 = arith.index_cast %parallel_loop3A_59 : i32 to index
      %parallel_loop3A_114 = tpu.vector_load %arg11[%parallel_loop3A_113] {strides = array<i32>} : memref<16384xf32, #tpu.memory_space<vmem>>, vector<16xf32>,
      %parallel_loop3A_115 = vector.shape_cast %parallel_loop3A_114 : vector<16xf32> to vector<16xf32>
      %parallel_loop3A_116 = arith.index_cast %parallel_loop3A_105 : i32 to index
      %parallel_loop3A_117 = tpu.vector_load %arg17[%parallel_loop3A_116] {strides = array<i32>} : memref<2048xf32, #tpu.memory_space<vmem>>, vector<16xf32>,
      %parallel_loop3A_118 = vector.shape_cast %parallel_loop3A_117 : vector<16xf32> to vector<16xf32>
      %parallel_loop3A_119 = vector.shape_cast %parallel_loop3A_115 : vector<16xf32> to vector<16xf32>
      tpu.vector_store %arg17[%parallel_loop3A_116], %parallel_loop3A_119 {strides = array<i32>} : memref<2048xf32, #tpu.memory_space<vmem>>, vector<16xf32>,
      %parallel_loop3A_120 = arith.constant 16 : i32
      %parallel_loop3A_121 = arith.muli %parallel_loop3A_54, %parallel_loop3A_120 : i32
      %parallel_loop3A_122 = arith.constant 1536 : i32
      %parallel_loop3A_123 = arith.addi %parallel_loop3A_122, %parallel_loop3A_121 : i32
      %parallel_loop3A_124 = tpu.assume_multiple %parallel_loop3A_123, 16 : i32
      %parallel_loop3A_125 = arith.constant 513 : i32
      %parallel_loop3A_126 = vector.broadcast %parallel_loop3A_125 : i32 to vector<16xi32>
      %parallel_loop3A_127 = arith.addi %parallel_loop3A_62, %parallel_loop3A_126 : vector<16xi32>
      %parallel_loop3A_128 = arith.index_cast %parallel_loop3A_124 : i32 to index
      %parallel_loop3A_129 = tpu.vector_load %arg15[%parallel_loop3A_128] {strides = array<i32>} : memref<2048xi32, #tpu.memory_space<vmem>>, vector<16xi32>,
      %parallel_loop3A_130 = vector.shape_cast %parallel_loop3A_129 : vector<16xi32> to vector<16xi32>
      %parallel_loop3A_131 = vector.shape_cast %parallel_loop3A_127 : vector<16xi32> to vector<16xi32>
      tpu.vector_store %arg15[%parallel_loop3A_128], %parallel_loop3A_131 {strides = array<i32>} : memref<2048xi32, #tpu.memory_space<vmem>>, vector<16xi32>,
      %parallel_loop3A_132 = arith.index_cast %parallel_loop3A_59 : i32 to index
      %parallel_loop3A_133 = tpu.vector_load %arg12[%parallel_loop3A_132] {strides = array<i32>} : memref<16384xf32, #tpu.memory_space<vmem>>, vector<16xf32>,
      %parallel_loop3A_134 = vector.shape_cast %parallel_loop3A_133 : vector<16xf32> to vector<16xf32>
      %parallel_loop3A_135 = arith.index_cast %parallel_loop3A_124 : i32 to index
      %parallel_loop3A_136 = tpu.vector_load %arg17[%parallel_loop3A_135] {strides = array<i32>} : memref<2048xf32, #tpu.memory_space<vmem>>, vector<16xf32>,
      %parallel_loop3A_137 = vector.shape_cast %parallel_loop3A_136 : vector<16xf32> to vector<16xf32>
      %parallel_loop3A_138 = vector.shape_cast %parallel_loop3A_134 : vector<16xf32> to vector<16xf32>
      tpu.vector_store %arg17[%parallel_loop3A_135], %parallel_loop3A_138 {strides = array<i32>} : memref<2048xf32, #tpu.memory_space<vmem>>, vector<16xf32>,
    } {sc.loop_unroll_factor = 8 : i64, sc.parallel_access}
    %dma_start3A_34 = arith.constant 0 : i32
    %dma_start3A_35 = tpu.memref_slice %arg7[%dma_start3A_34] : memref<263192xf32, #tpu.memory_space<vmem_shared>> -> memref<263192xf32, #tpu.memory_space<vmem_shared>>
    tpu.enqueue_indirect_dma source(%arg17 : memref<2048xf32, #tpu.memory_space<vmem>>) target(%dma_start3A_35 : memref<263192xf32, #tpu.memory_space<vmem_shared>>) offsets(%arg15 : memref<2048xi32, #tpu.memory_space<vmem>>) semaphore(%arg22 : memref<!tpu.dma_semaphore, #tpu.memory_space<semaphore_mem>>) {add = true}
    %scan3A_36 = arith.constant 0 : i32
    %scan3A_37 = arith.constant 1 : i32
    %scan3A_38 = arith.constant 15 : i32
    %scan3A_39 = arith.addi %scan3A_37, %scan3A_38 : i32
    %scan3A_40 = arith.constant 1 : i32
    %scan3A_41 = scf.for %scan3A_54 = %scan3A_37 to %scan3A_39 step %scan3A_40 iter_args(%scan3A_55 = %scan3A_36) -> (i32)  : i32 {
      %mul3A_56 = arith.constant 2 : i32
      %mul3A_57 = arith.muli %mul3A_56, %scan3A_54 : i32
      %mul3A_58 = arith.constant 2 : i32
      %mul3A_59 = arith.muli %mul3A_58, %scan3A_54 : i32
      %add3A = arith.constant 1 : i32
      %add3A_60 = arith.addi %mul3A_59, %add3A : i32
      %mul3A_61 = arith.constant 512 : i32
      %mul3A_62 = arith.muli %mul3A_57, %mul3A_61 : i32
      %dma_wait3A_63 = arith.constant 0 : i32
      %dma_wait3A_64 = tpu.memref_slice %arg7[%dma_wait3A_63] : memref<263192xf32, #tpu.memory_space<vmem_shared>> -> memref<263192xf32, #tpu.memory_space<vmem_shared>>
      tpu.wait_indirect_dma semaphore(%arg21 : memref<!tpu.dma_semaphore, #tpu.memory_space<semaphore_mem>>) src(%arg16 : memref<2048xf32, #tpu.memory_space<vmem>>) dst(%dma_wait3A_64 : memref<263192xf32, #tpu.memory_space<vmem_shared>>)
      %parallel_loop3A_65 = arith.constant 0 : i32
      %parallel_loop3A_66 = arith.constant 32 : i32
      %parallel_loop3A_67 = arith.constant 1 : i32
      scf.for %parallel_loop3A_80 = %parallel_loop3A_65 to %parallel_loop3A_66 step %parallel_loop3A_67  : i32 {
        %parallel_loop3A_81 = arith.constant 16 : i32
        %parallel_loop3A_82 = arith.muli %parallel_loop3A_80, %parallel_loop3A_81 : i32
        %parallel_loop3A_83 = arith.addi %mul3A_62, %parallel_loop3A_82 : i32
        %parallel_loop3A_84 = tpu.assume_multiple %parallel_loop3A_83, 16 : i32
        %parallel_loop3A_85 = arith.index_cast %parallel_loop3A_84 : i32 to index
        %parallel_loop3A_86 = tpu.vector_load %arg8[%parallel_loop3A_85] {strides = array<i32>} : memref<16384xi32, #tpu.memory_space<vmem>>, vector<16xi32>,
        %parallel_loop3A_87 = vector.shape_cast %parallel_loop3A_86 : vector<16xi32> to vector<16xi32>
        %parallel_loop3A_88 = arith.constant 16 : i32
        %parallel_loop3A_89 = arith.muli %parallel_loop3A_80, %parallel_loop3A_88 : i32
        %parallel_loop3A_90 = arith.constant 0 : i32
        %parallel_loop3A_91 = arith.addi %parallel_loop3A_90, %parallel_loop3A_89 : i32
        %parallel_loop3A_92 = tpu.assume_multiple %parallel_loop3A_91, 16 : i32
        %parallel_loop3A_93 = arith.constant 0 : i32
        %parallel_loop3A_94 = vector.broadcast %parallel_loop3A_93 : i32 to vector<16xi32>
        %parallel_loop3A_95 = arith.addi %parallel_loop3A_87, %parallel_loop3A_94 : vector<16xi32>
        %parallel_loop3A_96 = arith.index_cast %parallel_loop3A_92 : i32 to index
        %parallel_loop3A_97 = tpu.vector_load %arg14[%parallel_loop3A_96] {strides = array<i32>} : memref<2048xi32, #tpu.memory_space<vmem>>, vector<16xi32>,
        %parallel_loop3A_98 = vector.shape_cast %parallel_loop3A_97 : vector<16xi32> to vector<16xi32>
        %parallel_loop3A_99 = vector.shape_cast %parallel_loop3A_95 : vector<16xi32> to vector<16xi32>
        tpu.vector_store %arg14[%parallel_loop3A_96], %parallel_loop3A_99 {strides = array<i32>} : memref<2048xi32, #tpu.memory_space<vmem>>, vector<16xi32>,
        %parallel_loop3A_100 = arith.index_cast %parallel_loop3A_84 : i32 to index
        %parallel_loop3A_101 = tpu.vector_load %arg9[%parallel_loop3A_100] {strides = array<i32>} : memref<16384xf32, #tpu.memory_space<vmem>>, vector<16xf32>,
        %parallel_loop3A_102 = vector.shape_cast %parallel_loop3A_101 : vector<16xf32> to vector<16xf32>
        %parallel_loop3A_103 = arith.index_cast %parallel_loop3A_92 : i32 to index
        %parallel_loop3A_104 = tpu.vector_load %arg16[%parallel_loop3A_103] {strides = array<i32>} : memref<2048xf32, #tpu.memory_space<vmem>>, vector<16xf32>,
        %parallel_loop3A_105 = vector.shape_cast %parallel_loop3A_104 : vector<16xf32> to vector<16xf32>
        %parallel_loop3A_106 = vector.shape_cast %parallel_loop3A_102 : vector<16xf32> to vector<16xf32>
        tpu.vector_store %arg16[%parallel_loop3A_103], %parallel_loop3A_106 {strides = array<i32>} : memref<2048xf32, #tpu.memory_space<vmem>>, vector<16xf32>,
        %parallel_loop3A_107 = arith.constant 16 : i32
        %parallel_loop3A_108 = arith.muli %parallel_loop3A_80, %parallel_loop3A_107 : i32
        %parallel_loop3A_109 = arith.constant 512 : i32
        %parallel_loop3A_110 = arith.addi %parallel_loop3A_109, %parallel_loop3A_108 : i32
        %parallel_loop3A_111 = tpu.assume_multiple %parallel_loop3A_110, 16 : i32
        %parallel_loop3A_112 = arith.constant 1 : i32
        %parallel_loop3A_113 = vector.broadcast %parallel_loop3A_112 : i32 to vector<16xi32>
        %parallel_loop3A_114 = arith.addi %parallel_loop3A_87, %parallel_loop3A_113 : vector<16xi32>
        %parallel_loop3A_115 = arith.index_cast %parallel_loop3A_111 : i32 to index
        %parallel_loop3A_116 = tpu.vector_load %arg14[%parallel_loop3A_115] {strides = array<i32>} : memref<2048xi32, #tpu.memory_space<vmem>>, vector<16xi32>,
        %parallel_loop3A_117 = vector.shape_cast %parallel_loop3A_116 : vector<16xi32> to vector<16xi32>
        %parallel_loop3A_118 = vector.shape_cast %parallel_loop3A_114 : vector<16xi32> to vector<16xi32>
        tpu.vector_store %arg14[%parallel_loop3A_115], %parallel_loop3A_118 {strides = array<i32>} : memref<2048xi32, #tpu.memory_space<vmem>>, vector<16xi32>,
        %parallel_loop3A_119 = arith.index_cast %parallel_loop3A_84 : i32 to index
        %parallel_loop3A_120 = tpu.vector_load %arg10[%parallel_loop3A_119] {strides = array<i32>} : memref<16384xf32, #tpu.memory_space<vmem>>, vector<16xf32>,
        %parallel_loop3A_121 = vector.shape_cast %parallel_loop3A_120 : vector<16xf32> to vector<16xf32>
        %parallel_loop3A_122 = arith.index_cast %parallel_loop3A_111 : i32 to index
        %parallel_loop3A_123 = tpu.vector_load %arg16[%parallel_loop3A_122] {strides = array<i32>} : memref<2048xf32, #tpu.memory_space<vmem>>, vector<16xf32>,
        %parallel_loop3A_124 = vector.shape_cast %parallel_loop3A_123 : vector<16xf32> to vector<16xf32>
        %parallel_loop3A_125 = vector.shape_cast %parallel_loop3A_121 : vector<16xf32> to vector<16xf32>
        tpu.vector_store %arg16[%parallel_loop3A_122], %parallel_loop3A_125 {strides = array<i32>} : memref<2048xf32, #tpu.memory_space<vmem>>, vector<16xf32>,
        %parallel_loop3A_126 = arith.constant 16 : i32
        %parallel_loop3A_127 = arith.muli %parallel_loop3A_80, %parallel_loop3A_126 : i32
        %parallel_loop3A_128 = arith.constant 1024 : i32
        %parallel_loop3A_129 = arith.addi %parallel_loop3A_128, %parallel_loop3A_127 : i32
        %parallel_loop3A_130 = tpu.assume_multiple %parallel_loop3A_129, 16 : i32
        %parallel_loop3A_131 = arith.constant 512 : i32
        %parallel_loop3A_132 = vector.broadcast %parallel_loop3A_131 : i32 to vector<16xi32>
        %parallel_loop3A_133 = arith.addi %parallel_loop3A_87, %parallel_loop3A_132 : vector<16xi32>
        %parallel_loop3A_134 = arith.index_cast %parallel_loop3A_130 : i32 to index
        %parallel_loop3A_135 = tpu.vector_load %arg14[%parallel_loop3A_134] {strides = array<i32>} : memref<2048xi32, #tpu.memory_space<vmem>>, vector<16xi32>,
        %parallel_loop3A_136 = vector.shape_cast %parallel_loop3A_135 : vector<16xi32> to vector<16xi32>
        %parallel_loop3A_137 = vector.shape_cast %parallel_loop3A_133 : vector<16xi32> to vector<16xi32>
        tpu.vector_store %arg14[%parallel_loop3A_134], %parallel_loop3A_137 {strides = array<i32>} : memref<2048xi32, #tpu.memory_space<vmem>>, vector<16xi32>,
        %parallel_loop3A_138 = arith.index_cast %parallel_loop3A_84 : i32 to index
        %parallel_loop3A_139 = tpu.vector_load %arg11[%parallel_loop3A_138] {strides = array<i32>} : memref<16384xf32, #tpu.memory_space<vmem>>, vector<16xf32>,
        %parallel_loop3A_140 = vector.shape_cast %parallel_loop3A_139 : vector<16xf32> to vector<16xf32>
        %parallel_loop3A_141 = arith.index_cast %parallel_loop3A_130 : i32 to index
        %parallel_loop3A_142 = tpu.vector_load %arg16[%parallel_loop3A_141] {strides = array<i32>} : memref<2048xf32, #tpu.memory_space<vmem>>, vector<16xf32>,
        %parallel_loop3A_143 = vector.shape_cast %parallel_loop3A_142 : vector<16xf32> to vector<16xf32>
        %parallel_loop3A_144 = vector.shape_cast %parallel_loop3A_140 : vector<16xf32> to vector<16xf32>
        tpu.vector_store %arg16[%parallel_loop3A_141], %parallel_loop3A_144 {strides = array<i32>} : memref<2048xf32, #tpu.memory_space<vmem>>, vector<16xf32>,
        %parallel_loop3A_145 = arith.constant 16 : i32
        %parallel_loop3A_146 = arith.muli %parallel_loop3A_80, %parallel_loop3A_145 : i32
        %parallel_loop3A_147 = arith.constant 1536 : i32
        %parallel_loop3A_148 = arith.addi %parallel_loop3A_147, %parallel_loop3A_146 : i32
        %parallel_loop3A_149 = tpu.assume_multiple %parallel_loop3A_148, 16 : i32
        %parallel_loop3A_150 = arith.constant 513 : i32
        %parallel_loop3A_151 = vector.broadcast %parallel_loop3A_150 : i32 to vector<16xi32>
        %parallel_loop3A_152 = arith.addi %parallel_loop3A_87, %parallel_loop3A_151 : vector<16xi32>
        %parallel_loop3A_153 = arith.index_cast %parallel_loop3A_149 : i32 to index
        %parallel_loop3A_154 = tpu.vector_load %arg14[%parallel_loop3A_153] {strides = array<i32>} : memref<2048xi32, #tpu.memory_space<vmem>>, vector<16xi32>,
        %parallel_loop3A_155 = vector.shape_cast %parallel_loop3A_154 : vector<16xi32> to vector<16xi32>
        %parallel_loop3A_156 = vector.shape_cast %parallel_loop3A_152 : vector<16xi32> to vector<16xi32>
        tpu.vector_store %arg14[%parallel_loop3A_153], %parallel_loop3A_156 {strides = array<i32>} : memref<2048xi32, #tpu.memory_space<vmem>>, vector<16xi32>,
        %parallel_loop3A_157 = arith.index_cast %parallel_loop3A_84 : i32 to index
        %parallel_loop3A_158 = tpu.vector_load %arg12[%parallel_loop3A_157] {strides = array<i32>} : memref<16384xf32, #tpu.memory_space<vmem>>, vector<16xf32>,
        %parallel_loop3A_159 = vector.shape_cast %parallel_loop3A_158 : vector<16xf32> to vector<16xf32>
        %parallel_loop3A_160 = arith.index_cast %parallel_loop3A_149 : i32 to index
        %parallel_loop3A_161 = tpu.vector_load %arg16[%parallel_loop3A_160] {strides = array<i32>} : memref<2048xf32, #tpu.memory_space<vmem>>, vector<16xf32>,
        %parallel_loop3A_162 = vector.shape_cast %parallel_loop3A_161 : vector<16xf32> to vector<16xf32>
        %parallel_loop3A_163 = vector.shape_cast %parallel_loop3A_159 : vector<16xf32> to vector<16xf32>
        tpu.vector_store %arg16[%parallel_loop3A_160], %parallel_loop3A_163 {strides = array<i32>} : memref<2048xf32, #tpu.memory_space<vmem>>, vector<16xf32>,
      } {sc.loop_unroll_factor = 8 : i64, sc.parallel_access}
      %dma_start3A_68 = arith.constant 0 : i32
      %dma_start3A_69 = tpu.memref_slice %arg7[%dma_start3A_68] : memref<263192xf32, #tpu.memory_space<vmem_shared>> -> memref<263192xf32, #tpu.memory_space<vmem_shared>>
      tpu.enqueue_indirect_dma source(%arg16 : memref<2048xf32, #tpu.memory_space<vmem>>) target(%dma_start3A_69 : memref<263192xf32, #tpu.memory_space<vmem_shared>>) offsets(%arg14 : memref<2048xi32, #tpu.memory_space<vmem>>) semaphore(%arg21 : memref<!tpu.dma_semaphore, #tpu.memory_space<semaphore_mem>>) {add = true}
      %mul3A_70 = arith.constant 512 : i32
      %mul3A_71 = arith.muli %add3A_60, %mul3A_70 : i32
      %dma_wait3A_72 = arith.constant 0 : i32
      %dma_wait3A_73 = tpu.memref_slice %arg7[%dma_wait3A_72] : memref<263192xf32, #tpu.memory_space<vmem_shared>> -> memref<263192xf32, #tpu.memory_space<vmem_shared>>
      tpu.wait_indirect_dma semaphore(%arg22 : memref<!tpu.dma_semaphore, #tpu.memory_space<semaphore_mem>>) src(%arg17 : memref<2048xf32, #tpu.memory_space<vmem>>) dst(%dma_wait3A_73 : memref<263192xf32, #tpu.memory_space<vmem_shared>>)
      %parallel_loop3A_74 = arith.constant 0 : i32
      %parallel_loop3A_75 = arith.constant 32 : i32
      %parallel_loop3A_76 = arith.constant 1 : i32
      scf.for %parallel_loop3A_80 = %parallel_loop3A_74 to %parallel_loop3A_75 step %parallel_loop3A_76  : i32 {
        %parallel_loop3A_81 = arith.constant 16 : i32
        %parallel_loop3A_82 = arith.muli %parallel_loop3A_80, %parallel_loop3A_81 : i32
        %parallel_loop3A_83 = arith.addi %mul3A_71, %parallel_loop3A_82 : i32
        %parallel_loop3A_84 = tpu.assume_multiple %parallel_loop3A_83, 16 : i32
        %parallel_loop3A_85 = arith.index_cast %parallel_loop3A_84 : i32 to index
        %parallel_loop3A_86 = tpu.vector_load %arg8[%parallel_loop3A_85] {strides = array<i32>} : memref<16384xi32, #tpu.memory_space<vmem>>, vector<16xi32>,
        %parallel_loop3A_87 = vector.shape_cast %parallel_loop3A_86 : vector<16xi32> to vector<16xi32>
        %parallel_loop3A_88 = arith.constant 16 : i32
        %parallel_loop3A_89 = arith.muli %parallel_loop3A_80, %parallel_loop3A_88 : i32
        %parallel_loop3A_90 = arith.constant 0 : i32
        %parallel_loop3A_91 = arith.addi %parallel_loop3A_90, %parallel_loop3A_89 : i32
        %parallel_loop3A_92 = tpu.assume_multiple %parallel_loop3A_91, 16 : i32
        %parallel_loop3A_93 = arith.constant 0 : i32
        %parallel_loop3A_94 = vector.broadcast %parallel_loop3A_93 : i32 to vector<16xi32>
        %parallel_loop3A_95 = arith.addi %parallel_loop3A_87, %parallel_loop3A_94 : vector<16xi32>
        %parallel_loop3A_96 = arith.index_cast %parallel_loop3A_92 : i32 to index
        %parallel_loop3A_97 = tpu.vector_load %arg15[%parallel_loop3A_96] {strides = array<i32>} : memref<2048xi32, #tpu.memory_space<vmem>>, vector<16xi32>,
        %parallel_loop3A_98 = vector.shape_cast %parallel_loop3A_97 : vector<16xi32> to vector<16xi32>
        %parallel_loop3A_99 = vector.shape_cast %parallel_loop3A_95 : vector<16xi32> to vector<16xi32>
        tpu.vector_store %arg15[%parallel_loop3A_96], %parallel_loop3A_99 {strides = array<i32>} : memref<2048xi32, #tpu.memory_space<vmem>>, vector<16xi32>,
        %parallel_loop3A_100 = arith.index_cast %parallel_loop3A_84 : i32 to index
        %parallel_loop3A_101 = tpu.vector_load %arg9[%parallel_loop3A_100] {strides = array<i32>} : memref<16384xf32, #tpu.memory_space<vmem>>, vector<16xf32>,
        %parallel_loop3A_102 = vector.shape_cast %parallel_loop3A_101 : vector<16xf32> to vector<16xf32>
        %parallel_loop3A_103 = arith.index_cast %parallel_loop3A_92 : i32 to index
        %parallel_loop3A_104 = tpu.vector_load %arg17[%parallel_loop3A_103] {strides = array<i32>} : memref<2048xf32, #tpu.memory_space<vmem>>, vector<16xf32>,
        %parallel_loop3A_105 = vector.shape_cast %parallel_loop3A_104 : vector<16xf32> to vector<16xf32>
        %parallel_loop3A_106 = vector.shape_cast %parallel_loop3A_102 : vector<16xf32> to vector<16xf32>
        tpu.vector_store %arg17[%parallel_loop3A_103], %parallel_loop3A_106 {strides = array<i32>} : memref<2048xf32, #tpu.memory_space<vmem>>, vector<16xf32>,
        %parallel_loop3A_107 = arith.constant 16 : i32
        %parallel_loop3A_108 = arith.muli %parallel_loop3A_80, %parallel_loop3A_107 : i32
        %parallel_loop3A_109 = arith.constant 512 : i32
        %parallel_loop3A_110 = arith.addi %parallel_loop3A_109, %parallel_loop3A_108 : i32
        %parallel_loop3A_111 = tpu.assume_multiple %parallel_loop3A_110, 16 : i32
        %parallel_loop3A_112 = arith.constant 1 : i32
        %parallel_loop3A_113 = vector.broadcast %parallel_loop3A_112 : i32 to vector<16xi32>
        %parallel_loop3A_114 = arith.addi %parallel_loop3A_87, %parallel_loop3A_113 : vector<16xi32>
        %parallel_loop3A_115 = arith.index_cast %parallel_loop3A_111 : i32 to index
        %parallel_loop3A_116 = tpu.vector_load %arg15[%parallel_loop3A_115] {strides = array<i32>} : memref<2048xi32, #tpu.memory_space<vmem>>, vector<16xi32>,
        %parallel_loop3A_117 = vector.shape_cast %parallel_loop3A_116 : vector<16xi32> to vector<16xi32>
        %parallel_loop3A_118 = vector.shape_cast %parallel_loop3A_114 : vector<16xi32> to vector<16xi32>
        tpu.vector_store %arg15[%parallel_loop3A_115], %parallel_loop3A_118 {strides = array<i32>} : memref<2048xi32, #tpu.memory_space<vmem>>, vector<16xi32>,
        %parallel_loop3A_119 = arith.index_cast %parallel_loop3A_84 : i32 to index
        %parallel_loop3A_120 = tpu.vector_load %arg10[%parallel_loop3A_119] {strides = array<i32>} : memref<16384xf32, #tpu.memory_space<vmem>>, vector<16xf32>,
        %parallel_loop3A_121 = vector.shape_cast %parallel_loop3A_120 : vector<16xf32> to vector<16xf32>
        %parallel_loop3A_122 = arith.index_cast %parallel_loop3A_111 : i32 to index
        %parallel_loop3A_123 = tpu.vector_load %arg17[%parallel_loop3A_122] {strides = array<i32>} : memref<2048xf32, #tpu.memory_space<vmem>>, vector<16xf32>,
        %parallel_loop3A_124 = vector.shape_cast %parallel_loop3A_123 : vector<16xf32> to vector<16xf32>
        %parallel_loop3A_125 = vector.shape_cast %parallel_loop3A_121 : vector<16xf32> to vector<16xf32>
        tpu.vector_store %arg17[%parallel_loop3A_122], %parallel_loop3A_125 {strides = array<i32>} : memref<2048xf32, #tpu.memory_space<vmem>>, vector<16xf32>,
        %parallel_loop3A_126 = arith.constant 16 : i32
        %parallel_loop3A_127 = arith.muli %parallel_loop3A_80, %parallel_loop3A_126 : i32
        %parallel_loop3A_128 = arith.constant 1024 : i32
        %parallel_loop3A_129 = arith.addi %parallel_loop3A_128, %parallel_loop3A_127 : i32
        %parallel_loop3A_130 = tpu.assume_multiple %parallel_loop3A_129, 16 : i32
        %parallel_loop3A_131 = arith.constant 512 : i32
        %parallel_loop3A_132 = vector.broadcast %parallel_loop3A_131 : i32 to vector<16xi32>
        %parallel_loop3A_133 = arith.addi %parallel_loop3A_87, %parallel_loop3A_132 : vector<16xi32>
        %parallel_loop3A_134 = arith.index_cast %parallel_loop3A_130 : i32 to index
        %parallel_loop3A_135 = tpu.vector_load %arg15[%parallel_loop3A_134] {strides = array<i32>} : memref<2048xi32, #tpu.memory_space<vmem>>, vector<16xi32>,
        %parallel_loop3A_136 = vector.shape_cast %parallel_loop3A_135 : vector<16xi32> to vector<16xi32>
        %parallel_loop3A_137 = vector.shape_cast %parallel_loop3A_133 : vector<16xi32> to vector<16xi32>
        tpu.vector_store %arg15[%parallel_loop3A_134], %parallel_loop3A_137 {strides = array<i32>} : memref<2048xi32, #tpu.memory_space<vmem>>, vector<16xi32>,
        %parallel_loop3A_138 = arith.index_cast %parallel_loop3A_84 : i32 to index
        %parallel_loop3A_139 = tpu.vector_load %arg11[%parallel_loop3A_138] {strides = array<i32>} : memref<16384xf32, #tpu.memory_space<vmem>>, vector<16xf32>,
        %parallel_loop3A_140 = vector.shape_cast %parallel_loop3A_139 : vector<16xf32> to vector<16xf32>
        %parallel_loop3A_141 = arith.index_cast %parallel_loop3A_130 : i32 to index
        %parallel_loop3A_142 = tpu.vector_load %arg17[%parallel_loop3A_141] {strides = array<i32>} : memref<2048xf32, #tpu.memory_space<vmem>>, vector<16xf32>,
        %parallel_loop3A_143 = vector.shape_cast %parallel_loop3A_142 : vector<16xf32> to vector<16xf32>
        %parallel_loop3A_144 = vector.shape_cast %parallel_loop3A_140 : vector<16xf32> to vector<16xf32>
        tpu.vector_store %arg17[%parallel_loop3A_141], %parallel_loop3A_144 {strides = array<i32>} : memref<2048xf32, #tpu.memory_space<vmem>>, vector<16xf32>,
        %parallel_loop3A_145 = arith.constant 16 : i32
        %parallel_loop3A_146 = arith.muli %parallel_loop3A_80, %parallel_loop3A_145 : i32
        %parallel_loop3A_147 = arith.constant 1536 : i32
        %parallel_loop3A_148 = arith.addi %parallel_loop3A_147, %parallel_loop3A_146 : i32
        %parallel_loop3A_149 = tpu.assume_multiple %parallel_loop3A_148, 16 : i32
        %parallel_loop3A_150 = arith.constant 513 : i32
        %parallel_loop3A_151 = vector.broadcast %parallel_loop3A_150 : i32 to vector<16xi32>
        %parallel_loop3A_152 = arith.addi %parallel_loop3A_87, %parallel_loop3A_151 : vector<16xi32>
        %parallel_loop3A_153 = arith.index_cast %parallel_loop3A_149 : i32 to index
        %parallel_loop3A_154 = tpu.vector_load %arg15[%parallel_loop3A_153] {strides = array<i32>} : memref<2048xi32, #tpu.memory_space<vmem>>, vector<16xi32>,
        %parallel_loop3A_155 = vector.shape_cast %parallel_loop3A_154 : vector<16xi32> to vector<16xi32>
        %parallel_loop3A_156 = vector.shape_cast %parallel_loop3A_152 : vector<16xi32> to vector<16xi32>
        tpu.vector_store %arg15[%parallel_loop3A_153], %parallel_loop3A_156 {strides = array<i32>} : memref<2048xi32, #tpu.memory_space<vmem>>, vector<16xi32>,
        %parallel_loop3A_157 = arith.index_cast %parallel_loop3A_84 : i32 to index
        %parallel_loop3A_158 = tpu.vector_load %arg12[%parallel_loop3A_157] {strides = array<i32>} : memref<16384xf32, #tpu.memory_space<vmem>>, vector<16xf32>,
        %parallel_loop3A_159 = vector.shape_cast %parallel_loop3A_158 : vector<16xf32> to vector<16xf32>
        %parallel_loop3A_160 = arith.index_cast %parallel_loop3A_149 : i32 to index
        %parallel_loop3A_161 = tpu.vector_load %arg17[%parallel_loop3A_160] {strides = array<i32>} : memref<2048xf32, #tpu.memory_space<vmem>>, vector<16xf32>,
        %parallel_loop3A_162 = vector.shape_cast %parallel_loop3A_161 : vector<16xf32> to vector<16xf32>
        %parallel_loop3A_163 = vector.shape_cast %parallel_loop3A_159 : vector<16xf32> to vector<16xf32>
        tpu.vector_store %arg17[%parallel_loop3A_160], %parallel_loop3A_163 {strides = array<i32>} : memref<2048xf32, #tpu.memory_space<vmem>>, vector<16xf32>,
      } {sc.loop_unroll_factor = 8 : i64, sc.parallel_access}
      %dma_start3A_77 = arith.constant 0 : i32
      %dma_start3A_78 = tpu.memref_slice %arg7[%dma_start3A_77] : memref<263192xf32, #tpu.memory_space<vmem_shared>> -> memref<263192xf32, #tpu.memory_space<vmem_shared>>
      tpu.enqueue_indirect_dma source(%arg17 : memref<2048xf32, #tpu.memory_space<vmem>>) target(%dma_start3A_78 : memref<263192xf32, #tpu.memory_space<vmem_shared>>) offsets(%arg15 : memref<2048xi32, #tpu.memory_space<vmem>>) semaphore(%arg22 : memref<!tpu.dma_semaphore, #tpu.memory_space<semaphore_mem>>) {add = true}
      %scan3A_79 = arith.constant 0 : i32
      scf.yield %scan3A_79 : i32
    }
    %scan3A_42 = arith.constant 15 : i32
    %dma_wait3A = arith.constant 0 : i32
    %dma_wait3A_43 = tpu.memref_slice %arg7[%dma_wait3A] : memref<263192xf32, #tpu.memory_space<vmem_shared>> -> memref<263192xf32, #tpu.memory_space<vmem_shared>>
    tpu.wait_indirect_dma semaphore(%arg21 : memref<!tpu.dma_semaphore, #tpu.memory_space<semaphore_mem>>) src(%arg16 : memref<2048xf32, #tpu.memory_space<vmem>>) dst(%dma_wait3A_43 : memref<263192xf32, #tpu.memory_space<vmem_shared>>)
    %dma_wait3A_44 = arith.constant 0 : i32
    %dma_wait3A_45 = tpu.memref_slice %arg7[%dma_wait3A_44] : memref<263192xf32, #tpu.memory_space<vmem_shared>> -> memref<263192xf32, #tpu.memory_space<vmem_shared>>
    tpu.wait_indirect_dma semaphore(%arg22 : memref<!tpu.dma_semaphore, #tpu.memory_space<semaphore_mem>>) src(%arg17 : memref<2048xf32, #tpu.memory_space<vmem>>) dst(%dma_wait3A_45 : memref<263192xf32, #tpu.memory_space<vmem_shared>>)
    %barrier3A_46 = arith.constant 0 : index
    tpu.barrier barrier_id(%barrier3A_46)
    %scan3A_47 = arith.constant 0 : i32
    %scan3A_48 = arith.constant 0 : i32
    %scan3A_49 = arith.constant 96 : i32
    %scan3A_50 = arith.addi %scan3A_48, %scan3A_49 : i32
    %scan3A_51 = arith.constant 1 : i32
    %scan3A_52 = scf.for %scan3A_54 = %scan3A_48 to %scan3A_50 step %scan3A_51 iter_args(%scan3A_55 = %scan3A_47) -> (i32)  : i32 {
      %mul3A_56 = arith.constant 96 : i32
      %mul3A_57 = arith.muli %arg0, %mul3A_56 : i32
      %add3A = arith.addi %mul3A_57, %scan3A_54 : i32
      %add3A_58 = arith.constant 0 : i32
      %add3A_59 = arith.addi %mul3A_0, %add3A_58 : i32
      %dma_start3A_60 = arith.constant 0 : i32
      %dma_start3A_61 = tpu.memref_slice %arg13[%dma_start3A_60] : memref<1024xf32, #tpu.memory_space<vmem>> -> memref<512xf32, #tpu.memory_space<vmem>>
      %dma_start3A_62 = tpu.memref_slice %arg2[%add3A, %add3A_59] : memref<192x262144xf32, #tpu.memory_space<hbm>> -> memref<1x512xf32, #tpu.memory_space<hbm>>
      %dma_start3A_63 = tpu.memref_squeeze %dma_start3A_62 : memref<1x512xf32, #tpu.memory_space<hbm>> -> memref<512xf32, #tpu.memory_space<hbm>>
      %dma_start3A_64 = arith.constant 0 : i32
      %dma_start3A_65 = tpu.memref_slice %arg13[%dma_start3A_64] : memref<1024xf32, #tpu.memory_space<vmem>> -> memref<512xf32, #tpu.memory_space<vmem>>
      %dma_start3A_66 = tpu.memref_slice %arg2[%add3A, %add3A_59] : memref<192x262144xf32, #tpu.memory_space<hbm>> -> memref<1x512xf32, #tpu.memory_space<hbm>>
      %dma_start3A_67 = tpu.memref_squeeze %dma_start3A_66 : memref<1x512xf32, #tpu.memory_space<hbm>> -> memref<512xf32, #tpu.memory_space<hbm>>
      tpu.enqueue_dma source(%dma_start3A_67 : memref<512xf32, #tpu.memory_space<hbm>>) target(%dma_start3A_65 : memref<512xf32, #tpu.memory_space<vmem>>) target_semaphore(%arg19 : memref<!tpu.dma_semaphore, #tpu.memory_space<semaphore_mem>>)
      %add3A_68 = arith.constant 0 : i32
      %add3A_69 = arith.addi %mul3A_0, %add3A_68 : i32
      %dma_wait3A_70 = arith.constant 0 : i32
      %dma_wait3A_71 = tpu.memref_slice %arg13[%dma_wait3A_70] : memref<1024xf32, #tpu.memory_space<vmem>> -> memref<512xf32, #tpu.memory_space<vmem>>
      %dma_wait3A_72 = tpu.memref_slice %arg2[%add3A, %add3A_69] : memref<192x262144xf32, #tpu.memory_space<hbm>> -> memref<1x512xf32, #tpu.memory_space<hbm>>
      %dma_wait3A_73 = tpu.memref_squeeze %dma_wait3A_72 : memref<1x512xf32, #tpu.memory_space<hbm>> -> memref<512xf32, #tpu.memory_space<hbm>>
      %dma_wait3A_74 = arith.constant 0 : i32
      %dma_wait3A_75 = tpu.memref_slice %arg13[%dma_wait3A_74] : memref<1024xf32, #tpu.memory_space<vmem>> -> memref<512xf32, #tpu.memory_space<vmem>>
      %dma_wait3A_76 = tpu.memref_slice %arg2[%add3A, %add3A_69] : memref<192x262144xf32, #tpu.memory_space<hbm>> -> memref<1x512xf32, #tpu.memory_space<hbm>>
      %dma_wait3A_77 = tpu.memref_squeeze %dma_wait3A_76 : memref<1x512xf32, #tpu.memory_space<hbm>> -> memref<512xf32, #tpu.memory_space<hbm>>
      tpu.wait_dma2 semaphore(%arg19 : memref<!tpu.dma_semaphore, #tpu.memory_space<semaphore_mem>>) src(%dma_wait3A_77 : memref<512xf32, #tpu.memory_space<hbm>>) dst(%dma_wait3A_75 : memref<512xf32, #tpu.memory_space<vmem>>)
      %add3A_78 = arith.constant 512 : i32
      %add3A_79 = arith.addi %mul3A_0, %add3A_78 : i32
      %dma_start3A_80 = arith.constant 512 : i32
      %dma_start3A_81 = tpu.memref_slice %arg13[%dma_start3A_80] : memref<1024xf32, #tpu.memory_space<vmem>> -> memref<512xf32, #tpu.memory_space<vmem>>
      %dma_start3A_82 = tpu.memref_slice %arg2[%add3A, %add3A_79] : memref<192x262144xf32, #tpu.memory_space<hbm>> -> memref<1x512xf32, #tpu.memory_space<hbm>>
      %dma_start3A_83 = tpu.memref_squeeze %dma_start3A_82 : memref<1x512xf32, #tpu.memory_space<hbm>> -> memref<512xf32, #tpu.memory_space<hbm>>
      %dma_start3A_84 = arith.constant 512 : i32
      %dma_start3A_85 = tpu.memref_slice %arg13[%dma_start3A_84] : memref<1024xf32, #tpu.memory_space<vmem>> -> memref<512xf32, #tpu.memory_space<vmem>>
      %dma_start3A_86 = tpu.memref_slice %arg2[%add3A, %add3A_79] : memref<192x262144xf32, #tpu.memory_space<hbm>> -> memref<1x512xf32, #tpu.memory_space<hbm>>
      %dma_start3A_87 = tpu.memref_squeeze %dma_start3A_86 : memref<1x512xf32, #tpu.memory_space<hbm>> -> memref<512xf32, #tpu.memory_space<hbm>>
      tpu.enqueue_dma source(%dma_start3A_87 : memref<512xf32, #tpu.memory_space<hbm>>) target(%dma_start3A_85 : memref<512xf32, #tpu.memory_space<vmem>>) target_semaphore(%arg20 : memref<!tpu.dma_semaphore, #tpu.memory_space<semaphore_mem>>)
      %parallel_loop3A_88 = arith.constant 0 : i32
      %parallel_loop3A_89 = arith.constant 32 : i32
      %parallel_loop3A_90 = arith.constant 1 : i32
      scf.for %parallel_loop3A_363 = %parallel_loop3A_88 to %parallel_loop3A_89 step %parallel_loop3A_90  : i32 {
        %parallel_loop3A_364 = arith.constant 16 : i32
        %parallel_loop3A_365 = arith.muli %parallel_loop3A_363, %parallel_loop3A_364 : i32
        %parallel_loop3A_366 = arith.constant 0 : i32
        %parallel_loop3A_367 = arith.addi %parallel_loop3A_366, %parallel_loop3A_365 : i32
        %parallel_loop3A_368 = tpu.assume_multiple %parallel_loop3A_367, 16 : i32
        %parallel_loop3A_369 = arith.index_cast %parallel_loop3A_368 : i32 to index
        %parallel_loop3A_370 = tpu.vector_load %arg8[%parallel_loop3A_369] {strides = array<i32>} : memref<16384xi32, #tpu.memory_space<vmem>>, vector<16xi32>,
        %parallel_loop3A_371 = vector.shape_cast %parallel_loop3A_370 : vector<16xi32> to vector<16xi32>
        %parallel_loop3A_372 = arith.constant 16 : i32
        %parallel_loop3A_373 = arith.muli %parallel_loop3A_363, %parallel_loop3A_372 : i32
        %parallel_loop3A_374 = arith.constant 0 : i32
        %parallel_loop3A_375 = arith.addi %parallel_loop3A_374, %parallel_loop3A_373 : i32
        %parallel_loop3A_376 = tpu.assume_multiple %parallel_loop3A_375, 16 : i32
        %parallel_loop3A_377 = arith.index_cast %parallel_loop3A_376 : i32 to index
        %parallel_loop3A_378 = tpu.vector_load %arg13[%parallel_loop3A_377] {strides = array<i32>} : memref<1024xf32, #tpu.memory_space<vmem>>, vector<16xf32>,
        %parallel_loop3A_379 = vector.shape_cast %parallel_loop3A_378 : vector<16xf32> to vector<16xf32>
        %parallel_loop3A_380 = arith.constant 16 : i32
        %parallel_loop3A_381 = arith.muli %parallel_loop3A_363, %parallel_loop3A_380 : i32
        %parallel_loop3A_382 = arith.constant 0 : i32
        %parallel_loop3A_383 = arith.addi %parallel_loop3A_382, %parallel_loop3A_381 : i32
        %parallel_loop3A_384 = tpu.assume_multiple %parallel_loop3A_383, 16 : i32
        %parallel_loop3A_385 = arith.constant 0 : i32
        %parallel_loop3A_386 = vector.broadcast %parallel_loop3A_385 : i32 to vector<16xi32>
        %parallel_loop3A_387 = arith.addi %parallel_loop3A_371, %parallel_loop3A_386 : vector<16xi32>
        %parallel_loop3A_388 = arith.index_cast %parallel_loop3A_384 : i32 to index
        %parallel_loop3A_389 = tpu.vector_load %arg14[%parallel_loop3A_388] {strides = array<i32>} : memref<2048xi32, #tpu.memory_space<vmem>>, vector<16xi32>,
        %parallel_loop3A_390 = vector.shape_cast %parallel_loop3A_389 : vector<16xi32> to vector<16xi32>
        %parallel_loop3A_391 = vector.shape_cast %parallel_loop3A_387 : vector<16xi32> to vector<16xi32>
        tpu.vector_store %arg14[%parallel_loop3A_388], %parallel_loop3A_391 {strides = array<i32>} : memref<2048xi32, #tpu.memory_space<vmem>>, vector<16xi32>,
        %parallel_loop3A_392 = arith.index_cast %parallel_loop3A_368 : i32 to index
        %parallel_loop3A_393 = tpu.vector_load %arg9[%parallel_loop3A_392] {strides = array<i32>} : memref<16384xf32, #tpu.memory_space<vmem>>, vector<16xf32>,
        %parallel_loop3A_394 = vector.shape_cast %parallel_loop3A_393 : vector<16xf32> to vector<16xf32>
        %parallel_loop3A_395 = arith.mulf %parallel_loop3A_394, %parallel_loop3A_379 : vector<16xf32>
        %parallel_loop3A_396 = arith.index_cast %parallel_loop3A_384 : i32 to index
        %parallel_loop3A_397 = tpu.vector_load %arg16[%parallel_loop3A_396] {strides = array<i32>} : memref<2048xf32, #tpu.memory_space<vmem>>, vector<16xf32>,
        %parallel_loop3A_398 = vector.shape_cast %parallel_loop3A_397 : vector<16xf32> to vector<16xf32>
        %parallel_loop3A_399 = vector.shape_cast %parallel_loop3A_395 : vector<16xf32> to vector<16xf32>
        tpu.vector_store %arg16[%parallel_loop3A_396], %parallel_loop3A_399 {strides = array<i32>} : memref<2048xf32, #tpu.memory_space<vmem>>, vector<16xf32>,
        %parallel_loop3A_400 = arith.constant 16 : i32
        %parallel_loop3A_401 = arith.muli %parallel_loop3A_363, %parallel_loop3A_400 : i32
        %parallel_loop3A_402 = arith.constant 512 : i32
        %parallel_loop3A_403 = arith.addi %parallel_loop3A_402, %parallel_loop3A_401 : i32
        %parallel_loop3A_404 = tpu.assume_multiple %parallel_loop3A_403, 16 : i32
        %parallel_loop3A_405 = arith.constant 1 : i32
        %parallel_loop3A_406 = vector.broadcast %parallel_loop3A_405 : i32 to vector<16xi32>
        %parallel_loop3A_407 = arith.addi %parallel_loop3A_371, %parallel_loop3A_406 : vector<16xi32>
        %parallel_loop3A_408 = arith.index_cast %parallel_loop3A_404 : i32 to index
        %parallel_loop3A_409 = tpu.vector_load %arg14[%parallel_loop3A_408] {strides = array<i32>} : memref<2048xi32, #tpu.memory_space<vmem>>, vector<16xi32>,
        %parallel_loop3A_410 = vector.shape_cast %parallel_loop3A_409 : vector<16xi32> to vector<16xi32>
        %parallel_loop3A_411 = vector.shape_cast %parallel_loop3A_407 : vector<16xi32> to vector<16xi32>
        tpu.vector_store %arg14[%parallel_loop3A_408], %parallel_loop3A_411 {strides = array<i32>} : memref<2048xi32, #tpu.memory_space<vmem>>, vector<16xi32>,
        %parallel_loop3A_412 = arith.index_cast %parallel_loop3A_368 : i32 to index
        %parallel_loop3A_413 = tpu.vector_load %arg10[%parallel_loop3A_412] {strides = array<i32>} : memref<16384xf32, #tpu.memory_space<vmem>>, vector<16xf32>,
        %parallel_loop3A_414 = vector.shape_cast %parallel_loop3A_413 : vector<16xf32> to vector<16xf32>
        %parallel_loop3A_415 = arith.mulf %parallel_loop3A_414, %parallel_loop3A_379 : vector<16xf32>
        %parallel_loop3A_416 = arith.index_cast %parallel_loop3A_404 : i32 to index
        %parallel_loop3A_417 = tpu.vector_load %arg16[%parallel_loop3A_416] {strides = array<i32>} : memref<2048xf32, #tpu.memory_space<vmem>>, vector<16xf32>,
        %parallel_loop3A_418 = vector.shape_cast %parallel_loop3A_417 : vector<16xf32> to vector<16xf32>
        %parallel_loop3A_419 = vector.shape_cast %parallel_loop3A_415 : vector<16xf32> to vector<16xf32>
        tpu.vector_store %arg16[%parallel_loop3A_416], %parallel_loop3A_419 {strides = array<i32>} : memref<2048xf32, #tpu.memory_space<vmem>>, vector<16xf32>,
        %parallel_loop3A_420 = arith.constant 16 : i32
        %parallel_loop3A_421 = arith.muli %parallel_loop3A_363, %parallel_loop3A_420 : i32
        %parallel_loop3A_422 = arith.constant 1024 : i32
        %parallel_loop3A_423 = arith.addi %parallel_loop3A_422, %parallel_loop3A_421 : i32
        %parallel_loop3A_424 = tpu.assume_multiple %parallel_loop3A_423, 16 : i32
        %parallel_loop3A_425 = arith.constant 512 : i32
        %parallel_loop3A_426 = vector.broadcast %parallel_loop3A_425 : i32 to vector<16xi32>
        %parallel_loop3A_427 = arith.addi %parallel_loop3A_371, %parallel_loop3A_426 : vector<16xi32>
        %parallel_loop3A_428 = arith.index_cast %parallel_loop3A_424 : i32 to index
        %parallel_loop3A_429 = tpu.vector_load %arg14[%parallel_loop3A_428] {strides = array<i32>} : memref<2048xi32, #tpu.memory_space<vmem>>, vector<16xi32>,
        %parallel_loop3A_430 = vector.shape_cast %parallel_loop3A_429 : vector<16xi32> to vector<16xi32>
        %parallel_loop3A_431 = vector.shape_cast %parallel_loop3A_427 : vector<16xi32> to vector<16xi32>
        tpu.vector_store %arg14[%parallel_loop3A_428], %parallel_loop3A_431 {strides = array<i32>} : memref<2048xi32, #tpu.memory_space<vmem>>, vector<16xi32>,
        %parallel_loop3A_432 = arith.index_cast %parallel_loop3A_368 : i32 to index
        %parallel_loop3A_433 = tpu.vector_load %arg11[%parallel_loop3A_432] {strides = array<i32>} : memref<16384xf32, #tpu.memory_space<vmem>>, vector<16xf32>,
        %parallel_loop3A_434 = vector.shape_cast %parallel_loop3A_433 : vector<16xf32> to vector<16xf32>
        %parallel_loop3A_435 = arith.mulf %parallel_loop3A_434, %parallel_loop3A_379 : vector<16xf32>
        %parallel_loop3A_436 = arith.index_cast %parallel_loop3A_424 : i32 to index
        %parallel_loop3A_437 = tpu.vector_load %arg16[%parallel_loop3A_436] {strides = array<i32>} : memref<2048xf32, #tpu.memory_space<vmem>>, vector<16xf32>,
        %parallel_loop3A_438 = vector.shape_cast %parallel_loop3A_437 : vector<16xf32> to vector<16xf32>
        %parallel_loop3A_439 = vector.shape_cast %parallel_loop3A_435 : vector<16xf32> to vector<16xf32>
        tpu.vector_store %arg16[%parallel_loop3A_436], %parallel_loop3A_439 {strides = array<i32>} : memref<2048xf32, #tpu.memory_space<vmem>>, vector<16xf32>,
        %parallel_loop3A_440 = arith.constant 16 : i32
        %parallel_loop3A_441 = arith.muli %parallel_loop3A_363, %parallel_loop3A_440 : i32
        %parallel_loop3A_442 = arith.constant 1536 : i32
        %parallel_loop3A_443 = arith.addi %parallel_loop3A_442, %parallel_loop3A_441 : i32
        %parallel_loop3A_444 = tpu.assume_multiple %parallel_loop3A_443, 16 : i32
        %parallel_loop3A_445 = arith.constant 513 : i32
        %parallel_loop3A_446 = vector.broadcast %parallel_loop3A_445 : i32 to vector<16xi32>
        %parallel_loop3A_447 = arith.addi %parallel_loop3A_371, %parallel_loop3A_446 : vector<16xi32>
        %parallel_loop3A_448 = arith.index_cast %parallel_loop3A_444 : i32 to index
        %parallel_loop3A_449 = tpu.vector_load %arg14[%parallel_loop3A_448] {strides = array<i32>} : memref<2048xi32, #tpu.memory_space<vmem>>, vector<16xi32>,
        %parallel_loop3A_450 = vector.shape_cast %parallel_loop3A_449 : vector<16xi32> to vector<16xi32>
        %parallel_loop3A_451 = vector.shape_cast %parallel_loop3A_447 : vector<16xi32> to vector<16xi32>
        tpu.vector_store %arg14[%parallel_loop3A_448], %parallel_loop3A_451 {strides = array<i32>} : memref<2048xi32, #tpu.memory_space<vmem>>, vector<16xi32>,
        %parallel_loop3A_452 = arith.index_cast %parallel_loop3A_368 : i32 to index
        %parallel_loop3A_453 = tpu.vector_load %arg12[%parallel_loop3A_452] {strides = array<i32>} : memref<16384xf32, #tpu.memory_space<vmem>>, vector<16xf32>,
        %parallel_loop3A_454 = vector.shape_cast %parallel_loop3A_453 : vector<16xf32> to vector<16xf32>
        %parallel_loop3A_455 = arith.mulf %parallel_loop3A_454, %parallel_loop3A_379 : vector<16xf32>
        %parallel_loop3A_456 = arith.index_cast %parallel_loop3A_444 : i32 to index
        %parallel_loop3A_457 = tpu.vector_load %arg16[%parallel_loop3A_456] {strides = array<i32>} : memref<2048xf32, #tpu.memory_space<vmem>>, vector<16xf32>,
        %parallel_loop3A_458 = vector.shape_cast %parallel_loop3A_457 : vector<16xf32> to vector<16xf32>
        %parallel_loop3A_459 = vector.shape_cast %parallel_loop3A_455 : vector<16xf32> to vector<16xf32>
        tpu.vector_store %arg16[%parallel_loop3A_456], %parallel_loop3A_459 {strides = array<i32>} : memref<2048xf32, #tpu.memory_space<vmem>>, vector<16xf32>,
      } {sc.loop_unroll_factor = 8 : i64, sc.parallel_access}
      %dma_start3A_91 = arith.constant 0 : i32
      %dma_start3A_92 = tpu.memref_slice %arg6[%dma_start3A_91] : memref<263192xf32, #tpu.memory_space<vmem_shared>> -> memref<263192xf32, #tpu.memory_space<vmem_shared>>
      tpu.enqueue_indirect_dma source(%arg16 : memref<2048xf32, #tpu.memory_space<vmem>>) target(%dma_start3A_92 : memref<263192xf32, #tpu.memory_space<vmem_shared>>) offsets(%arg14 : memref<2048xi32, #tpu.memory_space<vmem>>) semaphore(%arg21 : memref<!tpu.dma_semaphore, #tpu.memory_space<semaphore_mem>>) {add = true}
      %add3A_93 = arith.constant 512 : i32
      %add3A_94 = arith.addi %mul3A_0, %add3A_93 : i32
      %dma_wait3A_95 = arith.constant 512 : i32
      %dma_wait3A_96 = tpu.memref_slice %arg13[%dma_wait3A_95] : memref<1024xf32, #tpu.memory_space<vmem>> -> memref<512xf32, #tpu.memory_space<vmem>>
      %dma_wait3A_97 = tpu.memref_slice %arg2[%add3A, %add3A_94] : memref<192x262144xf32, #tpu.memory_space<hbm>> -> memref<1x512xf32, #tpu.memory_space<hbm>>
      %dma_wait3A_98 = tpu.memref_squeeze %dma_wait3A_97 : memref<1x512xf32, #tpu.memory_space<hbm>> -> memref<512xf32, #tpu.memory_space<hbm>>
      %dma_wait3A_99 = arith.constant 512 : i32
      %dma_wait3A_100 = tpu.memref_slice %arg13[%dma_wait3A_99] : memref<1024xf32, #tpu.memory_space<vmem>> -> memref<512xf32, #tpu.memory_space<vmem>>
      %dma_wait3A_101 = tpu.memref_slice %arg2[%add3A, %add3A_94] : memref<192x262144xf32, #tpu.memory_space<hbm>> -> memref<1x512xf32, #tpu.memory_space<hbm>>
      %dma_wait3A_102 = tpu.memref_squeeze %dma_wait3A_101 : memref<1x512xf32, #tpu.memory_space<hbm>> -> memref<512xf32, #tpu.memory_space<hbm>>
      tpu.wait_dma2 semaphore(%arg20 : memref<!tpu.dma_semaphore, #tpu.memory_space<semaphore_mem>>) src(%dma_wait3A_102 : memref<512xf32, #tpu.memory_space<hbm>>) dst(%dma_wait3A_100 : memref<512xf32, #tpu.memory_space<vmem>>)
      %rem3A = arith.constant 2 : i32
      %rem3A_103 = arith.constant 32 : i32
      %rem3A_104 = arith.remsi %rem3A, %rem3A_103 : i32
      %mul3A_105 = arith.constant 512 : i32
      %mul3A_106 = arith.muli %rem3A_104, %mul3A_105 : i32
      %add3A_107 = arith.addi %mul3A_0, %mul3A_106 : i32
      %dma_start3A_108 = arith.constant 0 : i32
      %dma_start3A_109 = tpu.memref_slice %arg13[%dma_start3A_108] : memref<1024xf32, #tpu.memory_space<vmem>> -> memref<512xf32, #tpu.memory_space<vmem>>
      %dma_start3A_110 = tpu.memref_slice %arg2[%add3A, %add3A_107] : memref<192x262144xf32, #tpu.memory_space<hbm>> -> memref<1x512xf32, #tpu.memory_space<hbm>>
      %dma_start3A_111 = tpu.memref_squeeze %dma_start3A_110 : memref<1x512xf32, #tpu.memory_space<hbm>> -> memref<512xf32, #tpu.memory_space<hbm>>
      %dma_start3A_112 = arith.constant 0 : i32
      %dma_start3A_113 = tpu.memref_slice %arg13[%dma_start3A_112] : memref<1024xf32, #tpu.memory_space<vmem>> -> memref<512xf32, #tpu.memory_space<vmem>>
      %dma_start3A_114 = tpu.memref_slice %arg2[%add3A, %add3A_107] : memref<192x262144xf32, #tpu.memory_space<hbm>> -> memref<1x512xf32, #tpu.memory_space<hbm>>
      %dma_start3A_115 = tpu.memref_squeeze %dma_start3A_114 : memref<1x512xf32, #tpu.memory_space<hbm>> -> memref<512xf32, #tpu.memory_space<hbm>>
      tpu.enqueue_dma source(%dma_start3A_115 : memref<512xf32, #tpu.memory_space<hbm>>) target(%dma_start3A_113 : memref<512xf32, #tpu.memory_space<vmem>>) target_semaphore(%arg19 : memref<!tpu.dma_semaphore, #tpu.memory_space<semaphore_mem>>)
      %parallel_loop3A_116 = arith.constant 0 : i32
      %parallel_loop3A_117 = arith.constant 32 : i32
      %parallel_loop3A_118 = arith.constant 1 : i32
      scf.for %parallel_loop3A_363 = %parallel_loop3A_116 to %parallel_loop3A_117 step %parallel_loop3A_118  : i32 {
        %parallel_loop3A_364 = arith.constant 16 : i32
        %parallel_loop3A_365 = arith.muli %parallel_loop3A_363, %parallel_loop3A_364 : i32
        %parallel_loop3A_366 = arith.constant 512 : i32
        %parallel_loop3A_367 = arith.addi %parallel_loop3A_366, %parallel_loop3A_365 : i32
        %parallel_loop3A_368 = tpu.assume_multiple %parallel_loop3A_367, 16 : i32
        %parallel_loop3A_369 = arith.index_cast %parallel_loop3A_368 : i32 to index
        %parallel_loop3A_370 = tpu.vector_load %arg8[%parallel_loop3A_369] {strides = array<i32>} : memref<16384xi32, #tpu.memory_space<vmem>>, vector<16xi32>,
        %parallel_loop3A_371 = vector.shape_cast %parallel_loop3A_370 : vector<16xi32> to vector<16xi32>
        %parallel_loop3A_372 = arith.constant 16 : i32
        %parallel_loop3A_373 = arith.muli %parallel_loop3A_363, %parallel_loop3A_372 : i32
        %parallel_loop3A_374 = arith.constant 512 : i32
        %parallel_loop3A_375 = arith.addi %parallel_loop3A_374, %parallel_loop3A_373 : i32
        %parallel_loop3A_376 = tpu.assume_multiple %parallel_loop3A_375, 16 : i32
        %parallel_loop3A_377 = arith.index_cast %parallel_loop3A_376 : i32 to index
        %parallel_loop3A_378 = tpu.vector_load %arg13[%parallel_loop3A_377] {strides = array<i32>} : memref<1024xf32, #tpu.memory_space<vmem>>, vector<16xf32>,
        %parallel_loop3A_379 = vector.shape_cast %parallel_loop3A_378 : vector<16xf32> to vector<16xf32>
        %parallel_loop3A_380 = arith.constant 16 : i32
        %parallel_loop3A_381 = arith.muli %parallel_loop3A_363, %parallel_loop3A_380 : i32
        %parallel_loop3A_382 = arith.constant 0 : i32
        %parallel_loop3A_383 = arith.addi %parallel_loop3A_382, %parallel_loop3A_381 : i32
        %parallel_loop3A_384 = tpu.assume_multiple %parallel_loop3A_383, 16 : i32
        %parallel_loop3A_385 = arith.constant 0 : i32
        %parallel_loop3A_386 = vector.broadcast %parallel_loop3A_385 : i32 to vector<16xi32>
        %parallel_loop3A_387 = arith.addi %parallel_loop3A_371, %parallel_loop3A_386 : vector<16xi32>
        %parallel_loop3A_388 = arith.index_cast %parallel_loop3A_384 : i32 to index
        %parallel_loop3A_389 = tpu.vector_load %arg15[%parallel_loop3A_388] {strides = array<i32>} : memref<2048xi32, #tpu.memory_space<vmem>>, vector<16xi32>,
        %parallel_loop3A_390 = vector.shape_cast %parallel_loop3A_389 : vector<16xi32> to vector<16xi32>
        %parallel_loop3A_391 = vector.shape_cast %parallel_loop3A_387 : vector<16xi32> to vector<16xi32>
        tpu.vector_store %arg15[%parallel_loop3A_388], %parallel_loop3A_391 {strides = array<i32>} : memref<2048xi32, #tpu.memory_space<vmem>>, vector<16xi32>,
        %parallel_loop3A_392 = arith.index_cast %parallel_loop3A_368 : i32 to index
        %parallel_loop3A_393 = tpu.vector_load %arg9[%parallel_loop3A_392] {strides = array<i32>} : memref<16384xf32, #tpu.memory_space<vmem>>, vector<16xf32>,
        %parallel_loop3A_394 = vector.shape_cast %parallel_loop3A_393 : vector<16xf32> to vector<16xf32>
        %parallel_loop3A_395 = arith.mulf %parallel_loop3A_394, %parallel_loop3A_379 : vector<16xf32>
        %parallel_loop3A_396 = arith.index_cast %parallel_loop3A_384 : i32 to index
        %parallel_loop3A_397 = tpu.vector_load %arg17[%parallel_loop3A_396] {strides = array<i32>} : memref<2048xf32, #tpu.memory_space<vmem>>, vector<16xf32>,
        %parallel_loop3A_398 = vector.shape_cast %parallel_loop3A_397 : vector<16xf32> to vector<16xf32>
        %parallel_loop3A_399 = vector.shape_cast %parallel_loop3A_395 : vector<16xf32> to vector<16xf32>
        tpu.vector_store %arg17[%parallel_loop3A_396], %parallel_loop3A_399 {strides = array<i32>} : memref<2048xf32, #tpu.memory_space<vmem>>, vector<16xf32>,
        %parallel_loop3A_400 = arith.constant 16 : i32
        %parallel_loop3A_401 = arith.muli %parallel_loop3A_363, %parallel_loop3A_400 : i32
        %parallel_loop3A_402 = arith.constant 512 : i32
        %parallel_loop3A_403 = arith.addi %parallel_loop3A_402, %parallel_loop3A_401 : i32
        %parallel_loop3A_404 = tpu.assume_multiple %parallel_loop3A_403, 16 : i32
        %parallel_loop3A_405 = arith.constant 1 : i32
        %parallel_loop3A_406 = vector.broadcast %parallel_loop3A_405 : i32 to vector<16xi32>
        %parallel_loop3A_407 = arith.addi %parallel_loop3A_371, %parallel_loop3A_406 : vector<16xi32>
        %parallel_loop3A_408 = arith.index_cast %parallel_loop3A_404 : i32 to index
        %parallel_loop3A_409 = tpu.vector_load %arg15[%parallel_loop3A_408] {strides = array<i32>} : memref<2048xi32, #tpu.memory_space<vmem>>, vector<16xi32>,
        %parallel_loop3A_410 = vector.shape_cast %parallel_loop3A_409 : vector<16xi32> to vector<16xi32>
        %parallel_loop3A_411 = vector.shape_cast %parallel_loop3A_407 : vector<16xi32> to vector<16xi32>
        tpu.vector_store %arg15[%parallel_loop3A_408], %parallel_loop3A_411 {strides = array<i32>} : memref<2048xi32, #tpu.memory_space<vmem>>, vector<16xi32>,
        %parallel_loop3A_412 = arith.index_cast %parallel_loop3A_368 : i32 to index
        %parallel_loop3A_413 = tpu.vector_load %arg10[%parallel_loop3A_412] {strides = array<i32>} : memref<16384xf32, #tpu.memory_space<vmem>>, vector<16xf32>,
        %parallel_loop3A_414 = vector.shape_cast %parallel_loop3A_413 : vector<16xf32> to vector<16xf32>
        %parallel_loop3A_415 = arith.mulf %parallel_loop3A_414, %parallel_loop3A_379 : vector<16xf32>
        %parallel_loop3A_416 = arith.index_cast %parallel_loop3A_404 : i32 to index
        %parallel_loop3A_417 = tpu.vector_load %arg17[%parallel_loop3A_416] {strides = array<i32>} : memref<2048xf32, #tpu.memory_space<vmem>>, vector<16xf32>,
        %parallel_loop3A_418 = vector.shape_cast %parallel_loop3A_417 : vector<16xf32> to vector<16xf32>
        %parallel_loop3A_419 = vector.shape_cast %parallel_loop3A_415 : vector<16xf32> to vector<16xf32>
        tpu.vector_store %arg17[%parallel_loop3A_416], %parallel_loop3A_419 {strides = array<i32>} : memref<2048xf32, #tpu.memory_space<vmem>>, vector<16xf32>,
        %parallel_loop3A_420 = arith.constant 16 : i32
        %parallel_loop3A_421 = arith.muli %parallel_loop3A_363, %parallel_loop3A_420 : i32
        %parallel_loop3A_422 = arith.constant 1024 : i32
        %parallel_loop3A_423 = arith.addi %parallel_loop3A_422, %parallel_loop3A_421 : i32
        %parallel_loop3A_424 = tpu.assume_multiple %parallel_loop3A_423, 16 : i32
        %parallel_loop3A_425 = arith.constant 512 : i32
        %parallel_loop3A_426 = vector.broadcast %parallel_loop3A_425 : i32 to vector<16xi32>
        %parallel_loop3A_427 = arith.addi %parallel_loop3A_371, %parallel_loop3A_426 : vector<16xi32>
        %parallel_loop3A_428 = arith.index_cast %parallel_loop3A_424 : i32 to index
        %parallel_loop3A_429 = tpu.vector_load %arg15[%parallel_loop3A_428] {strides = array<i32>} : memref<2048xi32, #tpu.memory_space<vmem>>, vector<16xi32>,
        %parallel_loop3A_430 = vector.shape_cast %parallel_loop3A_429 : vector<16xi32> to vector<16xi32>
        %parallel_loop3A_431 = vector.shape_cast %parallel_loop3A_427 : vector<16xi32> to vector<16xi32>
        tpu.vector_store %arg15[%parallel_loop3A_428], %parallel_loop3A_431 {strides = array<i32>} : memref<2048xi32, #tpu.memory_space<vmem>>, vector<16xi32>,
        %parallel_loop3A_432 = arith.index_cast %parallel_loop3A_368 : i32 to index
        %parallel_loop3A_433 = tpu.vector_load %arg11[%parallel_loop3A_432] {strides = array<i32>} : memref<16384xf32, #tpu.memory_space<vmem>>, vector<16xf32>,
        %parallel_loop3A_434 = vector.shape_cast %parallel_loop3A_433 : vector<16xf32> to vector<16xf32>
        %parallel_loop3A_435 = arith.mulf %parallel_loop3A_434, %parallel_loop3A_379 : vector<16xf32>
        %parallel_loop3A_436 = arith.index_cast %parallel_loop3A_424 : i32 to index
        %parallel_loop3A_437 = tpu.vector_load %arg17[%parallel_loop3A_436] {strides = array<i32>} : memref<2048xf32, #tpu.memory_space<vmem>>, vector<16xf32>,
        %parallel_loop3A_438 = vector.shape_cast %parallel_loop3A_437 : vector<16xf32> to vector<16xf32>
        %parallel_loop3A_439 = vector.shape_cast %parallel_loop3A_435 : vector<16xf32> to vector<16xf32>
        tpu.vector_store %arg17[%parallel_loop3A_436], %parallel_loop3A_439 {strides = array<i32>} : memref<2048xf32, #tpu.memory_space<vmem>>, vector<16xf32>,
        %parallel_loop3A_440 = arith.constant 16 : i32
        %parallel_loop3A_441 = arith.muli %parallel_loop3A_363, %parallel_loop3A_440 : i32
        %parallel_loop3A_442 = arith.constant 1536 : i32
        %parallel_loop3A_443 = arith.addi %parallel_loop3A_442, %parallel_loop3A_441 : i32
        %parallel_loop3A_444 = tpu.assume_multiple %parallel_loop3A_443, 16 : i32
        %parallel_loop3A_445 = arith.constant 513 : i32
        %parallel_loop3A_446 = vector.broadcast %parallel_loop3A_445 : i32 to vector<16xi32>
        %parallel_loop3A_447 = arith.addi %parallel_loop3A_371, %parallel_loop3A_446 : vector<16xi32>
        %parallel_loop3A_448 = arith.index_cast %parallel_loop3A_444 : i32 to index
        %parallel_loop3A_449 = tpu.vector_load %arg15[%parallel_loop3A_448] {strides = array<i32>} : memref<2048xi32, #tpu.memory_space<vmem>>, vector<16xi32>,
        %parallel_loop3A_450 = vector.shape_cast %parallel_loop3A_449 : vector<16xi32> to vector<16xi32>
        %parallel_loop3A_451 = vector.shape_cast %parallel_loop3A_447 : vector<16xi32> to vector<16xi32>
        tpu.vector_store %arg15[%parallel_loop3A_448], %parallel_loop3A_451 {strides = array<i32>} : memref<2048xi32, #tpu.memory_space<vmem>>, vector<16xi32>,
        %parallel_loop3A_452 = arith.index_cast %parallel_loop3A_368 : i32 to index
        %parallel_loop3A_453 = tpu.vector_load %arg12[%parallel_loop3A_452] {strides = array<i32>} : memref<16384xf32, #tpu.memory_space<vmem>>, vector<16xf32>,
        %parallel_loop3A_454 = vector.shape_cast %parallel_loop3A_453 : vector<16xf32> to vector<16xf32>
        %parallel_loop3A_455 = arith.mulf %parallel_loop3A_454, %parallel_loop3A_379 : vector<16xf32>
        %parallel_loop3A_456 = arith.index_cast %parallel_loop3A_444 : i32 to index
        %parallel_loop3A_457 = tpu.vector_load %arg17[%parallel_loop3A_456] {strides = array<i32>} : memref<2048xf32, #tpu.memory_space<vmem>>, vector<16xf32>,
        %parallel_loop3A_458 = vector.shape_cast %parallel_loop3A_457 : vector<16xf32> to vector<16xf32>
        %parallel_loop3A_459 = vector.shape_cast %parallel_loop3A_455 : vector<16xf32> to vector<16xf32>
        tpu.vector_store %arg17[%parallel_loop3A_456], %parallel_loop3A_459 {strides = array<i32>} : memref<2048xf32, #tpu.memory_space<vmem>>, vector<16xf32>,
      } {sc.loop_unroll_factor = 8 : i64, sc.parallel_access}
      %dma_start3A_119 = arith.constant 0 : i32
      %dma_start3A_120 = tpu.memref_slice %arg6[%dma_start3A_119] : memref<263192xf32, #tpu.memory_space<vmem_shared>> -> memref<263192xf32, #tpu.memory_space<vmem_shared>>
      tpu.enqueue_indirect_dma source(%arg17 : memref<2048xf32, #tpu.memory_space<vmem>>) target(%dma_start3A_120 : memref<263192xf32, #tpu.memory_space<vmem_shared>>) offsets(%arg15 : memref<2048xi32, #tpu.memory_space<vmem>>) semaphore(%arg22 : memref<!tpu.dma_semaphore, #tpu.memory_space<semaphore_mem>>) {add = true}
      %scan3A_121 = arith.constant 0 : i32
      %scan3A_122 = arith.constant 1 : i32
      %scan3A_123 = arith.constant 15 : i32
      %scan3A_124 = arith.addi %scan3A_122, %scan3A_123 : i32
      %scan3A_125 = arith.constant 1 : i32
      %scan3A_126 = scf.for %scan3A_363 = %scan3A_122 to %scan3A_124 step %scan3A_125 iter_args(%scan3A_364 = %scan3A_121) -> (i32)  : i32 {
        %mul3A_365 = arith.constant 2 : i32
        %mul3A_366 = arith.muli %mul3A_365, %scan3A_363 : i32
        %mul3A_367 = arith.constant 2 : i32
        %mul3A_368 = arith.muli %mul3A_367, %scan3A_363 : i32
        %add3A_369 = arith.constant 1 : i32
        %add3A_370 = arith.addi %mul3A_368, %add3A_369 : i32
        %mul3A_371 = arith.constant 512 : i32
        %mul3A_372 = arith.muli %mul3A_366, %mul3A_371 : i32
        %add3A_373 = arith.addi %mul3A_0, %mul3A_372 : i32
        %dma_wait3A_374 = arith.constant 0 : i32
        %dma_wait3A_375 = tpu.memref_slice %arg13[%dma_wait3A_374] : memref<1024xf32, #tpu.memory_space<vmem>> -> memref<512xf32, #tpu.memory_space<vmem>>
        %dma_wait3A_376 = tpu.memref_slice %arg2[%add3A, %add3A_373] : memref<192x262144xf32, #tpu.memory_space<hbm>> -> memref<1x512xf32, #tpu.memory_space<hbm>>
        %dma_wait3A_377 = tpu.memref_squeeze %dma_wait3A_376 : memref<1x512xf32, #tpu.memory_space<hbm>> -> memref<512xf32, #tpu.memory_space<hbm>>
        %dma_wait3A_378 = arith.constant 0 : i32
        %dma_wait3A_379 = tpu.memref_slice %arg13[%dma_wait3A_378] : memref<1024xf32, #tpu.memory_space<vmem>> -> memref<512xf32, #tpu.memory_space<vmem>>
        %dma_wait3A_380 = tpu.memref_slice %arg2[%add3A, %add3A_373] : memref<192x262144xf32, #tpu.memory_space<hbm>> -> memref<1x512xf32, #tpu.memory_space<hbm>>
        %dma_wait3A_381 = tpu.memref_squeeze %dma_wait3A_380 : memref<1x512xf32, #tpu.memory_space<hbm>> -> memref<512xf32, #tpu.memory_space<hbm>>
        tpu.wait_dma2 semaphore(%arg19 : memref<!tpu.dma_semaphore, #tpu.memory_space<semaphore_mem>>) src(%dma_wait3A_381 : memref<512xf32, #tpu.memory_space<hbm>>) dst(%dma_wait3A_379 : memref<512xf32, #tpu.memory_space<vmem>>)
        %mul3A_382 = arith.constant 512 : i32
        %mul3A_383 = arith.muli %add3A_370, %mul3A_382 : i32
        %add3A_384 = arith.addi %mul3A_0, %mul3A_383 : i32
        %dma_start3A_385 = arith.constant 512 : i32
        %dma_start3A_386 = tpu.memref_slice %arg13[%dma_start3A_385] : memref<1024xf32, #tpu.memory_space<vmem>> -> memref<512xf32, #tpu.memory_space<vmem>>
        %dma_start3A_387 = tpu.memref_slice %arg2[%add3A, %add3A_384] : memref<192x262144xf32, #tpu.memory_space<hbm>> -> memref<1x512xf32, #tpu.memory_space<hbm>>
        %dma_start3A_388 = tpu.memref_squeeze %dma_start3A_387 : memref<1x512xf32, #tpu.memory_space<hbm>> -> memref<512xf32, #tpu.memory_space<hbm>>
        %dma_start3A_389 = arith.constant 512 : i32
        %dma_start3A_390 = tpu.memref_slice %arg13[%dma_start3A_389] : memref<1024xf32, #tpu.memory_space<vmem>> -> memref<512xf32, #tpu.memory_space<vmem>>
        %dma_start3A_391 = tpu.memref_slice %arg2[%add3A, %add3A_384] : memref<192x262144xf32, #tpu.memory_space<hbm>> -> memref<1x512xf32, #tpu.memory_space<hbm>>
        %dma_start3A_392 = tpu.memref_squeeze %dma_start3A_391 : memref<1x512xf32, #tpu.memory_space<hbm>> -> memref<512xf32, #tpu.memory_space<hbm>>
        tpu.enqueue_dma source(%dma_start3A_392 : memref<512xf32, #tpu.memory_space<hbm>>) target(%dma_start3A_390 : memref<512xf32, #tpu.memory_space<vmem>>) target_semaphore(%arg20 : memref<!tpu.dma_semaphore, #tpu.memory_space<semaphore_mem>>)
        %mul3A_393 = arith.constant 512 : i32
        %mul3A_394 = arith.muli %mul3A_366, %mul3A_393 : i32
        %dma_wait3A_395 = arith.constant 0 : i32
        %dma_wait3A_396 = tpu.memref_slice %arg6[%dma_wait3A_395] : memref<263192xf32, #tpu.memory_space<vmem_shared>> -> memref<263192xf32, #tpu.memory_space<vmem_shared>>
        tpu.wait_indirect_dma semaphore(%arg21 : memref<!tpu.dma_semaphore, #tpu.memory_space<semaphore_mem>>) src(%arg16 : memref<2048xf32, #tpu.memory_space<vmem>>) dst(%dma_wait3A_396 : memref<263192xf32, #tpu.memory_space<vmem_shared>>)
        %parallel_loop3A_397 = arith.constant 0 : i32
        %parallel_loop3A_398 = arith.constant 32 : i32
        %parallel_loop3A_399 = arith.constant 1 : i32
        scf.for %parallel_loop3A_438 = %parallel_loop3A_397 to %parallel_loop3A_398 step %parallel_loop3A_399  : i32 {
          %parallel_loop3A_439 = arith.constant 16 : i32
          %parallel_loop3A_440 = arith.muli %parallel_loop3A_438, %parallel_loop3A_439 : i32
          %parallel_loop3A_441 = arith.addi %mul3A_394, %parallel_loop3A_440 : i32
          %parallel_loop3A_442 = tpu.assume_multiple %parallel_loop3A_441, 16 : i32
          %parallel_loop3A_443 = arith.index_cast %parallel_loop3A_442 : i32 to index
          %parallel_loop3A_444 = tpu.vector_load %arg8[%parallel_loop3A_443] {strides = array<i32>} : memref<16384xi32, #tpu.memory_space<vmem>>, vector<16xi32>,
          %parallel_loop3A_445 = vector.shape_cast %parallel_loop3A_444 : vector<16xi32> to vector<16xi32>
          %parallel_loop3A_446 = arith.constant 16 : i32
          %parallel_loop3A_447 = arith.muli %parallel_loop3A_438, %parallel_loop3A_446 : i32
          %parallel_loop3A_448 = arith.constant 0 : i32
          %parallel_loop3A_449 = arith.addi %parallel_loop3A_448, %parallel_loop3A_447 : i32
          %parallel_loop3A_450 = tpu.assume_multiple %parallel_loop3A_449, 16 : i32
          %parallel_loop3A_451 = arith.index_cast %parallel_loop3A_450 : i32 to index
          %parallel_loop3A_452 = tpu.vector_load %arg13[%parallel_loop3A_451] {strides = array<i32>} : memref<1024xf32, #tpu.memory_space<vmem>>, vector<16xf32>,
          %parallel_loop3A_453 = vector.shape_cast %parallel_loop3A_452 : vector<16xf32> to vector<16xf32>
          %parallel_loop3A_454 = arith.constant 16 : i32
          %parallel_loop3A_455 = arith.muli %parallel_loop3A_438, %parallel_loop3A_454 : i32
          %parallel_loop3A_456 = arith.constant 0 : i32
          %parallel_loop3A_457 = arith.addi %parallel_loop3A_456, %parallel_loop3A_455 : i32
          %parallel_loop3A_458 = tpu.assume_multiple %parallel_loop3A_457, 16 : i32
          %parallel_loop3A_459 = arith.constant 0 : i32
          %parallel_loop3A_460 = vector.broadcast %parallel_loop3A_459 : i32 to vector<16xi32>
          %parallel_loop3A_461 = arith.addi %parallel_loop3A_445, %parallel_loop3A_460 : vector<16xi32>
          %parallel_loop3A_462 = arith.index_cast %parallel_loop3A_458 : i32 to index
          %parallel_loop3A_463 = tpu.vector_load %arg14[%parallel_loop3A_462] {strides = array<i32>} : memref<2048xi32, #tpu.memory_space<vmem>>, vector<16xi32>,
          %parallel_loop3A_464 = vector.shape_cast %parallel_loop3A_463 : vector<16xi32> to vector<16xi32>
          %parallel_loop3A_465 = vector.shape_cast %parallel_loop3A_461 : vector<16xi32> to vector<16xi32>
          tpu.vector_store %arg14[%parallel_loop3A_462], %parallel_loop3A_465 {strides = array<i32>} : memref<2048xi32, #tpu.memory_space<vmem>>, vector<16xi32>,
          %parallel_loop3A_466 = arith.index_cast %parallel_loop3A_442 : i32 to index
          %parallel_loop3A_467 = tpu.vector_load %arg9[%parallel_loop3A_466] {strides = array<i32>} : memref<16384xf32, #tpu.memory_space<vmem>>, vector<16xf32>,
          %parallel_loop3A_468 = vector.shape_cast %parallel_loop3A_467 : vector<16xf32> to vector<16xf32>
          %parallel_loop3A_469 = arith.mulf %parallel_loop3A_468, %parallel_loop3A_453 : vector<16xf32>
          %parallel_loop3A_470 = arith.index_cast %parallel_loop3A_458 : i32 to index
          %parallel_loop3A_471 = tpu.vector_load %arg16[%parallel_loop3A_470] {strides = array<i32>} : memref<2048xf32, #tpu.memory_space<vmem>>, vector<16xf32>,
          %parallel_loop3A_472 = vector.shape_cast %parallel_loop3A_471 : vector<16xf32> to vector<16xf32>
          %parallel_loop3A_473 = vector.shape_cast %parallel_loop3A_469 : vector<16xf32> to vector<16xf32>
          tpu.vector_store %arg16[%parallel_loop3A_470], %parallel_loop3A_473 {strides = array<i32>} : memref<2048xf32, #tpu.memory_space<vmem>>, vector<16xf32>,
          %parallel_loop3A_474 = arith.constant 16 : i32
          %parallel_loop3A_475 = arith.muli %parallel_loop3A_438, %parallel_loop3A_474 : i32
          %parallel_loop3A_476 = arith.constant 512 : i32
          %parallel_loop3A_477 = arith.addi %parallel_loop3A_476, %parallel_loop3A_475 : i32
          %parallel_loop3A_478 = tpu.assume_multiple %parallel_loop3A_477, 16 : i32
          %parallel_loop3A_479 = arith.constant 1 : i32
          %parallel_loop3A_480 = vector.broadcast %parallel_loop3A_479 : i32 to vector<16xi32>
          %parallel_loop3A_481 = arith.addi %parallel_loop3A_445, %parallel_loop3A_480 : vector<16xi32>
          %parallel_loop3A_482 = arith.index_cast %parallel_loop3A_478 : i32 to index
          %parallel_loop3A_483 = tpu.vector_load %arg14[%parallel_loop3A_482] {strides = array<i32>} : memref<2048xi32, #tpu.memory_space<vmem>>, vector<16xi32>,
          %parallel_loop3A_484 = vector.shape_cast %parallel_loop3A_483 : vector<16xi32> to vector<16xi32>
          %parallel_loop3A_485 = vector.shape_cast %parallel_loop3A_481 : vector<16xi32> to vector<16xi32>
          tpu.vector_store %arg14[%parallel_loop3A_482], %parallel_loop3A_485 {strides = array<i32>} : memref<2048xi32, #tpu.memory_space<vmem>>, vector<16xi32>,
          %parallel_loop3A_486 = arith.index_cast %parallel_loop3A_442 : i32 to index
          %parallel_loop3A_487 = tpu.vector_load %arg10[%parallel_loop3A_486] {strides = array<i32>} : memref<16384xf32, #tpu.memory_space<vmem>>, vector<16xf32>,
          %parallel_loop3A_488 = vector.shape_cast %parallel_loop3A_487 : vector<16xf32> to vector<16xf32>
          %parallel_loop3A_489 = arith.mulf %parallel_loop3A_488, %parallel_loop3A_453 : vector<16xf32>
          %parallel_loop3A_490 = arith.index_cast %parallel_loop3A_478 : i32 to index
          %parallel_loop3A_491 = tpu.vector_load %arg16[%parallel_loop3A_490] {strides = array<i32>} : memref<2048xf32, #tpu.memory_space<vmem>>, vector<16xf32>,
          %parallel_loop3A_492 = vector.shape_cast %parallel_loop3A_491 : vector<16xf32> to vector<16xf32>
          %parallel_loop3A_493 = vector.shape_cast %parallel_loop3A_489 : vector<16xf32> to vector<16xf32>
          tpu.vector_store %arg16[%parallel_loop3A_490], %parallel_loop3A_493 {strides = array<i32>} : memref<2048xf32, #tpu.memory_space<vmem>>, vector<16xf32>,
          %parallel_loop3A_494 = arith.constant 16 : i32
          %parallel_loop3A_495 = arith.muli %parallel_loop3A_438, %parallel_loop3A_494 : i32
          %parallel_loop3A_496 = arith.constant 1024 : i32
          %parallel_loop3A_497 = arith.addi %parallel_loop3A_496, %parallel_loop3A_495 : i32
          %parallel_loop3A_498 = tpu.assume_multiple %parallel_loop3A_497, 16 : i32
          %parallel_loop3A_499 = arith.constant 512 : i32
          %parallel_loop3A_500 = vector.broadcast %parallel_loop3A_499 : i32 to vector<16xi32>
          %parallel_loop3A_501 = arith.addi %parallel_loop3A_445, %parallel_loop3A_500 : vector<16xi32>
          %parallel_loop3A_502 = arith.index_cast %parallel_loop3A_498 : i32 to index
          %parallel_loop3A_503 = tpu.vector_load %arg14[%parallel_loop3A_502] {strides = array<i32>} : memref<2048xi32, #tpu.memory_space<vmem>>, vector<16xi32>,
          %parallel_loop3A_504 = vector.shape_cast %parallel_loop3A_503 : vector<16xi32> to vector<16xi32>
          %parallel_loop3A_505 = vector.shape_cast %parallel_loop3A_501 : vector<16xi32> to vector<16xi32>
          tpu.vector_store %arg14[%parallel_loop3A_502], %parallel_loop3A_505 {strides = array<i32>} : memref<2048xi32, #tpu.memory_space<vmem>>, vector<16xi32>,
          %parallel_loop3A_506 = arith.index_cast %parallel_loop3A_442 : i32 to index
          %parallel_loop3A_507 = tpu.vector_load %arg11[%parallel_loop3A_506] {strides = array<i32>} : memref<16384xf32, #tpu.memory_space<vmem>>, vector<16xf32>,
          %parallel_loop3A_508 = vector.shape_cast %parallel_loop3A_507 : vector<16xf32> to vector<16xf32>
          %parallel_loop3A_509 = arith.mulf %parallel_loop3A_508, %parallel_loop3A_453 : vector<16xf32>
          %parallel_loop3A_510 = arith.index_cast %parallel_loop3A_498 : i32 to index
          %parallel_loop3A_511 = tpu.vector_load %arg16[%parallel_loop3A_510] {strides = array<i32>} : memref<2048xf32, #tpu.memory_space<vmem>>, vector<16xf32>,
          %parallel_loop3A_512 = vector.shape_cast %parallel_loop3A_511 : vector<16xf32> to vector<16xf32>
          %parallel_loop3A_513 = vector.shape_cast %parallel_loop3A_509 : vector<16xf32> to vector<16xf32>
          tpu.vector_store %arg16[%parallel_loop3A_510], %parallel_loop3A_513 {strides = array<i32>} : memref<2048xf32, #tpu.memory_space<vmem>>, vector<16xf32>,
          %parallel_loop3A_514 = arith.constant 16 : i32
          %parallel_loop3A_515 = arith.muli %parallel_loop3A_438, %parallel_loop3A_514 : i32
          %parallel_loop3A_516 = arith.constant 1536 : i32
          %parallel_loop3A_517 = arith.addi %parallel_loop3A_516, %parallel_loop3A_515 : i32
          %parallel_loop3A_518 = tpu.assume_multiple %parallel_loop3A_517, 16 : i32
          %parallel_loop3A_519 = arith.constant 513 : i32
          %parallel_loop3A_520 = vector.broadcast %parallel_loop3A_519 : i32 to vector<16xi32>
          %parallel_loop3A_521 = arith.addi %parallel_loop3A_445, %parallel_loop3A_520 : vector<16xi32>
          %parallel_loop3A_522 = arith.index_cast %parallel_loop3A_518 : i32 to index
          %parallel_loop3A_523 = tpu.vector_load %arg14[%parallel_loop3A_522] {strides = array<i32>} : memref<2048xi32, #tpu.memory_space<vmem>>, vector<16xi32>,
          %parallel_loop3A_524 = vector.shape_cast %parallel_loop3A_523 : vector<16xi32> to vector<16xi32>
          %parallel_loop3A_525 = vector.shape_cast %parallel_loop3A_521 : vector<16xi32> to vector<16xi32>
          tpu.vector_store %arg14[%parallel_loop3A_522], %parallel_loop3A_525 {strides = array<i32>} : memref<2048xi32, #tpu.memory_space<vmem>>, vector<16xi32>,
          %parallel_loop3A_526 = arith.index_cast %parallel_loop3A_442 : i32 to index
          %parallel_loop3A_527 = tpu.vector_load %arg12[%parallel_loop3A_526] {strides = array<i32>} : memref<16384xf32, #tpu.memory_space<vmem>>, vector<16xf32>,
          %parallel_loop3A_528 = vector.shape_cast %parallel_loop3A_527 : vector<16xf32> to vector<16xf32>
          %parallel_loop3A_529 = arith.mulf %parallel_loop3A_528, %parallel_loop3A_453 : vector<16xf32>
          %parallel_loop3A_530 = arith.index_cast %parallel_loop3A_518 : i32 to index
          %parallel_loop3A_531 = tpu.vector_load %arg16[%parallel_loop3A_530] {strides = array<i32>} : memref<2048xf32, #tpu.memory_space<vmem>>, vector<16xf32>,
          %parallel_loop3A_532 = vector.shape_cast %parallel_loop3A_531 : vector<16xf32> to vector<16xf32>
          %parallel_loop3A_533 = vector.shape_cast %parallel_loop3A_529 : vector<16xf32> to vector<16xf32>
          tpu.vector_store %arg16[%parallel_loop3A_530], %parallel_loop3A_533 {strides = array<i32>} : memref<2048xf32, #tpu.memory_space<vmem>>, vector<16xf32>,
        } {sc.loop_unroll_factor = 8 : i64, sc.parallel_access}
        %dma_start3A_400 = arith.constant 0 : i32
        %dma_start3A_401 = tpu.memref_slice %arg6[%dma_start3A_400] : memref<263192xf32, #tpu.memory_space<vmem_shared>> -> memref<263192xf32, #tpu.memory_space<vmem_shared>>
        tpu.enqueue_indirect_dma source(%arg16 : memref<2048xf32, #tpu.memory_space<vmem>>) target(%dma_start3A_401 : memref<263192xf32, #tpu.memory_space<vmem_shared>>) offsets(%arg14 : memref<2048xi32, #tpu.memory_space<vmem>>) semaphore(%arg21 : memref<!tpu.dma_semaphore, #tpu.memory_space<semaphore_mem>>) {add = true}
        %mul3A_402 = arith.constant 512 : i32
        %mul3A_403 = arith.muli %add3A_370, %mul3A_402 : i32
        %add3A_404 = arith.addi %mul3A_0, %mul3A_403 : i32
        %dma_wait3A_405 = arith.constant 512 : i32
        %dma_wait3A_406 = tpu.memref_slice %arg13[%dma_wait3A_405] : memref<1024xf32, #tpu.memory_space<vmem>> -> memref<512xf32, #tpu.memory_space<vmem>>
        %dma_wait3A_407 = tpu.memref_slice %arg2[%add3A, %add3A_404] : memref<192x262144xf32, #tpu.memory_space<hbm>> -> memref<1x512xf32, #tpu.memory_space<hbm>>
        %dma_wait3A_408 = tpu.memref_squeeze %dma_wait3A_407 : memref<1x512xf32, #tpu.memory_space<hbm>> -> memref<512xf32, #tpu.memory_space<hbm>>
        %dma_wait3A_409 = arith.constant 512 : i32
        %dma_wait3A_410 = tpu.memref_slice %arg13[%dma_wait3A_409] : memref<1024xf32, #tpu.memory_space<vmem>> -> memref<512xf32, #tpu.memory_space<vmem>>
        %dma_wait3A_411 = tpu.memref_slice %arg2[%add3A, %add3A_404] : memref<192x262144xf32, #tpu.memory_space<hbm>> -> memref<1x512xf32, #tpu.memory_space<hbm>>
        %dma_wait3A_412 = tpu.memref_squeeze %dma_wait3A_411 : memref<1x512xf32, #tpu.memory_space<hbm>> -> memref<512xf32, #tpu.memory_space<hbm>>
        tpu.wait_dma2 semaphore(%arg20 : memref<!tpu.dma_semaphore, #tpu.memory_space<semaphore_mem>>) src(%dma_wait3A_412 : memref<512xf32, #tpu.memory_space<hbm>>) dst(%dma_wait3A_410 : memref<512xf32, #tpu.memory_space<vmem>>)
        %add3A_413 = arith.constant 2 : i32
        %add3A_414 = arith.addi %mul3A_366, %add3A_413 : i32
        %rem3A_415 = arith.constant 32 : i32
        %rem3A_416 = arith.remsi %add3A_414, %rem3A_415 : i32
        %mul3A_417 = arith.constant 512 : i32
        %mul3A_418 = arith.muli %rem3A_416, %mul3A_417 : i32
        %add3A_419 = arith.addi %mul3A_0, %mul3A_418 : i32
        %dma_start3A_420 = arith.constant 0 : i32
        %dma_start3A_421 = tpu.memref_slice %arg13[%dma_start3A_420] : memref<1024xf32, #tpu.memory_space<vmem>> -> memref<512xf32, #tpu.memory_space<vmem>>
        %dma_start3A_422 = tpu.memref_slice %arg2[%add3A, %add3A_419] : memref<192x262144xf32, #tpu.memory_space<hbm>> -> memref<1x512xf32, #tpu.memory_space<hbm>>
        %dma_start3A_423 = tpu.memref_squeeze %dma_start3A_422 : memref<1x512xf32, #tpu.memory_space<hbm>> -> memref<512xf32, #tpu.memory_space<hbm>>
        %dma_start3A_424 = arith.constant 0 : i32
        %dma_start3A_425 = tpu.memref_slice %arg13[%dma_start3A_424] : memref<1024xf32, #tpu.memory_space<vmem>> -> memref<512xf32, #tpu.memory_space<vmem>>
        %dma_start3A_426 = tpu.memref_slice %arg2[%add3A, %add3A_419] : memref<192x262144xf32, #tpu.memory_space<hbm>> -> memref<1x512xf32, #tpu.memory_space<hbm>>
        %dma_start3A_427 = tpu.memref_squeeze %dma_start3A_426 : memref<1x512xf32, #tpu.memory_space<hbm>> -> memref<512xf32, #tpu.memory_space<hbm>>
        tpu.enqueue_dma source(%dma_start3A_427 : memref<512xf32, #tpu.memory_space<hbm>>) target(%dma_start3A_425 : memref<512xf32, #tpu.memory_space<vmem>>) target_semaphore(%arg19 : memref<!tpu.dma_semaphore, #tpu.memory_space<semaphore_mem>>)
        %mul3A_428 = arith.constant 512 : i32
        %mul3A_429 = arith.muli %add3A_370, %mul3A_428 : i32
        %dma_wait3A_430 = arith.constant 0 : i32
        %dma_wait3A_431 = tpu.memref_slice %arg6[%dma_wait3A_430] : memref<263192xf32, #tpu.memory_space<vmem_shared>> -> memref<263192xf32, #tpu.memory_space<vmem_shared>>
        tpu.wait_indirect_dma semaphore(%arg22 : memref<!tpu.dma_semaphore, #tpu.memory_space<semaphore_mem>>) src(%arg17 : memref<2048xf32, #tpu.memory_space<vmem>>) dst(%dma_wait3A_431 : memref<263192xf32, #tpu.memory_space<vmem_shared>>)
        %parallel_loop3A_432 = arith.constant 0 : i32
        %parallel_loop3A_433 = arith.constant 32 : i32
        %parallel_loop3A_434 = arith.constant 1 : i32
        scf.for %parallel_loop3A_438 = %parallel_loop3A_432 to %parallel_loop3A_433 step %parallel_loop3A_434  : i32 {
          %parallel_loop3A_439 = arith.constant 16 : i32
          %parallel_loop3A_440 = arith.muli %parallel_loop3A_438, %parallel_loop3A_439 : i32
          %parallel_loop3A_441 = arith.addi %mul3A_429, %parallel_loop3A_440 : i32
          %parallel_loop3A_442 = tpu.assume_multiple %parallel_loop3A_441, 16 : i32
          %parallel_loop3A_443 = arith.index_cast %parallel_loop3A_442 : i32 to index
          %parallel_loop3A_444 = tpu.vector_load %arg8[%parallel_loop3A_443] {strides = array<i32>} : memref<16384xi32, #tpu.memory_space<vmem>>, vector<16xi32>,
          %parallel_loop3A_445 = vector.shape_cast %parallel_loop3A_444 : vector<16xi32> to vector<16xi32>
          %parallel_loop3A_446 = arith.constant 16 : i32
          %parallel_loop3A_447 = arith.muli %parallel_loop3A_438, %parallel_loop3A_446 : i32
          %parallel_loop3A_448 = arith.constant 512 : i32
          %parallel_loop3A_449 = arith.addi %parallel_loop3A_448, %parallel_loop3A_447 : i32
          %parallel_loop3A_450 = tpu.assume_multiple %parallel_loop3A_449, 16 : i32
          %parallel_loop3A_451 = arith.index_cast %parallel_loop3A_450 : i32 to index
          %parallel_loop3A_452 = tpu.vector_load %arg13[%parallel_loop3A_451] {strides = array<i32>} : memref<1024xf32, #tpu.memory_space<vmem>>, vector<16xf32>,
          %parallel_loop3A_453 = vector.shape_cast %parallel_loop3A_452 : vector<16xf32> to vector<16xf32>
          %parallel_loop3A_454 = arith.constant 16 : i32
          %parallel_loop3A_455 = arith.muli %parallel_loop3A_438, %parallel_loop3A_454 : i32
          %parallel_loop3A_456 = arith.constant 0 : i32
          %parallel_loop3A_457 = arith.addi %parallel_loop3A_456, %parallel_loop3A_455 : i32
          %parallel_loop3A_458 = tpu.assume_multiple %parallel_loop3A_457, 16 : i32
          %parallel_loop3A_459 = arith.constant 0 : i32
          %parallel_loop3A_460 = vector.broadcast %parallel_loop3A_459 : i32 to vector<16xi32>
          %parallel_loop3A_461 = arith.addi %parallel_loop3A_445, %parallel_loop3A_460 : vector<16xi32>
          %parallel_loop3A_462 = arith.index_cast %parallel_loop3A_458 : i32 to index
          %parallel_loop3A_463 = tpu.vector_load %arg15[%parallel_loop3A_462] {strides = array<i32>} : memref<2048xi32, #tpu.memory_space<vmem>>, vector<16xi32>,
          %parallel_loop3A_464 = vector.shape_cast %parallel_loop3A_463 : vector<16xi32> to vector<16xi32>
          %parallel_loop3A_465 = vector.shape_cast %parallel_loop3A_461 : vector<16xi32> to vector<16xi32>
          tpu.vector_store %arg15[%parallel_loop3A_462], %parallel_loop3A_465 {strides = array<i32>} : memref<2048xi32, #tpu.memory_space<vmem>>, vector<16xi32>,
          %parallel_loop3A_466 = arith.index_cast %parallel_loop3A_442 : i32 to index
          %parallel_loop3A_467 = tpu.vector_load %arg9[%parallel_loop3A_466] {strides = array<i32>} : memref<16384xf32, #tpu.memory_space<vmem>>, vector<16xf32>,
          %parallel_loop3A_468 = vector.shape_cast %parallel_loop3A_467 : vector<16xf32> to vector<16xf32>
          %parallel_loop3A_469 = arith.mulf %parallel_loop3A_468, %parallel_loop3A_453 : vector<16xf32>
          %parallel_loop3A_470 = arith.index_cast %parallel_loop3A_458 : i32 to index
          %parallel_loop3A_471 = tpu.vector_load %arg17[%parallel_loop3A_470] {strides = array<i32>} : memref<2048xf32, #tpu.memory_space<vmem>>, vector<16xf32>,
          %parallel_loop3A_472 = vector.shape_cast %parallel_loop3A_471 : vector<16xf32> to vector<16xf32>
          %parallel_loop3A_473 = vector.shape_cast %parallel_loop3A_469 : vector<16xf32> to vector<16xf32>
          tpu.vector_store %arg17[%parallel_loop3A_470], %parallel_loop3A_473 {strides = array<i32>} : memref<2048xf32, #tpu.memory_space<vmem>>, vector<16xf32>,
          %parallel_loop3A_474 = arith.constant 16 : i32
          %parallel_loop3A_475 = arith.muli %parallel_loop3A_438, %parallel_loop3A_474 : i32
          %parallel_loop3A_476 = arith.constant 512 : i32
          %parallel_loop3A_477 = arith.addi %parallel_loop3A_476, %parallel_loop3A_475 : i32
          %parallel_loop3A_478 = tpu.assume_multiple %parallel_loop3A_477, 16 : i32
          %parallel_loop3A_479 = arith.constant 1 : i32
          %parallel_loop3A_480 = vector.broadcast %parallel_loop3A_479 : i32 to vector<16xi32>
          %parallel_loop3A_481 = arith.addi %parallel_loop3A_445, %parallel_loop3A_480 : vector<16xi32>
          %parallel_loop3A_482 = arith.index_cast %parallel_loop3A_478 : i32 to index
          %parallel_loop3A_483 = tpu.vector_load %arg15[%parallel_loop3A_482] {strides = array<i32>} : memref<2048xi32, #tpu.memory_space<vmem>>, vector<16xi32>,
          %parallel_loop3A_484 = vector.shape_cast %parallel_loop3A_483 : vector<16xi32> to vector<16xi32>
          %parallel_loop3A_485 = vector.shape_cast %parallel_loop3A_481 : vector<16xi32> to vector<16xi32>
          tpu.vector_store %arg15[%parallel_loop3A_482], %parallel_loop3A_485 {strides = array<i32>} : memref<2048xi32, #tpu.memory_space<vmem>>, vector<16xi32>,
          %parallel_loop3A_486 = arith.index_cast %parallel_loop3A_442 : i32 to index
          %parallel_loop3A_487 = tpu.vector_load %arg10[%parallel_loop3A_486] {strides = array<i32>} : memref<16384xf32, #tpu.memory_space<vmem>>, vector<16xf32>,
          %parallel_loop3A_488 = vector.shape_cast %parallel_loop3A_487 : vector<16xf32> to vector<16xf32>
          %parallel_loop3A_489 = arith.mulf %parallel_loop3A_488, %parallel_loop3A_453 : vector<16xf32>
          %parallel_loop3A_490 = arith.index_cast %parallel_loop3A_478 : i32 to index
          %parallel_loop3A_491 = tpu.vector_load %arg17[%parallel_loop3A_490] {strides = array<i32>} : memref<2048xf32, #tpu.memory_space<vmem>>, vector<16xf32>,
          %parallel_loop3A_492 = vector.shape_cast %parallel_loop3A_491 : vector<16xf32> to vector<16xf32>
          %parallel_loop3A_493 = vector.shape_cast %parallel_loop3A_489 : vector<16xf32> to vector<16xf32>
          tpu.vector_store %arg17[%parallel_loop3A_490], %parallel_loop3A_493 {strides = array<i32>} : memref<2048xf32, #tpu.memory_space<vmem>>, vector<16xf32>,
          %parallel_loop3A_494 = arith.constant 16 : i32
          %parallel_loop3A_495 = arith.muli %parallel_loop3A_438, %parallel_loop3A_494 : i32
          %parallel_loop3A_496 = arith.constant 1024 : i32
          %parallel_loop3A_497 = arith.addi %parallel_loop3A_496, %parallel_loop3A_495 : i32
          %parallel_loop3A_498 = tpu.assume_multiple %parallel_loop3A_497, 16 : i32
          %parallel_loop3A_499 = arith.constant 512 : i32
          %parallel_loop3A_500 = vector.broadcast %parallel_loop3A_499 : i32 to vector<16xi32>
          %parallel_loop3A_501 = arith.addi %parallel_loop3A_445, %parallel_loop3A_500 : vector<16xi32>
          %parallel_loop3A_502 = arith.index_cast %parallel_loop3A_498 : i32 to index
          %parallel_loop3A_503 = tpu.vector_load %arg15[%parallel_loop3A_502] {strides = array<i32>} : memref<2048xi32, #tpu.memory_space<vmem>>, vector<16xi32>,
          %parallel_loop3A_504 = vector.shape_cast %parallel_loop3A_503 : vector<16xi32> to vector<16xi32>
          %parallel_loop3A_505 = vector.shape_cast %parallel_loop3A_501 : vector<16xi32> to vector<16xi32>
          tpu.vector_store %arg15[%parallel_loop3A_502], %parallel_loop3A_505 {strides = array<i32>} : memref<2048xi32, #tpu.memory_space<vmem>>, vector<16xi32>,
          %parallel_loop3A_506 = arith.index_cast %parallel_loop3A_442 : i32 to index
          %parallel_loop3A_507 = tpu.vector_load %arg11[%parallel_loop3A_506] {strides = array<i32>} : memref<16384xf32, #tpu.memory_space<vmem>>, vector<16xf32>,
          %parallel_loop3A_508 = vector.shape_cast %parallel_loop3A_507 : vector<16xf32> to vector<16xf32>
          %parallel_loop3A_509 = arith.mulf %parallel_loop3A_508, %parallel_loop3A_453 : vector<16xf32>
          %parallel_loop3A_510 = arith.index_cast %parallel_loop3A_498 : i32 to index
          %parallel_loop3A_511 = tpu.vector_load %arg17[%parallel_loop3A_510] {strides = array<i32>} : memref<2048xf32, #tpu.memory_space<vmem>>, vector<16xf32>,
          %parallel_loop3A_512 = vector.shape_cast %parallel_loop3A_511 : vector<16xf32> to vector<16xf32>
          %parallel_loop3A_513 = vector.shape_cast %parallel_loop3A_509 : vector<16xf32> to vector<16xf32>
          tpu.vector_store %arg17[%parallel_loop3A_510], %parallel_loop3A_513 {strides = array<i32>} : memref<2048xf32, #tpu.memory_space<vmem>>, vector<16xf32>,
          %parallel_loop3A_514 = arith.constant 16 : i32
          %parallel_loop3A_515 = arith.muli %parallel_loop3A_438, %parallel_loop3A_514 : i32
          %parallel_loop3A_516 = arith.constant 1536 : i32
          %parallel_loop3A_517 = arith.addi %parallel_loop3A_516, %parallel_loop3A_515 : i32
          %parallel_loop3A_518 = tpu.assume_multiple %parallel_loop3A_517, 16 : i32
          %parallel_loop3A_519 = arith.constant 513 : i32
          %parallel_loop3A_520 = vector.broadcast %parallel_loop3A_519 : i32 to vector<16xi32>
          %parallel_loop3A_521 = arith.addi %parallel_loop3A_445, %parallel_loop3A_520 : vector<16xi32>
          %parallel_loop3A_522 = arith.index_cast %parallel_loop3A_518 : i32 to index
          %parallel_loop3A_523 = tpu.vector_load %arg15[%parallel_loop3A_522] {strides = array<i32>} : memref<2048xi32, #tpu.memory_space<vmem>>, vector<16xi32>,
          %parallel_loop3A_524 = vector.shape_cast %parallel_loop3A_523 : vector<16xi32> to vector<16xi32>
          %parallel_loop3A_525 = vector.shape_cast %parallel_loop3A_521 : vector<16xi32> to vector<16xi32>
          tpu.vector_store %arg15[%parallel_loop3A_522], %parallel_loop3A_525 {strides = array<i32>} : memref<2048xi32, #tpu.memory_space<vmem>>, vector<16xi32>,
          %parallel_loop3A_526 = arith.index_cast %parallel_loop3A_442 : i32 to index
          %parallel_loop3A_527 = tpu.vector_load %arg12[%parallel_loop3A_526] {strides = array<i32>} : memref<16384xf32, #tpu.memory_space<vmem>>, vector<16xf32>,
          %parallel_loop3A_528 = vector.shape_cast %parallel_loop3A_527 : vector<16xf32> to vector<16xf32>
          %parallel_loop3A_529 = arith.mulf %parallel_loop3A_528, %parallel_loop3A_453 : vector<16xf32>
          %parallel_loop3A_530 = arith.index_cast %parallel_loop3A_518 : i32 to index
          %parallel_loop3A_531 = tpu.vector_load %arg17[%parallel_loop3A_530] {strides = array<i32>} : memref<2048xf32, #tpu.memory_space<vmem>>, vector<16xf32>,
          %parallel_loop3A_532 = vector.shape_cast %parallel_loop3A_531 : vector<16xf32> to vector<16xf32>
          %parallel_loop3A_533 = vector.shape_cast %parallel_loop3A_529 : vector<16xf32> to vector<16xf32>
          tpu.vector_store %arg17[%parallel_loop3A_530], %parallel_loop3A_533 {strides = array<i32>} : memref<2048xf32, #tpu.memory_space<vmem>>, vector<16xf32>,
        } {sc.loop_unroll_factor = 8 : i64, sc.parallel_access}
        %dma_start3A_435 = arith.constant 0 : i32
        %dma_start3A_436 = tpu.memref_slice %arg6[%dma_start3A_435] : memref<263192xf32, #tpu.memory_space<vmem_shared>> -> memref<263192xf32, #tpu.memory_space<vmem_shared>>
        tpu.enqueue_indirect_dma source(%arg17 : memref<2048xf32, #tpu.memory_space<vmem>>) target(%dma_start3A_436 : memref<263192xf32, #tpu.memory_space<vmem_shared>>) offsets(%arg15 : memref<2048xi32, #tpu.memory_space<vmem>>) semaphore(%arg22 : memref<!tpu.dma_semaphore, #tpu.memory_space<semaphore_mem>>) {add = true}
        %scan3A_437 = arith.constant 0 : i32
        scf.yield %scan3A_437 : i32
      }
      %scan3A_127 = arith.constant 15 : i32
      %add3A_128 = arith.constant 0 : i32
      %add3A_129 = arith.addi %mul3A_0, %add3A_128 : i32
      %dma_wait3A_130 = arith.constant 0 : i32
      %dma_wait3A_131 = tpu.memref_slice %arg13[%dma_wait3A_130] : memref<1024xf32, #tpu.memory_space<vmem>> -> memref<512xf32, #tpu.memory_space<vmem>>
      %dma_wait3A_132 = tpu.memref_slice %arg2[%add3A, %add3A_129] : memref<192x262144xf32, #tpu.memory_space<hbm>> -> memref<1x512xf32, #tpu.memory_space<hbm>>
      %dma_wait3A_133 = tpu.memref_squeeze %dma_wait3A_132 : memref<1x512xf32, #tpu.memory_space<hbm>> -> memref<512xf32, #tpu.memory_space<hbm>>
      %dma_wait3A_134 = arith.constant 0 : i32
      %dma_wait3A_135 = tpu.memref_slice %arg13[%dma_wait3A_134] : memref<1024xf32, #tpu.memory_space<vmem>> -> memref<512xf32, #tpu.memory_space<vmem>>
      %dma_wait3A_136 = tpu.memref_slice %arg2[%add3A, %add3A_129] : memref<192x262144xf32, #tpu.memory_space<hbm>> -> memref<1x512xf32, #tpu.memory_space<hbm>>
      %dma_wait3A_137 = tpu.memref_squeeze %dma_wait3A_136 : memref<1x512xf32, #tpu.memory_space<hbm>> -> memref<512xf32, #tpu.memory_space<hbm>>
      tpu.wait_dma2 semaphore(%arg19 : memref<!tpu.dma_semaphore, #tpu.memory_space<semaphore_mem>>) src(%dma_wait3A_137 : memref<512xf32, #tpu.memory_space<hbm>>) dst(%dma_wait3A_135 : memref<512xf32, #tpu.memory_space<vmem>>)
      %dma_wait3A_138 = arith.constant 0 : i32
      %dma_wait3A_139 = tpu.memref_slice %arg6[%dma_wait3A_138] : memref<263192xf32, #tpu.memory_space<vmem_shared>> -> memref<263192xf32, #tpu.memory_space<vmem_shared>>
      tpu.wait_indirect_dma semaphore(%arg21 : memref<!tpu.dma_semaphore, #tpu.memory_space<semaphore_mem>>) src(%arg16 : memref<2048xf32, #tpu.memory_space<vmem>>) dst(%dma_wait3A_139 : memref<263192xf32, #tpu.memory_space<vmem_shared>>)
      %dma_wait3A_140 = arith.constant 0 : i32
      %dma_wait3A_141 = tpu.memref_slice %arg6[%dma_wait3A_140] : memref<263192xf32, #tpu.memory_space<vmem_shared>> -> memref<263192xf32, #tpu.memory_space<vmem_shared>>
      tpu.wait_indirect_dma semaphore(%arg22 : memref<!tpu.dma_semaphore, #tpu.memory_space<semaphore_mem>>) src(%arg17 : memref<2048xf32, #tpu.memory_space<vmem>>) dst(%dma_wait3A_141 : memref<263192xf32, #tpu.memory_space<vmem_shared>>)
      %barrier3A_142 = arith.constant 0 : index
      tpu.barrier barrier_id(%barrier3A_142)
      %add3A_143 = arith.constant 520 : i32
      %add3A_144 = arith.addi %add3A_143, %mul3A_0 : i32
      %add3A_145 = arith.constant 0 : i32
      %add3A_146 = arith.addi %add3A_144, %add3A_145 : i32
      %dma_start3A_147 = arith.constant 0 : i32
      %dma_start3A_148 = tpu.memref_slice %arg16[%dma_start3A_147] : memref<2048xf32, #tpu.memory_space<vmem>> -> memref<512xf32, #tpu.memory_space<vmem>>
      %dma_start3A_149 = tpu.memref_slice %arg6[%add3A_146] : memref<263192xf32, #tpu.memory_space<vmem_shared>> -> memref<512xf32, #tpu.memory_space<vmem_shared>>
      %dma_start3A_150 = arith.constant 0 : i32
      %dma_start3A_151 = tpu.memref_slice %arg16[%dma_start3A_150] : memref<2048xf32, #tpu.memory_space<vmem>> -> memref<512xf32, #tpu.memory_space<vmem>>
      %dma_start3A_152 = tpu.memref_slice %arg6[%add3A_146] : memref<263192xf32, #tpu.memory_space<vmem_shared>> -> memref<512xf32, #tpu.memory_space<vmem_shared>>
      tpu.enqueue_dma source(%dma_start3A_152 : memref<512xf32, #tpu.memory_space<vmem_shared>>) target(%dma_start3A_151 : memref<512xf32, #tpu.memory_space<vmem>>) target_semaphore(%arg25 : memref<!tpu.dma_semaphore, #tpu.memory_space<semaphore_mem>>)
      %dma_start3A_153 = arith.constant 512 : i32
      %dma_start3A_154 = tpu.memref_slice %arg16[%dma_start3A_153] : memref<2048xf32, #tpu.memory_space<vmem>> -> memref<512xf32, #tpu.memory_space<vmem>>
      %dma_start3A_155 = tpu.memref_slice %arg7[%add3A_146] : memref<263192xf32, #tpu.memory_space<vmem_shared>> -> memref<512xf32, #tpu.memory_space<vmem_shared>>
      %dma_start3A_156 = arith.constant 512 : i32
      %dma_start3A_157 = tpu.memref_slice %arg16[%dma_start3A_156] : memref<2048xf32, #tpu.memory_space<vmem>> -> memref<512xf32, #tpu.memory_space<vmem>>
      %dma_start3A_158 = tpu.memref_slice %arg7[%add3A_146] : memref<263192xf32, #tpu.memory_space<vmem_shared>> -> memref<512xf32, #tpu.memory_space<vmem_shared>>
      tpu.enqueue_dma source(%dma_start3A_158 : memref<512xf32, #tpu.memory_space<vmem_shared>>) target(%dma_start3A_157 : memref<512xf32, #tpu.memory_space<vmem>>) target_semaphore(%arg25 : memref<!tpu.dma_semaphore, #tpu.memory_space<semaphore_mem>>)
      %add3A_159 = arith.constant 520 : i32
      %add3A_160 = arith.addi %add3A_159, %mul3A_0 : i32
      %add3A_161 = arith.constant 512 : i32
      %add3A_162 = arith.addi %add3A_160, %add3A_161 : i32
      %dma_start3A_163 = arith.constant 1024 : i32
      %dma_start3A_164 = tpu.memref_slice %arg16[%dma_start3A_163] : memref<2048xf32, #tpu.memory_space<vmem>> -> memref<512xf32, #tpu.memory_space<vmem>>
      %dma_start3A_165 = tpu.memref_slice %arg6[%add3A_162] : memref<263192xf32, #tpu.memory_space<vmem_shared>> -> memref<512xf32, #tpu.memory_space<vmem_shared>>
      %dma_start3A_166 = arith.constant 1024 : i32
      %dma_start3A_167 = tpu.memref_slice %arg16[%dma_start3A_166] : memref<2048xf32, #tpu.memory_space<vmem>> -> memref<512xf32, #tpu.memory_space<vmem>>
      %dma_start3A_168 = tpu.memref_slice %arg6[%add3A_162] : memref<263192xf32, #tpu.memory_space<vmem_shared>> -> memref<512xf32, #tpu.memory_space<vmem_shared>>
      tpu.enqueue_dma source(%dma_start3A_168 : memref<512xf32, #tpu.memory_space<vmem_shared>>) target(%dma_start3A_167 : memref<512xf32, #tpu.memory_space<vmem>>) target_semaphore(%arg26 : memref<!tpu.dma_semaphore, #tpu.memory_space<semaphore_mem>>)
      %dma_start3A_169 = arith.constant 1536 : i32
      %dma_start3A_170 = tpu.memref_slice %arg16[%dma_start3A_169] : memref<2048xf32, #tpu.memory_space<vmem>> -> memref<512xf32, #tpu.memory_space<vmem>>
      %dma_start3A_171 = tpu.memref_slice %arg7[%add3A_162] : memref<263192xf32, #tpu.memory_space<vmem_shared>> -> memref<512xf32, #tpu.memory_space<vmem_shared>>
      %dma_start3A_172 = arith.constant 1536 : i32
      %dma_start3A_173 = tpu.memref_slice %arg16[%dma_start3A_172] : memref<2048xf32, #tpu.memory_space<vmem>> -> memref<512xf32, #tpu.memory_space<vmem>>
      %dma_start3A_174 = tpu.memref_slice %arg7[%add3A_162] : memref<263192xf32, #tpu.memory_space<vmem_shared>> -> memref<512xf32, #tpu.memory_space<vmem_shared>>
      tpu.enqueue_dma source(%dma_start3A_174 : memref<512xf32, #tpu.memory_space<vmem_shared>>) target(%dma_start3A_173 : memref<512xf32, #tpu.memory_space<vmem>>) target_semaphore(%arg26 : memref<!tpu.dma_semaphore, #tpu.memory_space<semaphore_mem>>)
      %add3A_175 = arith.constant 0 : i32
      %add3A_176 = arith.addi %mul3A_0, %add3A_175 : i32
      %dma_wait3A_177 = arith.constant 0 : i32
      %dma_wait3A_178 = arith.constant 0 : i32
      %dma_wait3A_179 = tpu.memref_slice %arg2[%dma_wait3A_177, %dma_wait3A_178] : memref<192x262144xf32, #tpu.memory_space<hbm>> -> memref<1x1024xf32, #tpu.memory_space<hbm>>
      %dma_wait3A_180 = tpu.memref_squeeze %dma_wait3A_179 : memref<1x1024xf32, #tpu.memory_space<hbm>> -> memref<1024xf32, #tpu.memory_space<hbm>>
      %dma_wait3A_181 = arith.constant 0 : i32
      %dma_wait3A_182 = tpu.memref_slice %arg2[%dma_wait3A_177, %dma_wait3A_181] : memref<192x262144xf32, #tpu.memory_space<hbm>> -> memref<1x1024xf32, #tpu.memory_space<hbm>>
      %dma_wait3A_183 = tpu.memref_squeeze %dma_wait3A_182 : memref<1x1024xf32, #tpu.memory_space<hbm>> -> memref<1024xf32, #tpu.memory_space<hbm>>
      tpu.wait_dma2 semaphore(%arg25 : memref<!tpu.dma_semaphore, #tpu.memory_space<semaphore_mem>>) src(%dma_wait3A_183 : memref<1024xf32, #tpu.memory_space<hbm>>) dst(%arg13 : memref<1024xf32, #tpu.memory_space<vmem>>)
      %parallel_loop3A_184 = arith.constant 0 : i32
      %parallel_loop3A_185 = arith.constant 32 : i32
      %parallel_loop3A_186 = arith.constant 1 : i32
      scf.for %parallel_loop3A_363 = %parallel_loop3A_184 to %parallel_loop3A_185 step %parallel_loop3A_186  : i32 {
        %parallel_loop3A_364 = arith.constant 16 : i32
        %parallel_loop3A_365 = arith.muli %parallel_loop3A_363, %parallel_loop3A_364 : i32
        %parallel_loop3A_366 = arith.constant 0 : i32
        %parallel_loop3A_367 = arith.addi %parallel_loop3A_366, %parallel_loop3A_365 : i32
        %parallel_loop3A_368 = tpu.assume_multiple %parallel_loop3A_367, 16 : i32
        %parallel_loop3A_369 = arith.index_cast %parallel_loop3A_368 : i32 to index
        %parallel_loop3A_370 = tpu.vector_load %arg16[%parallel_loop3A_369] {strides = array<i32>} : memref<2048xf32, #tpu.memory_space<vmem>>, vector<16xf32>,
        %parallel_loop3A_371 = vector.shape_cast %parallel_loop3A_370 : vector<16xf32> to vector<16xf32>
        %parallel_loop3A_372 = arith.constant 16 : i32
        %parallel_loop3A_373 = arith.muli %parallel_loop3A_363, %parallel_loop3A_372 : i32
        %parallel_loop3A_374 = arith.constant 512 : i32
        %parallel_loop3A_375 = arith.addi %parallel_loop3A_374, %parallel_loop3A_373 : i32
        %parallel_loop3A_376 = tpu.assume_multiple %parallel_loop3A_375, 16 : i32
        %parallel_loop3A_377 = arith.index_cast %parallel_loop3A_376 : i32 to index
        %parallel_loop3A_378 = tpu.vector_load %arg16[%parallel_loop3A_377] {strides = array<i32>} : memref<2048xf32, #tpu.memory_space<vmem>>, vector<16xf32>,
        %parallel_loop3A_379 = vector.shape_cast %parallel_loop3A_378 : vector<16xf32> to vector<16xf32>
        %parallel_loop3A_380 = arith.constant 1.000000e-07 : f32
        %parallel_loop3A_381 = vector.broadcast %parallel_loop3A_380 : f32 to vector<16xf32>
        %parallel_loop3A_382 = arith.addf %parallel_loop3A_379, %parallel_loop3A_381 : vector<16xf32>
        %parallel_loop3A_383 = arith.divf %parallel_loop3A_371, %parallel_loop3A_382 : vector<16xf32>
        %parallel_loop3A_384 = arith.constant 16 : i32
        %parallel_loop3A_385 = arith.muli %parallel_loop3A_363, %parallel_loop3A_384 : i32
        %parallel_loop3A_386 = arith.constant 0 : i32
        %parallel_loop3A_387 = arith.addi %parallel_loop3A_386, %parallel_loop3A_385 : i32
        %parallel_loop3A_388 = tpu.assume_multiple %parallel_loop3A_387, 16 : i32
        %parallel_loop3A_389 = arith.index_cast %parallel_loop3A_388 : i32 to index
        %parallel_loop3A_390 = tpu.vector_load %arg17[%parallel_loop3A_389] {strides = array<i32>} : memref<2048xf32, #tpu.memory_space<vmem>>, vector<16xf32>,
        %parallel_loop3A_391 = vector.shape_cast %parallel_loop3A_390 : vector<16xf32> to vector<16xf32>
        %parallel_loop3A_392 = vector.shape_cast %parallel_loop3A_383 : vector<16xf32> to vector<16xf32>
        tpu.vector_store %arg17[%parallel_loop3A_389], %parallel_loop3A_392 {strides = array<i32>} : memref<2048xf32, #tpu.memory_space<vmem>>, vector<16xf32>,
      } {sc.loop_unroll_factor = 8 : i64, sc.parallel_access}
      %dma_start3A_187 = arith.constant 0 : i32
      %dma_start3A_188 = tpu.memref_slice %arg17[%dma_start3A_187] : memref<2048xf32, #tpu.memory_space<vmem>> -> memref<512xf32, #tpu.memory_space<vmem>>
      %dma_start3A_189 = tpu.memref_slice %arg5[%add3A, %add3A_176] : memref<192x262144xf32, #tpu.memory_space<hbm>> -> memref<1x512xf32, #tpu.memory_space<hbm>>
      %dma_start3A_190 = tpu.memref_squeeze %dma_start3A_189 : memref<1x512xf32, #tpu.memory_space<hbm>> -> memref<512xf32, #tpu.memory_space<hbm>>
      %dma_start3A_191 = tpu.memref_slice %arg5[%add3A, %add3A_176] : memref<192x262144xf32, #tpu.memory_space<hbm>> -> memref<1x512xf32, #tpu.memory_space<hbm>>
      %dma_start3A_192 = tpu.memref_squeeze %dma_start3A_191 : memref<1x512xf32, #tpu.memory_space<hbm>> -> memref<512xf32, #tpu.memory_space<hbm>>
      %dma_start3A_193 = arith.constant 0 : i32
      %dma_start3A_194 = tpu.memref_slice %arg17[%dma_start3A_193] : memref<2048xf32, #tpu.memory_space<vmem>> -> memref<512xf32, #tpu.memory_space<vmem>>
      tpu.enqueue_dma source(%dma_start3A_194 : memref<512xf32, #tpu.memory_space<vmem>>) target(%dma_start3A_192 : memref<512xf32, #tpu.memory_space<hbm>>) target_semaphore(%arg23 : memref<!tpu.dma_semaphore, #tpu.memory_space<semaphore_mem>>)
      %add3A_195 = arith.constant 520 : i32
      %add3A_196 = arith.addi %add3A_195, %mul3A_0 : i32
      %add3A_197 = arith.constant 0 : i32
      %add3A_198 = arith.addi %add3A_196, %add3A_197 : i32
      %dma_start3A_199 = tpu.memref_slice %arg6[%add3A_198] : memref<263192xf32, #tpu.memory_space<vmem_shared>> -> memref<512xf32, #tpu.memory_space<vmem_shared>>
      %dma_start3A_200 = tpu.memref_slice %arg6[%add3A_198] : memref<263192xf32, #tpu.memory_space<vmem_shared>> -> memref<512xf32, #tpu.memory_space<vmem_shared>>
      tpu.enqueue_dma source(%arg18 : memref<512xf32, #tpu.memory_space<vmem>>) target(%dma_start3A_200 : memref<512xf32, #tpu.memory_space<vmem_shared>>) target_semaphore(%arg27 : memref<!tpu.dma_semaphore, #tpu.memory_space<semaphore_mem>>)
      %add3A_201 = arith.constant 520 : i32
      %add3A_202 = arith.addi %add3A_201, %mul3A_0 : i32
      %add3A_203 = arith.constant 1024 : i32
      %add3A_204 = arith.addi %add3A_202, %add3A_203 : i32
      %dma_start3A_205 = arith.constant 0 : i32
      %dma_start3A_206 = tpu.memref_slice %arg16[%dma_start3A_205] : memref<2048xf32, #tpu.memory_space<vmem>> -> memref<512xf32, #tpu.memory_space<vmem>>
      %dma_start3A_207 = tpu.memref_slice %arg6[%add3A_204] : memref<263192xf32, #tpu.memory_space<vmem_shared>> -> memref<512xf32, #tpu.memory_space<vmem_shared>>
      %dma_start3A_208 = arith.constant 0 : i32
      %dma_start3A_209 = tpu.memref_slice %arg16[%dma_start3A_208] : memref<2048xf32, #tpu.memory_space<vmem>> -> memref<512xf32, #tpu.memory_space<vmem>>
      %dma_start3A_210 = tpu.memref_slice %arg6[%add3A_204] : memref<263192xf32, #tpu.memory_space<vmem_shared>> -> memref<512xf32, #tpu.memory_space<vmem_shared>>
      tpu.enqueue_dma source(%dma_start3A_210 : memref<512xf32, #tpu.memory_space<vmem_shared>>) target(%dma_start3A_209 : memref<512xf32, #tpu.memory_space<vmem>>) target_semaphore(%arg25 : memref<!tpu.dma_semaphore, #tpu.memory_space<semaphore_mem>>)
      %dma_start3A_211 = arith.constant 512 : i32
      %dma_start3A_212 = tpu.memref_slice %arg16[%dma_start3A_211] : memref<2048xf32, #tpu.memory_space<vmem>> -> memref<512xf32, #tpu.memory_space<vmem>>
      %dma_start3A_213 = tpu.memref_slice %arg7[%add3A_204] : memref<263192xf32, #tpu.memory_space<vmem_shared>> -> memref<512xf32, #tpu.memory_space<vmem_shared>>
      %dma_start3A_214 = arith.constant 512 : i32
      %dma_start3A_215 = tpu.memref_slice %arg16[%dma_start3A_214] : memref<2048xf32, #tpu.memory_space<vmem>> -> memref<512xf32, #tpu.memory_space<vmem>>
      %dma_start3A_216 = tpu.memref_slice %arg7[%add3A_204] : memref<263192xf32, #tpu.memory_space<vmem_shared>> -> memref<512xf32, #tpu.memory_space<vmem_shared>>
      tpu.enqueue_dma source(%dma_start3A_216 : memref<512xf32, #tpu.memory_space<vmem_shared>>) target(%dma_start3A_215 : memref<512xf32, #tpu.memory_space<vmem>>) target_semaphore(%arg25 : memref<!tpu.dma_semaphore, #tpu.memory_space<semaphore_mem>>)
      %add3A_217 = arith.constant 512 : i32
      %add3A_218 = arith.addi %mul3A_0, %add3A_217 : i32
      %dma_wait3A_219 = arith.constant 0 : i32
      %dma_wait3A_220 = arith.constant 0 : i32
      %dma_wait3A_221 = tpu.memref_slice %arg2[%dma_wait3A_219, %dma_wait3A_220] : memref<192x262144xf32, #tpu.memory_space<hbm>> -> memref<1x1024xf32, #tpu.memory_space<hbm>>
      %dma_wait3A_222 = tpu.memref_squeeze %dma_wait3A_221 : memref<1x1024xf32, #tpu.memory_space<hbm>> -> memref<1024xf32, #tpu.memory_space<hbm>>
      %dma_wait3A_223 = arith.constant 0 : i32
      %dma_wait3A_224 = tpu.memref_slice %arg2[%dma_wait3A_219, %dma_wait3A_223] : memref<192x262144xf32, #tpu.memory_space<hbm>> -> memref<1x1024xf32, #tpu.memory_space<hbm>>
      %dma_wait3A_225 = tpu.memref_squeeze %dma_wait3A_224 : memref<1x1024xf32, #tpu.memory_space<hbm>> -> memref<1024xf32, #tpu.memory_space<hbm>>
      tpu.wait_dma2 semaphore(%arg26 : memref<!tpu.dma_semaphore, #tpu.memory_space<semaphore_mem>>) src(%dma_wait3A_225 : memref<1024xf32, #tpu.memory_space<hbm>>) dst(%arg13 : memref<1024xf32, #tpu.memory_space<vmem>>)
      %parallel_loop3A_226 = arith.constant 0 : i32
      %parallel_loop3A_227 = arith.constant 32 : i32
      %parallel_loop3A_228 = arith.constant 1 : i32
      scf.for %parallel_loop3A_363 = %parallel_loop3A_226 to %parallel_loop3A_227 step %parallel_loop3A_228  : i32 {
        %parallel_loop3A_364 = arith.constant 16 : i32
        %parallel_loop3A_365 = arith.muli %parallel_loop3A_363, %parallel_loop3A_364 : i32
        %parallel_loop3A_366 = arith.constant 1024 : i32
        %parallel_loop3A_367 = arith.addi %parallel_loop3A_366, %parallel_loop3A_365 : i32
        %parallel_loop3A_368 = tpu.assume_multiple %parallel_loop3A_367, 16 : i32
        %parallel_loop3A_369 = arith.index_cast %parallel_loop3A_368 : i32 to index
        %parallel_loop3A_370 = tpu.vector_load %arg16[%parallel_loop3A_369] {strides = array<i32>} : memref<2048xf32, #tpu.memory_space<vmem>>, vector<16xf32>,
        %parallel_loop3A_371 = vector.shape_cast %parallel_loop3A_370 : vector<16xf32> to vector<16xf32>
        %parallel_loop3A_372 = arith.constant 16 : i32
        %parallel_loop3A_373 = arith.muli %parallel_loop3A_363, %parallel_loop3A_372 : i32
        %parallel_loop3A_374 = arith.constant 1536 : i32
        %parallel_loop3A_375 = arith.addi %parallel_loop3A_374, %parallel_loop3A_373 : i32
        %parallel_loop3A_376 = tpu.assume_multiple %parallel_loop3A_375, 16 : i32
        %parallel_loop3A_377 = arith.index_cast %parallel_loop3A_376 : i32 to index
        %parallel_loop3A_378 = tpu.vector_load %arg16[%parallel_loop3A_377] {strides = array<i32>} : memref<2048xf32, #tpu.memory_space<vmem>>, vector<16xf32>,
        %parallel_loop3A_379 = vector.shape_cast %parallel_loop3A_378 : vector<16xf32> to vector<16xf32>
        %parallel_loop3A_380 = arith.constant 1.000000e-07 : f32
        %parallel_loop3A_381 = vector.broadcast %parallel_loop3A_380 : f32 to vector<16xf32>
        %parallel_loop3A_382 = arith.addf %parallel_loop3A_379, %parallel_loop3A_381 : vector<16xf32>
        %parallel_loop3A_383 = arith.divf %parallel_loop3A_371, %parallel_loop3A_382 : vector<16xf32>
        %parallel_loop3A_384 = arith.constant 16 : i32
        %parallel_loop3A_385 = arith.muli %parallel_loop3A_363, %parallel_loop3A_384 : i32
        %parallel_loop3A_386 = arith.constant 512 : i32
        %parallel_loop3A_387 = arith.addi %parallel_loop3A_386, %parallel_loop3A_385 : i32
        %parallel_loop3A_388 = tpu.assume_multiple %parallel_loop3A_387, 16 : i32
        %parallel_loop3A_389 = arith.index_cast %parallel_loop3A_388 : i32 to index
        %parallel_loop3A_390 = tpu.vector_load %arg17[%parallel_loop3A_389] {strides = array<i32>} : memref<2048xf32, #tpu.memory_space<vmem>>, vector<16xf32>,
        %parallel_loop3A_391 = vector.shape_cast %parallel_loop3A_390 : vector<16xf32> to vector<16xf32>
        %parallel_loop3A_392 = vector.shape_cast %parallel_loop3A_383 : vector<16xf32> to vector<16xf32>
        tpu.vector_store %arg17[%parallel_loop3A_389], %parallel_loop3A_392 {strides = array<i32>} : memref<2048xf32, #tpu.memory_space<vmem>>, vector<16xf32>,
      } {sc.loop_unroll_factor = 8 : i64, sc.parallel_access}
      %dma_start3A_229 = arith.constant 512 : i32
      %dma_start3A_230 = tpu.memref_slice %arg17[%dma_start3A_229] : memref<2048xf32, #tpu.memory_space<vmem>> -> memref<512xf32, #tpu.memory_space<vmem>>
      %dma_start3A_231 = tpu.memref_slice %arg5[%add3A, %add3A_218] : memref<192x262144xf32, #tpu.memory_space<hbm>> -> memref<1x512xf32, #tpu.memory_space<hbm>>
      %dma_start3A_232 = tpu.memref_squeeze %dma_start3A_231 : memref<1x512xf32, #tpu.memory_space<hbm>> -> memref<512xf32, #tpu.memory_space<hbm>>
      %dma_start3A_233 = tpu.memref_slice %arg5[%add3A, %add3A_218] : memref<192x262144xf32, #tpu.memory_space<hbm>> -> memref<1x512xf32, #tpu.memory_space<hbm>>
      %dma_start3A_234 = tpu.memref_squeeze %dma_start3A_233 : memref<1x512xf32, #tpu.memory_space<hbm>> -> memref<512xf32, #tpu.memory_space<hbm>>
      %dma_start3A_235 = arith.constant 512 : i32
      %dma_start3A_236 = tpu.memref_slice %arg17[%dma_start3A_235] : memref<2048xf32, #tpu.memory_space<vmem>> -> memref<512xf32, #tpu.memory_space<vmem>>
      tpu.enqueue_dma source(%dma_start3A_236 : memref<512xf32, #tpu.memory_space<vmem>>) target(%dma_start3A_234 : memref<512xf32, #tpu.memory_space<hbm>>) target_semaphore(%arg24 : memref<!tpu.dma_semaphore, #tpu.memory_space<semaphore_mem>>)
      %add3A_237 = arith.constant 520 : i32
      %add3A_238 = arith.addi %add3A_237, %mul3A_0 : i32
      %add3A_239 = arith.constant 512 : i32
      %add3A_240 = arith.addi %add3A_238, %add3A_239 : i32
      %dma_start3A_241 = tpu.memref_slice %arg6[%add3A_240] : memref<263192xf32, #tpu.memory_space<vmem_shared>> -> memref<512xf32, #tpu.memory_space<vmem_shared>>
      %dma_start3A_242 = tpu.memref_slice %arg6[%add3A_240] : memref<263192xf32, #tpu.memory_space<vmem_shared>> -> memref<512xf32, #tpu.memory_space<vmem_shared>>
      tpu.enqueue_dma source(%arg18 : memref<512xf32, #tpu.memory_space<vmem>>) target(%dma_start3A_242 : memref<512xf32, #tpu.memory_space<vmem_shared>>) target_semaphore(%arg27 : memref<!tpu.dma_semaphore, #tpu.memory_space<semaphore_mem>>)
      %add3A_243 = arith.constant 520 : i32
      %add3A_244 = arith.addi %add3A_243, %mul3A_0 : i32
      %add3A_245 = arith.constant 1536 : i32
      %add3A_246 = arith.addi %add3A_244, %add3A_245 : i32
      %dma_start3A_247 = arith.constant 1024 : i32
      %dma_start3A_248 = tpu.memref_slice %arg16[%dma_start3A_247] : memref<2048xf32, #tpu.memory_space<vmem>> -> memref<512xf32, #tpu.memory_space<vmem>>
      %dma_start3A_249 = tpu.memref_slice %arg6[%add3A_246] : memref<263192xf32, #tpu.memory_space<vmem_shared>> -> memref<512xf32, #tpu.memory_space<vmem_shared>>
      %dma_start3A_250 = arith.constant 1024 : i32
      %dma_start3A_251 = tpu.memref_slice %arg16[%dma_start3A_250] : memref<2048xf32, #tpu.memory_space<vmem>> -> memref<512xf32, #tpu.memory_space<vmem>>
      %dma_start3A_252 = tpu.memref_slice %arg6[%add3A_246] : memref<263192xf32, #tpu.memory_space<vmem_shared>> -> memref<512xf32, #tpu.memory_space<vmem_shared>>
      tpu.enqueue_dma source(%dma_start3A_252 : memref<512xf32, #tpu.memory_space<vmem_shared>>) target(%dma_start3A_251 : memref<512xf32, #tpu.memory_space<vmem>>) target_semaphore(%arg26 : memref<!tpu.dma_semaphore, #tpu.memory_space<semaphore_mem>>)
      %dma_start3A_253 = arith.constant 1536 : i32
      %dma_start3A_254 = tpu.memref_slice %arg16[%dma_start3A_253] : memref<2048xf32, #tpu.memory_space<vmem>> -> memref<512xf32, #tpu.memory_space<vmem>>
      %dma_start3A_255 = tpu.memref_slice %arg7[%add3A_246] : memref<263192xf32, #tpu.memory_space<vmem_shared>> -> memref<512xf32, #tpu.memory_space<vmem_shared>>
      %dma_start3A_256 = arith.constant 1536 : i32
      %dma_start3A_257 = tpu.memref_slice %arg16[%dma_start3A_256] : memref<2048xf32, #tpu.memory_space<vmem>> -> memref<512xf32, #tpu.memory_space<vmem>>
      %dma_start3A_258 = tpu.memref_slice %arg7[%add3A_246] : memref<263192xf32, #tpu.memory_space<vmem_shared>> -> memref<512xf32, #tpu.memory_space<vmem_shared>>
      tpu.enqueue_dma source(%dma_start3A_258 : memref<512xf32, #tpu.memory_space<vmem_shared>>) target(%dma_start3A_257 : memref<512xf32, #tpu.memory_space<vmem>>) target_semaphore(%arg26 : memref<!tpu.dma_semaphore, #tpu.memory_space<semaphore_mem>>)
      %scan3A_259 = arith.constant 0 : i32
      %scan3A_260 = arith.constant 1 : i32
      %scan3A_261 = arith.constant 14 : i32
      %scan3A_262 = arith.addi %scan3A_260, %scan3A_261 : i32
      %scan3A_263 = arith.constant 1 : i32
      %scan3A_264 = scf.for %scan3A_363 = %scan3A_260 to %scan3A_262 step %scan3A_263 iter_args(%scan3A_364 = %scan3A_259) -> (i32)  : i32 {
        %mul3A_365 = arith.constant 2 : i32
        %mul3A_366 = arith.muli %mul3A_365, %scan3A_363 : i32
        %mul3A_367 = arith.constant 512 : i32
        %mul3A_368 = arith.muli %mul3A_366, %mul3A_367 : i32
        %add3A_369 = arith.addi %mul3A_0, %mul3A_368 : i32
        %dma_wait3A_370 = arith.constant 0 : i32
        %dma_wait3A_371 = arith.constant 0 : i32
        %dma_wait3A_372 = tpu.memref_slice %arg2[%dma_wait3A_370, %dma_wait3A_371] : memref<192x262144xf32, #tpu.memory_space<hbm>> -> memref<1x1024xf32, #tpu.memory_space<hbm>>
        %dma_wait3A_373 = tpu.memref_squeeze %dma_wait3A_372 : memref<1x1024xf32, #tpu.memory_space<hbm>> -> memref<1024xf32, #tpu.memory_space<hbm>>
        %dma_wait3A_374 = arith.constant 0 : i32
        %dma_wait3A_375 = tpu.memref_slice %arg2[%dma_wait3A_370, %dma_wait3A_374] : memref<192x262144xf32, #tpu.memory_space<hbm>> -> memref<1x1024xf32, #tpu.memory_space<hbm>>
        %dma_wait3A_376 = tpu.memref_squeeze %dma_wait3A_375 : memref<1x1024xf32, #tpu.memory_space<hbm>> -> memref<1024xf32, #tpu.memory_space<hbm>>
        tpu.wait_dma2 semaphore(%arg25 : memref<!tpu.dma_semaphore, #tpu.memory_space<semaphore_mem>>) src(%dma_wait3A_376 : memref<1024xf32, #tpu.memory_space<hbm>>) dst(%arg13 : memref<1024xf32, #tpu.memory_space<vmem>>)
        %dma_wait3A_377 = arith.constant 0 : i32
        %dma_wait3A_378 = tpu.memref_slice %arg17[%dma_wait3A_377] : memref<2048xf32, #tpu.memory_space<vmem>> -> memref<512xf32, #tpu.memory_space<vmem>>
        %dma_wait3A_379 = tpu.memref_slice %arg5[%add3A, %add3A_369] : memref<192x262144xf32, #tpu.memory_space<hbm>> -> memref<1x512xf32, #tpu.memory_space<hbm>>
        %dma_wait3A_380 = tpu.memref_squeeze %dma_wait3A_379 : memref<1x512xf32, #tpu.memory_space<hbm>> -> memref<512xf32, #tpu.memory_space<hbm>>
        %dma_wait3A_381 = tpu.memref_slice %arg5[%add3A, %add3A_369] : memref<192x262144xf32, #tpu.memory_space<hbm>> -> memref<1x512xf32, #tpu.memory_space<hbm>>
        %dma_wait3A_382 = tpu.memref_squeeze %dma_wait3A_381 : memref<1x512xf32, #tpu.memory_space<hbm>> -> memref<512xf32, #tpu.memory_space<hbm>>
        %dma_wait3A_383 = arith.constant 0 : i32
        %dma_wait3A_384 = tpu.memref_slice %arg17[%dma_wait3A_383] : memref<2048xf32, #tpu.memory_space<vmem>> -> memref<512xf32, #tpu.memory_space<vmem>>
        tpu.wait_dma2 semaphore(%arg23 : memref<!tpu.dma_semaphore, #tpu.memory_space<semaphore_mem>>) src(%dma_wait3A_384 : memref<512xf32, #tpu.memory_space<vmem>>) dst(%dma_wait3A_382 : memref<512xf32, #tpu.memory_space<hbm>>)
        %parallel_loop3A_385 = arith.constant 0 : i32
        %parallel_loop3A_386 = arith.constant 32 : i32
        %parallel_loop3A_387 = arith.constant 1 : i32
        scf.for %parallel_loop3A_482 = %parallel_loop3A_385 to %parallel_loop3A_386 step %parallel_loop3A_387  : i32 {
          %parallel_loop3A_483 = arith.constant 16 : i32
          %parallel_loop3A_484 = arith.muli %parallel_loop3A_482, %parallel_loop3A_483 : i32
          %parallel_loop3A_485 = arith.constant 0 : i32
          %parallel_loop3A_486 = arith.addi %parallel_loop3A_485, %parallel_loop3A_484 : i32
          %parallel_loop3A_487 = tpu.assume_multiple %parallel_loop3A_486, 16 : i32
          %parallel_loop3A_488 = arith.index_cast %parallel_loop3A_487 : i32 to index
          %parallel_loop3A_489 = tpu.vector_load %arg16[%parallel_loop3A_488] {strides = array<i32>} : memref<2048xf32, #tpu.memory_space<vmem>>, vector<16xf32>,
          %parallel_loop3A_490 = vector.shape_cast %parallel_loop3A_489 : vector<16xf32> to vector<16xf32>
          %parallel_loop3A_491 = arith.constant 16 : i32
          %parallel_loop3A_492 = arith.muli %parallel_loop3A_482, %parallel_loop3A_491 : i32
          %parallel_loop3A_493 = arith.constant 512 : i32
          %parallel_loop3A_494 = arith.addi %parallel_loop3A_493, %parallel_loop3A_492 : i32
          %parallel_loop3A_495 = tpu.assume_multiple %parallel_loop3A_494, 16 : i32
          %parallel_loop3A_496 = arith.index_cast %parallel_loop3A_495 : i32 to index
          %parallel_loop3A_497 = tpu.vector_load %arg16[%parallel_loop3A_496] {strides = array<i32>} : memref<2048xf32, #tpu.memory_space<vmem>>, vector<16xf32>,
          %parallel_loop3A_498 = vector.shape_cast %parallel_loop3A_497 : vector<16xf32> to vector<16xf32>
          %parallel_loop3A_499 = arith.constant 1.000000e-07 : f32
          %parallel_loop3A_500 = vector.broadcast %parallel_loop3A_499 : f32 to vector<16xf32>
          %parallel_loop3A_501 = arith.addf %parallel_loop3A_498, %parallel_loop3A_500 : vector<16xf32>
          %parallel_loop3A_502 = arith.divf %parallel_loop3A_490, %parallel_loop3A_501 : vector<16xf32>
          %parallel_loop3A_503 = arith.constant 16 : i32
          %parallel_loop3A_504 = arith.muli %parallel_loop3A_482, %parallel_loop3A_503 : i32
          %parallel_loop3A_505 = arith.constant 0 : i32
          %parallel_loop3A_506 = arith.addi %parallel_loop3A_505, %parallel_loop3A_504 : i32
          %parallel_loop3A_507 = tpu.assume_multiple %parallel_loop3A_506, 16 : i32
          %parallel_loop3A_508 = arith.index_cast %parallel_loop3A_507 : i32 to index
          %parallel_loop3A_509 = tpu.vector_load %arg17[%parallel_loop3A_508] {strides = array<i32>} : memref<2048xf32, #tpu.memory_space<vmem>>, vector<16xf32>,
          %parallel_loop3A_510 = vector.shape_cast %parallel_loop3A_509 : vector<16xf32> to vector<16xf32>
          %parallel_loop3A_511 = vector.shape_cast %parallel_loop3A_502 : vector<16xf32> to vector<16xf32>
          tpu.vector_store %arg17[%parallel_loop3A_508], %parallel_loop3A_511 {strides = array<i32>} : memref<2048xf32, #tpu.memory_space<vmem>>, vector<16xf32>,
        } {sc.loop_unroll_factor = 8 : i64, sc.parallel_access}
        %dma_start3A_388 = arith.constant 0 : i32
        %dma_start3A_389 = tpu.memref_slice %arg17[%dma_start3A_388] : memref<2048xf32, #tpu.memory_space<vmem>> -> memref<512xf32, #tpu.memory_space<vmem>>
        %dma_start3A_390 = tpu.memref_slice %arg5[%add3A, %add3A_369] : memref<192x262144xf32, #tpu.memory_space<hbm>> -> memref<1x512xf32, #tpu.memory_space<hbm>>
        %dma_start3A_391 = tpu.memref_squeeze %dma_start3A_390 : memref<1x512xf32, #tpu.memory_space<hbm>> -> memref<512xf32, #tpu.memory_space<hbm>>
        %dma_start3A_392 = tpu.memref_slice %arg5[%add3A, %add3A_369] : memref<192x262144xf32, #tpu.memory_space<hbm>> -> memref<1x512xf32, #tpu.memory_space<hbm>>
        %dma_start3A_393 = tpu.memref_squeeze %dma_start3A_392 : memref<1x512xf32, #tpu.memory_space<hbm>> -> memref<512xf32, #tpu.memory_space<hbm>>
        %dma_start3A_394 = arith.constant 0 : i32
        %dma_start3A_395 = tpu.memref_slice %arg17[%dma_start3A_394] : memref<2048xf32, #tpu.memory_space<vmem>> -> memref<512xf32, #tpu.memory_space<vmem>>
        tpu.enqueue_dma source(%dma_start3A_395 : memref<512xf32, #tpu.memory_space<vmem>>) target(%dma_start3A_393 : memref<512xf32, #tpu.memory_space<hbm>>) target_semaphore(%arg23 : memref<!tpu.dma_semaphore, #tpu.memory_space<semaphore_mem>>)
        %add3A_396 = arith.constant 520 : i32
        %add3A_397 = arith.addi %add3A_396, %mul3A_0 : i32
        %mul3A_398 = arith.constant 512 : i32
        %mul3A_399 = arith.muli %mul3A_366, %mul3A_398 : i32
        %add3A_400 = arith.addi %add3A_397, %mul3A_399 : i32
        %dma_start3A_401 = tpu.memref_slice %arg6[%add3A_400] : memref<263192xf32, #tpu.memory_space<vmem_shared>> -> memref<512xf32, #tpu.memory_space<vmem_shared>>
        %dma_start3A_402 = tpu.memref_slice %arg6[%add3A_400] : memref<263192xf32, #tpu.memory_space<vmem_shared>> -> memref<512xf32, #tpu.memory_space<vmem_shared>>
        tpu.enqueue_dma source(%arg18 : memref<512xf32, #tpu.memory_space<vmem>>) target(%dma_start3A_402 : memref<512xf32, #tpu.memory_space<vmem_shared>>) target_semaphore(%arg27 : memref<!tpu.dma_semaphore, #tpu.memory_space<semaphore_mem>>)
        %add3A_403 = arith.constant 2 : i32
        %add3A_404 = arith.addi %mul3A_366, %add3A_403 : i32
        %add3A_405 = arith.constant 520 : i32
        %add3A_406 = arith.addi %add3A_405, %mul3A_0 : i32
        %mul3A_407 = arith.constant 512 : i32
        %mul3A_408 = arith.muli %add3A_404, %mul3A_407 : i32
        %add3A_409 = arith.addi %add3A_406, %mul3A_408 : i32
        %dma_start3A_410 = arith.constant 0 : i32
        %dma_start3A_411 = tpu.memref_slice %arg16[%dma_start3A_410] : memref<2048xf32, #tpu.memory_space<vmem>> -> memref<512xf32, #tpu.memory_space<vmem>>
        %dma_start3A_412 = tpu.memref_slice %arg6[%add3A_409] : memref<263192xf32, #tpu.memory_space<vmem_shared>> -> memref<512xf32, #tpu.memory_space<vmem_shared>>
        %dma_start3A_413 = arith.constant 0 : i32
        %dma_start3A_414 = tpu.memref_slice %arg16[%dma_start3A_413] : memref<2048xf32, #tpu.memory_space<vmem>> -> memref<512xf32, #tpu.memory_space<vmem>>
        %dma_start3A_415 = tpu.memref_slice %arg6[%add3A_409] : memref<263192xf32, #tpu.memory_space<vmem_shared>> -> memref<512xf32, #tpu.memory_space<vmem_shared>>
        tpu.enqueue_dma source(%dma_start3A_415 : memref<512xf32, #tpu.memory_space<vmem_shared>>) target(%dma_start3A_414 : memref<512xf32, #tpu.memory_space<vmem>>) target_semaphore(%arg25 : memref<!tpu.dma_semaphore, #tpu.memory_space<semaphore_mem>>)
        %dma_start3A_416 = arith.constant 512 : i32
        %dma_start3A_417 = tpu.memref_slice %arg16[%dma_start3A_416] : memref<2048xf32, #tpu.memory_space<vmem>> -> memref<512xf32, #tpu.memory_space<vmem>>
        %dma_start3A_418 = tpu.memref_slice %arg7[%add3A_409] : memref<263192xf32, #tpu.memory_space<vmem_shared>> -> memref<512xf32, #tpu.memory_space<vmem_shared>>
        %dma_start3A_419 = arith.constant 512 : i32
        %dma_start3A_420 = tpu.memref_slice %arg16[%dma_start3A_419] : memref<2048xf32, #tpu.memory_space<vmem>> -> memref<512xf32, #tpu.memory_space<vmem>>
        %dma_start3A_421 = tpu.memref_slice %arg7[%add3A_409] : memref<263192xf32, #tpu.memory_space<vmem_shared>> -> memref<512xf32, #tpu.memory_space<vmem_shared>>
        tpu.enqueue_dma source(%dma_start3A_421 : memref<512xf32, #tpu.memory_space<vmem_shared>>) target(%dma_start3A_420 : memref<512xf32, #tpu.memory_space<vmem>>) target_semaphore(%arg25 : memref<!tpu.dma_semaphore, #tpu.memory_space<semaphore_mem>>)
        %mul3A_422 = arith.constant 2 : i32
        %mul3A_423 = arith.muli %mul3A_422, %scan3A_363 : i32
        %add3A_424 = arith.constant 1 : i32
        %add3A_425 = arith.addi %mul3A_423, %add3A_424 : i32
        %mul3A_426 = arith.constant 512 : i32
        %mul3A_427 = arith.muli %add3A_425, %mul3A_426 : i32
        %add3A_428 = arith.addi %mul3A_0, %mul3A_427 : i32
        %dma_wait3A_429 = arith.constant 0 : i32
        %dma_wait3A_430 = arith.constant 0 : i32
        %dma_wait3A_431 = tpu.memref_slice %arg2[%dma_wait3A_429, %dma_wait3A_430] : memref<192x262144xf32, #tpu.memory_space<hbm>> -> memref<1x1024xf32, #tpu.memory_space<hbm>>
        %dma_wait3A_432 = tpu.memref_squeeze %dma_wait3A_431 : memref<1x1024xf32, #tpu.memory_space<hbm>> -> memref<1024xf32, #tpu.memory_space<hbm>>
        %dma_wait3A_433 = arith.constant 0 : i32
        %dma_wait3A_434 = tpu.memref_slice %arg2[%dma_wait3A_429, %dma_wait3A_433] : memref<192x262144xf32, #tpu.memory_space<hbm>> -> memref<1x1024xf32, #tpu.memory_space<hbm>>
        %dma_wait3A_435 = tpu.memref_squeeze %dma_wait3A_434 : memref<1x1024xf32, #tpu.memory_space<hbm>> -> memref<1024xf32, #tpu.memory_space<hbm>>
        tpu.wait_dma2 semaphore(%arg26 : memref<!tpu.dma_semaphore, #tpu.memory_space<semaphore_mem>>) src(%dma_wait3A_435 : memref<1024xf32, #tpu.memory_space<hbm>>) dst(%arg13 : memref<1024xf32, #tpu.memory_space<vmem>>)
        %dma_wait3A_436 = arith.constant 512 : i32
        %dma_wait3A_437 = tpu.memref_slice %arg17[%dma_wait3A_436] : memref<2048xf32, #tpu.memory_space<vmem>> -> memref<512xf32, #tpu.memory_space<vmem>>
        %dma_wait3A_438 = tpu.memref_slice %arg5[%add3A, %add3A_428] : memref<192x262144xf32, #tpu.memory_space<hbm>> -> memref<1x512xf32, #tpu.memory_space<hbm>>
        %dma_wait3A_439 = tpu.memref_squeeze %dma_wait3A_438 : memref<1x512xf32, #tpu.memory_space<hbm>> -> memref<512xf32, #tpu.memory_space<hbm>>
        %dma_wait3A_440 = tpu.memref_slice %arg5[%add3A, %add3A_428] : memref<192x262144xf32, #tpu.memory_space<hbm>> -> memref<1x512xf32, #tpu.memory_space<hbm>>
        %dma_wait3A_441 = tpu.memref_squeeze %dma_wait3A_440 : memref<1x512xf32, #tpu.memory_space<hbm>> -> memref<512xf32, #tpu.memory_space<hbm>>
        %dma_wait3A_442 = arith.constant 512 : i32
        %dma_wait3A_443 = tpu.memref_slice %arg17[%dma_wait3A_442] : memref<2048xf32, #tpu.memory_space<vmem>> -> memref<512xf32, #tpu.memory_space<vmem>>
        tpu.wait_dma2 semaphore(%arg24 : memref<!tpu.dma_semaphore, #tpu.memory_space<semaphore_mem>>) src(%dma_wait3A_443 : memref<512xf32, #tpu.memory_space<vmem>>) dst(%dma_wait3A_441 : memref<512xf32, #tpu.memory_space<hbm>>)
        %parallel_loop3A_444 = arith.constant 0 : i32
        %parallel_loop3A_445 = arith.constant 32 : i32
        %parallel_loop3A_446 = arith.constant 1 : i32
        scf.for %parallel_loop3A_482 = %parallel_loop3A_444 to %parallel_loop3A_445 step %parallel_loop3A_446  : i32 {
          %parallel_loop3A_483 = arith.constant 16 : i32
          %parallel_loop3A_484 = arith.muli %parallel_loop3A_482, %parallel_loop3A_483 : i32
          %parallel_loop3A_485 = arith.constant 1024 : i32
          %parallel_loop3A_486 = arith.addi %parallel_loop3A_485, %parallel_loop3A_484 : i32
          %parallel_loop3A_487 = tpu.assume_multiple %parallel_loop3A_486, 16 : i32
          %parallel_loop3A_488 = arith.index_cast %parallel_loop3A_487 : i32 to index
          %parallel_loop3A_489 = tpu.vector_load %arg16[%parallel_loop3A_488] {strides = array<i32>} : memref<2048xf32, #tpu.memory_space<vmem>>, vector<16xf32>,
          %parallel_loop3A_490 = vector.shape_cast %parallel_loop3A_489 : vector<16xf32> to vector<16xf32>
          %parallel_loop3A_491 = arith.constant 16 : i32
          %parallel_loop3A_492 = arith.muli %parallel_loop3A_482, %parallel_loop3A_491 : i32
          %parallel_loop3A_493 = arith.constant 1536 : i32
          %parallel_loop3A_494 = arith.addi %parallel_loop3A_493, %parallel_loop3A_492 : i32
          %parallel_loop3A_495 = tpu.assume_multiple %parallel_loop3A_494, 16 : i32
          %parallel_loop3A_496 = arith.index_cast %parallel_loop3A_495 : i32 to index
          %parallel_loop3A_497 = tpu.vector_load %arg16[%parallel_loop3A_496] {strides = array<i32>} : memref<2048xf32, #tpu.memory_space<vmem>>, vector<16xf32>,
          %parallel_loop3A_498 = vector.shape_cast %parallel_loop3A_497 : vector<16xf32> to vector<16xf32>
          %parallel_loop3A_499 = arith.constant 1.000000e-07 : f32
          %parallel_loop3A_500 = vector.broadcast %parallel_loop3A_499 : f32 to vector<16xf32>
          %parallel_loop3A_501 = arith.addf %parallel_loop3A_498, %parallel_loop3A_500 : vector<16xf32>
          %parallel_loop3A_502 = arith.divf %parallel_loop3A_490, %parallel_loop3A_501 : vector<16xf32>
          %parallel_loop3A_503 = arith.constant 16 : i32
          %parallel_loop3A_504 = arith.muli %parallel_loop3A_482, %parallel_loop3A_503 : i32
          %parallel_loop3A_505 = arith.constant 512 : i32
          %parallel_loop3A_506 = arith.addi %parallel_loop3A_505, %parallel_loop3A_504 : i32
          %parallel_loop3A_507 = tpu.assume_multiple %parallel_loop3A_506, 16 : i32
          %parallel_loop3A_508 = arith.index_cast %parallel_loop3A_507 : i32 to index
          %parallel_loop3A_509 = tpu.vector_load %arg17[%parallel_loop3A_508] {strides = array<i32>} : memref<2048xf32, #tpu.memory_space<vmem>>, vector<16xf32>,
          %parallel_loop3A_510 = vector.shape_cast %parallel_loop3A_509 : vector<16xf32> to vector<16xf32>
          %parallel_loop3A_511 = vector.shape_cast %parallel_loop3A_502 : vector<16xf32> to vector<16xf32>
          tpu.vector_store %arg17[%parallel_loop3A_508], %parallel_loop3A_511 {strides = array<i32>} : memref<2048xf32, #tpu.memory_space<vmem>>, vector<16xf32>,
        } {sc.loop_unroll_factor = 8 : i64, sc.parallel_access}
        %dma_start3A_447 = arith.constant 512 : i32
        %dma_start3A_448 = tpu.memref_slice %arg17[%dma_start3A_447] : memref<2048xf32, #tpu.memory_space<vmem>> -> memref<512xf32, #tpu.memory_space<vmem>>
        %dma_start3A_449 = tpu.memref_slice %arg5[%add3A, %add3A_428] : memref<192x262144xf32, #tpu.memory_space<hbm>> -> memref<1x512xf32, #tpu.memory_space<hbm>>
        %dma_start3A_450 = tpu.memref_squeeze %dma_start3A_449 : memref<1x512xf32, #tpu.memory_space<hbm>> -> memref<512xf32, #tpu.memory_space<hbm>>
        %dma_start3A_451 = tpu.memref_slice %arg5[%add3A, %add3A_428] : memref<192x262144xf32, #tpu.memory_space<hbm>> -> memref<1x512xf32, #tpu.memory_space<hbm>>
        %dma_start3A_452 = tpu.memref_squeeze %dma_start3A_451 : memref<1x512xf32, #tpu.memory_space<hbm>> -> memref<512xf32, #tpu.memory_space<hbm>>
        %dma_start3A_453 = arith.constant 512 : i32
        %dma_start3A_454 = tpu.memref_slice %arg17[%dma_start3A_453] : memref<2048xf32, #tpu.memory_space<vmem>> -> memref<512xf32, #tpu.memory_space<vmem>>
        tpu.enqueue_dma source(%dma_start3A_454 : memref<512xf32, #tpu.memory_space<vmem>>) target(%dma_start3A_452 : memref<512xf32, #tpu.memory_space<hbm>>) target_semaphore(%arg24 : memref<!tpu.dma_semaphore, #tpu.memory_space<semaphore_mem>>)
        %add3A_455 = arith.constant 520 : i32
        %add3A_456 = arith.addi %add3A_455, %mul3A_0 : i32
        %mul3A_457 = arith.constant 512 : i32
        %mul3A_458 = arith.muli %add3A_425, %mul3A_457 : i32
        %add3A_459 = arith.addi %add3A_456, %mul3A_458 : i32
        %dma_start3A_460 = tpu.memref_slice %arg6[%add3A_459] : memref<263192xf32, #tpu.memory_space<vmem_shared>> -> memref<512xf32, #tpu.memory_space<vmem_shared>>
        %dma_start3A_461 = tpu.memref_slice %arg6[%add3A_459] : memref<263192xf32, #tpu.memory_space<vmem_shared>> -> memref<512xf32, #tpu.memory_space<vmem_shared>>
        tpu.enqueue_dma source(%arg18 : memref<512xf32, #tpu.memory_space<vmem>>) target(%dma_start3A_461 : memref<512xf32, #tpu.memory_space<vmem_shared>>) target_semaphore(%arg27 : memref<!tpu.dma_semaphore, #tpu.memory_space<semaphore_mem>>)
        %add3A_462 = arith.constant 2 : i32
        %add3A_463 = arith.addi %add3A_425, %add3A_462 : i32
        %add3A_464 = arith.constant 520 : i32
        %add3A_465 = arith.addi %add3A_464, %mul3A_0 : i32
        %mul3A_466 = arith.constant 512 : i32
        %mul3A_467 = arith.muli %add3A_463, %mul3A_466 : i32
        %add3A_468 = arith.addi %add3A_465, %mul3A_467 : i32
        %dma_start3A_469 = arith.constant 1024 : i32
        %dma_start3A_470 = tpu.memref_slice %arg16[%dma_start3A_469] : memref<2048xf32, #tpu.memory_space<vmem>> -> memref<512xf32, #tpu.memory_space<vmem>>
        %dma_start3A_471 = tpu.memref_slice %arg6[%add3A_468] : memref<263192xf32, #tpu.memory_space<vmem_shared>> -> memref<512xf32, #tpu.memory_space<vmem_shared>>
        %dma_start3A_472 = arith.constant 1024 : i32
        %dma_start3A_473 = tpu.memref_slice %arg16[%dma_start3A_472] : memref<2048xf32, #tpu.memory_space<vmem>> -> memref<512xf32, #tpu.memory_space<vmem>>
        %dma_start3A_474 = tpu.memref_slice %arg6[%add3A_468] : memref<263192xf32, #tpu.memory_space<vmem_shared>> -> memref<512xf32, #tpu.memory_space<vmem_shared>>
        tpu.enqueue_dma source(%dma_start3A_474 : memref<512xf32, #tpu.memory_space<vmem_shared>>) target(%dma_start3A_473 : memref<512xf32, #tpu.memory_space<vmem>>) target_semaphore(%arg26 : memref<!tpu.dma_semaphore, #tpu.memory_space<semaphore_mem>>)
        %dma_start3A_475 = arith.constant 1536 : i32
        %dma_start3A_476 = tpu.memref_slice %arg16[%dma_start3A_475] : memref<2048xf32, #tpu.memory_space<vmem>> -> memref<512xf32, #tpu.memory_space<vmem>>
        %dma_start3A_477 = tpu.memref_slice %arg7[%add3A_468] : memref<263192xf32, #tpu.memory_space<vmem_shared>> -> memref<512xf32, #tpu.memory_space<vmem_shared>>
        %dma_start3A_478 = arith.constant 1536 : i32
        %dma_start3A_479 = tpu.memref_slice %arg16[%dma_start3A_478] : memref<2048xf32, #tpu.memory_space<vmem>> -> memref<512xf32, #tpu.memory_space<vmem>>
        %dma_start3A_480 = tpu.memref_slice %arg7[%add3A_468] : memref<263192xf32, #tpu.memory_space<vmem_shared>> -> memref<512xf32, #tpu.memory_space<vmem_shared>>
        tpu.enqueue_dma source(%dma_start3A_480 : memref<512xf32, #tpu.memory_space<vmem_shared>>) target(%dma_start3A_479 : memref<512xf32, #tpu.memory_space<vmem>>) target_semaphore(%arg26 : memref<!tpu.dma_semaphore, #tpu.memory_space<semaphore_mem>>)
        %scan3A_481 = arith.constant 0 : i32
        scf.yield %scan3A_481 : i32
      }
      %scan3A_265 = arith.constant 14 : i32
      %add3A_266 = arith.constant 15360 : i32
      %add3A_267 = arith.addi %mul3A_0, %add3A_266 : i32
      %dma_wait3A_268 = arith.constant 0 : i32
      %dma_wait3A_269 = arith.constant 0 : i32
      %dma_wait3A_270 = tpu.memref_slice %arg2[%dma_wait3A_268, %dma_wait3A_269] : memref<192x262144xf32, #tpu.memory_space<hbm>> -> memref<1x1024xf32, #tpu.memory_space<hbm>>
      %dma_wait3A_271 = tpu.memref_squeeze %dma_wait3A_270 : memref<1x1024xf32, #tpu.memory_space<hbm>> -> memref<1024xf32, #tpu.memory_space<hbm>>
      %dma_wait3A_272 = arith.constant 0 : i32
      %dma_wait3A_273 = tpu.memref_slice %arg2[%dma_wait3A_268, %dma_wait3A_272] : memref<192x262144xf32, #tpu.memory_space<hbm>> -> memref<1x1024xf32, #tpu.memory_space<hbm>>
      %dma_wait3A_274 = tpu.memref_squeeze %dma_wait3A_273 : memref<1x1024xf32, #tpu.memory_space<hbm>> -> memref<1024xf32, #tpu.memory_space<hbm>>
      tpu.wait_dma2 semaphore(%arg25 : memref<!tpu.dma_semaphore, #tpu.memory_space<semaphore_mem>>) src(%dma_wait3A_274 : memref<1024xf32, #tpu.memory_space<hbm>>) dst(%arg13 : memref<1024xf32, #tpu.memory_space<vmem>>)
      %dma_wait3A_275 = arith.constant 0 : i32
      %dma_wait3A_276 = tpu.memref_slice %arg17[%dma_wait3A_275] : memref<2048xf32, #tpu.memory_space<vmem>> -> memref<512xf32, #tpu.memory_space<vmem>>
      %dma_wait3A_277 = tpu.memref_slice %arg5[%add3A, %add3A_267] : memref<192x262144xf32, #tpu.memory_space<hbm>> -> memref<1x512xf32, #tpu.memory_space<hbm>>
      %dma_wait3A_278 = tpu.memref_squeeze %dma_wait3A_277 : memref<1x512xf32, #tpu.memory_space<hbm>> -> memref<512xf32, #tpu.memory_space<hbm>>
      %dma_wait3A_279 = tpu.memref_slice %arg5[%add3A, %add3A_267] : memref<192x262144xf32, #tpu.memory_space<hbm>> -> memref<1x512xf32, #tpu.memory_space<hbm>>
      %dma_wait3A_280 = tpu.memref_squeeze %dma_wait3A_279 : memref<1x512xf32, #tpu.memory_space<hbm>> -> memref<512xf32, #tpu.memory_space<hbm>>
      %dma_wait3A_281 = arith.constant 0 : i32
      %dma_wait3A_282 = tpu.memref_slice %arg17[%dma_wait3A_281] : memref<2048xf32, #tpu.memory_space<vmem>> -> memref<512xf32, #tpu.memory_space<vmem>>
      tpu.wait_dma2 semaphore(%arg23 : memref<!tpu.dma_semaphore, #tpu.memory_space<semaphore_mem>>) src(%dma_wait3A_282 : memref<512xf32, #tpu.memory_space<vmem>>) dst(%dma_wait3A_280 : memref<512xf32, #tpu.memory_space<hbm>>)
      %parallel_loop3A_283 = arith.constant 0 : i32
      %parallel_loop3A_284 = arith.constant 32 : i32
      %parallel_loop3A_285 = arith.constant 1 : i32
      scf.for %parallel_loop3A_363 = %parallel_loop3A_283 to %parallel_loop3A_284 step %parallel_loop3A_285  : i32 {
        %parallel_loop3A_364 = arith.constant 16 : i32
        %parallel_loop3A_365 = arith.muli %parallel_loop3A_363, %parallel_loop3A_364 : i32
        %parallel_loop3A_366 = arith.constant 0 : i32
        %parallel_loop3A_367 = arith.addi %parallel_loop3A_366, %parallel_loop3A_365 : i32
        %parallel_loop3A_368 = tpu.assume_multiple %parallel_loop3A_367, 16 : i32
        %parallel_loop3A_369 = arith.index_cast %parallel_loop3A_368 : i32 to index
        %parallel_loop3A_370 = tpu.vector_load %arg16[%parallel_loop3A_369] {strides = array<i32>} : memref<2048xf32, #tpu.memory_space<vmem>>, vector<16xf32>,
        %parallel_loop3A_371 = vector.shape_cast %parallel_loop3A_370 : vector<16xf32> to vector<16xf32>
        %parallel_loop3A_372 = arith.constant 16 : i32
        %parallel_loop3A_373 = arith.muli %parallel_loop3A_363, %parallel_loop3A_372 : i32
        %parallel_loop3A_374 = arith.constant 512 : i32
        %parallel_loop3A_375 = arith.addi %parallel_loop3A_374, %parallel_loop3A_373 : i32
        %parallel_loop3A_376 = tpu.assume_multiple %parallel_loop3A_375, 16 : i32
        %parallel_loop3A_377 = arith.index_cast %parallel_loop3A_376 : i32 to index
        %parallel_loop3A_378 = tpu.vector_load %arg16[%parallel_loop3A_377] {strides = array<i32>} : memref<2048xf32, #tpu.memory_space<vmem>>, vector<16xf32>,
        %parallel_loop3A_379 = vector.shape_cast %parallel_loop3A_378 : vector<16xf32> to vector<16xf32>
        %parallel_loop3A_380 = arith.constant 1.000000e-07 : f32
        %parallel_loop3A_381 = vector.broadcast %parallel_loop3A_380 : f32 to vector<16xf32>
        %parallel_loop3A_382 = arith.addf %parallel_loop3A_379, %parallel_loop3A_381 : vector<16xf32>
        %parallel_loop3A_383 = arith.divf %parallel_loop3A_371, %parallel_loop3A_382 : vector<16xf32>
        %parallel_loop3A_384 = arith.constant 16 : i32
        %parallel_loop3A_385 = arith.muli %parallel_loop3A_363, %parallel_loop3A_384 : i32
        %parallel_loop3A_386 = arith.constant 0 : i32
        %parallel_loop3A_387 = arith.addi %parallel_loop3A_386, %parallel_loop3A_385 : i32
        %parallel_loop3A_388 = tpu.assume_multiple %parallel_loop3A_387, 16 : i32
        %parallel_loop3A_389 = arith.index_cast %parallel_loop3A_388 : i32 to index
        %parallel_loop3A_390 = tpu.vector_load %arg17[%parallel_loop3A_389] {strides = array<i32>} : memref<2048xf32, #tpu.memory_space<vmem>>, vector<16xf32>,
        %parallel_loop3A_391 = vector.shape_cast %parallel_loop3A_390 : vector<16xf32> to vector<16xf32>
        %parallel_loop3A_392 = vector.shape_cast %parallel_loop3A_383 : vector<16xf32> to vector<16xf32>
        tpu.vector_store %arg17[%parallel_loop3A_389], %parallel_loop3A_392 {strides = array<i32>} : memref<2048xf32, #tpu.memory_space<vmem>>, vector<16xf32>,
      } {sc.loop_unroll_factor = 8 : i64, sc.parallel_access}
      %dma_start3A_286 = arith.constant 0 : i32
      %dma_start3A_287 = tpu.memref_slice %arg17[%dma_start3A_286] : memref<2048xf32, #tpu.memory_space<vmem>> -> memref<512xf32, #tpu.memory_space<vmem>>
      %dma_start3A_288 = tpu.memref_slice %arg5[%add3A, %add3A_267] : memref<192x262144xf32, #tpu.memory_space<hbm>> -> memref<1x512xf32, #tpu.memory_space<hbm>>
      %dma_start3A_289 = tpu.memref_squeeze %dma_start3A_288 : memref<1x512xf32, #tpu.memory_space<hbm>> -> memref<512xf32, #tpu.memory_space<hbm>>
      %dma_start3A_290 = tpu.memref_slice %arg5[%add3A, %add3A_267] : memref<192x262144xf32, #tpu.memory_space<hbm>> -> memref<1x512xf32, #tpu.memory_space<hbm>>
      %dma_start3A_291 = tpu.memref_squeeze %dma_start3A_290 : memref<1x512xf32, #tpu.memory_space<hbm>> -> memref<512xf32, #tpu.memory_space<hbm>>
      %dma_start3A_292 = arith.constant 0 : i32
      %dma_start3A_293 = tpu.memref_slice %arg17[%dma_start3A_292] : memref<2048xf32, #tpu.memory_space<vmem>> -> memref<512xf32, #tpu.memory_space<vmem>>
      tpu.enqueue_dma source(%dma_start3A_293 : memref<512xf32, #tpu.memory_space<vmem>>) target(%dma_start3A_291 : memref<512xf32, #tpu.memory_space<hbm>>) target_semaphore(%arg23 : memref<!tpu.dma_semaphore, #tpu.memory_space<semaphore_mem>>)
      %add3A_294 = arith.constant 520 : i32
      %add3A_295 = arith.addi %add3A_294, %mul3A_0 : i32
      %add3A_296 = arith.constant 15360 : i32
      %add3A_297 = arith.addi %add3A_295, %add3A_296 : i32
      %dma_start3A_298 = tpu.memref_slice %arg6[%add3A_297] : memref<263192xf32, #tpu.memory_space<vmem_shared>> -> memref<512xf32, #tpu.memory_space<vmem_shared>>
      %dma_start3A_299 = tpu.memref_slice %arg6[%add3A_297] : memref<263192xf32, #tpu.memory_space<vmem_shared>> -> memref<512xf32, #tpu.memory_space<vmem_shared>>
      tpu.enqueue_dma source(%arg18 : memref<512xf32, #tpu.memory_space<vmem>>) target(%dma_start3A_299 : memref<512xf32, #tpu.memory_space<vmem_shared>>) target_semaphore(%arg27 : memref<!tpu.dma_semaphore, #tpu.memory_space<semaphore_mem>>)
      %add3A_300 = arith.constant 15872 : i32
      %add3A_301 = arith.addi %mul3A_0, %add3A_300 : i32
      %dma_wait3A_302 = arith.constant 0 : i32
      %dma_wait3A_303 = arith.constant 0 : i32
      %dma_wait3A_304 = tpu.memref_slice %arg2[%dma_wait3A_302, %dma_wait3A_303] : memref<192x262144xf32, #tpu.memory_space<hbm>> -> memref<1x1024xf32, #tpu.memory_space<hbm>>
      %dma_wait3A_305 = tpu.memref_squeeze %dma_wait3A_304 : memref<1x1024xf32, #tpu.memory_space<hbm>> -> memref<1024xf32, #tpu.memory_space<hbm>>
      %dma_wait3A_306 = arith.constant 0 : i32
      %dma_wait3A_307 = tpu.memref_slice %arg2[%dma_wait3A_302, %dma_wait3A_306] : memref<192x262144xf32, #tpu.memory_space<hbm>> -> memref<1x1024xf32, #tpu.memory_space<hbm>>
      %dma_wait3A_308 = tpu.memref_squeeze %dma_wait3A_307 : memref<1x1024xf32, #tpu.memory_space<hbm>> -> memref<1024xf32, #tpu.memory_space<hbm>>
      tpu.wait_dma2 semaphore(%arg26 : memref<!tpu.dma_semaphore, #tpu.memory_space<semaphore_mem>>) src(%dma_wait3A_308 : memref<1024xf32, #tpu.memory_space<hbm>>) dst(%arg13 : memref<1024xf32, #tpu.memory_space<vmem>>)
      %dma_wait3A_309 = arith.constant 512 : i32
      %dma_wait3A_310 = tpu.memref_slice %arg17[%dma_wait3A_309] : memref<2048xf32, #tpu.memory_space<vmem>> -> memref<512xf32, #tpu.memory_space<vmem>>
      %dma_wait3A_311 = tpu.memref_slice %arg5[%add3A, %add3A_301] : memref<192x262144xf32, #tpu.memory_space<hbm>> -> memref<1x512xf32, #tpu.memory_space<hbm>>
      %dma_wait3A_312 = tpu.memref_squeeze %dma_wait3A_311 : memref<1x512xf32, #tpu.memory_space<hbm>> -> memref<512xf32, #tpu.memory_space<hbm>>
      %dma_wait3A_313 = tpu.memref_slice %arg5[%add3A, %add3A_301] : memref<192x262144xf32, #tpu.memory_space<hbm>> -> memref<1x512xf32, #tpu.memory_space<hbm>>
      %dma_wait3A_314 = tpu.memref_squeeze %dma_wait3A_313 : memref<1x512xf32, #tpu.memory_space<hbm>> -> memref<512xf32, #tpu.memory_space<hbm>>
      %dma_wait3A_315 = arith.constant 512 : i32
      %dma_wait3A_316 = tpu.memref_slice %arg17[%dma_wait3A_315] : memref<2048xf32, #tpu.memory_space<vmem>> -> memref<512xf32, #tpu.memory_space<vmem>>
      tpu.wait_dma2 semaphore(%arg24 : memref<!tpu.dma_semaphore, #tpu.memory_space<semaphore_mem>>) src(%dma_wait3A_316 : memref<512xf32, #tpu.memory_space<vmem>>) dst(%dma_wait3A_314 : memref<512xf32, #tpu.memory_space<hbm>>)
      %parallel_loop3A_317 = arith.constant 0 : i32
      %parallel_loop3A_318 = arith.constant 32 : i32
      %parallel_loop3A_319 = arith.constant 1 : i32
      scf.for %parallel_loop3A_363 = %parallel_loop3A_317 to %parallel_loop3A_318 step %parallel_loop3A_319  : i32 {
        %parallel_loop3A_364 = arith.constant 16 : i32
        %parallel_loop3A_365 = arith.muli %parallel_loop3A_363, %parallel_loop3A_364 : i32
        %parallel_loop3A_366 = arith.constant 1024 : i32
        %parallel_loop3A_367 = arith.addi %parallel_loop3A_366, %parallel_loop3A_365 : i32
        %parallel_loop3A_368 = tpu.assume_multiple %parallel_loop3A_367, 16 : i32
        %parallel_loop3A_369 = arith.index_cast %parallel_loop3A_368 : i32 to index
        %parallel_loop3A_370 = tpu.vector_load %arg16[%parallel_loop3A_369] {strides = array<i32>} : memref<2048xf32, #tpu.memory_space<vmem>>, vector<16xf32>,
        %parallel_loop3A_371 = vector.shape_cast %parallel_loop3A_370 : vector<16xf32> to vector<16xf32>
        %parallel_loop3A_372 = arith.constant 16 : i32
        %parallel_loop3A_373 = arith.muli %parallel_loop3A_363, %parallel_loop3A_372 : i32
        %parallel_loop3A_374 = arith.constant 1536 : i32
        %parallel_loop3A_375 = arith.addi %parallel_loop3A_374, %parallel_loop3A_373 : i32
        %parallel_loop3A_376 = tpu.assume_multiple %parallel_loop3A_375, 16 : i32
        %parallel_loop3A_377 = arith.index_cast %parallel_loop3A_376 : i32 to index
        %parallel_loop3A_378 = tpu.vector_load %arg16[%parallel_loop3A_377] {strides = array<i32>} : memref<2048xf32, #tpu.memory_space<vmem>>, vector<16xf32>,
        %parallel_loop3A_379 = vector.shape_cast %parallel_loop3A_378 : vector<16xf32> to vector<16xf32>
        %parallel_loop3A_380 = arith.constant 1.000000e-07 : f32
        %parallel_loop3A_381 = vector.broadcast %parallel_loop3A_380 : f32 to vector<16xf32>
        %parallel_loop3A_382 = arith.addf %parallel_loop3A_379, %parallel_loop3A_381 : vector<16xf32>
        %parallel_loop3A_383 = arith.divf %parallel_loop3A_371, %parallel_loop3A_382 : vector<16xf32>
        %parallel_loop3A_384 = arith.constant 16 : i32
        %parallel_loop3A_385 = arith.muli %parallel_loop3A_363, %parallel_loop3A_384 : i32
        %parallel_loop3A_386 = arith.constant 512 : i32
        %parallel_loop3A_387 = arith.addi %parallel_loop3A_386, %parallel_loop3A_385 : i32
        %parallel_loop3A_388 = tpu.assume_multiple %parallel_loop3A_387, 16 : i32
        %parallel_loop3A_389 = arith.index_cast %parallel_loop3A_388 : i32 to index
        %parallel_loop3A_390 = tpu.vector_load %arg17[%parallel_loop3A_389] {strides = array<i32>} : memref<2048xf32, #tpu.memory_space<vmem>>, vector<16xf32>,
        %parallel_loop3A_391 = vector.shape_cast %parallel_loop3A_390 : vector<16xf32> to vector<16xf32>
        %parallel_loop3A_392 = vector.shape_cast %parallel_loop3A_383 : vector<16xf32> to vector<16xf32>
        tpu.vector_store %arg17[%parallel_loop3A_389], %parallel_loop3A_392 {strides = array<i32>} : memref<2048xf32, #tpu.memory_space<vmem>>, vector<16xf32>,
      } {sc.loop_unroll_factor = 8 : i64, sc.parallel_access}
      %dma_start3A_320 = arith.constant 512 : i32
      %dma_start3A_321 = tpu.memref_slice %arg17[%dma_start3A_320] : memref<2048xf32, #tpu.memory_space<vmem>> -> memref<512xf32, #tpu.memory_space<vmem>>
      %dma_start3A_322 = tpu.memref_slice %arg5[%add3A, %add3A_301] : memref<192x262144xf32, #tpu.memory_space<hbm>> -> memref<1x512xf32, #tpu.memory_space<hbm>>
      %dma_start3A_323 = tpu.memref_squeeze %dma_start3A_322 : memref<1x512xf32, #tpu.memory_space<hbm>> -> memref<512xf32, #tpu.memory_space<hbm>>
      %dma_start3A_324 = tpu.memref_slice %arg5[%add3A, %add3A_301] : memref<192x262144xf32, #tpu.memory_space<hbm>> -> memref<1x512xf32, #tpu.memory_space<hbm>>
      %dma_start3A_325 = tpu.memref_squeeze %dma_start3A_324 : memref<1x512xf32, #tpu.memory_space<hbm>> -> memref<512xf32, #tpu.memory_space<hbm>>
      %dma_start3A_326 = arith.constant 512 : i32
      %dma_start3A_327 = tpu.memref_slice %arg17[%dma_start3A_326] : memref<2048xf32, #tpu.memory_space<vmem>> -> memref<512xf32, #tpu.memory_space<vmem>>
      tpu.enqueue_dma source(%dma_start3A_327 : memref<512xf32, #tpu.memory_space<vmem>>) target(%dma_start3A_325 : memref<512xf32, #tpu.memory_space<hbm>>) target_semaphore(%arg24 : memref<!tpu.dma_semaphore, #tpu.memory_space<semaphore_mem>>)
      %add3A_328 = arith.constant 520 : i32
      %add3A_329 = arith.addi %add3A_328, %mul3A_0 : i32
      %add3A_330 = arith.constant 15872 : i32
      %add3A_331 = arith.addi %add3A_329, %add3A_330 : i32
      %dma_start3A_332 = tpu.memref_slice %arg6[%add3A_331] : memref<263192xf32, #tpu.memory_space<vmem_shared>> -> memref<512xf32, #tpu.memory_space<vmem_shared>>
      %dma_start3A_333 = tpu.memref_slice %arg6[%add3A_331] : memref<263192xf32, #tpu.memory_space<vmem_shared>> -> memref<512xf32, #tpu.memory_space<vmem_shared>>
      tpu.enqueue_dma source(%arg18 : memref<512xf32, #tpu.memory_space<vmem>>) target(%dma_start3A_333 : memref<512xf32, #tpu.memory_space<vmem_shared>>) target_semaphore(%arg27 : memref<!tpu.dma_semaphore, #tpu.memory_space<semaphore_mem>>)
      %add3A_334 = arith.constant 15360 : i32
      %add3A_335 = arith.addi %mul3A_0, %add3A_334 : i32
      %dma_wait3A_336 = arith.constant 0 : i32
      %dma_wait3A_337 = tpu.memref_slice %arg17[%dma_wait3A_336] : memref<2048xf32, #tpu.memory_space<vmem>> -> memref<512xf32, #tpu.memory_space<vmem>>
      %dma_wait3A_338 = tpu.memref_slice %arg5[%add3A, %add3A_335] : memref<192x262144xf32, #tpu.memory_space<hbm>> -> memref<1x512xf32, #tpu.memory_space<hbm>>
      %dma_wait3A_339 = tpu.memref_squeeze %dma_wait3A_338 : memref<1x512xf32, #tpu.memory_space<hbm>> -> memref<512xf32, #tpu.memory_space<hbm>>
      %dma_wait3A_340 = tpu.memref_slice %arg5[%add3A, %add3A_335] : memref<192x262144xf32, #tpu.memory_space<hbm>> -> memref<1x512xf32, #tpu.memory_space<hbm>>
      %dma_wait3A_341 = tpu.memref_squeeze %dma_wait3A_340 : memref<1x512xf32, #tpu.memory_space<hbm>> -> memref<512xf32, #tpu.memory_space<hbm>>
      %dma_wait3A_342 = arith.constant 0 : i32
      %dma_wait3A_343 = tpu.memref_slice %arg17[%dma_wait3A_342] : memref<2048xf32, #tpu.memory_space<vmem>> -> memref<512xf32, #tpu.memory_space<vmem>>
      tpu.wait_dma2 semaphore(%arg23 : memref<!tpu.dma_semaphore, #tpu.memory_space<semaphore_mem>>) src(%dma_wait3A_343 : memref<512xf32, #tpu.memory_space<vmem>>) dst(%dma_wait3A_341 : memref<512xf32, #tpu.memory_space<hbm>>)
      %add3A_344 = arith.constant 15872 : i32
      %add3A_345 = arith.addi %mul3A_0, %add3A_344 : i32
      %dma_wait3A_346 = arith.constant 512 : i32
      %dma_wait3A_347 = tpu.memref_slice %arg17[%dma_wait3A_346] : memref<2048xf32, #tpu.memory_space<vmem>> -> memref<512xf32, #tpu.memory_space<vmem>>
      %dma_wait3A_348 = tpu.memref_slice %arg5[%add3A, %add3A_345] : memref<192x262144xf32, #tpu.memory_space<hbm>> -> memref<1x512xf32, #tpu.memory_space<hbm>>
      %dma_wait3A_349 = tpu.memref_squeeze %dma_wait3A_348 : memref<1x512xf32, #tpu.memory_space<hbm>> -> memref<512xf32, #tpu.memory_space<hbm>>
      %dma_wait3A_350 = tpu.memref_slice %arg5[%add3A, %add3A_345] : memref<192x262144xf32, #tpu.memory_space<hbm>> -> memref<1x512xf32, #tpu.memory_space<hbm>>
      %dma_wait3A_351 = tpu.memref_squeeze %dma_wait3A_350 : memref<1x512xf32, #tpu.memory_space<hbm>> -> memref<512xf32, #tpu.memory_space<hbm>>
      %dma_wait3A_352 = arith.constant 512 : i32
      %dma_wait3A_353 = tpu.memref_slice %arg17[%dma_wait3A_352] : memref<2048xf32, #tpu.memory_space<vmem>> -> memref<512xf32, #tpu.memory_space<vmem>>
      tpu.wait_dma2 semaphore(%arg24 : memref<!tpu.dma_semaphore, #tpu.memory_space<semaphore_mem>>) src(%dma_wait3A_353 : memref<512xf32, #tpu.memory_space<vmem>>) dst(%dma_wait3A_351 : memref<512xf32, #tpu.memory_space<hbm>>)
      %dma_wait3A_354 = arith.constant 0 : i32
      %dma_wait3A_355 = arith.constant 0 : i32
      %dma_wait3A_356 = tpu.memref_slice %arg2[%dma_wait3A_354, %dma_wait3A_355] : memref<192x262144xf32, #tpu.memory_space<hbm>> -> memref<1x16384xf32, #tpu.memory_space<hbm>>
      %dma_wait3A_357 = tpu.memref_squeeze %dma_wait3A_356 : memref<1x16384xf32, #tpu.memory_space<hbm>> -> memref<16384xf32, #tpu.memory_space<hbm>>
      %dma_wait3A_358 = arith.constant 0 : i32
      %dma_wait3A_359 = tpu.memref_slice %arg2[%dma_wait3A_354, %dma_wait3A_358] : memref<192x262144xf32, #tpu.memory_space<hbm>> -> memref<1x16384xf32, #tpu.memory_space<hbm>>
      %dma_wait3A_360 = tpu.memref_squeeze %dma_wait3A_359 : memref<1x16384xf32, #tpu.memory_space<hbm>> -> memref<16384xf32, #tpu.memory_space<hbm>>
      tpu.wait_dma2 semaphore(%arg27 : memref<!tpu.dma_semaphore, #tpu.memory_space<semaphore_mem>>) src(%dma_wait3A_360 : memref<16384xf32, #tpu.memory_space<hbm>>) dst(%arg8 : memref<16384xi32, #tpu.memory_space<vmem>>)
      %barrier3A_361 = arith.constant 0 : index
      tpu.barrier barrier_id(%barrier3A_361)
      %scan3A_362 = arith.constant 0 : i32
      scf.yield %scan3A_362 : i32
    }
    %scan3A_53 = arith.constant 96 : i32
    return
  }
}

</mosaic_0001>

<sc_bundles>
// kernel: _softsplat_sc.3.cloned.1.call-start
scs
__scs_entry_jumppad:
0x0: {  	(pc) =	sbr.rel $0x88, $3  }
0x1: {  	(tag) =	ssettag $0x0;
	lr =	simm.s32 $0x1  }
0x2: {  	[smem:$0x3F9E] =	sst lr;
	_ =	strace $0xD0000000  }
0x3: {  	_ = 	snop  }
0x4: {  	_ = 	snop  }
0x5: {  	_ = 	snop  }
0x6: {  	_ = 	snop  }
0x7: {  	_ = 	snop  }
__scs_overlays_trampoline_lowered:
0x8: {  	[smem:$0x3FAD] =	sst s0  }
0x9: {  	[smem:$0x3FAE] =	sst s1  }
0xa: {  	[smem:$0x3FAF] =	sst s2  }
0xb: {  	[smem:$0x3FB0] =	sst s3  }
0xc: {  	[smem:$0x3FB1] =	sst s4  }
0xd: {  	[smem:$0x3FB2] =	sst s5  }
0xe: {  	[smem:$0x3FB3] =	sst s6  }
0xf: {  	[smem:$0x3FB4] =	sst s7  }
0x10: {  	[smem:$0x3FB5] =	sst s8  }
0x11: {  	[smem:$0x3FB6] =	sst s9;
	s0 =	simm.s32 @!p0 $0x0  }
0x12: {  	s1 =	sld [smem:$0x3F9C];
	s0 =	simm.s32 @p0 $0x1  }
0x13: {  	[smem:$0x3FB7] =	sst s0;
	s0 =	simm.s32 @!p1 $0x0  }
0x14: {  	s2 =	sld [smem:$0x3F9B];
	s0 =	simm.s32 @p1 $0x1  }
0x15: {  	[smem:$0x3FB8] =	sst s0;
	s0 =	simm.s32 @!p2 $0x0  }
0x16: {  	s3 =	sld [smem:$0x3FDB];
	s0 =	simm.s32 @p2 $0x1  }
0x17: {  	s4 =	simm.s32 $0x1BF5;
	[smem:$0x3FBA] =	sst s0  }
0x18: {  	s0 =	sld [smem:$0x3F9D];
	_ =	swait.ge [sflag:s4], $0x0  }
0x19: {  	s7 =	sld [smem:$0x3F9E]  }
0x1a: {  	s8 =	sadd.s32 $0xFFFFE003, lr  }
0x1b: {  	s9 =	sadd.s32 $0xFFFFFEF7, lr;
	s5 =	simm.s32 $0xFFFFFFFF;
	p2 =	slt.u32 s8, $0xFFFFF086  }
0x1c: {  	p1 =	slt.u32 s9, $0xF7A;
	s5 =	simm.s32 @!p2 $0x0  }
0x1d: {  	s5 =	simm.s32 @p1 $0x1;
	p0 =	seq.s32 s7, s2  }
0x1e: {  	s7 =	smul.u32 @!p0 $0xF7A, s2;
	p2 =	seq.s32 @!p0 s5, $0x0  }
0x1f: {  	s9 =	smul.u32 $0xF7A, s1;
	s8 =	simm.s32 @!p0 $0x1BF5;
	p2 =	por !p2, p0  }
0x20: {  	[sflag:s8] =	ssyncset.s32 @!p0 $0xFFFFF086;
	s6 =	sadd.s32 @!p0 s3, s7;
	s7 =	simm.s32 @!p0 $0x108  }
0x21: {  	s3 =	sadd.s32 s3, s9;
	s6 =	sadd.s32 @!p0 $0x88, s6;
	s7 =	simm.s32 @p2 $0x1082  }
0x22: {  	[simem:s7], [sflag:s8] =	dma.local @!p0 [hbm:s6], $0xF7A  }
0x23: {  	s9 =	sor.u32 $0xD0000000, s2;
	s6 =	simm.s32 $0x108;
	_ =	swait.ge @!p0 [sflag:s8], $0x0  }
0x24: {  	s3 =	sadd.s32 $0x88, s3;
	s6 =	simm.s32 @!p1 $0x1082;
	[sflag:s4] =	ssyncset.s32 $0xFFFFF086  }
0x25: {  	[simem:s6], [sflag:s4] =	dma.local [hbm:s3], $0xF7A  }
0x26: {  	[smem:$0x3F9E] =	sst s1;
	(tag) =	ssettag s2;
	_ =	strace s9  }
0x27: {  	s1 =	sld [smem:$0x3FAE]  }
0x28: {  	s2 =	sld [smem:$0x3FAF]  }
0x29: {  	s4 =	sld [smem:$0x3FB1]  }
0x2a: {  	p0 =	seq.s32 s5, $0x0;
	s5 =	sld [smem:$0x3FB2]  }
0x2b: {  	s6 =	sld [smem:$0x3FB3]  }
0x2c: {  	s7 =	sld [smem:$0x3FB4]  }
0x2d: {  	s3 =	simm.s32 $0x108;
	s8 =	sld [smem:$0x3FB5]  }
0x2e: {  	s3 =	simm.s32 @!p0 $0x1082;
	s9 =	sld [smem:$0x3FB6]  }
0x2f: {  	lr =	sadd.s32 s0, s3;
	s0 =	sld [smem:$0x3FAD]  }
0x30: {  	s3 =	sld [smem:$0x3FB0]  }
0x31: {  	[smem:$0x3FB9] =	sst s10  }
0x32: {  	s10 =	sld [smem:$0x3FB7];
	_ =	sdelay $0x3  }
0x33: {  	p0 =	seq.s32 s10, $0x1;
	s10 =	sld [smem:$0x3FB9];
	_ =	sdelay $0x3  }
0x34: {  	[smem:$0x3FB9] =	sst s10  }
0x35: {  	s10 =	sld [smem:$0x3FB8];
	_ =	sdelay $0x3  }
0x36: {  	p1 =	seq.s32 s10, $0x1;
	s10 =	sld [smem:$0x3FB9];
	_ =	sdelay $0x3  }
0x37: {  	[smem:$0x3FB9] =	sst s10  }
0x38: {  	s10 =	sld [smem:$0x3FBA]  }
0x39: {  	_ = 	snop;
	(pc) =	sbr.ind lr, $3  }
0x3a: {  	_ = 	snop  }
0x3b: {  	_ = 	snop  }
0x3c: {  	p2 =	seq.s32 s10, $0x1;
	s10 =	sld [smem:$0x3FB9]  }
0x3d: {  	_ =	shalt  }
0x3e: {  	_ =	shalt  }
0x3f: {  	_ =	shalt  }
0x40: {  	_ =	shalt  }
0x41: {  	_ =	shalt  }
0x42: {  	_ =	shalt  }
0x43: {  	_ =	shalt  }
0x44: {  	_ =	shalt  }
0x45: {  	_ =	shalt  }
0x46: {  	_ =	shalt  }
0x47: {  	_ =	shalt  }
0x48: {  	_ =	shalt  }
0x49: {  	_ =	shalt  }
0x4a: {  	_ =	shalt  }
0x4b: {  	_ =	shalt  }
0x4c: {  	_ =	shalt  }
0x4d: {  	_ =	shalt  }
0x4e: {  	_ =	shalt  }
0x4f: {  	_ =	shalt  }
0x50: {  	_ =	shalt  }
0x51: {  	_ =	shalt  }
0x52: {  	_ =	shalt  }
0x53: {  	_ =	shalt  }
0x54: {  	_ =	shalt  }
0x55: {  	_ =	shalt  }
0x56: {  	_ =	shalt  }
0x57: {  	_ =	shalt  }
0x58: {  	_ =	shalt  }
0x59: {  	_ =	shalt  }
0x5a: {  	_ =	shalt  }
0x5b: {  	_ =	shalt  }
0x5c: {  	_ =	shalt  }
0x5d: {  	_ =	shalt  }
0x5e: {  	_ =	shalt  }
0x5f: {  	_ =	shalt  }
0x60: {  	_ =	shalt  }
0x61: {  	_ =	shalt  }
0x62: {  	_ =	shalt  }
0x63: {  	_ =	shalt  }
0x64: {  	_ =	shalt  }
0x65: {  	_ =	shalt  }
0x66: {  	_ =	shalt  }
0x67: {  	_ =	shalt  }
0x68: {  	_ =	shalt  }
0x69: {  	_ =	shalt  }
0x6a: {  	_ =	shalt  }
0x6b: {  	_ =	shalt  }
0x6c: {  	_ =	shalt  }
0x6d: {  	_ =	shalt  }
0x6e: {  	_ =	shalt  }
0x6f: {  	_ =	shalt  }
0x70: {  	_ =	shalt  }
0x71: {  	_ =	shalt  }
0x72: {  	_ =	shalt  }
0x73: {  	_ =	shalt  }
0x74: {  	_ =	shalt  }
0x75: {  	_ =	shalt  }
0x76: {  	_ =	shalt  }
0x77: {  	_ =	shalt  }
0x78: {  	_ =	shalt  }
0x79: {  	_ =	shalt  }
0x7a: {  	_ =	shalt  }
0x7b: {  	_ =	shalt  }
0x7c: {  	_ =	shalt  }
0x7d: {  	_ =	shalt  }
0x7e: {  	_ =	shalt  }
0x7f: {  	_ =	shalt  }
0x80: {  	_ =	shalt  }
0x81: {  	_ =	shalt  }
0x82: {  	_ =	shalt  }
0x83: {  	_ =	shalt  }
0x84: {  	_ =	shalt  }
0x85: {  	_ =	shalt  }
0x86: {  	_ =	shalt  }
0x87: {  	_ =	shalt  }
.Lfunc_end0:
.L_simem_size_0:
called_computation_lowered:
.L_overlay_start_0:
0x88: {  	s2 =	sld [smem:$0x3FD9]  }
0x89: {  	s3 =	sld [smem:$0x3FFE];
	_ =	sdelay $0x1  }
0x8a: {  	s1 =	srdreg.scid  }
0x8b: {  	s0 =	sand.u32 $0x1, s1  }
0x8c: {  	s18 =	sshll.u32 s0, $0xA;
	s2 =	sadd.s32 s3, s2  }
0x8d: {  	s2 =	sadd.s32 s2, s18  }
0x8e: {  	[smem:$0x3FC5] =	sst s2  }
0x8f: {  	_ = 	snop  }
0x90: {  	s2 =	sld [smem:$0x3FC9]  }
0x91: {  	s19 =	sld [smem:$0x3FC8]  }
0x92: {  	s4 =	sld [smem:$0x3FC7]  }
0x93: {  	s5 =	sld [smem:$0x3FD0];
	(tm) =	ssettm $0x1  }
0x94: {  	s6 =	sld [smem:$0x3FFB];
	_ =	sdelay $0x3  }
0x95: {  	_ =	strace s6  }
0x96: {  	s6 =	sld [smem:$0x3FFC];
	_ =	sdelay $0x3  }
0x97: {  	_ =	strace s6  }
0x98: {  	s6 =	sld [smem:$0x3FFD];
	_ =	sdelay $0x3  }
0x99: {  	_ =	strace s6  }
0x9a: {  	_ =	strace $0x8FFFFFFF  }
0x9b: {  	s20 =	sld [smem:$0x3FDB];
	_ =	sdelay $0x1  }
0x9c: {  	s7 =	simm.s32 $_scs_section_size  }
0x9d: {  	s8 =	simm.s32 $_size__tile_overlayer_lowered;
	s9 =	simm.s32 $_tile_overlayer_lowered  }
0x9e: {  	s23 =	simm.s32 $0x1BFF;
	s22 =	sshll.u32 s9, $0x1;
	s6 =	sadd.s32 s7, s20  }
0x9f: {  	s10 =	simm.s32 $0x0;
	s21 =	sshll.u32 s8, $0x1;
	s8 =	sadd.s32 s22, s6  }
0xa0: {  	[timem:s10], [sflag:s23] =	dma.local [hbm:s8], s21  }
0xa1: {  	_ =	swait.ge [sflag:s23], s21  }
0xa2: {  	s7 =	ssub.s32 $0x0, s21;
	[sflag:s23] =	ssyncset.done $0x0  }
0xa3: {  	[sflag:s23] =	ssyncadd.s32 s7;
	_ =	sdelay $0x1  }
0xa4: {  	s24 =	simm.s32 $0x1B8B  }
0xa5: {  	_ =	swait.ge [sflag:s24], $0x1  }
0xa6: {  	[sflag:s24] =	ssyncset.done $0x0  }
0xa7: {  	s25 =	simm.s32 $0x1B8E;
	[sflag:s24] =	ssyncadd.s32 $0xFFFFFFFF  }
0xa8: {  	s26 =	simm.s32 $execute0_lowered;
	[smem:$0x3FD2] =	sst s25  }
0xa9: {  	s7 =	sshll.u32 s26, $0x1;
	_ =	strace $0x80000046;
	[dreg:$0x1] =	wrdreg $0xFFFFFFFF  }
0xaa: {  	s28 =	simm.s32 $_size_execute0_lowered;
	s6 =	sadd.s32 s6, s7;
	[dreg:$0x0] =	wrdreg $0x0  }
0xab: {  	s7 =	sshll.u32 s28, $0x1;
	[dreg:$0x2] =	wrdreg s6  }
0xac: {  	[dreg:$0x3] =	wrdreg s7  }
0xad: {  	[dreg:$0x4] =	wrdreg $0xC0  }
0xae: {  	_ =	task [dreg:s10], $0x5FFFF  }
0xaf: {  	[dreg:$0x1] =	wrdreg $0xFFFFFFFF  }
0xb0: {  	[dreg:$0x0] =	wrdreg $0x60  }
0xb1: {  	[dreg:$0x2] =	wrdreg s2  }
0xb2: {  	[dreg:$0x3] =	wrdreg s19  }
0xb3: {  	[dreg:$0x4] =	wrdreg s4  }
0xb4: {  	[dreg:$0x5] =	wrdreg s5  }
0xb5: {  	[dreg:$0x6] =	wrdreg $0x40480  }
0xb6: {  	[dreg:$0x7] =	wrdreg $0x0  }
0xb7: {  	[dreg:$0x8] =	wrdreg $0x9  }
0xb8: {  	_ =	task.clear_ibuf [dreg:s10], $0x9FFFF;
	_ =	strace $0x90000046  }
0xb9: {  	s29 =	simm.s32 $0x9;
	_ =	strace $0x80000048  }
0xba: {  	_ =	swait.ge [sflag:s29], $0x1  }
0xbb: {  	[sflag:s29] =	ssyncadd.s32 $0xFFFFFFFF  }
0xbc: {  	_ =	strace $0x90000048  }
0xbd: {  	_ =	sfence  }
0xbe: {  	s30 =	sld [smem:$0x0];
	_ =	sdelay $0x2  }
0xbf: {  	s31 =	sshll.u32 s1, $0xD;
	s1 =	sshrl.u32 s1, $0x2  }
0xc0: {  	s3 =	sand.u32 $0x4000, s31;
	s1 =	sadd.s32 s1, s30  }
0xc1: {  	s0 =	sor.u32 s3, s0;
	s1 =	sshll.u32 s1, $0x11  }
0xc2: {  	s0 =	sor.u32 s1, s0  }
0xc3: {  	s0 =	sadd.s32 $0x8F2B, s0  }
0xc4: {  	[sflag:s0] =	ssyncadd.remote.s32 $0x1  }
0xc5: {  	_ =	sfence.sel $0xFFFF  }
0xc6: {  	[dreg:$0x0] =	wrdreg $0xFFFFFFFF;
	(pc) =	sbr.abs _section_cstart, $3  }
0xc7: {  	[dreg:$0x1] =	wrdreg $0xFFFFFFFF  }
0xc8: {  	_ =	task.clear_ibuf [dreg:s10], $0x2FFFF;
	_ =	strace $0x9FFFFFFF  }
0xc9: {  	(tm) =	ssettm $0x7FFFFFFF  }
tec
execute0_lowered:
.L_overlay_start_1:
0x0: {  	(tag) =	ssettag $0x1  }
0x1: {  	s4 =	rddreg [dreg:$0x0]  }
0x2: {  	s5 =	rddreg [dreg:$0x3]  }
0x3: {  	s25 =	rddreg [dreg:$0x4];
	s0 =	srdreg.scid  }
0x4: {  	s6 =	rddreg [dreg:$0x5];
	s7 =	simm.s32 $0x0;
	s8 =	stileid.u32  }
0x5: {  	[smem:$0x7FF] =	sst s7;
	s9 =	sshll.u32 s8, $0xE;
	s8 =	sshll.u32 s8, $0x11  }
0x6: {  	s0 =	sand.u32 $0x1, s0;
	_ =	strace $0x80000047;
	[dreg:$0xe] =	wrdreg s8  }
0x7: {  	s26 =	sshll.u32 s0, $0x7;
	[dreg:$0x8] =	wrdreg s9  }
0x8: {  	s29 =	sshll.u32 s0, $0x8;
	[dreg:$0x9] =	wrdreg s26  }
0x9: {  	s10 =	sor.u32 $0x1000, s8;
	[dreg:$0xa] =	wrdreg s29  }
0xa: {  	s12 =	sor.u32 $0x2000, s8;
	[dreg:$0x10] =	wrdreg s10  }
0xb: {  	s1 =	ssub.s32 $0x2, s0;
	s18 =	sor.u32 $0x1E000, s8;
	[dreg:$0x11] =	wrdreg s12  }
0xc: {  	s3 =	sadd.s32 s9, s6;
	s20 =	sor.u32 $0x1F000, s8;
	[dreg:$0x18] =	wrdreg s18  }
0xd: {  	s0 =	smul.u32 $0x60, s0;
	s31 =	sadd.s32 $0x208, s3;
	[dreg:$0x19] =	wrdreg s20  }
0xe: {  	s13 =	sor.u32 $0x408, s9;
	[dreg:$0xd] =	wrdreg s31  }
0xf: {  	s14 =	sadd.s32 s13, s25;
	[dreg:$0xf] =	wrdreg s0  }
0x10: {  	s28 =	simm.s32 $0x400;
	s15 =	sadd.s32 $0x3E08, s3;
	[dreg:$0x14] =	wrdreg s14  }
0x11: {  	s11 =	sor.u32 $0x208, s9;
	s16 =	sadd.s32 $0x4008, s3;
	[dreg:$0x15] =	wrdreg s15  }
0x12: {  	s2 =	sshrl.u32 s1, $0x1;
	s26 =	sadd.s32 s4, s9;
	[dreg:$0x16] =	wrdreg s16  }
0x13: {  	s1 =	ssub.s32 s1, s2;
	s2 =	sor.u32 $0x80, s29;
	[smem:$0x7FC] =	sst s26  }
0x14: {  	s30 =	sadd.s32 s9, s25;
	s0 =	sadd.s32 s11, s25;
	[dreg:$0xb] =	wrdreg s2  }
0x15: {  	s19 =	sadd.s32 s11, s6;
	s31 =	sadd.s32 s5, s9;
	[dreg:$0x12] =	wrdreg s0  }
0x16: {  	s12 =	simm.s32 $0xA;
	s29 =	sadd.s32 s13, s6;
	[smem:$0x7FD] =	sst s31  }
0x17: {  	s3 =	simm.s32 $0x7;
	s15 =	sor.u32 $0x808, s9;
	[dreg:$0x13] =	wrdreg s29  }
0x18: {  	s4 =	simm.s32 $0x5;
	s2 =	sadd.s32 $0x208, s30;
	[dreg:$0x1d] =	wrdreg s15  }
0x19: {  	s26 =	simm.s32 $0x4;
	s17 =	smax.u32 s1, $0x1;
	[dreg:$0xc] =	wrdreg s2  }
0x1a: {  	s11 =	simm.s32 $0x8;
	s23 =	sadd.s32 s15, s6;
	[dreg:$0x17] =	wrdreg s17  }
0x1b: {  	s30 =	sor.u32 $0x608, s9;
	s24 =	sadd.s32 s15, s25;
	[dreg:$0x1e] =	wrdreg s23  }
0x1c: {  	s1 =	simm.s32 $0x80;
	s21 =	sadd.s32 s30, s6;
	[dreg:$0x1f] =	wrdreg s24  }
0x1d: {  	s22 =	sadd.s32 s30, s25;
	s23 =	simm.s32 $0x1D690;
	[dreg:$0x1a] =	wrdreg s30  }
0x1e: {  	s17 =	simm.s32 $0x1E490;
	s24 =	simm.s32 $0x3;
	[dreg:$0x1b] =	wrdreg s21  }
0x1f: {  	v0 =	vlaneseq.u32;
	v1 =	vimm.s32 $0x0;
	v2 =	vimm.f32 $0.0e+00;
	[dreg:$0x1c] =	wrdreg s22;
	s22 =	simm.s32 $0x1D490;
	s21 =	simm.s32 $0x6  }
.LBB2_1:
0x20: {  	[dreg:$0x7] =	wrdreg s7;
	s0 =	simm.s32 $0xC090  }
0x21: {  	s2 =	simm.s32 $0x80A0;
	s5 =	simm.s32 $0x180A0;
	s7 =	simm.s32 $0x10090  }
0x22: {  	s8 =	simm.s32 $0x14090;
	s9 =	rddreg [dreg:$0x8];
	s13 =	simm.s32 $0x0  }
.LBB2_2:
0x23: {  	s10 =	sshll.u32 s13, $0x9;
	s14 =	rddreg [dreg:$0x8]  }
0x24: {  	s14 =	sor.u32 s14, s10  }
0x25: {  	s16 =	rddreg [dreg:$0x9];
	s15 =	sshll.u32 s14, $0x1  }
0x26: {  	s15 =	sor.u32 s16, s15  }
0x27: {  	s20 =	rddreg [dreg:$0x2];
	s15 =	sshrl.u32 s15, $0x3  }
0x28: {  	s29 =	simm.s32 $0x100;
	s15 =	sadd.s32 s20, s15  }
0x29: {  	[tilespmem:s22], [sflag:$0xA] =	stream.strided.gather [hbm4b:s15+s1], $0x200, s29, s1, $0x38;
	[tilespmem:$0x1E690] =	vst v63  }
0x2a: {  	_ =	swait.ge [sflag:s12], $0x200  }
0x2b: {  	[sflag:s12] =	ssyncset.done $0x0  }
0x2c: {  	[sflag:s12] =	ssyncadd.s32 $0xFFFFFE00  }
0x2d: {  	v3 =	vld [tilespmem:$0x1D490];
	_ =	sdelay $0x4  }
0x2e: {  	v3 =	vmul.f32 $1.442695020e+00, v3;
	_ =	sdelay $0x1  }
0x2f: {  	(erf) = vpow2.f32 v3;
	_ =	sdelay $0x8  }
0x30: {  	v3 =	vpop (erf)  }
0x31: {  	[tilespmem:s10+$0x18090] =	vst v3  }
0x32: {  	v3 =	vld [tilespmem:$0x1D4A0];
	_ =	sdelay $0x4  }
0x33: {  	v3 =	vmul.f32 $1.442695020e+00, v3;
	_ =	sdelay $0x1  }
0x34: {  	(erf) = vpow2.f32 v3;
	_ =	sdelay $0x8  }
0x35: {  	v3 =	vpop (erf)  }
0x36: {  	[tilespmem:s10+$0x180A0] =	vst v3  }
0x37: {  	v3 =	vld [tilespmem:$0x1D4B0];
	_ =	sdelay $0x4  }
0x38: {  	v3 =	vmul.f32 $1.442695020e+00, v3;
	_ =	sdelay $0x1  }
0x39: {  	(erf) = vpow2.f32 v3;
	_ =	sdelay $0x8  }
0x3a: {  	v3 =	vpop (erf)  }
0x3b: {  	[tilespmem:s10+$0x180B0] =	vst v3  }
0x3c: {  	v3 =	vld [tilespmem:$0x1D4C0];
	_ =	sdelay $0x4  }
0x3d: {  	v3 =	vmul.f32 $1.442695020e+00, v3;
	_ =	sdelay $0x1  }
0x3e: {  	(erf) = vpow2.f32 v3;
	_ =	sdelay $0x8  }
0x3f: {  	v3 =	vpop (erf)  }
0x40: {  	[tilespmem:s10+$0x180C0] =	vst v3  }
0x41: {  	v3 =	vld [tilespmem:$0x1D4D0];
	_ =	sdelay $0x4  }
0x42: {  	v3 =	vmul.f32 $1.442695020e+00, v3;
	_ =	sdelay $0x1  }
0x43: {  	(erf) = vpow2.f32 v3;
	_ =	sdelay $0x8  }
0x44: {  	v3 =	vpop (erf)  }
0x45: {  	[tilespmem:s10+$0x180D0] =	vst v3  }
0x46: {  	v3 =	vld [tilespmem:$0x1D4E0];
	_ =	sdelay $0x4  }
0x47: {  	v3 =	vmul.f32 $1.442695020e+00, v3;
	_ =	sdelay $0x1  }
0x48: {  	(erf) = vpow2.f32 v3;
	_ =	sdelay $0x8  }
0x49: {  	v3 =	vpop (erf)  }
0x4a: {  	[tilespmem:s10+$0x180E0] =	vst v3  }
0x4b: {  	v3 =	vld [tilespmem:$0x1D4F0];
	_ =	sdelay $0x4  }
0x4c: {  	v3 =	vmul.f32 $1.442695020e+00, v3;
	_ =	sdelay $0x1  }
0x4d: {  	(erf) = vpow2.f32 v3;
	_ =	sdelay $0x8  }
0x4e: {  	v3 =	vpop (erf)  }
0x4f: {  	[tilespmem:s10+$0x180F0] =	vst v3  }
0x50: {  	v3 =	vld [tilespmem:$0x1D500];
	_ =	sdelay $0x4  }
0x51: {  	v3 =	vmul.f32 $1.442695020e+00, v3;
	_ =	sdelay $0x1  }
0x52: {  	(erf) = vpow2.f32 v3;
	_ =	sdelay $0x8  }
0x53: {  	v3 =	vpop (erf)  }
0x54: {  	[tilespmem:s10+$0x18100] =	vst v3  }
0x55: {  	v3 =	vld [tilespmem:$0x1D510];
	_ =	sdelay $0x4  }
0x56: {  	v3 =	vmul.f32 $1.442695020e+00, v3;
	_ =	sdelay $0x1  }
0x57: {  	(erf) = vpow2.f32 v3;
	_ =	sdelay $0x8  }
0x58: {  	v3 =	vpop (erf)  }
0x59: {  	[tilespmem:s10+$0x18110] =	vst v3  }
0x5a: {  	v3 =	vld [tilespmem:$0x1D520];
	_ =	sdelay $0x4  }
0x5b: {  	v3 =	vmul.f32 $1.442695020e+00, v3;
	_ =	sdelay $0x1  }
0x5c: {  	(erf) = vpow2.f32 v3;
	_ =	sdelay $0x8  }
0x5d: {  	v3 =	vpop (erf)  }
0x5e: {  	[tilespmem:s10+$0x18120] =	vst v3  }
0x5f: {  	v3 =	vld [tilespmem:$0x1D530];
	_ =	sdelay $0x4  }
0x60: {  	v3 =	vmul.f32 $1.442695020e+00, v3;
	_ =	sdelay $0x1  }
0x61: {  	(erf) = vpow2.f32 v3;
	_ =	sdelay $0x8  }
0x62: {  	v3 =	vpop (erf)  }
0x63: {  	[tilespmem:s10+$0x18130] =	vst v3  }
0x64: {  	v3 =	vld [tilespmem:$0x1D540];
	_ =	sdelay $0x4  }
0x65: {  	v3 =	vmul.f32 $1.442695020e+00, v3;
	_ =	sdelay $0x1  }
0x66: {  	(erf) = vpow2.f32 v3;
	_ =	sdelay $0x8  }
0x67: {  	v3 =	vpop (erf)  }
0x68: {  	[tilespmem:s10+$0x18140] =	vst v3  }
0x69: {  	v3 =	vld [tilespmem:$0x1D550];
	_ =	sdelay $0x4  }
0x6a: {  	v3 =	vmul.f32 $1.442695020e+00, v3;
	_ =	sdelay $0x1  }
0x6b: {  	(erf) = vpow2.f32 v3;
	_ =	sdelay $0x8  }
0x6c: {  	v3 =	vpop (erf)  }
0x6d: {  	[tilespmem:s10+$0x18150] =	vst v3  }
0x6e: {  	v3 =	vld [tilespmem:$0x1D560];
	_ =	sdelay $0x4  }
0x6f: {  	v3 =	vmul.f32 $1.442695020e+00, v3;
	_ =	sdelay $0x1  }
0x70: {  	(erf) = vpow2.f32 v3;
	_ =	sdelay $0x8  }
0x71: {  	v3 =	vpop (erf)  }
0x72: {  	[tilespmem:s10+$0x18160] =	vst v3  }
0x73: {  	v3 =	vld [tilespmem:$0x1D570];
	_ =	sdelay $0x4  }
0x74: {  	v3 =	vmul.f32 $1.442695020e+00, v3;
	_ =	sdelay $0x1  }
0x75: {  	(erf) = vpow2.f32 v3;
	_ =	sdelay $0x8  }
0x76: {  	v3 =	vpop (erf)  }
0x77: {  	[tilespmem:s10+$0x18170] =	vst v3  }
0x78: {  	v3 =	vld [tilespmem:$0x1D580];
	_ =	sdelay $0x4  }
0x79: {  	v3 =	vmul.f32 $1.442695020e+00, v3;
	_ =	sdelay $0x1  }
0x7a: {  	(erf) = vpow2.f32 v3;
	_ =	sdelay $0x8  }
0x7b: {  	v3 =	vpop (erf)  }
0x7c: {  	[tilespmem:s10+$0x18180] =	vst v3  }
0x7d: {  	v3 =	vld [tilespmem:$0x1D590];
	_ =	sdelay $0x4  }
0x7e: {  	v3 =	vmul.f32 $1.442695020e+00, v3;
	_ =	sdelay $0x1  }
0x7f: {  	(erf) = vpow2.f32 v3;
	_ =	sdelay $0x8  }
0x80: {  	v3 =	vpop (erf)  }
0x81: {  	[tilespmem:s10+$0x18190] =	vst v3  }
0x82: {  	v3 =	vld [tilespmem:$0x1D5A0];
	_ =	sdelay $0x4  }
0x83: {  	v3 =	vmul.f32 $1.442695020e+00, v3;
	_ =	sdelay $0x1  }
0x84: {  	(erf) = vpow2.f32 v3;
	_ =	sdelay $0x8  }
0x85: {  	v3 =	vpop (erf)  }
0x86: {  	[tilespmem:s10+$0x181A0] =	vst v3  }
0x87: {  	v3 =	vld [tilespmem:$0x1D5B0];
	_ =	sdelay $0x4  }
0x88: {  	v3 =	vmul.f32 $1.442695020e+00, v3;
	_ =	sdelay $0x1  }
0x89: {  	(erf) = vpow2.f32 v3;
	_ =	sdelay $0x8  }
0x8a: {  	v3 =	vpop (erf)  }
0x8b: {  	[tilespmem:s10+$0x181B0] =	vst v3  }
0x8c: {  	v3 =	vld [tilespmem:$0x1D5C0];
	_ =	sdelay $0x4  }
0x8d: {  	v3 =	vmul.f32 $1.442695020e+00, v3;
	_ =	sdelay $0x1  }
0x8e: {  	(erf) = vpow2.f32 v3;
	_ =	sdelay $0x8  }
0x8f: {  	v3 =	vpop (erf)  }
0x90: {  	[tilespmem:s10+$0x181C0] =	vst v3  }
0x91: {  	v3 =	vld [tilespmem:$0x1D5D0];
	_ =	sdelay $0x4  }
0x92: {  	v3 =	vmul.f32 $1.442695020e+00, v3;
	_ =	sdelay $0x1  }
0x93: {  	(erf) = vpow2.f32 v3;
	_ =	sdelay $0x8  }
0x94: {  	v3 =	vpop (erf)  }
0x95: {  	[tilespmem:s10+$0x181D0] =	vst v3  }
0x96: {  	v3 =	vld [tilespmem:$0x1D5E0];
	_ =	sdelay $0x4  }
0x97: {  	v3 =	vmul.f32 $1.442695020e+00, v3;
	_ =	sdelay $0x1  }
0x98: {  	(erf) = vpow2.f32 v3;
	_ =	sdelay $0x8  }
0x99: {  	v3 =	vpop (erf)  }
0x9a: {  	[tilespmem:s10+$0x181E0] =	vst v3  }
0x9b: {  	v3 =	vld [tilespmem:$0x1D5F0];
	_ =	sdelay $0x4  }
0x9c: {  	v3 =	vmul.f32 $1.442695020e+00, v3;
	_ =	sdelay $0x1  }
0x9d: {  	(erf) = vpow2.f32 v3;
	_ =	sdelay $0x8  }
0x9e: {  	v3 =	vpop (erf)  }
0x9f: {  	[tilespmem:s10+$0x181F0] =	vst v3  }
0xa0: {  	v3 =	vld [tilespmem:$0x1D600];
	_ =	sdelay $0x4  }
0xa1: {  	v3 =	vmul.f32 $1.442695020e+00, v3;
	_ =	sdelay $0x1  }
0xa2: {  	(erf) = vpow2.f32 v3;
	_ =	sdelay $0x8  }
0xa3: {  	v3 =	vpop (erf)  }
0xa4: {  	[tilespmem:s10+$0x18200] =	vst v3  }
0xa5: {  	v3 =	vld [tilespmem:$0x1D610];
	_ =	sdelay $0x4  }
0xa6: {  	v3 =	vmul.f32 $1.442695020e+00, v3;
	_ =	sdelay $0x1  }
0xa7: {  	(erf) = vpow2.f32 v3;
	_ =	sdelay $0x8  }
0xa8: {  	v3 =	vpop (erf)  }
0xa9: {  	[tilespmem:s10+$0x18210] =	vst v3  }
0xaa: {  	v3 =	vld [tilespmem:$0x1D620];
	_ =	sdelay $0x4  }
0xab: {  	v3 =	vmul.f32 $1.442695020e+00, v3;
	_ =	sdelay $0x1  }
0xac: {  	(erf) = vpow2.f32 v3;
	_ =	sdelay $0x8  }
0xad: {  	v3 =	vpop (erf)  }
0xae: {  	[tilespmem:s10+$0x18220] =	vst v3  }
0xaf: {  	v3 =	vld [tilespmem:$0x1D630];
	_ =	sdelay $0x4  }
0xb0: {  	v3 =	vmul.f32 $1.442695020e+00, v3;
	_ =	sdelay $0x1  }
0xb1: {  	(erf) = vpow2.f32 v3;
	_ =	sdelay $0x8  }
0xb2: {  	v3 =	vpop (erf)  }
0xb3: {  	[tilespmem:s10+$0x18230] =	vst v3  }
0xb4: {  	v3 =	vld [tilespmem:$0x1D640];
	_ =	sdelay $0x4  }
0xb5: {  	v3 =	vmul.f32 $1.442695020e+00, v3;
	_ =	sdelay $0x1  }
0xb6: {  	(erf) = vpow2.f32 v3;
	_ =	sdelay $0x8  }
0xb7: {  	v3 =	vpop (erf)  }
0xb8: {  	[tilespmem:s10+$0x18240] =	vst v3  }
0xb9: {  	v3 =	vld [tilespmem:$0x1D650];
	_ =	sdelay $0x4  }
0xba: {  	v3 =	vmul.f32 $1.442695020e+00, v3;
	_ =	sdelay $0x1  }
0xbb: {  	(erf) = vpow2.f32 v3;
	_ =	sdelay $0x8  }
0xbc: {  	v3 =	vpop (erf)  }
0xbd: {  	[tilespmem:s10+$0x18250] =	vst v3  }
0xbe: {  	v3 =	vld [tilespmem:$0x1D660];
	_ =	sdelay $0x4  }
0xbf: {  	v3 =	vmul.f32 $1.442695020e+00, v3;
	_ =	sdelay $0x1  }
0xc0: {  	(erf) = vpow2.f32 v3;
	_ =	sdelay $0x8  }
0xc1: {  	v3 =	vpop (erf)  }
0xc2: {  	[tilespmem:s10+$0x18260] =	vst v3  }
0xc3: {  	v3 =	vld [tilespmem:$0x1D670];
	_ =	sdelay $0x4  }
0xc4: {  	v3 =	vmul.f32 $1.442695020e+00, v3;
	_ =	sdelay $0x1  }
0xc5: {  	(erf) = vpow2.f32 v3;
	_ =	sdelay $0x8  }
0xc6: {  	v3 =	vpop (erf)  }
0xc7: {  	[tilespmem:s10+$0x18270] =	vst v3  }
0xc8: {  	v3 =	vld [tilespmem:$0x1D680];
	_ =	sdelay $0x4  }
0xc9: {  	v3 =	vmul.f32 $1.442695020e+00, v3;
	_ =	sdelay $0x1  }
0xca: {  	(erf) = vpow2.f32 v3;
	_ =	sdelay $0x6  }
0xcb: {  	s14 =	sshll.u32 s14, $0x2;
	s30 =	rddreg [dreg:$0xa]  }
0xcc: {  	s15 =	sor.u32 s30, s14  }
0xcd: {  	s15 =	sshrl.u32 s15, $0x3;
	s31 =	rddreg [dreg:$0x1];
	v3 =	vpop (erf)  }
0xce: {  	s20 =	simm.s32 $0x200;
	s18 =	sadd.s32 s31, s15;
	[tilespmem:s10+$0x18280] =	vst v3  }
0xcf: {  	[tilespmem:s22], [sflag:$0xA] =	stream.strided.gather [hbm4b:s18+s1], $0x200, s20, s1, $0x38;
	[tilespmem:$0x1E690] =	vst v63  }
0xd0: {  	_ =	swait.ge [sflag:s12], $0x200  }
0xd1: {  	s29 =	rddreg [dreg:$0xb]  }
0xd2: {  	s10 =	sor.u32 s29, s14  }
0xd3: {  	[sflag:s12] =	ssyncset.done $0x0;
	s10 =	sshrl.u32 s10, $0x3  }
0xd4: {  	[sflag:s12] =	ssyncadd.s32 $0xFFFFFE00;
	s10 =	sadd.s32 s31, s10  }
0xd5: {  	[tilespmem:s23], [sflag:$0xA] =	stream.strided.gather [hbm4b:s10+s1], $0x200, s20, s1, $0x38;
	[tilespmem:$0x1E690] =	vst v63  }
0xd6: {  	_ =	swait.ge [sflag:s12], $0x200  }
0xd7: {  	[sflag:s12] =	ssyncset.done $0x0  }
0xd8: {  	s15 =	simm.s32 $0x0;
	s14 =	simm.s32 $0x0;
	[sflag:s12] =	ssyncadd.s32 $0xFFFFFE00  }
0xd9: {  	s30 =	sand.u32 $0x1E0, s15;
	s31 =	sadd.s32 $0x0, s9;
	v3 =	vld [tilespmem:s14+$0x1D490]  }
0xda: {  	v4 =	vor.u32 s31, v0;
	v5 =	vld [tilespmem:s30+$0x1D690]  }
0xdb: {  	v6 =	vmov s31;
	v4 =	vand.u32 $0x1EF, v4  }
0xdc: {  	v6 =	vshrl.u32 v6, $0x9;
	v4 =	vcvt.s32.f32 v4  }
0xdd: {  	v6 =	vcvt.s32.f32 v6  }
0xde: {  	v3 =	vadd.f32 v4, v3  }
0xdf: {  	v4 =	vadd.f32 v6, v5  }
0xe0: {  	v3 =	vmax.f32 v3, $-2.000000000e+00  }
0xe1: {  	v8 =	vmin.f32 v3, $5.130000000e+02;
	v3 =	vmax.f32 v4, $-2.000000000e+00  }
0xe2: {  	v9 =	vmin.f32 v3, $5.130000000e+02;
	v3 =	vtrunc.f32 v8  }
0xe3: {  	v10 =	vcvt.f32.s32 v3;
	v3 =	vtrunc.f32 v9  }
0xe4: {  	v11 =	vcvt.f32.s32 v3  }
0xe5: {  	v12 =	vcvt.s32.f32 v10  }
0xe6: {  	v7 =	vmov s0;
	v5 =	vmov s2;
	v13 =	vcvt.s32.f32 v11  }
0xe7: {  	v6 =	vmov s7;
	v3 =	vmov s5;
	v14 =	vadd.f32 $-1.000000000e+00, v12  }
0xe8: {  	vm0 =	vlt.f32 v8, v12;
	v15 =	vadd.f32 $-1.000000000e+00, v13;
	vm1 =	vlt.f32 v9, v13  }
0xe9: {  	v16 =	vsel vm0, $0xFFFFFFFF, v1;
	v12 =	vsel vm0, v14, v12;
	v41 =	vsel vm1, $0xFFFFFFFF, v1  }
0xea: {  	v10 =	vadd.s32 v10, v16;
	v13 =	vsel vm1, v15, v13;
	v8 =	vsub.f32 v8, v12  }
0xeb: {  	v11 =	vadd.s32 v11, v41;
	v43 =	vadd.s32 $0x1, v10;
	v9 =	vsub.f32 v9, v13  }
0xec: {  	v4 =	vmov s8;
	v42 =	vld.idx.msk [tilespmem:v3+s14+$0xFFFFFFF0 ss:$0x1], $0xffff;
	v14 =	vshll.u32 v11, $0x9;
	v45 =	vor.u32 v11, v43  }
0xed: {  	v18 =	vor.u32 v10, v11;
	v44 =	vsub.f32 $1.000000000e+00, v8;
	v17 =	vsub.f32 $1.000000000e+00, v9  }
0xee: {  	v11 =	vadd.s32 $0x1, v11;
	v14 =	vadd.s32 v14, v10;
	vm6 =	vlt.u32 v18, $0x200  }
0xef: {  	vm7 =	vlt.u32 v45, $0x200;
	v14 =	vadd.s32 $0x208, v14;
	v15 =	vmul.f32 v17, v44  }
0xf0: {  	v19 =	vmul.f32 v9, v44;
	vm5 =	vgt.s32 v14, $0x0;
	v17 =	vmul.f32 v17, v8  }
0xf1: {  	v14 =	vnsel vm5, $0x0, v14;
	v8 =	vmul.f32 v9, v8;
	v9 =	vmul.f32 v15, v42  }
0xf2: {  	v10 =	vor.u32 v10, v11;
	v14 =	vmin.u32 v14, $0x4020F;
	v47 =	vmul.f32 v17, v42  }
0xf3: {  	v11 =	vor.u32 v43, v11;
	v46 =	vmul.f32 v19, v42;
	[tilespmem:v5+s14+$0xFFFFFFF0 ss:$0x1] =	vst.idx.msk $0xffff, v14;
	v9 =	vnsel vm6, $0x0, v9  }
0xf4: {  	vm8 =	vlt.u32 v10, $0x200;
	v8 =	vmul.f32 v8, v42;
	v48 =	vnsel vm7, $0x0, v47;
	[tilespmem:v7+s14+$0x0 ss:$0x1] =	vst.idx.msk $0xffff, v9  }
0xf5: {  	vm9 =	vlt.u32 v11, $0x200;
	v9 =	vnsel vm8, $0x0, v46;
	[tilespmem:v6+s14+$0x0 ss:$0x1] =	vst.idx.msk $0xffff, v48  }
0xf6: {  	v8 =	vnsel vm9, $0x0, v8;
	[tilespmem:v4+s14+$0x0 ss:$0x1] =	vst.idx.msk $0xffff, v9  }
0xf7: {  	[tilespmem:v3+s14+$0xFFFFFFF0 ss:$0x1] =	vst.idx.msk $0xffff, v8  }
0xf8: {  	s10 =	sadd.s32 $0x10, s31;
	v8 =	vld [tilespmem:s14+$0x1D4A0]  }
0xf9: {  	v9 =	vor.u32 s10, v0;
	v10 =	vld [tilespmem:s14+$0x1D6A0]  }
0xfa: {  	v11 =	vmov s10;
	v9 =	vand.u32 $0x1FF, v9  }
0xfb: {  	v11 =	vshrl.u32 v11, $0x9;
	v9 =	vcvt.s32.f32 v9  }
0xfc: {  	v11 =	vcvt.s32.f32 v11  }
0xfd: {  	v8 =	vadd.f32 v9, v8  }
0xfe: {  	v9 =	vadd.f32 v11, v10  }
0xff: {  	v8 =	vmax.f32 v8, $-2.000000000e+00  }
0x100: {  	v9 =	vmax.f32 v9, $-2.000000000e+00;
	v8 =	vmin.f32 v8, $5.130000000e+02  }
0x101: {  	v9 =	vmin.f32 v9, $5.130000000e+02;
	v10 =	vtrunc.f32 v8  }
0x102: {  	v11 =	vtrunc.f32 v9;
	v10 =	vcvt.f32.s32 v10  }
0x103: {  	v11 =	vcvt.f32.s32 v11  }
0x104: {  	v49 =	vcvt.s32.f32 v10  }
0x105: {  	v50 =	vcvt.s32.f32 v11  }
0x106: {  	vm10 =	vlt.f32 v8, v49;
	v51 =	vadd.f32 $-1.000000000e+00, v49  }
0x107: {  	vm11 =	vlt.f32 v9, v50;
	v53 =	vadd.f32 $-1.000000000e+00, v50;
	v52 =	vsel vm10, $0xFFFFFFFF, v1  }
0x108: {  	v54 =	vsel vm11, $0xFFFFFFFF, v1;
	v10 =	vadd.s32 v10, v52  }
0x109: {  	v12 =	vsel vm10, v51, v49;
	v11 =	vadd.s32 v11, v54;
	v13 =	vsel vm11, v53, v50  }
0x10a: {  	v8 =	vsub.f32 v8, v12;
	v9 =	vsub.f32 v9, v13;
	v56 =	vshll.u32 v11, $0x9  }
0x10b: {  	v55 =	vld.idx.msk [tilespmem:v3+s14+$0x0 ss:$0x1], $0xffff;
	v57 =	vadd.s32 $0x1, v11;
	v15 =	vor.u32 v10, v11;
	v61 =	vadd.s32 $0x1, v10  }
0x10c: {  	v12 =	vadd.s32 v56, v10;
	v59 =	vsub.f32 $1.000000000e+00, v8;
	v60 =	vsub.f32 $1.000000000e+00, v9  }
0x10d: {  	v58 =	vor.u32 v10, v57;
	vm13 =	vlt.u32 v15, $0x200;
	v11 =	vor.u32 v11, v61  }
0x10e: {  	v12 =	vadd.s32 $0x208, v12;
	v10 =	vmul.f32 v9, v8;
	v20 =	vmul.f32 v60, v59  }
0x10f: {  	vm12 =	vgt.s32 v12, $0x0;
	v18 =	vmul.f32 v60, v8;
	v9 =	vmul.f32 v9, v59  }
0x110: {  	v12 =	vnsel vm12, $0x0, v12;
	v8 =	vmul.f32 v10, v55;
	v62 =	vmul.f32 v20, v55  }
0x111: {  	v10 =	vmin.u32 v12, $0x4020F;
	v63 =	vmul.f32 v18, v55;
	v9 =	vmul.f32 v9, v55  }
0x112: {  	vm14 =	vlt.u32 v11, $0x200;
	vm15 =	vlt.u32 v58, $0x200;
	[tilespmem:v5+s14+$0x0 ss:$0x1] =	vst.idx.msk $0xffff, v10;
	v10 =	vnsel vm13, $0x0, v62  }
0x113: {  	s16 =	simm.s32 $0x0;
	s10 =	simm.s32 $0x0;
	v11 =	vor.u32 v61, v57;
	v9 =	vnsel vm15, $0x0, v9;
	[tilespmem:v7+s14+$0x10 ss:$0x1] =	vst.idx.msk $0xffff, v10;
	v10 =	vnsel vm14, $0x0, v63  }
.LBB2_3:
0x114: {  	s10 =	sadd.s32 $0x2, s10;
	[tilespmem:v6+s14+$0x10 ss:$0x1] =	vst.idx.msk $0xffff, v10;
	vm0 =	vlt.u32 v11, $0x200;
	s15 =	sadd.s32 $0x20, s15;
	s16 =	sadd.s32 $0x80, s16  }
0x115: {  	p0 =	slt.u32 s10, $0x1E;
	[tilespmem:v4+s14+$0x10 ss:$0x1] =	vst.idx.msk $0xffff, v9;
	v8 =	vnsel vm0, $0x0, v8  }
0x116: {  	s18 =	sand.u32 $0x1E0, s15;
	[tilespmem:v3+s14+$0x0 ss:$0x1] =	vst.idx.msk $0xffff, v8;
	s14 =	sshra.s32 s16, $0x2  }
0x117: {  	s20 =	sadd.s32 s15, s9;
	v8 =	vld [tilespmem:s14+$0x1D490]  }
0x118: {  	v9 =	vmov s20;
	v10 =	vor.u32 s20, v0;
	v11 =	vld [tilespmem:s18+$0x1D690];
	s18 =	sadd.s32 $0x10, s20  }
0x119: {  	v10 =	vand.u32 $0x1EF, v10;
	v9 =	vshrl.u32 v9, $0x9;
	v12 =	vor.u32 s18, v0  }
0x11a: {  	v10 =	vcvt.s32.f32 v10;
	v9 =	vcvt.s32.f32 v9;
	v12 =	vand.u32 $0x1FF, v12  }
0x11b: {  	v13 =	vmov s18  }
0x11c: {  	v8 =	vadd.f32 v10, v8;
	v10 =	vshrl.u32 v13, $0x9  }
0x11d: {  	v9 =	vadd.f32 v9, v11  }
0x11e: {  	v8 =	vmax.f32 v8, $-2.000000000e+00  }
0x11f: {  	v8 =	vmin.f32 v8, $5.130000000e+02;
	v9 =	vmax.f32 v9, $-2.000000000e+00  }
0x120: {  	v9 =	vmin.f32 v9, $5.130000000e+02;
	v11 =	vtrunc.f32 v8  }
0x121: {  	v11 =	vcvt.f32.s32 v11;
	v13 =	vtrunc.f32 v9  }
0x122: {  	v13 =	vcvt.f32.s32 v13  }
0x123: {  	v14 =	vcvt.s32.f32 v11  }
0x124: {  	v15 =	vcvt.s32.f32 v13  }
0x125: {  	vm0 =	vlt.f32 v8, v14;
	v16 =	vadd.f32 $-1.000000000e+00, v14  }
0x126: {  	v17 =	vsel vm0, $0xFFFFFFFF, v1;
	vm1 =	vlt.f32 v9, v15;
	v18 =	vadd.f32 $-1.000000000e+00, v15  }
0x127: {  	v11 =	vadd.s32 v11, v17;
	v14 =	vsel vm0, v16, v14;
	v16 =	vsel vm1, $0xFFFFFFFF, v1  }
0x128: {  	v17 =	vld.idx.msk [tilespmem:v3+s14+$0xFFFFFFF0 ss:$0x1], $0xffff;
	v13 =	vadd.s32 v13, v16;
	v15 =	vsel vm1, v18, v15;
	v8 =	vsub.f32 v8, v14  }
0x129: {  	v14 =	vadd.s32 $0x1, v11;
	v9 =	vsub.f32 v9, v15;
	v15 =	vshll.u32 v13, $0x9  }
0x12a: {  	v18 =	vor.u32 v13, v14;
	v16 =	vsub.f32 $1.000000000e+00, v8;
	v15 =	vadd.s32 v15, v11  }
0x12b: {  	v20 =	vor.u32 v11, v13;
	v19 =	vsub.f32 $1.000000000e+00, v9;
	v15 =	vadd.s32 $0x208, v15  }
0x12c: {  	vm1 =	vlt.u32 v20, $0x200;
	vm0 =	vgt.s32 v15, $0x0;
	v20 =	vmul.f32 v9, v16  }
0x12d: {  	v15 =	vnsel vm0, $0x0, v15;
	v16 =	vmul.f32 v19, v16;
	v19 =	vmul.f32 v19, v8  }
0x12e: {  	v8 =	vmul.f32 v9, v8;
	v15 =	vmin.u32 v15, $0x4020F;
	v20 =	vmul.f32 v20, v17  }
0x12f: {  	v9 =	vadd.s32 $0x1, v13;
	v13 =	vmul.f32 v16, v17;
	v16 =	vmul.f32 v19, v17  }
0x130: {  	vm0 =	vlt.u32 v18, $0x200;
	v11 =	vor.u32 v11, v9;
	v9 =	vor.u32 v14, v9  }
0x131: {  	[tilespmem:v5+s14+$0xFFFFFFF0 ss:$0x1] =	vst.idx.msk $0xffff, v15;
	v13 =	vnsel vm1, $0x0, v13;
	v14 =	vnsel vm0, $0x0, v16;
	vm0 =	vlt.u32 v11, $0x200  }
0x132: {  	v8 =	vmul.f32 v8, v17;
	[tilespmem:v7+s14+$0x0 ss:$0x1] =	vst.idx.msk $0xffff, v13;
	v11 =	vnsel vm0, $0x0, v20;
	vm0 =	vlt.u32 v9, $0x200  }
0x133: {  	[tilespmem:v6+s14+$0x0 ss:$0x1] =	vst.idx.msk $0xffff, v14  }
0x134: {  	v8 =	vnsel vm0, $0x0, v8;
	[tilespmem:v4+s14+$0x0 ss:$0x1] =	vst.idx.msk $0xffff, v11  }
0x135: {  	[tilespmem:v3+s14+$0xFFFFFFF0 ss:$0x1] =	vst.idx.msk $0xffff, v8  }
0x136: {  	v8 =	vld [tilespmem:s14+$0x1D4A0]  }
0x137: {  	v9 =	vld [tilespmem:s14+$0x1D6A0];
	_ =	sdelay $0x1  }
0x138: {  	v11 =	vcvt.s32.f32 v12  }
0x139: {  	v10 =	vcvt.s32.f32 v10  }
0x13a: {  	v8 =	vadd.f32 v11, v8  }
0x13b: {  	v9 =	vadd.f32 v10, v9  }
0x13c: {  	v8 =	vmax.f32 v8, $-2.000000000e+00  }
0x13d: {  	v8 =	vmin.f32 v8, $5.130000000e+02;
	v9 =	vmax.f32 v9, $-2.000000000e+00  }
0x13e: {  	v9 =	vmin.f32 v9, $5.130000000e+02;
	v10 =	vtrunc.f32 v8  }
0x13f: {  	v10 =	vcvt.f32.s32 v10;
	v11 =	vtrunc.f32 v9  }
0x140: {  	v11 =	vcvt.f32.s32 v11  }
0x141: {  	v12 =	vcvt.s32.f32 v10  }
0x142: {  	v13 =	vcvt.s32.f32 v11  }
0x143: {  	vm0 =	vlt.f32 v8, v12;
	v14 =	vadd.f32 $-1.000000000e+00, v12  }
0x144: {  	v15 =	vsel vm0, $0xFFFFFFFF, v1;
	vm1 =	vlt.f32 v9, v13;
	v16 =	vadd.f32 $-1.000000000e+00, v13  }
0x145: {  	v10 =	vadd.s32 v10, v15;
	v12 =	vsel vm0, v14, v12;
	v14 =	vsel vm1, $0xFFFFFFFF, v1  }
0x146: {  	v15 =	vld.idx.msk [tilespmem:v3+s14+$0x0 ss:$0x1], $0xffff;
	v11 =	vadd.s32 v11, v14;
	v13 =	vsel vm1, v16, v13;
	v8 =	vsub.f32 v8, v12  }
0x147: {  	v9 =	vsub.f32 v9, v13;
	v12 =	vadd.s32 $0x1, v11;
	v13 =	vshll.u32 v11, $0x9  }
0x148: {  	v14 =	vor.u32 v10, v11;
	v13 =	vadd.s32 v13, v10;
	v16 =	vor.u32 v10, v12  }
0x149: {  	v17 =	vsub.f32 $1.000000000e+00, v8;
	v18 =	vsub.f32 $1.000000000e+00, v9;
	v13 =	vadd.s32 $0x208, v13  }
0x14a: {  	v19 =	vadd.s32 $0x1, v10;
	v10 =	vmul.f32 v9, v8;
	vm0 =	vgt.s32 v13, $0x0  }
0x14b: {  	v13 =	vnsel vm0, $0x0, v13;
	v20 =	vmul.f32 v18, v17;
	v18 =	vmul.f32 v18, v8  }
.Ltmp0:
0x14c: {  	v9 =	vmul.f32 v9, v17;
	v8 =	vmul.f32 v10, v15;
	v13 =	vmin.u32 v13, $0x4020F;
	(pc) =	sbr.rel @p0 .LBB2_3-.Ltmp0, $4  }
0x14d: {  	[tilespmem:v5+s14+$0x0 ss:$0x1] =	vst.idx.msk $0xffff, v13;
	v10 =	vmul.f32 v20, v15;
	v13 =	vmul.f32 v18, v15  }
0x14e: {  	v11 =	vor.u32 v11, v19;
	vm0 =	vlt.u32 v14, $0x200;
	v9 =	vmul.f32 v9, v15  }
0x14f: {  	vm1 =	vlt.u32 v16, $0x200;
	v10 =	vnsel vm0, $0x0, v10;
	vm0 =	vlt.u32 v11, $0x200  }
0x150: {  	v9 =	vnsel vm1, $0x0, v9;
	v11 =	vor.u32 v19, v12;
	[tilespmem:v7+s14+$0x10 ss:$0x1] =	vst.idx.msk $0xffff, v10;
	v10 =	vnsel vm0, $0x0, v13  }
0x151: {  	s13 =	sadd.s32 $0x1, s13  }
0x152: {  	p0 =	sne.s32 s13, $0x20  }
.Ltmp1:
0x153: {  	_ = 	snop;
	(pc) =	sbr.rel @p0 .LBB2_2-.Ltmp1, $4  }
0x154: {  	_ = 	snop  }
0x155: {  	[tilespmem:v6+s14+$0x10 ss:$0x1] =	vst.idx.msk $0xffff, v10;
	vm0 =	vlt.u32 v11, $0x200  }
0x156: {  	s9 =	sadd.s32 $0x200, s9;
	s0 =	sadd.s32 $0x200, s0;
	s2 =	sadd.s32 $0x200, s2;
	[tilespmem:v4+s14+$0x10 ss:$0x1] =	vst.idx.msk $0xffff, v9;
	v63 =	vnsel vm0, $0x0, v8  }
0x157: {  	s5 =	sadd.s32 $0x200, s5;
	s7 =	sadd.s32 $0x200, s7;
	s8 =	sadd.s32 $0x200, s8;
	[tilespmem:v3+s14+$0x0 ss:$0x1] =	vst.idx.msk $0xffff, v63  }
0x158: {  	[tilespmem:$0x1E490] =	vst v2  }
0x159: {  	[tilespmem:$0x1E4A0] =	vst v2  }
0x15a: {  	[tilespmem:$0x1E4B0] =	vst v2  }
0x15b: {  	[tilespmem:$0x1E4C0] =	vst v2  }
0x15c: {  	[tilespmem:$0x1E4D0] =	vst v2  }
0x15d: {  	[tilespmem:$0x1E4E0] =	vst v2  }
0x15e: {  	[tilespmem:$0x1E4F0] =	vst v2  }
0x15f: {  	[tilespmem:$0x1E500] =	vst v2  }
0x160: {  	[tilespmem:$0x1E510] =	vst v2  }
0x161: {  	[tilespmem:$0x1E520] =	vst v2  }
0x162: {  	[tilespmem:$0x1E530] =	vst v2  }
0x163: {  	[tilespmem:$0x1E540] =	vst v2  }
0x164: {  	[tilespmem:$0x1E550] =	vst v2  }
0x165: {  	[tilespmem:$0x1E560] =	vst v2  }
0x166: {  	[tilespmem:$0x1E570] =	vst v2  }
0x167: {  	[tilespmem:$0x1E580] =	vst v2  }
0x168: {  	[tilespmem:$0x1E590] =	vst v2  }
0x169: {  	[tilespmem:$0x1E5A0] =	vst v2  }
0x16a: {  	[tilespmem:$0x1E5B0] =	vst v2  }
0x16b: {  	[tilespmem:$0x1E5C0] =	vst v2  }
0x16c: {  	[tilespmem:$0x1E5D0] =	vst v2  }
0x16d: {  	[tilespmem:$0x1E5E0] =	vst v2  }
0x16e: {  	[tilespmem:$0x1E5F0] =	vst v2  }
0x16f: {  	[tilespmem:$0x1E600] =	vst v2  }
0x170: {  	[tilespmem:$0x1E610] =	vst v2  }
0x171: {  	[tilespmem:$0x1E620] =	vst v2  }
0x172: {  	[tilespmem:$0x1E630] =	vst v2  }
0x173: {  	[tilespmem:$0x1E640] =	vst v2  }
0x174: {  	[tilespmem:$0x1E650] =	vst v2  }
0x175: {  	[tilespmem:$0x1E660] =	vst v2  }
0x176: {  	[tilespmem:$0x1E670] =	vst v2;
	s5 =	rddreg [dreg:$0xc]  }
0x177: {  	[tilespmem:$0x1E680] =	vst v2;
	s0 =	sadd.s32 $0x0, s5  }
0x178: {  	[spmem:s0] =	stream.linear.scatter [tilespmem:s17], [sflag:$0xA], $0x200, $0x38;
	[tilespmem:$0x1E690] =	vst v63  }
0x179: {  	s0 =	simm.s32 $0x800;
	_ =	swait.ge [sflag:s12], $0x200  }
.LBB2_6:
0x17a: {  	s2 =	sshra.s32 s0, $0x2;
	[sflag:s12] =	ssyncset.done $0x0;
	p0 =	sne.s32 s0, $0xF800  }
.Ltmp2:
0x17b: {  	s2 =	sadd.s32 s2, s5;
	[sflag:s12] =	ssyncadd.s32 $0xFFFFFE00;
	(pc) =	sbr.rel @p0 .LBB2_6-.Ltmp2, $3  }
0x17c: {  	[spmem:s2] =	stream.linear.scatter [tilespmem:s17], [sflag:$0xA], $0x200, $0x38;
	[tilespmem:$0x1E690] =	vst v63  }
0x17d: {  	s0 =	sadd.s32 $0x800, s0;
	_ =	sdelay $0x1  }
0x17e: {  	_ =	swait.ge [sflag:s12], $0x200  }
0x17f: {  	[sflag:s12] =	ssyncset.done $0x0;
	s5 =	rddreg [dreg:$0xd]  }
0x180: {  	[sflag:s12] =	ssyncadd.s32 $0xFFFFFE00;
	s0 =	sadd.s32 $0x0, s5  }
0x181: {  	[spmem:s0] =	stream.linear.scatter [tilespmem:s17], [sflag:$0xA], $0x200, $0x38;
	[tilespmem:$0x1E690] =	vst v63  }
0x182: {  	s14 =	simm.s32 $0x1DC90;
	s0 =	simm.s32 $0x800;
	_ =	swait.ge [sflag:s12], $0x200  }
.LBB2_8:
0x183: {  	s2 =	sshra.s32 s0, $0x2;
	[sflag:s12] =	ssyncset.done $0x0;
	p0 =	sne.s32 s0, $0xF800  }
.Ltmp3:
0x184: {  	s2 =	sadd.s32 s2, s5;
	[sflag:s12] =	ssyncadd.s32 $0xFFFFFE00;
	(pc) =	sbr.rel @p0 .LBB2_8-.Ltmp3, $3  }
0x185: {  	[spmem:s2] =	stream.linear.scatter [tilespmem:s17], [sflag:$0xA], $0x200, $0x38;
	[tilespmem:$0x1E690] =	vst v63  }
0x186: {  	s0 =	sadd.s32 $0x800, s0;
	_ =	sdelay $0x1  }
0x187: {  	_ =	swait.ge [sflag:s12], $0x200  }
0x188: {  	[sflag:s12] =	ssyncset.done $0x0  }
0x189: {  	[sflag:s12] =	ssyncadd.s32 $0xFFFFFE00  }
0x18a: {  	s5 =	simm.s32 $0x80D0;
	[bflag:$0x0] =	sbarrier.arrive $0xFFFF  }
0x18b: {  	v3 =	vld [tilespmem:s5+$0x30]  }
0x18c: {  	v4 =	vld [tilespmem:s5+$0xFFFFFFD0]  }
0x18d: {  	v5 =	vld [tilespmem:s5+$0xFFFFFFE0]  }
0x18e: {  	v6 =	vld [tilespmem:s5+$0xFFFFFFF0]  }
0x18f: {  	s0 =	simm.s32 $0x1C890;
	v7 =	vld [tilespmem:s5+$0x0]  }
0x190: {  	v10 =	vld [tilespmem:s5+$0xFFFFFFC0];
	[tilespmem:s0+$0xFFFFFC70] =	vst v3  }
0x191: {  	v8 =	vld [tilespmem:s5+$0x10];
	[tilespmem:s0+$0xFFFFFC10] =	vst v4  }
0x192: {  	s2 =	simm.s32 $0xC0D0;
	v11 =	vld [tilespmem:s5+$0x20];
	[tilespmem:s0+$0xFFFFFC20] =	vst v5  }
0x193: {  	[tilespmem:s0+$0xFFFFFC30] =	vst v6;
	v9 =	vld [tilespmem:s2+$0x30]  }
0x194: {  	[tilespmem:s0+$0xFFFFFC40] =	vst v7;
	v12 =	vld [tilespmem:s2+$0xFFFFFFD0]  }
0x195: {  	[tilespmem:s0+$0xFFFFFC00] =	vst v10;
	v13 =	vld [tilespmem:s2+$0xFFFFFFE0]  }
0x196: {  	[tilespmem:s0+$0xFFFFFC50] =	vst v8;
	v15 =	vld [tilespmem:s2+$0xFFFFFFC0]  }
0x197: {  	s5 =	simm.s32 $0x1D890;
	[tilespmem:s0+$0xFFFFFC60] =	vst v11;
	v37 =	vld [tilespmem:s2+$0xFFFFFFF0]  }
0x198: {  	v42 =	vld [tilespmem:s2+$0x0];
	[tilespmem:s5+$0xFFFFFC70] =	vst v9  }
0x199: {  	v44 =	vld [tilespmem:s2+$0x10];
	[tilespmem:s5+$0xFFFFFC10] =	vst v12  }
0x19a: {  	v45 =	vld [tilespmem:s2+$0x20];
	[tilespmem:s5+$0xFFFFFC20] =	vst v13  }
0x19b: {  	[tilespmem:s5+$0xFFFFFC00] =	vst v15  }
0x19c: {  	[tilespmem:s5+$0xFFFFFC30] =	vst v37  }
0x19d: {  	[tilespmem:s5+$0xFFFFFC40] =	vst v42  }
0x19e: {  	[tilespmem:s5+$0xFFFFFC50] =	vst v44  }
0x19f: {  	v36 =	vadd.s32 $0x1, v3;
	[tilespmem:s5+$0xFFFFFC60] =	vst v45  }
0x1a0: {  	s7 =	simm.s32 $0x100D0;
	v14 =	vadd.s32 $0x1, v4;
	[tilespmem:s0+$0xFFFFFE70] =	vst v36  }
0x1a1: {  	v39 =	vadd.s32 $0x1, v10;
	[tilespmem:s0+$0xFFFFFE10] =	vst v14;
	v9 =	vld [tilespmem:s7+$0x30]  }
0x1a2: {  	v41 =	vadd.s32 $0x1, v5;
	[tilespmem:s0+$0xFFFFFE00] =	vst v39  }
0x1a3: {  	v43 =	vadd.s32 $0x1, v6;
	[tilespmem:s0+$0xFFFFFE20] =	vst v41;
	v47 =	vld [tilespmem:s7+$0xFFFFFFC0]  }
0x1a4: {  	v48 =	vadd.s32 $0x1, v11;
	[tilespmem:s0+$0xFFFFFE30] =	vst v43;
	v49 =	vld [tilespmem:s7+$0xFFFFFFE0]  }
0x1a5: {  	[tilespmem:s0+$0xFFFFFE60] =	vst v48;
	v51 =	vld [tilespmem:s7+$0xFFFFFFF0]  }
0x1a6: {  	v38 =	vadd.s32 $0x200, v3;
	v56 =	vld [tilespmem:s7+$0x20];
	[tilespmem:s5+$0xFFFFFE70] =	vst v9  }
0x1a7: {  	s8 =	simm.s32 $0x140D0;
	[tilespmem:s0+$0x70] =	vst v38  }
0x1a8: {  	[tilespmem:s5+$0xFFFFFE00] =	vst v47;
	v40 =	vld [tilespmem:s8+$0x30]  }
0x1a9: {  	[tilespmem:s5+$0xFFFFFE20] =	vst v49  }
0x1aa: {  	[tilespmem:s5+$0xFFFFFE30] =	vst v51  }
0x1ab: {  	v53 =	vadd.s32 $0x200, v5;
	[tilespmem:s5+$0xFFFFFE60] =	vst v56  }
0x1ac: {  	[tilespmem:s0+$0x20] =	vst v53  }
0x1ad: {  	v3 =	vadd.s32 $0x201, v3;
	[tilespmem:s5+$0x70] =	vst v40  }
0x1ae: {  	[tilespmem:s0+$0x270] =	vst v3;
	v3 =	vadd.s32 $0x1, v7  }
0x1af: {  	v61 =	vld [tilespmem:s8+$0xFFFFFFE0];
	[tilespmem:s0+$0xFFFFFE40] =	vst v3;
	v3 =	vadd.s32 $0x1, v8  }
0x1b0: {  	v50 =	vadd.s32 $0x200, v10;
	[tilespmem:s0+$0xFFFFFE50] =	vst v3;
	v3 =	vld [tilespmem:s7+$0xFFFFFFD0]  }
0x1b1: {  	s9 =	simm.s32 $0x180D0;
	v55 =	vadd.s32 $0x200, v6;
	[tilespmem:s0+$0x0] =	vst v50  }
0x1b2: {  	v60 =	vadd.s32 $0x200, v11;
	[tilespmem:s0+$0x30] =	vst v55;
	v46 =	vld [tilespmem:s9+$0x30]  }
0x1b3: {  	[tilespmem:s0+$0x60] =	vst v60;
	v54 =	vld [tilespmem:s7+$0x10]  }
0x1b4: {  	[tilespmem:s5+$0x20] =	vst v61  }
0x1b5: {  	v52 =	vadd.s32 $0x200, v4;
	[tilespmem:s5+$0xFFFFFE10] =	vst v3;
	v3 =	vld [tilespmem:s7+$0x0]  }
0x1b6: {  	[tilespmem:s0+$0x10] =	vst v52  }
0x1b7: {  	[tilespmem:s5+$0x270] =	vst v46;
	v59 =	vld [tilespmem:s8+$0xFFFFFFD0]  }
0x1b8: {  	v58 =	vadd.s32 $0x200, v8;
	[tilespmem:s5+$0xFFFFFE50] =	vst v54  }
0x1b9: {  	[tilespmem:s0+$0x50] =	vst v58  }
0x1ba: {  	v57 =	vadd.s32 $0x200, v7;
	[tilespmem:s5+$0xFFFFFE40] =	vst v3;
	v3 =	vld [tilespmem:s8+$0xFFFFFFC0]  }
0x1bb: {  	[tilespmem:s0+$0x40] =	vst v57  }
0x1bc: {  	v4 =	vadd.s32 $0x201, v4;
	[tilespmem:s5+$0x10] =	vst v59;
	v62 =	vld [tilespmem:s8+$0x0]  }
0x1bd: {  	[tilespmem:s0+$0x210] =	vst v4;
	v4 =	vadd.s32 $0x201, v5;
	v5 =	vld [tilespmem:s8+$0x10]  }
0x1be: {  	[tilespmem:s0+$0x220] =	vst v4;
	v4 =	vadd.s32 $0x201, v6;
	v6 =	vld [tilespmem:s8+$0x20]  }
0x1bf: {  	v10 =	vadd.s32 $0x201, v10;
	[tilespmem:s5+$0x0] =	vst v3;
	v3 =	vld [tilespmem:s8+$0xFFFFFFF0]  }
0x1c0: {  	[tilespmem:s0+$0x200] =	vst v10  }
0x1c1: {  	[tilespmem:s5+$0x40] =	vst v62  }
0x1c2: {  	[tilespmem:s5+$0x50] =	vst v5  }
0x1c3: {  	[tilespmem:s5+$0x60] =	vst v6  }
0x1c4: {  	[tilespmem:s5+$0x30] =	vst v3;
	v3 =	vadd.s32 $0x201, v7;
	v7 =	vld [tilespmem:s9+$0xFFFFFFC0]  }
0x1c5: {  	[tilespmem:s0+$0x230] =	vst v4;
	v4 =	vadd.s32 $0x201, v8;
	v8 =	vld [tilespmem:s9+$0xFFFFFFD0]  }
0x1c6: {  	[tilespmem:s0+$0x240] =	vst v3;
	v3 =	vld [tilespmem:s9+$0xFFFFFFE0]  }
0x1c7: {  	v63 =	vadd.s32 $0x201, v11;
	[tilespmem:s0+$0x250] =	vst v4;
	v4 =	vld [tilespmem:s9+$0xFFFFFFF0]  }
0x1c8: {  	[tilespmem:s0+$0x260] =	vst v63;
	v5 =	vld [tilespmem:s9+$0x0]  }
0x1c9: {  	v6 =	vld [tilespmem:s9+$0x10];
	[tilespmem:s5+$0x200] =	vst v7  }
0x1ca: {  	s10 =	simm.s32 $0x0;
	s13 =	simm.s32 $0x8150;
	v7 =	vld [tilespmem:s9+$0x20];
	[tilespmem:s5+$0x210] =	vst v8  }
.LBB2_10:
0x1cb: {  	v9 =	vld [tilespmem:s13+$0x30];
	[tilespmem:s5+$0x220] =	vst v3  }
0x1cc: {  	v3 =	vld [tilespmem:s13+$0xFFFFFFD0];
	[tilespmem:s5+$0x230] =	vst v4  }
0x1cd: {  	v4 =	vld [tilespmem:s13+$0xFFFFFFE0];
	[tilespmem:s5+$0x240] =	vst v5  }
0x1ce: {  	s10 =	sadd.s32 $0x8, s10;
	v5 =	vld [tilespmem:s13+$0xFFFFFFF0];
	[tilespmem:s5+$0x250] =	vst v6  }
0x1cf: {  	s0 =	sadd.s32 $0x80, s0;
	p0 =	slt.u32 s10, $0x18;
	v6 =	vld [tilespmem:s13+$0x0];
	[tilespmem:s5+$0x260] =	vst v7  }
0x1d0: {  	s2 =	sadd.s32 $0x80, s2;
	v7 =	vld [tilespmem:s13+$0x10];
	[tilespmem:s0+$0xFFFFFC70] =	vst v9  }
0x1d1: {  	[tilespmem:s0+$0xFFFFFC10] =	vst v3;
	v10 =	vadd.s32 $0x1, v3;
	v11 =	vadd.s32 $0x200, v3;
	v3 =	vadd.s32 $0x201, v3;
	v8 =	vld [tilespmem:s2+$0x30]  }
0x1d2: {  	[tilespmem:s0+$0xFFFFFC20] =	vst v4;
	v12 =	vadd.s32 $0x1, v4;
	v13 =	vadd.s32 $0x200, v4;
	v4 =	vadd.s32 $0x201, v4;
	v14 =	vld [tilespmem:s13+$0x20]  }
0x1d3: {  	v15 =	vld [tilespmem:s13+$0xFFFFFFC0];
	[tilespmem:s0+$0xFFFFFC30] =	vst v5;
	v16 =	vadd.s32 $0x1, v5;
	v17 =	vadd.s32 $0x200, v5;
	v5 =	vadd.s32 $0x201, v5  }
0x1d4: {  	v18 =	vld [tilespmem:s2+$0xFFFFFFD0];
	[tilespmem:s0+$0xFFFFFC40] =	vst v6;
	v19 =	vadd.s32 $0x1, v6;
	v20 =	vadd.s32 $0x200, v6;
	v6 =	vadd.s32 $0x201, v6  }
0x1d5: {  	s5 =	sadd.s32 $0x80, s5;
	v21 =	vld [tilespmem:s2+$0xFFFFFFE0];
	[tilespmem:s0+$0xFFFFFC50] =	vst v7;
	v22 =	vadd.s32 $0x1, v7;
	v23 =	vadd.s32 $0x200, v7;
	v7 =	vadd.s32 $0x201, v7  }
0x1d6: {  	v25 =	vadd.s32 $0x1, v9;
	v24 =	vld [tilespmem:s2+$0xFFFFFFF0];
	[tilespmem:s5+$0xFFFFFC70] =	vst v8  }
0x1d7: {  	s7 =	sadd.s32 $0x80, s7;
	v26 =	vld [tilespmem:s2+$0x0];
	v27 =	vadd.s32 $0x1, v14;
	v28 =	vadd.s32 $0x200, v14;
	v8 =	vadd.s32 $0x201, v14;
	[tilespmem:s0+$0xFFFFFE70] =	vst v25  }
0x1d8: {  	[tilespmem:s0+$0xFFFFFC00] =	vst v15;
	v25 =	vadd.s32 $0x1, v15;
	v29 =	vadd.s32 $0x200, v15;
	v15 =	vadd.s32 $0x201, v15;
	v30 =	vld [tilespmem:s7+$0x30]  }
0x1d9: {  	v31 =	vld [tilespmem:s2+$0xFFFFFFC0];
	[tilespmem:s0+$0xFFFFFC60] =	vst v14  }
0x1da: {  	[tilespmem:s5+$0xFFFFFC10] =	vst v18;
	v14 =	vld [tilespmem:s2+$0x10]  }
0x1db: {  	[tilespmem:s0+$0xFFFFFE10] =	vst v10;
	v10 =	vld [tilespmem:s2+$0x20]  }
0x1dc: {  	v18 =	vld [tilespmem:s7+$0xFFFFFFD0];
	[tilespmem:s5+$0xFFFFFC20] =	vst v21  }
0x1dd: {  	v21 =	vadd.s32 $0x200, v9;
	[tilespmem:s5+$0xFFFFFE70] =	vst v30  }
0x1de: {  	s8 =	sadd.s32 $0x80, s8;
	[tilespmem:s0+$0x70] =	vst v21  }
0x1df: {  	[tilespmem:s5+$0xFFFFFC00] =	vst v31;
	v21 =	vld [tilespmem:s8+$0x30]  }
0x1e0: {  	[tilespmem:s0+$0xFFFFFE00] =	vst v25  }
0x1e1: {  	v25 =	vld [tilespmem:s7+$0xFFFFFFC0];
	[tilespmem:s0+$0xFFFFFE20] =	vst v12  }
0x1e2: {  	v12 =	vld [tilespmem:s7+$0xFFFFFFE0];
	[tilespmem:s5+$0xFFFFFC30] =	vst v24  }
0x1e3: {  	[tilespmem:s0+$0xFFFFFE30] =	vst v16  }
0x1e4: {  	v9 =	vadd.s32 $0x201, v9;
	v16 =	vld [tilespmem:s7+$0xFFFFFFF0];
	[tilespmem:s5+$0x70] =	vst v21  }
0x1e5: {  	s9 =	sadd.s32 $0x80, s9;
	[tilespmem:s0+$0x270] =	vst v9  }
0x1e6: {  	[tilespmem:s5+$0xFFFFFC40] =	vst v26;
	v9 =	vld [tilespmem:s9+$0x30]  }
0x1e7: {  	[tilespmem:s0+$0xFFFFFE40] =	vst v19  }
0x1e8: {  	v19 =	vld [tilespmem:s7+$0x0];
	[tilespmem:s5+$0xFFFFFC50] =	vst v14  }
0x1e9: {  	[tilespmem:s0+$0xFFFFFE50] =	vst v22  }
0x1ea: {  	v14 =	vld [tilespmem:s7+$0x10];
	[tilespmem:s5+$0xFFFFFC60] =	vst v10  }
0x1eb: {  	[tilespmem:s5+$0x270] =	vst v9  }
0x1ec: {  	[tilespmem:s0+$0xFFFFFE60] =	vst v27  }
0x1ed: {  	[tilespmem:s5+$0xFFFFFE00] =	vst v25;
	v9 =	vld [tilespmem:s7+$0x20]  }
0x1ee: {  	[tilespmem:s0+$0x0] =	vst v29  }
0x1ef: {  	v10 =	vld [tilespmem:s8+$0xFFFFFFC0];
	[tilespmem:s5+$0xFFFFFE10] =	vst v18  }
0x1f0: {  	[tilespmem:s0+$0x10] =	vst v11  }
0x1f1: {  	v11 =	vld [tilespmem:s8+$0xFFFFFFD0];
	[tilespmem:s5+$0xFFFFFE20] =	vst v12  }
0x1f2: {  	[tilespmem:s0+$0x20] =	vst v13  }
0x1f3: {  	v12 =	vld [tilespmem:s8+$0xFFFFFFE0];
	[tilespmem:s5+$0xFFFFFE30] =	vst v16  }
0x1f4: {  	[tilespmem:s0+$0x30] =	vst v17  }
0x1f5: {  	v13 =	vld [tilespmem:s8+$0xFFFFFFF0];
	[tilespmem:s5+$0xFFFFFE40] =	vst v19  }
0x1f6: {  	[tilespmem:s0+$0x40] =	vst v20  }
0x1f7: {  	v16 =	vld [tilespmem:s8+$0x0];
	[tilespmem:s5+$0xFFFFFE50] =	vst v14  }
0x1f8: {  	[tilespmem:s0+$0x50] =	vst v23  }
0x1f9: {  	v14 =	vld [tilespmem:s8+$0x10];
	[tilespmem:s5+$0xFFFFFE60] =	vst v9  }
0x1fa: {  	[tilespmem:s0+$0x60] =	vst v28  }
0x1fb: {  	[tilespmem:s5+$0x0] =	vst v10;
	v9 =	vld [tilespmem:s8+$0x20]  }
0x1fc: {  	[tilespmem:s0+$0x200] =	vst v15  }
0x1fd: {  	v10 =	vld [tilespmem:s9+$0xFFFFFFC0];
	[tilespmem:s5+$0x10] =	vst v11  }
0x1fe: {  	[tilespmem:s0+$0x210] =	vst v3  }
0x1ff: {  	v11 =	vld [tilespmem:s9+$0xFFFFFFD0];
	[tilespmem:s5+$0x20] =	vst v12  }
0x200: {  	[tilespmem:s0+$0x220] =	vst v4  }
0x201: {  	v3 =	vld [tilespmem:s9+$0xFFFFFFE0];
	[tilespmem:s5+$0x30] =	vst v13  }
0x202: {  	[tilespmem:s0+$0x230] =	vst v5  }
0x203: {  	v4 =	vld [tilespmem:s9+$0xFFFFFFF0];
	[tilespmem:s5+$0x40] =	vst v16  }
0x204: {  	[tilespmem:s0+$0x240] =	vst v6  }
0x205: {  	v5 =	vld [tilespmem:s9+$0x0];
	[tilespmem:s5+$0x50] =	vst v14  }
.Ltmp4:
0x206: {  	[tilespmem:s0+$0x250] =	vst v7;
	(pc) =	sbr.rel @p0 .LBB2_10-.Ltmp4, $4  }
0x207: {  	v6 =	vld [tilespmem:s9+$0x10];
	[tilespmem:s5+$0x60] =	vst v9  }
0x208: {  	[tilespmem:s0+$0x260] =	vst v8  }
0x209: {  	[tilespmem:s5+$0x200] =	vst v10;
	v7 =	vld [tilespmem:s9+$0x20]  }
0x20a: {  	s13 =	sadd.s32 $0x80, s13;
	[tilespmem:s5+$0x210] =	vst v11  }
0x20b: {  	[tilespmem:s5+$0x220] =	vst v3  }
0x20c: {  	[tilespmem:s5+$0x230] =	vst v4  }
0x20d: {  	[tilespmem:s5+$0x240] =	vst v5  }
0x20e: {  	[tilespmem:s5+$0x250] =	vst v6  }
0x20f: {  	s0 =	simm.s32 $0x800;
	s2 =	simm.s32 $0x1C490;
	s30 =	simm.s32 $0x8300;
	[tilespmem:s5+$0x260] =	vst v7  }
0x210: {  	[spmem:s25] =	stream.indirect.scatter.add.f32 [tilespmem:s22], [sflag:$0x3], $0x1, s2, s0, $0xb8;
	[tilespmem:$0x1E690] =	vst v63  }
0x211: {  	v3 =	vld [tilespmem:s30+$0x0]  }
0x212: {  	v4 =	vld [tilespmem:s30+$0xFFFFFFA0]  }
0x213: {  	v5 =	vld [tilespmem:s30+$0xFFFFFFB0]  }
0x214: {  	v6 =	vld [tilespmem:s30+$0xFFFFFFC0]  }
0x215: {  	s0 =	simm.s32 $0x1D090;
	v7 =	vld [tilespmem:s30+$0xFFFFFFD0]  }
0x216: {  	v10 =	vld [tilespmem:s30+$0xFFFFFF90];
	[tilespmem:s0+$0xFFFFFC70] =	vst v3  }
0x217: {  	v8 =	vld [tilespmem:s30+$0xFFFFFFE0];
	[tilespmem:s0+$0xFFFFFC10] =	vst v4  }
0x218: {  	s2 =	simm.s32 $0xC300;
	v11 =	vld [tilespmem:s30+$0xFFFFFFF0];
	[tilespmem:s0+$0xFFFFFC20] =	vst v5  }
0x219: {  	[tilespmem:s0+$0xFFFFFC30] =	vst v6;
	v9 =	vld [tilespmem:s2+$0x0]  }
0x21a: {  	[tilespmem:s0+$0xFFFFFC40] =	vst v7;
	v12 =	vld [tilespmem:s2+$0xFFFFFFA0]  }
0x21b: {  	[tilespmem:s0+$0xFFFFFC00] =	vst v10;
	v13 =	vld [tilespmem:s2+$0xFFFFFFB0]  }
0x21c: {  	[tilespmem:s0+$0xFFFFFC50] =	vst v8;
	v15 =	vld [tilespmem:s2+$0xFFFFFF90]  }
0x21d: {  	s5 =	simm.s32 $0x1E090;
	[tilespmem:s0+$0xFFFFFC60] =	vst v11;
	v37 =	vld [tilespmem:s2+$0xFFFFFFC0]  }
0x21e: {  	v42 =	vld [tilespmem:s2+$0xFFFFFFD0];
	[tilespmem:s5+$0xFFFFFC70] =	vst v9  }
0x21f: {  	v44 =	vld [tilespmem:s2+$0xFFFFFFE0];
	[tilespmem:s5+$0xFFFFFC10] =	vst v12  }
0x220: {  	v45 =	vld [tilespmem:s2+$0xFFFFFFF0];
	[tilespmem:s5+$0xFFFFFC20] =	vst v13  }
0x221: {  	[tilespmem:s5+$0xFFFFFC00] =	vst v15  }
0x222: {  	[tilespmem:s5+$0xFFFFFC30] =	vst v37  }
0x223: {  	[tilespmem:s5+$0xFFFFFC40] =	vst v42  }
0x224: {  	[tilespmem:s5+$0xFFFFFC50] =	vst v44  }
0x225: {  	v36 =	vadd.s32 $0x1, v3;
	[tilespmem:s5+$0xFFFFFC60] =	vst v45  }
0x226: {  	s7 =	simm.s32 $0x10300;
	v14 =	vadd.s32 $0x1, v4;
	[tilespmem:s0+$0xFFFFFE70] =	vst v36  }
0x227: {  	v39 =	vadd.s32 $0x1, v10;
	[tilespmem:s0+$0xFFFFFE10] =	vst v14;
	v9 =	vld [tilespmem:s7+$0x0]  }
0x228: {  	v41 =	vadd.s32 $0x1, v5;
	[tilespmem:s0+$0xFFFFFE00] =	vst v39  }
0x229: {  	v43 =	vadd.s32 $0x1, v6;
	[tilespmem:s0+$0xFFFFFE20] =	vst v41;
	v47 =	vld [tilespmem:s7+$0xFFFFFF90]  }
0x22a: {  	v48 =	vadd.s32 $0x1, v11;
	[tilespmem:s0+$0xFFFFFE30] =	vst v43;
	v49 =	vld [tilespmem:s7+$0xFFFFFFB0]  }
0x22b: {  	[tilespmem:s0+$0xFFFFFE60] =	vst v48;
	v51 =	vld [tilespmem:s7+$0xFFFFFFC0]  }
0x22c: {  	v38 =	vadd.s32 $0x200, v3;
	v56 =	vld [tilespmem:s7+$0xFFFFFFF0];
	[tilespmem:s5+$0xFFFFFE70] =	vst v9  }
0x22d: {  	s8 =	simm.s32 $0x14300;
	[tilespmem:s0+$0x70] =	vst v38  }
0x22e: {  	[tilespmem:s5+$0xFFFFFE00] =	vst v47;
	v40 =	vld [tilespmem:s8+$0x0]  }
0x22f: {  	[tilespmem:s5+$0xFFFFFE20] =	vst v49  }
0x230: {  	[tilespmem:s5+$0xFFFFFE30] =	vst v51  }
0x231: {  	v53 =	vadd.s32 $0x200, v5;
	[tilespmem:s5+$0xFFFFFE60] =	vst v56  }
0x232: {  	[tilespmem:s0+$0x20] =	vst v53  }
0x233: {  	v3 =	vadd.s32 $0x201, v3;
	[tilespmem:s5+$0x70] =	vst v40  }
0x234: {  	[tilespmem:s0+$0x270] =	vst v3;
	v3 =	vadd.s32 $0x1, v7  }
0x235: {  	v61 =	vld [tilespmem:s8+$0xFFFFFFB0];
	[tilespmem:s0+$0xFFFFFE40] =	vst v3;
	v3 =	vadd.s32 $0x1, v8  }
0x236: {  	v50 =	vadd.s32 $0x200, v10;
	[tilespmem:s0+$0xFFFFFE50] =	vst v3;
	v3 =	vld [tilespmem:s7+$0xFFFFFFA0]  }
0x237: {  	s9 =	simm.s32 $0x18300;
	v55 =	vadd.s32 $0x200, v6;
	[tilespmem:s0+$0x0] =	vst v50  }
0x238: {  	v60 =	vadd.s32 $0x200, v11;
	[tilespmem:s0+$0x30] =	vst v55;
	v46 =	vld [tilespmem:s9+$0x0]  }
0x239: {  	[tilespmem:s0+$0x60] =	vst v60;
	v54 =	vld [tilespmem:s7+$0xFFFFFFE0]  }
0x23a: {  	[tilespmem:s5+$0x20] =	vst v61  }
0x23b: {  	v52 =	vadd.s32 $0x200, v4;
	[tilespmem:s5+$0xFFFFFE10] =	vst v3;
	v3 =	vld [tilespmem:s7+$0xFFFFFFD0]  }
0x23c: {  	[tilespmem:s0+$0x10] =	vst v52  }
0x23d: {  	[tilespmem:s5+$0x270] =	vst v46;
	v59 =	vld [tilespmem:s8+$0xFFFFFFA0]  }
0x23e: {  	v58 =	vadd.s32 $0x200, v8;
	[tilespmem:s5+$0xFFFFFE50] =	vst v54  }
0x23f: {  	[tilespmem:s0+$0x50] =	vst v58  }
0x240: {  	v57 =	vadd.s32 $0x200, v7;
	[tilespmem:s5+$0xFFFFFE40] =	vst v3;
	v3 =	vld [tilespmem:s8+$0xFFFFFF90]  }
0x241: {  	[tilespmem:s0+$0x40] =	vst v57  }
0x242: {  	v4 =	vadd.s32 $0x201, v4;
	[tilespmem:s5+$0x10] =	vst v59;
	v62 =	vld [tilespmem:s8+$0xFFFFFFD0]  }
0x243: {  	[tilespmem:s0+$0x210] =	vst v4;
	v4 =	vadd.s32 $0x201, v5;
	v5 =	vld [tilespmem:s8+$0xFFFFFFE0]  }
0x244: {  	[tilespmem:s0+$0x220] =	vst v4;
	v4 =	vadd.s32 $0x201, v6;
	v6 =	vld [tilespmem:s8+$0xFFFFFFF0]  }
0x245: {  	v10 =	vadd.s32 $0x201, v10;
	[tilespmem:s5+$0x0] =	vst v3;
	v3 =	vld [tilespmem:s8+$0xFFFFFFC0]  }
0x246: {  	[tilespmem:s0+$0x200] =	vst v10  }
0x247: {  	[tilespmem:s5+$0x40] =	vst v62  }
0x248: {  	[tilespmem:s5+$0x50] =	vst v5  }
0x249: {  	[tilespmem:s5+$0x60] =	vst v6  }
0x24a: {  	[tilespmem:s5+$0x30] =	vst v3;
	v3 =	vadd.s32 $0x201, v7;
	v7 =	vld [tilespmem:s9+$0xFFFFFF90]  }
0x24b: {  	[tilespmem:s0+$0x230] =	vst v4;
	v4 =	vadd.s32 $0x201, v8;
	v8 =	vld [tilespmem:s9+$0xFFFFFFA0]  }
0x24c: {  	[tilespmem:s0+$0x240] =	vst v3;
	v3 =	vld [tilespmem:s9+$0xFFFFFFB0]  }
0x24d: {  	v63 =	vadd.s32 $0x201, v11;
	[tilespmem:s0+$0x250] =	vst v4;
	v4 =	vld [tilespmem:s9+$0xFFFFFFC0]  }
0x24e: {  	[tilespmem:s0+$0x260] =	vst v63;
	v5 =	vld [tilespmem:s9+$0xFFFFFFD0]  }
0x24f: {  	v6 =	vld [tilespmem:s9+$0xFFFFFFE0];
	[tilespmem:s5+$0x200] =	vst v7  }
0x250: {  	s31 =	simm.s32 $0x1D490;
	s10 =	simm.s32 $0x0;
	s13 =	simm.s32 $0x8380;
	v7 =	vld [tilespmem:s9+$0xFFFFFFF0];
	[tilespmem:s5+$0x210] =	vst v8  }
.LBB2_12:
0x251: {  	v9 =	vld [tilespmem:s13+$0x0];
	[tilespmem:s5+$0x220] =	vst v3  }
0x252: {  	v3 =	vld [tilespmem:s13+$0xFFFFFFA0];
	[tilespmem:s5+$0x230] =	vst v4  }
0x253: {  	v4 =	vld [tilespmem:s13+$0xFFFFFFB0];
	[tilespmem:s5+$0x240] =	vst v5  }
0x254: {  	s10 =	sadd.s32 $0x8, s10;
	v5 =	vld [tilespmem:s13+$0xFFFFFFC0];
	[tilespmem:s5+$0x250] =	vst v6  }
0x255: {  	s0 =	sadd.s32 $0x80, s0;
	p0 =	slt.u32 s10, $0x18;
	v6 =	vld [tilespmem:s13+$0xFFFFFFD0];
	[tilespmem:s5+$0x260] =	vst v7  }
0x256: {  	s2 =	sadd.s32 $0x80, s2;
	v7 =	vld [tilespmem:s13+$0xFFFFFFE0];
	[tilespmem:s0+$0xFFFFFC70] =	vst v9  }
0x257: {  	[tilespmem:s0+$0xFFFFFC10] =	vst v3;
	v10 =	vadd.s32 $0x1, v3;
	v11 =	vadd.s32 $0x200, v3;
	v3 =	vadd.s32 $0x201, v3;
	v8 =	vld [tilespmem:s2+$0x0]  }
0x258: {  	[tilespmem:s0+$0xFFFFFC20] =	vst v4;
	v12 =	vadd.s32 $0x1, v4;
	v13 =	vadd.s32 $0x200, v4;
	v4 =	vadd.s32 $0x201, v4;
	v14 =	vld [tilespmem:s13+$0xFFFFFFF0]  }
0x259: {  	v15 =	vld [tilespmem:s13+$0xFFFFFF90];
	[tilespmem:s0+$0xFFFFFC30] =	vst v5;
	v16 =	vadd.s32 $0x1, v5;
	v17 =	vadd.s32 $0x200, v5;
	v5 =	vadd.s32 $0x201, v5  }
0x25a: {  	v18 =	vld [tilespmem:s2+$0xFFFFFFA0];
	[tilespmem:s0+$0xFFFFFC40] =	vst v6;
	v19 =	vadd.s32 $0x1, v6;
	v20 =	vadd.s32 $0x200, v6;
	v6 =	vadd.s32 $0x201, v6  }
0x25b: {  	s5 =	sadd.s32 $0x80, s5;
	v21 =	vld [tilespmem:s2+$0xFFFFFFB0];
	[tilespmem:s0+$0xFFFFFC50] =	vst v7;
	v22 =	vadd.s32 $0x1, v7;
	v23 =	vadd.s32 $0x200, v7;
	v7 =	vadd.s32 $0x201, v7  }
0x25c: {  	v25 =	vadd.s32 $0x1, v9;
	v24 =	vld [tilespmem:s2+$0xFFFFFFC0];
	[tilespmem:s5+$0xFFFFFC70] =	vst v8  }
0x25d: {  	s7 =	sadd.s32 $0x80, s7;
	v26 =	vld [tilespmem:s2+$0xFFFFFFD0];
	v27 =	vadd.s32 $0x1, v14;
	v28 =	vadd.s32 $0x200, v14;
	v8 =	vadd.s32 $0x201, v14;
	[tilespmem:s0+$0xFFFFFE70] =	vst v25  }
0x25e: {  	[tilespmem:s0+$0xFFFFFC00] =	vst v15;
	v25 =	vadd.s32 $0x1, v15;
	v29 =	vadd.s32 $0x200, v15;
	v15 =	vadd.s32 $0x201, v15;
	v30 =	vld [tilespmem:s7+$0x0]  }
0x25f: {  	v31 =	vld [tilespmem:s2+$0xFFFFFF90];
	[tilespmem:s0+$0xFFFFFC60] =	vst v14  }
0x260: {  	[tilespmem:s5+$0xFFFFFC10] =	vst v18;
	v14 =	vld [tilespmem:s2+$0xFFFFFFE0]  }
0x261: {  	[tilespmem:s0+$0xFFFFFE10] =	vst v10;
	v10 =	vld [tilespmem:s2+$0xFFFFFFF0]  }
0x262: {  	v18 =	vld [tilespmem:s7+$0xFFFFFFA0];
	[tilespmem:s5+$0xFFFFFC20] =	vst v21  }
0x263: {  	v21 =	vadd.s32 $0x200, v9;
	[tilespmem:s5+$0xFFFFFE70] =	vst v30  }
0x264: {  	s8 =	sadd.s32 $0x80, s8;
	[tilespmem:s0+$0x70] =	vst v21  }
0x265: {  	[tilespmem:s5+$0xFFFFFC00] =	vst v31;
	v21 =	vld [tilespmem:s8+$0x0]  }
0x266: {  	[tilespmem:s0+$0xFFFFFE00] =	vst v25  }
0x267: {  	v25 =	vld [tilespmem:s7+$0xFFFFFF90];
	[tilespmem:s0+$0xFFFFFE20] =	vst v12  }
0x268: {  	v12 =	vld [tilespmem:s7+$0xFFFFFFB0];
	[tilespmem:s5+$0xFFFFFC30] =	vst v24  }
0x269: {  	[tilespmem:s0+$0xFFFFFE30] =	vst v16  }
0x26a: {  	v9 =	vadd.s32 $0x201, v9;
	v16 =	vld [tilespmem:s7+$0xFFFFFFC0];
	[tilespmem:s5+$0x70] =	vst v21  }
0x26b: {  	s9 =	sadd.s32 $0x80, s9;
	[tilespmem:s0+$0x270] =	vst v9  }
0x26c: {  	[tilespmem:s5+$0xFFFFFC40] =	vst v26;
	v9 =	vld [tilespmem:s9+$0x0]  }
0x26d: {  	[tilespmem:s0+$0xFFFFFE40] =	vst v19  }
0x26e: {  	v19 =	vld [tilespmem:s7+$0xFFFFFFD0];
	[tilespmem:s5+$0xFFFFFC50] =	vst v14  }
0x26f: {  	[tilespmem:s0+$0xFFFFFE50] =	vst v22  }
0x270: {  	v14 =	vld [tilespmem:s7+$0xFFFFFFE0];
	[tilespmem:s5+$0xFFFFFC60] =	vst v10  }
0x271: {  	[tilespmem:s5+$0x270] =	vst v9  }
0x272: {  	[tilespmem:s0+$0xFFFFFE60] =	vst v27  }
0x273: {  	[tilespmem:s5+$0xFFFFFE00] =	vst v25;
	v9 =	vld [tilespmem:s7+$0xFFFFFFF0]  }
0x274: {  	[tilespmem:s0+$0x0] =	vst v29  }
0x275: {  	v10 =	vld [tilespmem:s8+$0xFFFFFF90];
	[tilespmem:s5+$0xFFFFFE10] =	vst v18  }
0x276: {  	[tilespmem:s0+$0x10] =	vst v11  }
0x277: {  	v11 =	vld [tilespmem:s8+$0xFFFFFFA0];
	[tilespmem:s5+$0xFFFFFE20] =	vst v12  }
0x278: {  	[tilespmem:s0+$0x20] =	vst v13  }
0x279: {  	v12 =	vld [tilespmem:s8+$0xFFFFFFB0];
	[tilespmem:s5+$0xFFFFFE30] =	vst v16  }
0x27a: {  	[tilespmem:s0+$0x30] =	vst v17  }
0x27b: {  	v13 =	vld [tilespmem:s8+$0xFFFFFFC0];
	[tilespmem:s5+$0xFFFFFE40] =	vst v19  }
0x27c: {  	[tilespmem:s0+$0x40] =	vst v20  }
0x27d: {  	v16 =	vld [tilespmem:s8+$0xFFFFFFD0];
	[tilespmem:s5+$0xFFFFFE50] =	vst v14  }
0x27e: {  	[tilespmem:s0+$0x50] =	vst v23  }
0x27f: {  	v14 =	vld [tilespmem:s8+$0xFFFFFFE0];
	[tilespmem:s5+$0xFFFFFE60] =	vst v9  }
0x280: {  	[tilespmem:s0+$0x60] =	vst v28  }
0x281: {  	[tilespmem:s5+$0x0] =	vst v10;
	v9 =	vld [tilespmem:s8+$0xFFFFFFF0]  }
0x282: {  	[tilespmem:s0+$0x200] =	vst v15  }
0x283: {  	v10 =	vld [tilespmem:s9+$0xFFFFFF90];
	[tilespmem:s5+$0x10] =	vst v11  }
0x284: {  	[tilespmem:s0+$0x210] =	vst v3  }
0x285: {  	v11 =	vld [tilespmem:s9+$0xFFFFFFA0];
	[tilespmem:s5+$0x20] =	vst v12  }
0x286: {  	[tilespmem:s0+$0x220] =	vst v4  }
0x287: {  	v3 =	vld [tilespmem:s9+$0xFFFFFFB0];
	[tilespmem:s5+$0x30] =	vst v13  }
0x288: {  	[tilespmem:s0+$0x230] =	vst v5  }
0x289: {  	v4 =	vld [tilespmem:s9+$0xFFFFFFC0];
	[tilespmem:s5+$0x40] =	vst v16  }
0x28a: {  	[tilespmem:s0+$0x240] =	vst v6  }
0x28b: {  	v5 =	vld [tilespmem:s9+$0xFFFFFFD0];
	[tilespmem:s5+$0x50] =	vst v14  }
.Ltmp5:
0x28c: {  	[tilespmem:s0+$0x250] =	vst v7;
	(pc) =	sbr.rel @p0 .LBB2_12-.Ltmp5, $4  }
0x28d: {  	v6 =	vld [tilespmem:s9+$0xFFFFFFE0];
	[tilespmem:s5+$0x60] =	vst v9  }
0x28e: {  	[tilespmem:s0+$0x260] =	vst v8  }
0x28f: {  	[tilespmem:s5+$0x200] =	vst v10;
	v7 =	vld [tilespmem:s9+$0xFFFFFFF0]  }
0x290: {  	s13 =	sadd.s32 $0x80, s13;
	[tilespmem:s5+$0x210] =	vst v11  }
0x291: {  	[tilespmem:s5+$0x220] =	vst v3  }
0x292: {  	[tilespmem:s5+$0x230] =	vst v4;
	s0 =	simm.s32 $0x800  }
0x293: {  	[tilespmem:s5+$0x240] =	vst v5;
	s2 =	simm.s32 $0x1CC90;
	s7 =	simm.s32 $0xC500;
	s8 =	simm.s32 $0x10500  }
0x294: {  	s9 =	simm.s32 $0x14500;
	s13 =	simm.s32 $0x18500;
	s15 =	simm.s32 $0xC700;
	[tilespmem:s5+$0x250] =	vst v6  }
0x295: {  	s16 =	simm.s32 $0x10700;
	s20 =	simm.s32 $0x14700;
	s22 =	simm.s32 $0x18700;
	[tilespmem:s5+$0x260] =	vst v7  }
0x296: {  	[spmem:s25] =	stream.indirect.scatter.add.f32 [tilespmem:s14], [sflag:$0x4], $0x1, s2, s0, $0xb8;
	[tilespmem:$0x1E690] =	vst v63  }
0x297: {  	s0 =	simm.s32 $0x1;
	s2 =	simm.s32 $0x8500;
	s14 =	simm.s32 $0x8700  }
.LBB2_14:
0x298: {  	v3 =	vmov s2;
	_ =	sdelay $0x1  }
0x299: {  	_ =	swait.ge [sflag:s24], $0x800  }
0x29a: {  	[sflag:s24] =	ssyncset.done $0x0  }
0x29b: {  	s5 =	simm.s32 $0x0;
	[sflag:s24] =	ssyncadd.s32 $0xFFFFF800  }
0x29c: {  	v8 =	vld.idx.msk [tilespmem:v3+s5+$0x0 ss:$0x1], $0xffff  }
0x29d: {  	v9 =	vld.idx.msk [tilespmem:v3+s5+$0xFFFFFF90 ss:$0x1], $0xffff  }
0x29e: {  	v10 =	vld.idx.msk [tilespmem:v3+s5+$0xFFFFFFA0 ss:$0x1], $0xffff  }
0x29f: {  	v11 =	vld.idx.msk [tilespmem:v3+s5+$0xFFFFFFB0 ss:$0x1], $0xffff  }
0x2a0: {  	v12 =	vld.idx.msk [tilespmem:v3+s5+$0xFFFFFFC0 ss:$0x1], $0xffff  }
0x2a1: {  	v4 =	vmov s7;
	v14 =	vld.idx.msk [tilespmem:v3+s5+$0xFFFFFFD0 ss:$0x1], $0xffff;
	[tilespmem:s5+$0x1C500] =	vst v8  }
0x2a2: {  	v15 =	vld.idx.msk [tilespmem:v3+s5+$0xFFFFFFE0 ss:$0x1], $0xffff;
	[tilespmem:s5+$0x1C490] =	vst v9  }
0x2a3: {  	v16 =	vld.idx.msk [tilespmem:v3+s5+$0xFFFFFFF0 ss:$0x1], $0xffff;
	[tilespmem:s5+$0x1C4A0] =	vst v10  }
0x2a4: {  	[tilespmem:s5+$0x1C4B0] =	vst v11  }
0x2a5: {  	[tilespmem:s5+$0x1C4C0] =	vst v12  }
0x2a6: {  	[tilespmem:s5+$0x1C4D0] =	vst v14;
	v6 =	vld.idx.msk [tilespmem:v4+s5+$0x0 ss:$0x1], $0xffff  }
0x2a7: {  	[tilespmem:s5+$0x1C4E0] =	vst v15;
	v7 =	vld.idx.msk [tilespmem:v4+s5+$0xFFFFFF90 ss:$0x1], $0xffff  }
0x2a8: {  	v13 =	vadd.s32 $0x1, v8;
	[tilespmem:s5+$0x1C4F0] =	vst v16;
	v17 =	vld.idx.msk [tilespmem:v4+s5+$0xFFFFFFA0 ss:$0x1], $0xffff  }
0x2a9: {  	v52 =	vadd.s32 $0x1, v9;
	[tilespmem:s5+$0x1C700] =	vst v13;
	v13 =	vld.idx.msk [tilespmem:v4+s5+$0xFFFFFFB0 ss:$0x1], $0xffff  }
0x2aa: {  	v5 =	vmov s8;
	v19 =	vld.idx.msk [tilespmem:v4+s5+$0xFFFFFFC0 ss:$0x1], $0xffff;
	[tilespmem:s5+$0x1C690] =	vst v52  }
0x2ab: {  	v51 =	vld.idx.msk [tilespmem:v4+s5+$0xFFFFFFE0 ss:$0x1], $0xffff;
	[tilespmem:s5+$0x1D500] =	vst v6  }
0x2ac: {  	v20 =	vld.idx.msk [tilespmem:v4+s5+$0xFFFFFFF0 ss:$0x1], $0xffff;
	[tilespmem:s5+$0x1D490] =	vst v7  }
0x2ad: {  	[tilespmem:s5+$0x1D4A0] =	vst v17  }
0x2ae: {  	v7 =	vld.idx.msk [tilespmem:v4+s5+$0xFFFFFFD0 ss:$0x1], $0xffff;
	[tilespmem:s5+$0x1D4B0] =	vst v13  }
0x2af: {  	[tilespmem:s5+$0x1D4C0] =	vst v19;
	v18 =	vld.idx.msk [tilespmem:v5+s5+$0x0 ss:$0x1], $0xffff  }
0x2b0: {  	v6 =	vmov s9;
	[tilespmem:s5+$0x1D4E0] =	vst v51;
	v54 =	vld.idx.msk [tilespmem:v5+s5+$0xFFFFFF90 ss:$0x1], $0xffff  }
0x2b1: {  	v13 =	vadd.s32 $0x200, v8;
	[tilespmem:s5+$0x1D4F0] =	vst v20  }
0x2b2: {  	[tilespmem:s5+$0x1C900] =	vst v13  }
0x2b3: {  	[tilespmem:s5+$0x1D4D0] =	vst v7  }
0x2b4: {  	[tilespmem:s5+$0x1D700] =	vst v18  }
0x2b5: {  	v8 =	vadd.s32 $0x201, v8;
	[tilespmem:s5+$0x1D690] =	vst v54;
	v13 =	vld.idx.msk [tilespmem:v6+s5+$0x0 ss:$0x1], $0xffff  }
0x2b6: {  	[tilespmem:s5+$0x1CB00] =	vst v8;
	v8 =	vadd.s32 $0x1, v10  }
0x2b7: {  	[tilespmem:s5+$0x1C6A0] =	vst v8;
	v8 =	vadd.s32 $0x1, v12  }
0x2b8: {  	[tilespmem:s5+$0x1C6C0] =	vst v8;
	v8 =	vadd.s32 $0x1, v15;
	v55 =	vld.idx.msk [tilespmem:v5+s5+$0xFFFFFFA0 ss:$0x1], $0xffff  }
0x2b9: {  	v7 =	vmov s13;
	[tilespmem:s5+$0x1C6E0] =	vst v8  }
0x2ba: {  	v8 =	vld.idx.msk [tilespmem:v5+s5+$0xFFFFFFC0 ss:$0x1], $0xffff;
	[tilespmem:s5+$0x1D900] =	vst v13;
	v13 =	vadd.s32 $0x1, v11  }
0x2bb: {  	v57 =	vld.idx.msk [tilespmem:v5+s5+$0xFFFFFFE0 ss:$0x1], $0xffff;
	[tilespmem:s5+$0x1C6B0] =	vst v13;
	v13 =	vadd.s32 $0x1, v14  }
0x2bc: {  	[tilespmem:s5+$0x1C6D0] =	vst v13  }
0x2bd: {  	v13 =	vadd.s32 $0x1, v16;
	[tilespmem:s5+$0x1D6A0] =	vst v55  }
0x2be: {  	v53 =	vld.idx.msk [tilespmem:v7+s5+$0x0 ss:$0x1], $0xffff;
	[tilespmem:s5+$0x1C6F0] =	vst v13  }
0x2bf: {  	[tilespmem:s5+$0x1D6C0] =	vst v8  }
0x2c0: {  	v56 =	vld.idx.msk [tilespmem:v5+s5+$0xFFFFFFB0 ss:$0x1], $0xffff;
	v8 =	vadd.s32 $0x200, v9;
	[tilespmem:s5+$0x1D6E0] =	vst v57  }
0x2c1: {  	[tilespmem:s5+$0x1C890] =	vst v8;
	v8 =	vadd.s32 $0x200, v11  }
0x2c2: {  	v13 =	vld.idx.msk [tilespmem:v5+s5+$0xFFFFFFD0 ss:$0x1], $0xffff;
	[tilespmem:s5+$0x1C8B0] =	vst v8  }
0x2c3: {  	v8 =	vadd.s32 $0x200, v14;
	[tilespmem:s5+$0x1DB00] =	vst v53  }
0x2c4: {  	v58 =	vld.idx.msk [tilespmem:v5+s5+$0xFFFFFFF0 ss:$0x1], $0xffff;
	[tilespmem:s5+$0x1C8D0] =	vst v8  }
0x2c5: {  	v8 =	vadd.s32 $0x200, v16;
	[tilespmem:s5+$0x1D6B0] =	vst v56  }
0x2c6: {  	v59 =	vld.idx.msk [tilespmem:v6+s5+$0xFFFFFF90 ss:$0x1], $0xffff;
	[tilespmem:s5+$0x1C8F0] =	vst v8  }
0x2c7: {  	[tilespmem:s5+$0x1D6D0] =	vst v13;
	v13 =	vadd.s32 $0x200, v10  }
0x2c8: {  	v61 =	vld.idx.msk [tilespmem:v6+s5+$0xFFFFFFB0 ss:$0x1], $0xffff;
	[tilespmem:s5+$0x1C8A0] =	vst v13  }
0x2c9: {  	[tilespmem:s5+$0x1D6F0] =	vst v58;
	v13 =	vadd.s32 $0x200, v12;
	v60 =	vld.idx.msk [tilespmem:v6+s5+$0xFFFFFFA0 ss:$0x1], $0xffff  }
0x2ca: {  	[tilespmem:s5+$0x1C8C0] =	vst v13;
	v63 =	vld.idx.msk [tilespmem:v6+s5+$0xFFFFFFF0 ss:$0x1], $0xffff  }
0x2cb: {  	v13 =	vadd.s32 $0x200, v15;
	[tilespmem:s5+$0x1D890] =	vst v59;
	v62 =	vld.idx.msk [tilespmem:v6+s5+$0xFFFFFFC0 ss:$0x1], $0xffff  }
0x2cc: {  	[tilespmem:s5+$0x1C8E0] =	vst v13;
	v13 =	vld.idx.msk [tilespmem:v6+s5+$0xFFFFFFD0 ss:$0x1], $0xffff  }
0x2cd: {  	v8 =	vld.idx.msk [tilespmem:v6+s5+$0xFFFFFFE0 ss:$0x1], $0xffff;
	[tilespmem:s5+$0x1D8B0] =	vst v61  }
0x2ce: {  	[tilespmem:s5+$0x1D8A0] =	vst v60  }
0x2cf: {  	[tilespmem:s5+$0x1D8F0] =	vst v63  }
0x2d0: {  	[tilespmem:s5+$0x1D8C0] =	vst v62  }
0x2d1: {  	[tilespmem:s5+$0x1D8D0] =	vst v13  }
0x2d2: {  	[tilespmem:s5+$0x1D8E0] =	vst v8;
	v8 =	vadd.s32 $0x201, v9  }
0x2d3: {  	v9 =	vadd.s32 $0x201, v10;
	[tilespmem:s5+$0x1CA90] =	vst v8  }
0x2d4: {  	v10 =	vadd.s32 $0x201, v11;
	[tilespmem:s5+$0x1CAA0] =	vst v9;
	v13 =	vld.idx.msk [tilespmem:v7+s5+$0xFFFFFF90 ss:$0x1], $0xffff  }
0x2d5: {  	v11 =	vadd.s32 $0x201, v12;
	[tilespmem:s5+$0x1CAB0] =	vst v10;
	v8 =	vld.idx.msk [tilespmem:v7+s5+$0xFFFFFFA0 ss:$0x1], $0xffff  }
0x2d6: {  	v12 =	vadd.s32 $0x201, v14;
	[tilespmem:s5+$0x1CAC0] =	vst v11;
	v9 =	vld.idx.msk [tilespmem:v7+s5+$0xFFFFFFB0 ss:$0x1], $0xffff  }
0x2d7: {  	v14 =	vadd.s32 $0x201, v15;
	[tilespmem:s5+$0x1CAD0] =	vst v12;
	v10 =	vld.idx.msk [tilespmem:v7+s5+$0xFFFFFFC0 ss:$0x1], $0xffff  }
0x2d8: {  	v15 =	vadd.s32 $0x201, v16;
	[tilespmem:s5+$0x1CAE0] =	vst v14;
	v11 =	vld.idx.msk [tilespmem:v7+s5+$0xFFFFFFD0 ss:$0x1], $0xffff  }
0x2d9: {  	s10 =	simm.s32 $0x0;
	s18 =	simm.s32 $0x200;
	[tilespmem:s5+$0x1CAF0] =	vst v15;
	v12 =	vld.idx.msk [tilespmem:v7+s5+$0xFFFFFFE0 ss:$0x1], $0xffff  }
.LBB2_15:
0x2da: {  	s23 =	sshra.s32 s18, $0x2;
	s10 =	sadd.s32 $0x8, s10;
	[tilespmem:s5+$0x1DA90] =	vst v13;
	v13 =	vld.idx.msk [tilespmem:v7+s5+$0xFFFFFFF0 ss:$0x1], $0xffff  }
0x2db: {  	v14 =	vld.idx.msk [tilespmem:v3+s23+$0x0 ss:$0x1], $0xffff;
	p0 =	slt.u32 s10, $0x18;
	[tilespmem:s5+$0x1DAA0] =	vst v8  }
0x2dc: {  	v8 =	vld.idx.msk [tilespmem:v3+s23+$0xFFFFFF90 ss:$0x1], $0xffff;
	[tilespmem:s5+$0x1DAB0] =	vst v9  }
0x2dd: {  	v9 =	vld.idx.msk [tilespmem:v3+s23+$0xFFFFFFA0 ss:$0x1], $0xffff;
	[tilespmem:s5+$0x1DAC0] =	vst v10  }
0x2de: {  	v10 =	vld.idx.msk [tilespmem:v3+s23+$0xFFFFFFB0 ss:$0x1], $0xffff;
	[tilespmem:s5+$0x1DAD0] =	vst v11  }
0x2df: {  	v11 =	vld.idx.msk [tilespmem:v3+s23+$0xFFFFFFC0 ss:$0x1], $0xffff;
	[tilespmem:s5+$0x1DAE0] =	vst v12  }
0x2e0: {  	v12 =	vld.idx.msk [tilespmem:v3+s23+$0xFFFFFFD0 ss:$0x1], $0xffff;
	[tilespmem:s5+$0x1DAF0] =	vst v13;
	s5 =	smov.u32 s23  }
0x2e1: {  	v13 =	vld.idx.msk [tilespmem:v3+s5+$0xFFFFFFE0 ss:$0x1], $0xffff;
	[tilespmem:s5+$0x1C500] =	vst v14  }
0x2e2: {  	v15 =	vadd.s32 $0x1, v8;
	v16 =	vadd.s32 $0x200, v8;
	[tilespmem:s5+$0x1C490] =	vst v8;
	v8 =	vadd.s32 $0x201, v8;
	v17 =	vld.idx.msk [tilespmem:v4+s5+$0x0 ss:$0x1], $0xffff  }
0x2e3: {  	v18 =	vadd.s32 $0x1, v9;
	v19 =	vadd.s32 $0x200, v9;
	[tilespmem:s5+$0x1C4A0] =	vst v9;
	v9 =	vadd.s32 $0x201, v9;
	v20 =	vld.idx.msk [tilespmem:v3+s5+$0xFFFFFFF0 ss:$0x1], $0xffff  }
0x2e4: {  	v22 =	vadd.s32 $0x1, v10;
	v23 =	vadd.s32 $0x200, v10;
	v21 =	vld.idx.msk [tilespmem:v4+s5+$0xFFFFFF90 ss:$0x1], $0xffff;
	[tilespmem:s5+$0x1C4B0] =	vst v10;
	v10 =	vadd.s32 $0x201, v10  }
0x2e5: {  	v25 =	vadd.s32 $0x1, v11;
	v26 =	vadd.s32 $0x200, v11;
	v24 =	vld.idx.msk [tilespmem:v4+s5+$0xFFFFFFA0 ss:$0x1], $0xffff;
	[tilespmem:s5+$0x1C4C0] =	vst v11;
	v11 =	vadd.s32 $0x201, v11  }
0x2e6: {  	v30 =	vadd.s32 $0x1, v14;
	v28 =	vadd.s32 $0x1, v12;
	v29 =	vadd.s32 $0x200, v12;
	v27 =	vld.idx.msk [tilespmem:v4+s5+$0xFFFFFFB0 ss:$0x1], $0xffff;
	[tilespmem:s5+$0x1C4D0] =	vst v12  }
0x2e7: {  	v12 =	vadd.s32 $0x201, v12;
	v32 =	vadd.s32 $0x1, v13;
	v33 =	vadd.s32 $0x200, v13;
	v31 =	vld.idx.msk [tilespmem:v4+s5+$0xFFFFFFC0 ss:$0x1], $0xffff;
	[tilespmem:s5+$0x1C700] =	vst v30  }
0x2e8: {  	v34 =	vadd.s32 $0x201, v13;
	v30 =	vld.idx.msk [tilespmem:v4+s5+$0xFFFFFFD0 ss:$0x1], $0xffff;
	[tilespmem:s5+$0x1D500] =	vst v17  }
0x2e9: {  	v17 =	vadd.s32 $0x200, v20;
	v35 =	vadd.s32 $0x201, v20;
	[tilespmem:s5+$0x1C4E0] =	vst v13;
	v13 =	vadd.s32 $0x1, v20;
	v36 =	vld.idx.msk [tilespmem:v5+s5+$0x0 ss:$0x1], $0xffff  }
0x2ea: {  	v37 =	vld.idx.msk [tilespmem:v4+s5+$0xFFFFFFE0 ss:$0x1], $0xffff;
	[tilespmem:s5+$0x1C4F0] =	vst v20  }
0x2eb: {  	[tilespmem:s5+$0x1D490] =	vst v21;
	v20 =	vld.idx.msk [tilespmem:v4+s5+$0xFFFFFFF0 ss:$0x1], $0xffff  }
0x2ec: {  	[tilespmem:s5+$0x1D4A0] =	vst v24  }
0x2ed: {  	v21 =	vadd.s32 $0x200, v14;
	[tilespmem:s5+$0x1D4B0] =	vst v27  }
0x2ee: {  	[tilespmem:s5+$0x1C900] =	vst v21  }
0x2ef: {  	[tilespmem:s5+$0x1D700] =	vst v36  }
0x2f0: {  	[tilespmem:s5+$0x1D4C0] =	vst v31;
	v21 =	vld.idx.msk [tilespmem:v6+s5+$0x0 ss:$0x1], $0xffff  }
0x2f1: {  	[tilespmem:s5+$0x1D4D0] =	vst v30  }
0x2f2: {  	[tilespmem:s5+$0x1D4E0] =	vst v37  }
0x2f3: {  	[tilespmem:s5+$0x1D4F0] =	vst v20  }
0x2f4: {  	v14 =	vadd.s32 $0x201, v14;
	[tilespmem:s5+$0x1C690] =	vst v15  }
0x2f5: {  	v15 =	vld.idx.msk [tilespmem:v5+s5+$0xFFFFFF90 ss:$0x1], $0xffff;
	[tilespmem:s5+$0x1CB00] =	vst v14  }
0x2f6: {  	[tilespmem:s5+$0x1D900] =	vst v21  }
0x2f7: {  	[tilespmem:s5+$0x1C6A0] =	vst v18;
	v14 =	vld.idx.msk [tilespmem:v7+s5+$0x0 ss:$0x1], $0xffff  }
0x2f8: {  	v18 =	vld.idx.msk [tilespmem:v5+s5+$0xFFFFFFA0 ss:$0x1], $0xffff;
	[tilespmem:s5+$0x1C6B0] =	vst v22  }
0x2f9: {  	v20 =	vld.idx.msk [tilespmem:v5+s5+$0xFFFFFFB0 ss:$0x1], $0xffff;
	[tilespmem:s5+$0x1C6C0] =	vst v25  }
0x2fa: {  	v21 =	vld.idx.msk [tilespmem:v5+s5+$0xFFFFFFC0 ss:$0x1], $0xffff;
	[tilespmem:s5+$0x1C6D0] =	vst v28  }
0x2fb: {  	v22 =	vld.idx.msk [tilespmem:v5+s5+$0xFFFFFFD0 ss:$0x1], $0xffff;
	[tilespmem:s5+$0x1C6E0] =	vst v32  }
0x2fc: {  	v24 =	vld.idx.msk [tilespmem:v5+s5+$0xFFFFFFE0 ss:$0x1], $0xffff;
	[tilespmem:s5+$0x1C6F0] =	vst v13  }
0x2fd: {  	v13 =	vld.idx.msk [tilespmem:v5+s5+$0xFFFFFFF0 ss:$0x1], $0xffff;
	[tilespmem:s5+$0x1DB00] =	vst v14  }
0x2fe: {  	[tilespmem:s5+$0x1D690] =	vst v15  }
0x2ff: {  	[tilespmem:s5+$0x1D6A0] =	vst v18  }
0x300: {  	[tilespmem:s5+$0x1D6B0] =	vst v20  }
0x301: {  	[tilespmem:s5+$0x1D6C0] =	vst v21  }
0x302: {  	[tilespmem:s5+$0x1D6D0] =	vst v22  }
0x303: {  	[tilespmem:s5+$0x1D6E0] =	vst v24  }
0x304: {  	[tilespmem:s5+$0x1D6F0] =	vst v13  }
0x305: {  	[tilespmem:s5+$0x1C890] =	vst v16  }
0x306: {  	v13 =	vld.idx.msk [tilespmem:v6+s5+$0xFFFFFF90 ss:$0x1], $0xffff;
	[tilespmem:s5+$0x1C8A0] =	vst v19  }
0x307: {  	v14 =	vld.idx.msk [tilespmem:v6+s5+$0xFFFFFFA0 ss:$0x1], $0xffff;
	[tilespmem:s5+$0x1C8B0] =	vst v23  }
0x308: {  	v15 =	vld.idx.msk [tilespmem:v6+s5+$0xFFFFFFB0 ss:$0x1], $0xffff;
	[tilespmem:s5+$0x1C8C0] =	vst v26  }
0x309: {  	v16 =	vld.idx.msk [tilespmem:v6+s5+$0xFFFFFFC0 ss:$0x1], $0xffff;
	[tilespmem:s5+$0x1C8D0] =	vst v29  }
0x30a: {  	v18 =	vld.idx.msk [tilespmem:v6+s5+$0xFFFFFFD0 ss:$0x1], $0xffff;
	[tilespmem:s5+$0x1C8E0] =	vst v33  }
0x30b: {  	v19 =	vld.idx.msk [tilespmem:v6+s5+$0xFFFFFFE0 ss:$0x1], $0xffff;
	[tilespmem:s5+$0x1C8F0] =	vst v17  }
0x30c: {  	[tilespmem:s5+$0x1D890] =	vst v13;
	v13 =	vld.idx.msk [tilespmem:v6+s5+$0xFFFFFFF0 ss:$0x1], $0xffff  }
0x30d: {  	[tilespmem:s5+$0x1D8A0] =	vst v14  }
0x30e: {  	[tilespmem:s5+$0x1D8B0] =	vst v15  }
0x30f: {  	[tilespmem:s5+$0x1D8C0] =	vst v16  }
0x310: {  	[tilespmem:s5+$0x1D8D0] =	vst v18  }
0x311: {  	[tilespmem:s5+$0x1D8E0] =	vst v19  }
0x312: {  	[tilespmem:s5+$0x1D8F0] =	vst v13  }
0x313: {  	[tilespmem:s5+$0x1CA90] =	vst v8  }
0x314: {  	v13 =	vld.idx.msk [tilespmem:v7+s5+$0xFFFFFF90 ss:$0x1], $0xffff;
	[tilespmem:s5+$0x1CAA0] =	vst v9  }
.Ltmp6:
0x315: {  	v8 =	vld.idx.msk [tilespmem:v7+s5+$0xFFFFFFA0 ss:$0x1], $0xffff;
	[tilespmem:s5+$0x1CAB0] =	vst v10;
	(pc) =	sbr.rel @p0 .LBB2_15-.Ltmp6, $4  }
0x316: {  	v9 =	vld.idx.msk [tilespmem:v7+s5+$0xFFFFFFB0 ss:$0x1], $0xffff;
	[tilespmem:s5+$0x1CAC0] =	vst v11  }
0x317: {  	v10 =	vld.idx.msk [tilespmem:v7+s5+$0xFFFFFFC0 ss:$0x1], $0xffff;
	[tilespmem:s5+$0x1CAD0] =	vst v12  }
0x318: {  	v11 =	vld.idx.msk [tilespmem:v7+s5+$0xFFFFFFD0 ss:$0x1], $0xffff;
	[tilespmem:s5+$0x1CAE0] =	vst v34  }
0x319: {  	s18 =	sadd.s32 $0x200, s18;
	v12 =	vld.idx.msk [tilespmem:v7+s5+$0xFFFFFFE0 ss:$0x1], $0xffff;
	[tilespmem:s5+$0x1CAF0] =	vst v35  }
0x31a: {  	_ =	sdelay $0x2  }
0x31b: {  	[tilespmem:s5+$0x1DA90] =	vst v13  }
0x31c: {  	v3 =	vld.idx.msk [tilespmem:v7+s5+$0xFFFFFFF0 ss:$0x1], $0xffff;
	[tilespmem:s5+$0x1DAA0] =	vst v8  }
0x31d: {  	[tilespmem:s5+$0x1DAB0] =	vst v9  }
0x31e: {  	[tilespmem:s5+$0x1DAC0] =	vst v10  }
0x31f: {  	[tilespmem:s5+$0x1DAD0] =	vst v11  }
0x320: {  	[tilespmem:s5+$0x1DAE0] =	vst v12  }
0x321: {  	s30 =	simm.s32 $0x800;
	s10 =	simm.s32 $0x1C490;
	[tilespmem:s5+$0x1DAF0] =	vst v3;
	v3 =	vmov s14  }
0x322: {  	[spmem:s25] =	stream.indirect.scatter.add.f32 [tilespmem:s31], [sflag:$0x3], $0x1, s10, s30, $0xb8;
	[tilespmem:$0x1E690] =	vst v63  }
0x323: {  	_ =	swait.ge [sflag:s26], $0x800  }
0x324: {  	[sflag:s26] =	ssyncset.done $0x0  }
0x325: {  	s5 =	simm.s32 $0x0;
	[sflag:s26] =	ssyncadd.s32 $0xFFFFF800  }
0x326: {  	v8 =	vld.idx.msk [tilespmem:v3+s5+$0x0 ss:$0x1], $0xffff  }
0x327: {  	v9 =	vld.idx.msk [tilespmem:v3+s5+$0xFFFFFF90 ss:$0x1], $0xffff  }
0x328: {  	v10 =	vld.idx.msk [tilespmem:v3+s5+$0xFFFFFFA0 ss:$0x1], $0xffff  }
0x329: {  	v11 =	vld.idx.msk [tilespmem:v3+s5+$0xFFFFFFB0 ss:$0x1], $0xffff  }
0x32a: {  	v12 =	vld.idx.msk [tilespmem:v3+s5+$0xFFFFFFC0 ss:$0x1], $0xffff  }
0x32b: {  	v4 =	vmov s15;
	v14 =	vld.idx.msk [tilespmem:v3+s5+$0xFFFFFFD0 ss:$0x1], $0xffff;
	[tilespmem:s5+$0x1CD00] =	vst v8  }
0x32c: {  	v15 =	vld.idx.msk [tilespmem:v3+s5+$0xFFFFFFE0 ss:$0x1], $0xffff;
	[tilespmem:s5+$0x1CC90] =	vst v9  }
0x32d: {  	v16 =	vld.idx.msk [tilespmem:v3+s5+$0xFFFFFFF0 ss:$0x1], $0xffff;
	[tilespmem:s5+$0x1CCA0] =	vst v10  }
0x32e: {  	[tilespmem:s5+$0x1CCB0] =	vst v11  }
0x32f: {  	[tilespmem:s5+$0x1CCC0] =	vst v12  }
0x330: {  	[tilespmem:s5+$0x1CCD0] =	vst v14;
	v6 =	vld.idx.msk [tilespmem:v4+s5+$0x0 ss:$0x1], $0xffff  }
0x331: {  	[tilespmem:s5+$0x1CCE0] =	vst v15;
	v7 =	vld.idx.msk [tilespmem:v4+s5+$0xFFFFFF90 ss:$0x1], $0xffff  }
0x332: {  	v13 =	vadd.s32 $0x1, v8;
	[tilespmem:s5+$0x1CCF0] =	vst v16;
	v17 =	vld.idx.msk [tilespmem:v4+s5+$0xFFFFFFA0 ss:$0x1], $0xffff  }
0x333: {  	v52 =	vadd.s32 $0x1, v9;
	[tilespmem:s5+$0x1CF00] =	vst v13;
	v13 =	vld.idx.msk [tilespmem:v4+s5+$0xFFFFFFB0 ss:$0x1], $0xffff  }
0x334: {  	v5 =	vmov s16;
	v19 =	vld.idx.msk [tilespmem:v4+s5+$0xFFFFFFC0 ss:$0x1], $0xffff;
	[tilespmem:s5+$0x1CE90] =	vst v52  }
0x335: {  	v51 =	vld.idx.msk [tilespmem:v4+s5+$0xFFFFFFE0 ss:$0x1], $0xffff;
	[tilespmem:s5+$0x1DD00] =	vst v6  }
0x336: {  	v20 =	vld.idx.msk [tilespmem:v4+s5+$0xFFFFFFF0 ss:$0x1], $0xffff;
	[tilespmem:s5+$0x1DC90] =	vst v7  }
0x337: {  	[tilespmem:s5+$0x1DCA0] =	vst v17  }
0x338: {  	v7 =	vld.idx.msk [tilespmem:v4+s5+$0xFFFFFFD0 ss:$0x1], $0xffff;
	[tilespmem:s5+$0x1DCB0] =	vst v13  }
0x339: {  	[tilespmem:s5+$0x1DCC0] =	vst v19;
	v18 =	vld.idx.msk [tilespmem:v5+s5+$0x0 ss:$0x1], $0xffff  }
0x33a: {  	v6 =	vmov s20;
	[tilespmem:s5+$0x1DCE0] =	vst v51;
	v54 =	vld.idx.msk [tilespmem:v5+s5+$0xFFFFFF90 ss:$0x1], $0xffff  }
0x33b: {  	v13 =	vadd.s32 $0x200, v8;
	[tilespmem:s5+$0x1DCF0] =	vst v20  }
0x33c: {  	[tilespmem:s5+$0x1D100] =	vst v13  }
0x33d: {  	[tilespmem:s5+$0x1DCD0] =	vst v7  }
0x33e: {  	[tilespmem:s5+$0x1DF00] =	vst v18  }
0x33f: {  	v8 =	vadd.s32 $0x201, v8;
	[tilespmem:s5+$0x1DE90] =	vst v54;
	v13 =	vld.idx.msk [tilespmem:v6+s5+$0x0 ss:$0x1], $0xffff  }
0x340: {  	[tilespmem:s5+$0x1D300] =	vst v8;
	v8 =	vadd.s32 $0x1, v10  }
0x341: {  	[tilespmem:s5+$0x1CEA0] =	vst v8;
	v8 =	vadd.s32 $0x1, v12  }
0x342: {  	[tilespmem:s5+$0x1CEC0] =	vst v8;
	v8 =	vadd.s32 $0x1, v15;
	v55 =	vld.idx.msk [tilespmem:v5+s5+$0xFFFFFFA0 ss:$0x1], $0xffff  }
0x343: {  	v7 =	vmov s22;
	[tilespmem:s5+$0x1CEE0] =	vst v8  }
0x344: {  	v8 =	vld.idx.msk [tilespmem:v5+s5+$0xFFFFFFC0 ss:$0x1], $0xffff;
	[tilespmem:s5+$0x1E100] =	vst v13;
	v13 =	vadd.s32 $0x1, v11  }
0x345: {  	v57 =	vld.idx.msk [tilespmem:v5+s5+$0xFFFFFFE0 ss:$0x1], $0xffff;
	[tilespmem:s5+$0x1CEB0] =	vst v13;
	v13 =	vadd.s32 $0x1, v14  }
0x346: {  	[tilespmem:s5+$0x1CED0] =	vst v13  }
0x347: {  	v13 =	vadd.s32 $0x1, v16;
	[tilespmem:s5+$0x1DEA0] =	vst v55  }
0x348: {  	v53 =	vld.idx.msk [tilespmem:v7+s5+$0x0 ss:$0x1], $0xffff;
	[tilespmem:s5+$0x1CEF0] =	vst v13  }
0x349: {  	[tilespmem:s5+$0x1DEC0] =	vst v8  }
0x34a: {  	v56 =	vld.idx.msk [tilespmem:v5+s5+$0xFFFFFFB0 ss:$0x1], $0xffff;
	v8 =	vadd.s32 $0x200, v9;
	[tilespmem:s5+$0x1DEE0] =	vst v57  }
0x34b: {  	[tilespmem:s5+$0x1D090] =	vst v8;
	v8 =	vadd.s32 $0x200, v11  }
0x34c: {  	v13 =	vld.idx.msk [tilespmem:v5+s5+$0xFFFFFFD0 ss:$0x1], $0xffff;
	[tilespmem:s5+$0x1D0B0] =	vst v8  }
0x34d: {  	v8 =	vadd.s32 $0x200, v14;
	[tilespmem:s5+$0x1E300] =	vst v53  }
0x34e: {  	v58 =	vld.idx.msk [tilespmem:v5+s5+$0xFFFFFFF0 ss:$0x1], $0xffff;
	[tilespmem:s5+$0x1D0D0] =	vst v8  }
0x34f: {  	v8 =	vadd.s32 $0x200, v16;
	[tilespmem:s5+$0x1DEB0] =	vst v56  }
0x350: {  	v59 =	vld.idx.msk [tilespmem:v6+s5+$0xFFFFFF90 ss:$0x1], $0xffff;
	[tilespmem:s5+$0x1D0F0] =	vst v8  }
0x351: {  	[tilespmem:s5+$0x1DED0] =	vst v13;
	v13 =	vadd.s32 $0x200, v10  }
0x352: {  	v61 =	vld.idx.msk [tilespmem:v6+s5+$0xFFFFFFB0 ss:$0x1], $0xffff;
	[tilespmem:s5+$0x1D0A0] =	vst v13  }
0x353: {  	[tilespmem:s5+$0x1DEF0] =	vst v58;
	v13 =	vadd.s32 $0x200, v12;
	v60 =	vld.idx.msk [tilespmem:v6+s5+$0xFFFFFFA0 ss:$0x1], $0xffff  }
0x354: {  	[tilespmem:s5+$0x1D0C0] =	vst v13;
	v63 =	vld.idx.msk [tilespmem:v6+s5+$0xFFFFFFF0 ss:$0x1], $0xffff  }
0x355: {  	v13 =	vadd.s32 $0x200, v15;
	[tilespmem:s5+$0x1E090] =	vst v59;
	v62 =	vld.idx.msk [tilespmem:v6+s5+$0xFFFFFFC0 ss:$0x1], $0xffff  }
0x356: {  	[tilespmem:s5+$0x1D0E0] =	vst v13;
	v13 =	vld.idx.msk [tilespmem:v6+s5+$0xFFFFFFD0 ss:$0x1], $0xffff  }
0x357: {  	v8 =	vld.idx.msk [tilespmem:v6+s5+$0xFFFFFFE0 ss:$0x1], $0xffff;
	[tilespmem:s5+$0x1E0B0] =	vst v61  }
0x358: {  	[tilespmem:s5+$0x1E0A0] =	vst v60  }
0x359: {  	[tilespmem:s5+$0x1E0F0] =	vst v63  }
0x35a: {  	[tilespmem:s5+$0x1E0C0] =	vst v62  }
0x35b: {  	[tilespmem:s5+$0x1E0D0] =	vst v13  }
0x35c: {  	[tilespmem:s5+$0x1E0E0] =	vst v8;
	v8 =	vadd.s32 $0x201, v9  }
0x35d: {  	v9 =	vadd.s32 $0x201, v10;
	[tilespmem:s5+$0x1D290] =	vst v8  }
0x35e: {  	v10 =	vadd.s32 $0x201, v11;
	[tilespmem:s5+$0x1D2A0] =	vst v9;
	v13 =	vld.idx.msk [tilespmem:v7+s5+$0xFFFFFF90 ss:$0x1], $0xffff  }
0x35f: {  	v11 =	vadd.s32 $0x201, v12;
	[tilespmem:s5+$0x1D2B0] =	vst v10;
	v8 =	vld.idx.msk [tilespmem:v7+s5+$0xFFFFFFA0 ss:$0x1], $0xffff  }
0x360: {  	v12 =	vadd.s32 $0x201, v14;
	[tilespmem:s5+$0x1D2C0] =	vst v11;
	v9 =	vld.idx.msk [tilespmem:v7+s5+$0xFFFFFFB0 ss:$0x1], $0xffff  }
0x361: {  	v14 =	vadd.s32 $0x201, v15;
	[tilespmem:s5+$0x1D2D0] =	vst v12;
	v10 =	vld.idx.msk [tilespmem:v7+s5+$0xFFFFFFC0 ss:$0x1], $0xffff  }
0x362: {  	v15 =	vadd.s32 $0x201, v16;
	[tilespmem:s5+$0x1D2E0] =	vst v14;
	v11 =	vld.idx.msk [tilespmem:v7+s5+$0xFFFFFFD0 ss:$0x1], $0xffff  }
0x363: {  	s18 =	simm.s32 $0x200;
	s10 =	simm.s32 $0x0;
	[tilespmem:s5+$0x1D2F0] =	vst v15;
	v12 =	vld.idx.msk [tilespmem:v7+s5+$0xFFFFFFE0 ss:$0x1], $0xffff  }
.LBB2_17:
0x364: {  	s23 =	sshra.s32 s18, $0x2;
	s10 =	sadd.s32 $0x8, s10;
	[tilespmem:s5+$0x1E290] =	vst v13;
	v13 =	vld.idx.msk [tilespmem:v7+s5+$0xFFFFFFF0 ss:$0x1], $0xffff  }
0x365: {  	v14 =	vld.idx.msk [tilespmem:v3+s23+$0x0 ss:$0x1], $0xffff;
	p0 =	slt.u32 s10, $0x18;
	[tilespmem:s5+$0x1E2A0] =	vst v8  }
0x366: {  	v8 =	vld.idx.msk [tilespmem:v3+s23+$0xFFFFFF90 ss:$0x1], $0xffff;
	[tilespmem:s5+$0x1E2B0] =	vst v9  }
0x367: {  	v9 =	vld.idx.msk [tilespmem:v3+s23+$0xFFFFFFA0 ss:$0x1], $0xffff;
	[tilespmem:s5+$0x1E2C0] =	vst v10  }
0x368: {  	v10 =	vld.idx.msk [tilespmem:v3+s23+$0xFFFFFFB0 ss:$0x1], $0xffff;
	[tilespmem:s5+$0x1E2D0] =	vst v11  }
0x369: {  	v11 =	vld.idx.msk [tilespmem:v3+s23+$0xFFFFFFC0 ss:$0x1], $0xffff;
	[tilespmem:s5+$0x1E2E0] =	vst v12  }
0x36a: {  	v12 =	vld.idx.msk [tilespmem:v3+s23+$0xFFFFFFD0 ss:$0x1], $0xffff;
	[tilespmem:s5+$0x1E2F0] =	vst v13;
	s5 =	smov.u32 s23  }
0x36b: {  	v13 =	vld.idx.msk [tilespmem:v3+s5+$0xFFFFFFE0 ss:$0x1], $0xffff;
	[tilespmem:s5+$0x1CD00] =	vst v14  }
0x36c: {  	v15 =	vadd.s32 $0x1, v8;
	v16 =	vadd.s32 $0x200, v8;
	[tilespmem:s5+$0x1CC90] =	vst v8;
	v8 =	vadd.s32 $0x201, v8;
	v17 =	vld.idx.msk [tilespmem:v4+s5+$0x0 ss:$0x1], $0xffff  }
0x36d: {  	v18 =	vadd.s32 $0x1, v9;
	v19 =	vadd.s32 $0x200, v9;
	[tilespmem:s5+$0x1CCA0] =	vst v9;
	v9 =	vadd.s32 $0x201, v9;
	v20 =	vld.idx.msk [tilespmem:v3+s5+$0xFFFFFFF0 ss:$0x1], $0xffff  }
0x36e: {  	v22 =	vadd.s32 $0x1, v10;
	v23 =	vadd.s32 $0x200, v10;
	v21 =	vld.idx.msk [tilespmem:v4+s5+$0xFFFFFF90 ss:$0x1], $0xffff;
	[tilespmem:s5+$0x1CCB0] =	vst v10;
	v10 =	vadd.s32 $0x201, v10  }
0x36f: {  	v25 =	vadd.s32 $0x1, v11;
	v26 =	vadd.s32 $0x200, v11;
	v24 =	vld.idx.msk [tilespmem:v4+s5+$0xFFFFFFA0 ss:$0x1], $0xffff;
	[tilespmem:s5+$0x1CCC0] =	vst v11;
	v11 =	vadd.s32 $0x201, v11  }
0x370: {  	v30 =	vadd.s32 $0x1, v14;
	v28 =	vadd.s32 $0x1, v12;
	v29 =	vadd.s32 $0x200, v12;
	v27 =	vld.idx.msk [tilespmem:v4+s5+$0xFFFFFFB0 ss:$0x1], $0xffff;
	[tilespmem:s5+$0x1CCD0] =	vst v12  }
0x371: {  	v12 =	vadd.s32 $0x201, v12;
	v32 =	vadd.s32 $0x1, v13;
	v33 =	vadd.s32 $0x200, v13;
	v31 =	vld.idx.msk [tilespmem:v4+s5+$0xFFFFFFC0 ss:$0x1], $0xffff;
	[tilespmem:s5+$0x1CF00] =	vst v30  }
0x372: {  	v34 =	vadd.s32 $0x201, v13;
	v30 =	vld.idx.msk [tilespmem:v4+s5+$0xFFFFFFD0 ss:$0x1], $0xffff;
	[tilespmem:s5+$0x1DD00] =	vst v17  }
0x373: {  	v17 =	vadd.s32 $0x200, v20;
	v35 =	vadd.s32 $0x201, v20;
	[tilespmem:s5+$0x1CCE0] =	vst v13;
	v13 =	vadd.s32 $0x1, v20;
	v36 =	vld.idx.msk [tilespmem:v5+s5+$0x0 ss:$0x1], $0xffff  }
0x374: {  	v37 =	vld.idx.msk [tilespmem:v4+s5+$0xFFFFFFE0 ss:$0x1], $0xffff;
	[tilespmem:s5+$0x1CCF0] =	vst v20  }
0x375: {  	[tilespmem:s5+$0x1DC90] =	vst v21;
	v20 =	vld.idx.msk [tilespmem:v4+s5+$0xFFFFFFF0 ss:$0x1], $0xffff  }
0x376: {  	[tilespmem:s5+$0x1DCA0] =	vst v24  }
0x377: {  	v21 =	vadd.s32 $0x200, v14;
	[tilespmem:s5+$0x1DCB0] =	vst v27  }
0x378: {  	[tilespmem:s5+$0x1D100] =	vst v21  }
0x379: {  	[tilespmem:s5+$0x1DF00] =	vst v36  }
0x37a: {  	[tilespmem:s5+$0x1DCC0] =	vst v31;
	v21 =	vld.idx.msk [tilespmem:v6+s5+$0x0 ss:$0x1], $0xffff  }
0x37b: {  	[tilespmem:s5+$0x1DCD0] =	vst v30  }
0x37c: {  	[tilespmem:s5+$0x1DCE0] =	vst v37  }
0x37d: {  	[tilespmem:s5+$0x1DCF0] =	vst v20  }
0x37e: {  	v14 =	vadd.s32 $0x201, v14;
	[tilespmem:s5+$0x1CE90] =	vst v15  }
0x37f: {  	v15 =	vld.idx.msk [tilespmem:v5+s5+$0xFFFFFF90 ss:$0x1], $0xffff;
	[tilespmem:s5+$0x1D300] =	vst v14  }
0x380: {  	[tilespmem:s5+$0x1E100] =	vst v21  }
0x381: {  	[tilespmem:s5+$0x1CEA0] =	vst v18;
	v14 =	vld.idx.msk [tilespmem:v7+s5+$0x0 ss:$0x1], $0xffff  }
0x382: {  	v18 =	vld.idx.msk [tilespmem:v5+s5+$0xFFFFFFA0 ss:$0x1], $0xffff;
	[tilespmem:s5+$0x1CEB0] =	vst v22  }
0x383: {  	v20 =	vld.idx.msk [tilespmem:v5+s5+$0xFFFFFFB0 ss:$0x1], $0xffff;
	[tilespmem:s5+$0x1CEC0] =	vst v25  }
0x384: {  	v21 =	vld.idx.msk [tilespmem:v5+s5+$0xFFFFFFC0 ss:$0x1], $0xffff;
	[tilespmem:s5+$0x1CED0] =	vst v28  }
0x385: {  	v22 =	vld.idx.msk [tilespmem:v5+s5+$0xFFFFFFD0 ss:$0x1], $0xffff;
	[tilespmem:s5+$0x1CEE0] =	vst v32  }
0x386: {  	v24 =	vld.idx.msk [tilespmem:v5+s5+$0xFFFFFFE0 ss:$0x1], $0xffff;
	[tilespmem:s5+$0x1CEF0] =	vst v13  }
0x387: {  	v13 =	vld.idx.msk [tilespmem:v5+s5+$0xFFFFFFF0 ss:$0x1], $0xffff;
	[tilespmem:s5+$0x1E300] =	vst v14  }
0x388: {  	[tilespmem:s5+$0x1DE90] =	vst v15  }
0x389: {  	[tilespmem:s5+$0x1DEA0] =	vst v18  }
0x38a: {  	[tilespmem:s5+$0x1DEB0] =	vst v20  }
0x38b: {  	[tilespmem:s5+$0x1DEC0] =	vst v21  }
0x38c: {  	[tilespmem:s5+$0x1DED0] =	vst v22  }
0x38d: {  	[tilespmem:s5+$0x1DEE0] =	vst v24  }
0x38e: {  	[tilespmem:s5+$0x1DEF0] =	vst v13  }
0x38f: {  	[tilespmem:s5+$0x1D090] =	vst v16  }
0x390: {  	v13 =	vld.idx.msk [tilespmem:v6+s5+$0xFFFFFF90 ss:$0x1], $0xffff;
	[tilespmem:s5+$0x1D0A0] =	vst v19  }
0x391: {  	v14 =	vld.idx.msk [tilespmem:v6+s5+$0xFFFFFFA0 ss:$0x1], $0xffff;
	[tilespmem:s5+$0x1D0B0] =	vst v23  }
0x392: {  	v15 =	vld.idx.msk [tilespmem:v6+s5+$0xFFFFFFB0 ss:$0x1], $0xffff;
	[tilespmem:s5+$0x1D0C0] =	vst v26  }
0x393: {  	v16 =	vld.idx.msk [tilespmem:v6+s5+$0xFFFFFFC0 ss:$0x1], $0xffff;
	[tilespmem:s5+$0x1D0D0] =	vst v29  }
0x394: {  	v18 =	vld.idx.msk [tilespmem:v6+s5+$0xFFFFFFD0 ss:$0x1], $0xffff;
	[tilespmem:s5+$0x1D0E0] =	vst v33  }
0x395: {  	v19 =	vld.idx.msk [tilespmem:v6+s5+$0xFFFFFFE0 ss:$0x1], $0xffff;
	[tilespmem:s5+$0x1D0F0] =	vst v17  }
0x396: {  	[tilespmem:s5+$0x1E090] =	vst v13;
	v13 =	vld.idx.msk [tilespmem:v6+s5+$0xFFFFFFF0 ss:$0x1], $0xffff  }
0x397: {  	[tilespmem:s5+$0x1E0A0] =	vst v14  }
0x398: {  	[tilespmem:s5+$0x1E0B0] =	vst v15  }
0x399: {  	[tilespmem:s5+$0x1E0C0] =	vst v16  }
0x39a: {  	[tilespmem:s5+$0x1E0D0] =	vst v18  }
0x39b: {  	[tilespmem:s5+$0x1E0E0] =	vst v19  }
0x39c: {  	[tilespmem:s5+$0x1E0F0] =	vst v13  }
0x39d: {  	[tilespmem:s5+$0x1D290] =	vst v8  }
0x39e: {  	v13 =	vld.idx.msk [tilespmem:v7+s5+$0xFFFFFF90 ss:$0x1], $0xffff;
	[tilespmem:s5+$0x1D2A0] =	vst v9  }
.Ltmp7:
0x39f: {  	v8 =	vld.idx.msk [tilespmem:v7+s5+$0xFFFFFFA0 ss:$0x1], $0xffff;
	[tilespmem:s5+$0x1D2B0] =	vst v10;
	(pc) =	sbr.rel @p0 .LBB2_17-.Ltmp7, $4  }
0x3a0: {  	v9 =	vld.idx.msk [tilespmem:v7+s5+$0xFFFFFFB0 ss:$0x1], $0xffff;
	[tilespmem:s5+$0x1D2C0] =	vst v11  }
0x3a1: {  	v10 =	vld.idx.msk [tilespmem:v7+s5+$0xFFFFFFC0 ss:$0x1], $0xffff;
	[tilespmem:s5+$0x1D2D0] =	vst v12  }
0x3a2: {  	v11 =	vld.idx.msk [tilespmem:v7+s5+$0xFFFFFFD0 ss:$0x1], $0xffff;
	[tilespmem:s5+$0x1D2E0] =	vst v34  }
0x3a3: {  	s18 =	sadd.s32 $0x200, s18;
	v12 =	vld.idx.msk [tilespmem:v7+s5+$0xFFFFFFE0 ss:$0x1], $0xffff;
	[tilespmem:s5+$0x1D2F0] =	vst v35  }
0x3a4: {  	_ =	sdelay $0x2  }
0x3a5: {  	[tilespmem:s5+$0x1E290] =	vst v13  }
0x3a6: {  	v3 =	vld.idx.msk [tilespmem:v7+s5+$0xFFFFFFF0 ss:$0x1], $0xffff;
	[tilespmem:s5+$0x1E2A0] =	vst v8;
	s0 =	sadd.s32 $0x1, s0  }
0x3a7: {  	s30 =	simm.s32 $0x800;
	s10 =	simm.s32 $0x1CC90;
	[tilespmem:s5+$0x1E2B0] =	vst v9;
	p0 =	sne.s32 s0, $0x10  }
.Ltmp8:
0x3a8: {  	s18 =	simm.s32 $0x1DC90;
	s2 =	sadd.s32 $0x400, s2;
	[tilespmem:s5+$0x1E2C0] =	vst v10;
	(pc) =	sbr.rel @p0 .LBB2_14-.Ltmp8, $4  }
0x3a9: {  	s7 =	sadd.s32 $0x400, s7;
	s8 =	sadd.s32 $0x400, s8;
	s9 =	sadd.s32 $0x400, s9;
	[tilespmem:s5+$0x1E2D0] =	vst v11  }
0x3aa: {  	s13 =	sadd.s32 $0x400, s13;
	s14 =	sadd.s32 $0x400, s14;
	s15 =	sadd.s32 $0x400, s15;
	[tilespmem:s5+$0x1E2E0] =	vst v12  }
0x3ab: {  	s16 =	sadd.s32 $0x400, s16;
	s20 =	sadd.s32 $0x400, s20;
	s22 =	sadd.s32 $0x400, s22;
	[tilespmem:s5+$0x1E2F0] =	vst v3  }
0x3ac: {  	[spmem:s25] =	stream.indirect.scatter.add.f32 [tilespmem:s18], [sflag:$0x4], $0x1, s10, s30, $0xb8;
	[tilespmem:$0x1E690] =	vst v63  }
0x3ad: {  	_ =	swait.ge [sflag:s24], $0x800  }
0x3ae: {  	[sflag:s24] =	ssyncset.done $0x0  }
0x3af: {  	[sflag:s24] =	ssyncadd.s32 $0xFFFFF800  }
0x3b0: {  	_ =	swait.ge [sflag:s26], $0x800  }
0x3b1: {  	[sflag:s26] =	ssyncset.done $0x0  }
0x3b2: {  	[sflag:s26] =	ssyncadd.s32 $0xFFFFF800  }
0x3b3: {  	s2 =	simm.s32 $0x0;
	s22 =	simm.s32 $0x1D490;
	[bflag:$0x0] =	sbarrier.arrive $0xFFFF  }
.LBB2_20:
0x3b4: {  	s0 =	rddreg [dreg:$0xf]  }
0x3b5: {  	s0 =	sadd.s32 s0, s2  }
0x3b6: {  	s16 =	sshll.u32 s2, $0x7;
	s0 =	sshll.u32 s0, $0x12  }
0x3b7: {  	[smem:$0x7F9] =	sst s2;
	s13 =	sand.u32 $0x380, s16;
	s10 =	sand.u32 $0x3E00000, s0  }
0x3b8: {  	s20 =	rddreg [dreg:$0xe];
	s0 =	sor.u32 s13, s10  }
0x3b9: {  	s5 =	rddreg [dreg:$0x0];
	s25 =	simm.s32 $0x1C090;
	s8 =	sor.u32 s20, s0  }
0x3ba: {  	s29 =	rddreg [dreg:$0x10];
	s30 =	simm.s32 $0x1;
	s7 =	sshrl.u32 s8, $0x3  }
0x3bb: {  	s2 =	sor.u32 s29, s13;
	[smem:$0x7FA] =	sst s7;
	s23 =	sadd.s32 s5, s7  }
0x3bc: {  	[tilespmem:s25], [sflag:$0x1] =	stream.strided.gather [hbm4b:s23+s1], $0x200, s28, s1, $0x38;
	[tilespmem:$0x1E690] =	vst v63  }
0x3bd: {  	s2 =	sor.u32 s10, s2;
	_ =	swait.ge [sflag:s30], $0x200  }
0x3be: {  	s31 =	simm.s32 $0x1C290;
	s2 =	sshrl.u32 s2, $0x3;
	[sflag:s30] =	ssyncset.done $0x0  }
0x3bf: {  	[smem:$0x7FB] =	sst s2;
	s2 =	sadd.s32 s5, s2;
	[sflag:s30] =	ssyncadd.s32 $0xFFFFFE00  }
0x3c0: {  	[tilespmem:s31], [sflag:$0x2] =	stream.strided.gather [hbm4b:s2+s1], $0x200, s28, s1, $0x38;
	[tilespmem:$0x1E690] =	vst v63  }
0x3c1: {  	s2 =	simm.s32 $0x0  }
0x3c2: {  	v3 =	vld [tilespmem:s2+$0x1C100]  }
0x3c3: {  	v4 =	vld [tilespmem:s2+$0x18100]  }
0x3c4: {  	v5 =	vld [tilespmem:s2+$0x1C090]  }
0x3c5: {  	v6 =	vld [tilespmem:s2+$0xC090]  }
0x3c6: {  	v7 =	vld [tilespmem:s2+$0x10090]  }
0x3c7: {  	v8 =	vld [tilespmem:s2+$0x14090]  }
0x3c8: {  	v9 =	vld [tilespmem:s2+$0x18090]  }
0x3c9: {  	v10 =	vld [tilespmem:s2+$0x1C0A0]  }
0x3ca: {  	v11 =	vld [tilespmem:s2+$0xC0A0]  }
0x3cb: {  	v12 =	vld [tilespmem:s2+$0x100A0]  }
0x3cc: {  	v13 =	vld [tilespmem:s2+$0x140A0]  }
0x3cd: {  	v14 =	vld [tilespmem:s2+$0x180A0]  }
0x3ce: {  	v15 =	vld [tilespmem:s2+$0x1C0B0]  }
0x3cf: {  	v16 =	vld [tilespmem:s2+$0xC0B0];
	v4 =	vmul.f32 v4, v3  }
0x3d0: {  	v17 =	vld [tilespmem:s2+$0x100B0];
	v6 =	vmul.f32 v6, v5  }
0x3d1: {  	[tilespmem:s2+$0x1DB00] =	vst v4;
	v4 =	vmul.f32 v7, v5;
	v7 =	vld [tilespmem:s2+$0x140B0]  }
0x3d2: {  	[tilespmem:s2+$0x1D490] =	vst v6;
	v6 =	vmul.f32 v8, v5;
	v8 =	vld [tilespmem:s2+$0x180B0]  }
0x3d3: {  	[tilespmem:s2+$0x1D690] =	vst v4;
	v4 =	vmul.f32 v9, v5;
	v5 =	vld [tilespmem:s2+$0x1C0C0]  }
0x3d4: {  	[tilespmem:s2+$0x1D890] =	vst v6;
	v6 =	vmul.f32 v11, v10;
	v9 =	vld [tilespmem:s2+$0xC0C0]  }
0x3d5: {  	v11 =	vld [tilespmem:s2+$0x100C0];
	[tilespmem:s2+$0x1DA90] =	vst v4;
	v4 =	vmul.f32 v12, v10  }
0x3d6: {  	[tilespmem:s2+$0x1D4A0] =	vst v6;
	v6 =	vmul.f32 v13, v10;
	v12 =	vld [tilespmem:s2+$0x140C0]  }
0x3d7: {  	v13 =	vld [tilespmem:s2+$0x1C0D0];
	[tilespmem:s2+$0x1D6A0] =	vst v4;
	v4 =	vmul.f32 v14, v10  }
0x3d8: {  	v10 =	vld [tilespmem:s2+$0x180C0];
	[tilespmem:s2+$0x1D8A0] =	vst v6;
	v6 =	vmul.f32 v16, v15  }
0x3d9: {  	v14 =	vld [tilespmem:s2+$0xC0D0];
	[tilespmem:s2+$0x1DAA0] =	vst v4;
	v4 =	vmul.f32 v17, v15  }
0x3da: {  	[tilespmem:s2+$0x1D4B0] =	vst v6;
	v6 =	vmul.f32 v7, v15;
	v7 =	vld [tilespmem:s2+$0x100D0]  }
0x3db: {  	[tilespmem:s2+$0x1D6B0] =	vst v4;
	v4 =	vmul.f32 v8, v15;
	v8 =	vld [tilespmem:s2+$0x140D0]  }
0x3dc: {  	[tilespmem:s2+$0x1D8B0] =	vst v6;
	v6 =	vmul.f32 v9, v5;
	v9 =	vld [tilespmem:s2+$0x180D0]  }
0x3dd: {  	[tilespmem:s2+$0x1DAB0] =	vst v4;
	v4 =	vmul.f32 v11, v5;
	v11 =	vld [tilespmem:s2+$0x1C0E0]  }
0x3de: {  	[tilespmem:s2+$0x1D4C0] =	vst v6;
	v6 =	vmul.f32 v12, v5;
	v12 =	vld [tilespmem:s2+$0xC0E0]  }
0x3df: {  	[tilespmem:s2+$0x1D6C0] =	vst v4;
	v4 =	vmul.f32 v10, v5;
	v5 =	vld [tilespmem:s2+$0x100E0]  }
0x3e0: {  	[tilespmem:s2+$0x1D8C0] =	vst v6;
	v6 =	vmul.f32 v14, v13;
	v10 =	vld [tilespmem:s2+$0x140E0]  }
0x3e1: {  	[tilespmem:s2+$0x1DAC0] =	vst v4;
	v4 =	vmul.f32 v7, v13;
	v7 =	vld [tilespmem:s2+$0x180E0]  }
0x3e2: {  	[tilespmem:s2+$0x1D4D0] =	vst v6;
	v6 =	vmul.f32 v8, v13;
	v8 =	vld [tilespmem:s2+$0x1C0F0]  }
0x3e3: {  	[tilespmem:s2+$0x1D6D0] =	vst v4;
	v4 =	vmul.f32 v9, v13;
	v9 =	vld [tilespmem:s2+$0xC0F0]  }
0x3e4: {  	[tilespmem:s2+$0x1D8D0] =	vst v6;
	v6 =	vmul.f32 v12, v11;
	v12 =	vld [tilespmem:s2+$0x100F0]  }
0x3e5: {  	[tilespmem:s2+$0x1DAD0] =	vst v4;
	v4 =	vmul.f32 v5, v11;
	v5 =	vld [tilespmem:s2+$0x140F0]  }
0x3e6: {  	[tilespmem:s2+$0x1D4E0] =	vst v6;
	v6 =	vmul.f32 v10, v11;
	v10 =	vld [tilespmem:s2+$0x180F0]  }
0x3e7: {  	[tilespmem:s2+$0x1D6E0] =	vst v4;
	v4 =	vmul.f32 v7, v11;
	v7 =	vld [tilespmem:s2+$0xC100]  }
0x3e8: {  	[tilespmem:s2+$0x1D8E0] =	vst v6;
	v11 =	vld [tilespmem:s2+$0x10100];
	v6 =	vmul.f32 v9, v8  }
0x3e9: {  	[tilespmem:s2+$0x1DAE0] =	vst v4;
	v4 =	vmul.f32 v12, v8;
	v12 =	vld [tilespmem:s2+$0x14100]  }
0x3ea: {  	[tilespmem:s2+$0x1D4F0] =	vst v6;
	v5 =	vmul.f32 v5, v8  }
0x3eb: {  	v9 =	vld [tilespmem:s2+$0x8090];
	[tilespmem:s2+$0x1D6F0] =	vst v4;
	v4 =	vmul.f32 v10, v8  }
0x3ec: {  	v6 =	vld [tilespmem:s2+$0x80D0];
	[tilespmem:s2+$0x1D8F0] =	vst v5;
	v5 =	vmul.f32 v7, v3  }
0x3ed: {  	[tilespmem:s2+$0x1DAF0] =	vst v4;
	v4 =	vmul.f32 v11, v3  }
0x3ee: {  	[tilespmem:s2+$0x1D500] =	vst v5;
	v3 =	vmul.f32 v12, v3  }
0x3ef: {  	v10 =	vld [tilespmem:s2+$0x80A0];
	[tilespmem:s2+$0x1D700] =	vst v4  }
0x3f0: {  	v4 =	vadd.s32 $0x1, v9;
	[tilespmem:s2+$0x1D900] =	vst v3  }
0x3f1: {  	v14 =	vadd.s32 $0x201, v6;
	[tilespmem:s2+$0x1C690] =	vst v4  }
0x3f2: {  	v8 =	vld [tilespmem:s2+$0x80B0];
	v3 =	vadd.s32 $0x200, v9;
	[tilespmem:s2+$0x1CAD0] =	vst v14  }
0x3f3: {  	v4 =	vadd.s32 $0x201, v9;
	[tilespmem:s2+$0x1C890] =	vst v3  }
0x3f4: {  	v3 =	vadd.s32 $0x1, v10;
	[tilespmem:s2+$0x1CA90] =	vst v4  }
0x3f5: {  	v7 =	vld [tilespmem:s2+$0x80C0];
	v4 =	vadd.s32 $0x200, v10;
	[tilespmem:s2+$0x1C6A0] =	vst v3  }
0x3f6: {  	v3 =	vadd.s32 $0x201, v10;
	[tilespmem:s2+$0x1C8A0] =	vst v4  }
0x3f7: {  	v4 =	vadd.s32 $0x1, v8;
	[tilespmem:s2+$0x1CAA0] =	vst v3  }
0x3f8: {  	v3 =	vadd.s32 $0x200, v8;
	[tilespmem:s2+$0x1C6B0] =	vst v4  }
0x3f9: {  	v5 =	vld [tilespmem:s2+$0x80E0];
	v4 =	vadd.s32 $0x201, v8;
	[tilespmem:s2+$0x1C8B0] =	vst v3  }
0x3fa: {  	v3 =	vadd.s32 $0x1, v7;
	[tilespmem:s2+$0x1CAB0] =	vst v4;
	v4 =	vld [tilespmem:s2+$0x80F0]  }
0x3fb: {  	v11 =	vadd.s32 $0x200, v7;
	[tilespmem:s2+$0x1C6C0] =	vst v3;
	v3 =	vld [tilespmem:s2+$0x8100]  }
0x3fc: {  	v12 =	vadd.s32 $0x201, v7;
	[tilespmem:s2+$0x1C8C0] =	vst v11  }
0x3fd: {  	v11 =	vadd.s32 $0x1, v6;
	[tilespmem:s2+$0x1CAC0] =	vst v12;
	v12 =	vadd.s32 $0x200, v6  }
0x3fe: {  	[tilespmem:s2+$0x1C6D0] =	vst v11;
	v19 =	vadd.s32 $0x1, v5;
	v11 =	vadd.s32 $0x200, v5;
	v17 =	vadd.s32 $0x201, v5  }
0x3ff: {  	[tilespmem:s2+$0x1C8D0] =	vst v12;
	v18 =	vadd.s32 $0x1, v4;
	v15 =	vadd.s32 $0x200, v4;
	v13 =	vadd.s32 $0x201, v4  }
0x400: {  	s7 =	simm.s32 $0x200;
	s5 =	simm.s32 $0x0;
	[tilespmem:s2+$0x1C6E0] =	vst v19;
	v16 =	vadd.s32 $0x1, v3;
	v14 =	vadd.s32 $0x200, v3;
	v12 =	vadd.s32 $0x201, v3  }
.LBB2_21:
0x401: {  	s9 =	sshra.s32 s7, $0x2;
	[tilespmem:s2+$0x1C8E0] =	vst v11  }
0x402: {  	s5 =	sadd.s32 $0x8, s5;
	v11 =	vld [tilespmem:s9+$0x1C100];
	[tilespmem:s2+$0x1CAE0] =	vst v17  }
0x403: {  	p0 =	slt.u32 s5, $0x18;
	v17 =	vld [tilespmem:s9+$0x18100];
	[tilespmem:s2+$0x1C6F0] =	vst v18  }
0x404: {  	v18 =	vld [tilespmem:s9+$0x1C090];
	[tilespmem:s2+$0x1C8F0] =	vst v15  }
0x405: {  	v15 =	vld [tilespmem:s9+$0xC090];
	[tilespmem:s2+$0x1CAF0] =	vst v13  }
0x406: {  	v13 =	vld [tilespmem:s9+$0x10090];
	[tilespmem:s2+$0x1C700] =	vst v16  }
0x407: {  	v16 =	vld [tilespmem:s9+$0x14090];
	[tilespmem:s2+$0x1C900] =	vst v14  }
0x408: {  	v14 =	vld [tilespmem:s9+$0x18090];
	v17 =	vmul.f32 v17, v11;
	[tilespmem:s2+$0x1CB00] =	vst v12  }
0x409: {  	v12 =	vld [tilespmem:s9+$0x1C0A0];
	[tilespmem:s2+$0x1C490] =	vst v9  }
0x40a: {  	v9 =	vmul.f32 v15, v18;
	v15 =	vld [tilespmem:s9+$0xC0A0];
	[tilespmem:s9+$0x1DB00] =	vst v17  }
0x40b: {  	v13 =	vmul.f32 v13, v18;
	v17 =	vld [tilespmem:s9+$0x100A0];
	[tilespmem:s2+$0x1C4A0] =	vst v10  }
0x40c: {  	[tilespmem:s9+$0x1D490] =	vst v9;
	v9 =	vmul.f32 v16, v18;
	v10 =	vld [tilespmem:s9+$0x140A0]  }
0x40d: {  	[tilespmem:s9+$0x1D690] =	vst v13;
	v13 =	vmul.f32 v14, v18;
	v14 =	vld [tilespmem:s9+$0x180A0]  }
0x40e: {  	[tilespmem:s9+$0x1D890] =	vst v9;
	v9 =	vld [tilespmem:s9+$0x1C0B0]  }
0x40f: {  	[tilespmem:s9+$0x1DA90] =	vst v13;
	v13 =	vmul.f32 v15, v12;
	v15 =	vld [tilespmem:s9+$0xC0B0]  }
0x410: {  	v16 =	vmul.f32 v17, v12;
	v17 =	vld [tilespmem:s9+$0x100B0];
	[tilespmem:s2+$0x1C4B0] =	vst v8  }
0x411: {  	[tilespmem:s9+$0x1D4A0] =	vst v13;
	v8 =	vmul.f32 v10, v12;
	v10 =	vld [tilespmem:s9+$0x140B0]  }
0x412: {  	[tilespmem:s9+$0x1D6A0] =	vst v16;
	v12 =	vmul.f32 v14, v12;
	v13 =	vld [tilespmem:s9+$0x180B0]  }
0x413: {  	[tilespmem:s9+$0x1D8A0] =	vst v8;
	v8 =	vld [tilespmem:s9+$0x1C0C0]  }
0x414: {  	[tilespmem:s9+$0x1DAA0] =	vst v12;
	v12 =	vmul.f32 v15, v9;
	v14 =	vld [tilespmem:s9+$0xC0C0]  }
0x415: {  	v15 =	vmul.f32 v17, v9;
	v16 =	vld [tilespmem:s9+$0x100C0];
	[tilespmem:s2+$0x1C4C0] =	vst v7  }
0x416: {  	[tilespmem:s9+$0x1D4B0] =	vst v12;
	v7 =	vmul.f32 v10, v9;
	v10 =	vld [tilespmem:s9+$0x140C0]  }
0x417: {  	[tilespmem:s9+$0x1D6B0] =	vst v15;
	v9 =	vmul.f32 v13, v9;
	v12 =	vld [tilespmem:s9+$0x180C0]  }
0x418: {  	[tilespmem:s9+$0x1D8B0] =	vst v7;
	v7 =	vld [tilespmem:s9+$0x1C0D0]  }
0x419: {  	[tilespmem:s9+$0x1DAB0] =	vst v9;
	v9 =	vmul.f32 v14, v8;
	v13 =	vld [tilespmem:s9+$0xC0D0]  }
0x41a: {  	v14 =	vmul.f32 v16, v8;
	v15 =	vld [tilespmem:s9+$0x100D0];
	[tilespmem:s2+$0x1C4D0] =	vst v6  }
0x41b: {  	[tilespmem:s9+$0x1D4C0] =	vst v9;
	v6 =	vmul.f32 v10, v8;
	v9 =	vld [tilespmem:s9+$0x140D0]  }
0x41c: {  	[tilespmem:s9+$0x1D6C0] =	vst v14;
	v8 =	vmul.f32 v12, v8;
	v10 =	vld [tilespmem:s9+$0x180D0]  }
0x41d: {  	[tilespmem:s9+$0x1D8C0] =	vst v6;
	v6 =	vld [tilespmem:s9+$0x1C0E0]  }
0x41e: {  	[tilespmem:s9+$0x1DAC0] =	vst v8;
	v8 =	vmul.f32 v13, v7;
	v12 =	vld [tilespmem:s9+$0xC0E0]  }
0x41f: {  	v13 =	vmul.f32 v15, v7;
	v14 =	vld [tilespmem:s9+$0x100E0];
	[tilespmem:s2+$0x1C4E0] =	vst v5  }
0x420: {  	[tilespmem:s9+$0x1D4D0] =	vst v8;
	v5 =	vmul.f32 v9, v7;
	v8 =	vld [tilespmem:s9+$0x140E0]  }
0x421: {  	[tilespmem:s9+$0x1D6D0] =	vst v13;
	v7 =	vmul.f32 v10, v7;
	v9 =	vld [tilespmem:s9+$0x180E0]  }
0x422: {  	[tilespmem:s9+$0x1D8D0] =	vst v5;
	v5 =	vld [tilespmem:s9+$0x1C0F0]  }
0x423: {  	[tilespmem:s9+$0x1DAD0] =	vst v7;
	v7 =	vmul.f32 v12, v6;
	v10 =	vld [tilespmem:s9+$0xC0F0]  }
0x424: {  	v12 =	vmul.f32 v14, v6;
	v13 =	vld [tilespmem:s9+$0x100F0];
	[tilespmem:s2+$0x1C4F0] =	vst v4  }
0x425: {  	[tilespmem:s9+$0x1D4E0] =	vst v7;
	v4 =	vmul.f32 v8, v6;
	v7 =	vld [tilespmem:s9+$0x140F0]  }
0x426: {  	[tilespmem:s9+$0x1D6E0] =	vst v12;
	v6 =	vmul.f32 v9, v6;
	v8 =	vld [tilespmem:s9+$0x180F0]  }
0x427: {  	[tilespmem:s9+$0x1D8E0] =	vst v4;
	v4 =	vld [tilespmem:s9+$0xC100]  }
0x428: {  	[tilespmem:s9+$0x1DAE0] =	vst v6;
	v6 =	vmul.f32 v10, v5;
	v12 =	vld [tilespmem:s9+$0x10100]  }
0x429: {  	v13 =	vmul.f32 v13, v5;
	v14 =	vld [tilespmem:s9+$0x14100];
	[tilespmem:s2+$0x1C500] =	vst v3;
	s2 =	smov.u32 s9  }
0x42a: {  	v9 =	vld [tilespmem:s2+$0x8090];
	[tilespmem:s2+$0x1D4F0] =	vst v6;
	v3 =	vmul.f32 v7, v5  }
0x42b: {  	v10 =	vld [tilespmem:s2+$0x80A0];
	[tilespmem:s2+$0x1D6F0] =	vst v13;
	v5 =	vmul.f32 v8, v5  }
0x42c: {  	v8 =	vld [tilespmem:s2+$0x80B0];
	[tilespmem:s2+$0x1D8F0] =	vst v3;
	v3 =	vmul.f32 v4, v11  }
0x42d: {  	v7 =	vld [tilespmem:s2+$0x80C0];
	[tilespmem:s2+$0x1DAF0] =	vst v5;
	v4 =	vmul.f32 v12, v11  }
0x42e: {  	v6 =	vld [tilespmem:s2+$0x80D0];
	[tilespmem:s2+$0x1D500] =	vst v3;
	v3 =	vmul.f32 v14, v11  }
0x42f: {  	v11 =	vadd.s32 $0x1, v9;
	v12 =	vadd.s32 $0x200, v9;
	v13 =	vadd.s32 $0x201, v9;
	v5 =	vld [tilespmem:s2+$0x80E0];
	[tilespmem:s2+$0x1D700] =	vst v4  }
0x430: {  	v14 =	vadd.s32 $0x1, v10;
	v15 =	vadd.s32 $0x200, v10;
	v16 =	vadd.s32 $0x201, v10;
	v4 =	vld [tilespmem:s2+$0x80F0];
	[tilespmem:s2+$0x1D900] =	vst v3  }
0x431: {  	[tilespmem:s2+$0x1C690] =	vst v11;
	v19 =	vadd.s32 $0x1, v8;
	v20 =	vadd.s32 $0x200, v8;
	v21 =	vadd.s32 $0x201, v8;
	v3 =	vld [tilespmem:s2+$0x8100]  }
0x432: {  	[tilespmem:s2+$0x1C890] =	vst v12;
	v22 =	vadd.s32 $0x1, v7;
	v23 =	vadd.s32 $0x200, v7;
	v24 =	vadd.s32 $0x201, v7  }
0x433: {  	[tilespmem:s2+$0x1CA90] =	vst v13;
	v25 =	vadd.s32 $0x1, v6;
	v26 =	vadd.s32 $0x200, v6;
	v27 =	vadd.s32 $0x201, v6  }
0x434: {  	[tilespmem:s2+$0x1C6A0] =	vst v14;
	v28 =	vadd.s32 $0x1, v5;
	v11 =	vadd.s32 $0x200, v5;
	v17 =	vadd.s32 $0x201, v5  }
0x435: {  	[tilespmem:s2+$0x1C8A0] =	vst v15;
	v18 =	vadd.s32 $0x1, v4;
	v15 =	vadd.s32 $0x200, v4;
	v13 =	vadd.s32 $0x201, v4  }
0x436: {  	[tilespmem:s2+$0x1CAA0] =	vst v16;
	v16 =	vadd.s32 $0x1, v3;
	v14 =	vadd.s32 $0x200, v3;
	v12 =	vadd.s32 $0x201, v3  }
0x437: {  	[tilespmem:s2+$0x1C6B0] =	vst v19  }
0x438: {  	[tilespmem:s2+$0x1C8B0] =	vst v20  }
0x439: {  	[tilespmem:s2+$0x1CAB0] =	vst v21  }
0x43a: {  	[tilespmem:s2+$0x1C6C0] =	vst v22  }
0x43b: {  	[tilespmem:s2+$0x1C8C0] =	vst v23  }
.Ltmp9:
0x43c: {  	[tilespmem:s2+$0x1CAC0] =	vst v24;
	(pc) =	sbr.rel @p0 .LBB2_21-.Ltmp9, $4  }
0x43d: {  	[tilespmem:s2+$0x1C6D0] =	vst v25  }
0x43e: {  	[tilespmem:s2+$0x1C8D0] =	vst v26  }
0x43f: {  	[tilespmem:s2+$0x1CAD0] =	vst v27  }
0x440: {  	s7 =	sadd.s32 $0x200, s7;
	[tilespmem:s2+$0x1C6E0] =	vst v28  }
0x441: {  	[tilespmem:s2+$0x1C8E0] =	vst v11  }
0x442: {  	[tilespmem:s2+$0x1CAE0] =	vst v17  }
0x443: {  	[tilespmem:s2+$0x1C6F0] =	vst v18  }
0x444: {  	[tilespmem:s2+$0x1C8F0] =	vst v15  }
0x445: {  	[tilespmem:s2+$0x1CAF0] =	vst v13  }
0x446: {  	[tilespmem:s2+$0x1C700] =	vst v16  }
0x447: {  	[tilespmem:s2+$0x1C900] =	vst v14  }
0x448: {  	[tilespmem:s2+$0x1CB00] =	vst v12  }
0x449: {  	[tilespmem:s2+$0x1C490] =	vst v9  }
0x44a: {  	[tilespmem:s2+$0x1C4A0] =	vst v10  }
0x44b: {  	[tilespmem:s2+$0x1C4B0] =	vst v8  }
0x44c: {  	[tilespmem:s2+$0x1C4C0] =	vst v7  }
0x44d: {  	[tilespmem:s2+$0x1C4D0] =	vst v6  }
0x44e: {  	[tilespmem:s2+$0x1C4E0] =	vst v5  }
0x44f: {  	[tilespmem:s2+$0x1C4F0] =	vst v4  }
0x450: {  	[tilespmem:s2+$0x1C500] =	vst v3;
	s23 =	simm.s32 $0x800;
	s5 =	simm.s32 $0x1C490  }
0x451: {  	[spmem:s6] =	stream.indirect.scatter.add.f32 [tilespmem:s22], [sflag:$0x3], $0x1, s5, s23, $0xb8;
	[tilespmem:$0x1E690] =	vst v63  }
0x452: {  	s29 =	simm.s32 $0x2;
	[smem:$0x7F7] =	sst s13  }
0x453: {  	s25 =	rddreg [dreg:$0x11];
	_ =	swait.ge [sflag:s29], $0x200  }
0x454: {  	s2 =	sor.u32 s25, s13;
	[sflag:s29] =	ssyncset.done $0x0  }
0x455: {  	s2 =	sor.u32 s10, s2;
	[sflag:s29] =	ssyncadd.s32 $0xFFFFFE00  }
0x456: {  	s2 =	sshrl.u32 s2, $0x3;
	s5 =	rddreg [dreg:$0x0]  }
0x457: {  	s30 =	simm.s32 $0x1C090;
	s2 =	sadd.s32 s5, s2  }
0x458: {  	[tilespmem:s30], [sflag:$0x1] =	stream.strided.gather [hbm4b:s2+s1], $0x200, s28, s1, $0x38;
	[tilespmem:$0x1E690] =	vst v63  }
0x459: {  	[smem:$0x7F8] =	sst s10;
	s2 =	simm.s32 $0x0  }
0x45a: {  	v3 =	vld [tilespmem:s2+$0x1C300]  }
0x45b: {  	v4 =	vld [tilespmem:s2+$0x18300]  }
0x45c: {  	v5 =	vld [tilespmem:s2+$0x1C290]  }
0x45d: {  	v6 =	vld [tilespmem:s2+$0xC290]  }
0x45e: {  	v7 =	vld [tilespmem:s2+$0x10290]  }
0x45f: {  	v8 =	vld [tilespmem:s2+$0x14290]  }
0x460: {  	v9 =	vld [tilespmem:s2+$0x18290]  }
0x461: {  	v10 =	vld [tilespmem:s2+$0x1C2A0]  }
0x462: {  	v11 =	vld [tilespmem:s2+$0xC2A0]  }
0x463: {  	v12 =	vld [tilespmem:s2+$0x102A0]  }
0x464: {  	v13 =	vld [tilespmem:s2+$0x142A0]  }
0x465: {  	v14 =	vld [tilespmem:s2+$0x182A0]  }
0x466: {  	v15 =	vld [tilespmem:s2+$0x1C2B0]  }
0x467: {  	v16 =	vld [tilespmem:s2+$0xC2B0];
	v4 =	vmul.f32 v4, v3  }
0x468: {  	v17 =	vld [tilespmem:s2+$0x102B0];
	v6 =	vmul.f32 v6, v5  }
0x469: {  	[tilespmem:s2+$0x1E300] =	vst v4;
	v4 =	vmul.f32 v7, v5;
	v7 =	vld [tilespmem:s2+$0x142B0]  }
0x46a: {  	[tilespmem:s2+$0x1DC90] =	vst v6;
	v6 =	vmul.f32 v8, v5;
	v8 =	vld [tilespmem:s2+$0x182B0]  }
0x46b: {  	[tilespmem:s2+$0x1DE90] =	vst v4;
	v4 =	vmul.f32 v9, v5;
	v5 =	vld [tilespmem:s2+$0x1C2C0]  }
0x46c: {  	[tilespmem:s2+$0x1E090] =	vst v6;
	v6 =	vmul.f32 v11, v10;
	v9 =	vld [tilespmem:s2+$0xC2C0]  }
0x46d: {  	v11 =	vld [tilespmem:s2+$0x102C0];
	[tilespmem:s2+$0x1E290] =	vst v4;
	v4 =	vmul.f32 v12, v10  }
0x46e: {  	[tilespmem:s2+$0x1DCA0] =	vst v6;
	v6 =	vmul.f32 v13, v10;
	v12 =	vld [tilespmem:s2+$0x142C0]  }
0x46f: {  	v13 =	vld [tilespmem:s2+$0x1C2D0];
	[tilespmem:s2+$0x1DEA0] =	vst v4;
	v4 =	vmul.f32 v14, v10  }
0x470: {  	v10 =	vld [tilespmem:s2+$0x182C0];
	[tilespmem:s2+$0x1E0A0] =	vst v6;
	v6 =	vmul.f32 v16, v15  }
0x471: {  	v14 =	vld [tilespmem:s2+$0xC2D0];
	[tilespmem:s2+$0x1E2A0] =	vst v4;
	v4 =	vmul.f32 v17, v15  }
0x472: {  	[tilespmem:s2+$0x1DCB0] =	vst v6;
	v6 =	vmul.f32 v7, v15;
	v7 =	vld [tilespmem:s2+$0x102D0]  }
0x473: {  	[tilespmem:s2+$0x1DEB0] =	vst v4;
	v4 =	vmul.f32 v8, v15;
	v8 =	vld [tilespmem:s2+$0x142D0]  }
0x474: {  	[tilespmem:s2+$0x1E0B0] =	vst v6;
	v6 =	vmul.f32 v9, v5;
	v9 =	vld [tilespmem:s2+$0x182D0]  }
0x475: {  	[tilespmem:s2+$0x1E2B0] =	vst v4;
	v4 =	vmul.f32 v11, v5;
	v11 =	vld [tilespmem:s2+$0x1C2E0]  }
0x476: {  	[tilespmem:s2+$0x1DCC0] =	vst v6;
	v6 =	vmul.f32 v12, v5;
	v12 =	vld [tilespmem:s2+$0xC2E0]  }
0x477: {  	[tilespmem:s2+$0x1DEC0] =	vst v4;
	v4 =	vmul.f32 v10, v5;
	v5 =	vld [tilespmem:s2+$0x102E0]  }
0x478: {  	[tilespmem:s2+$0x1E0C0] =	vst v6;
	v6 =	vmul.f32 v14, v13;
	v10 =	vld [tilespmem:s2+$0x142E0]  }
0x479: {  	[tilespmem:s2+$0x1E2C0] =	vst v4;
	v4 =	vmul.f32 v7, v13;
	v7 =	vld [tilespmem:s2+$0x182E0]  }
0x47a: {  	[tilespmem:s2+$0x1DCD0] =	vst v6;
	v6 =	vmul.f32 v8, v13;
	v8 =	vld [tilespmem:s2+$0x1C2F0]  }
0x47b: {  	[tilespmem:s2+$0x1DED0] =	vst v4;
	v4 =	vmul.f32 v9, v13;
	v9 =	vld [tilespmem:s2+$0xC2F0]  }
0x47c: {  	[tilespmem:s2+$0x1E0D0] =	vst v6;
	v6 =	vmul.f32 v12, v11;
	v12 =	vld [tilespmem:s2+$0x102F0]  }
0x47d: {  	[tilespmem:s2+$0x1E2D0] =	vst v4;
	v4 =	vmul.f32 v5, v11;
	v5 =	vld [tilespmem:s2+$0x142F0]  }
0x47e: {  	[tilespmem:s2+$0x1DCE0] =	vst v6;
	v6 =	vmul.f32 v10, v11;
	v10 =	vld [tilespmem:s2+$0x182F0]  }
0x47f: {  	[tilespmem:s2+$0x1DEE0] =	vst v4;
	v4 =	vmul.f32 v7, v11;
	v7 =	vld [tilespmem:s2+$0xC300]  }
0x480: {  	[tilespmem:s2+$0x1E0E0] =	vst v6;
	v11 =	vld [tilespmem:s2+$0x10300];
	v6 =	vmul.f32 v9, v8  }
0x481: {  	[tilespmem:s2+$0x1E2E0] =	vst v4;
	v4 =	vmul.f32 v12, v8;
	v12 =	vld [tilespmem:s2+$0x14300]  }
0x482: {  	[tilespmem:s2+$0x1DCF0] =	vst v6;
	v5 =	vmul.f32 v5, v8  }
0x483: {  	v9 =	vld [tilespmem:s2+$0x8290];
	[tilespmem:s2+$0x1DEF0] =	vst v4;
	v4 =	vmul.f32 v10, v8  }
0x484: {  	v6 =	vld [tilespmem:s2+$0x82D0];
	[tilespmem:s2+$0x1E0F0] =	vst v5;
	v5 =	vmul.f32 v7, v3  }
0x485: {  	[tilespmem:s2+$0x1E2F0] =	vst v4;
	v4 =	vmul.f32 v11, v3  }
0x486: {  	[tilespmem:s2+$0x1DD00] =	vst v5;
	v3 =	vmul.f32 v12, v3  }
0x487: {  	v10 =	vld [tilespmem:s2+$0x82A0];
	[tilespmem:s2+$0x1DF00] =	vst v4  }
0x488: {  	v4 =	vadd.s32 $0x1, v9;
	[tilespmem:s2+$0x1E100] =	vst v3  }
0x489: {  	v14 =	vadd.s32 $0x201, v6;
	[tilespmem:s2+$0x1CE90] =	vst v4  }
0x48a: {  	v8 =	vld [tilespmem:s2+$0x82B0];
	v3 =	vadd.s32 $0x200, v9;
	[tilespmem:s2+$0x1D2D0] =	vst v14  }
0x48b: {  	v4 =	vadd.s32 $0x201, v9;
	[tilespmem:s2+$0x1D090] =	vst v3  }
0x48c: {  	v3 =	vadd.s32 $0x1, v10;
	[tilespmem:s2+$0x1D290] =	vst v4  }
0x48d: {  	v7 =	vld [tilespmem:s2+$0x82C0];
	v4 =	vadd.s32 $0x200, v10;
	[tilespmem:s2+$0x1CEA0] =	vst v3  }
0x48e: {  	v3 =	vadd.s32 $0x201, v10;
	[tilespmem:s2+$0x1D0A0] =	vst v4  }
0x48f: {  	v4 =	vadd.s32 $0x1, v8;
	[tilespmem:s2+$0x1D2A0] =	vst v3  }
0x490: {  	v3 =	vadd.s32 $0x200, v8;
	[tilespmem:s2+$0x1CEB0] =	vst v4  }
0x491: {  	v5 =	vld [tilespmem:s2+$0x82E0];
	v4 =	vadd.s32 $0x201, v8;
	[tilespmem:s2+$0x1D0B0] =	vst v3  }
0x492: {  	v3 =	vadd.s32 $0x1, v7;
	[tilespmem:s2+$0x1D2B0] =	vst v4;
	v4 =	vld [tilespmem:s2+$0x82F0]  }
0x493: {  	v11 =	vadd.s32 $0x200, v7;
	[tilespmem:s2+$0x1CEC0] =	vst v3;
	v3 =	vld [tilespmem:s2+$0x8300]  }
0x494: {  	v12 =	vadd.s32 $0x201, v7;
	[tilespmem:s2+$0x1D0C0] =	vst v11  }
0x495: {  	v11 =	vadd.s32 $0x1, v6;
	[tilespmem:s2+$0x1D2C0] =	vst v12;
	v12 =	vadd.s32 $0x200, v6  }
0x496: {  	[tilespmem:s2+$0x1CED0] =	vst v11;
	v19 =	vadd.s32 $0x1, v5;
	v11 =	vadd.s32 $0x200, v5;
	v17 =	vadd.s32 $0x201, v5  }
0x497: {  	[tilespmem:s2+$0x1D0D0] =	vst v12;
	v18 =	vadd.s32 $0x1, v4;
	v15 =	vadd.s32 $0x200, v4;
	v13 =	vadd.s32 $0x201, v4  }
0x498: {  	s31 =	simm.s32 $0x1D490;
	s7 =	simm.s32 $0x200;
	s5 =	simm.s32 $0x0;
	[tilespmem:s2+$0x1CEE0] =	vst v19;
	v16 =	vadd.s32 $0x1, v3;
	v14 =	vadd.s32 $0x200, v3;
	v12 =	vadd.s32 $0x201, v3  }
.LBB2_23:
0x499: {  	s9 =	sshra.s32 s7, $0x2;
	[tilespmem:s2+$0x1D0E0] =	vst v11  }
0x49a: {  	s5 =	sadd.s32 $0x8, s5;
	v11 =	vld [tilespmem:s9+$0x1C300];
	[tilespmem:s2+$0x1D2E0] =	vst v17  }
0x49b: {  	p0 =	slt.u32 s5, $0x18;
	v17 =	vld [tilespmem:s9+$0x18300];
	[tilespmem:s2+$0x1CEF0] =	vst v18  }
0x49c: {  	v18 =	vld [tilespmem:s9+$0x1C290];
	[tilespmem:s2+$0x1D0F0] =	vst v15  }
0x49d: {  	v15 =	vld [tilespmem:s9+$0xC290];
	[tilespmem:s2+$0x1D2F0] =	vst v13  }
0x49e: {  	v13 =	vld [tilespmem:s9+$0x10290];
	[tilespmem:s2+$0x1CF00] =	vst v16  }
0x49f: {  	v16 =	vld [tilespmem:s9+$0x14290];
	[tilespmem:s2+$0x1D100] =	vst v14  }
0x4a0: {  	v14 =	vld [tilespmem:s9+$0x18290];
	v17 =	vmul.f32 v17, v11;
	[tilespmem:s2+$0x1D300] =	vst v12  }
0x4a1: {  	v12 =	vld [tilespmem:s9+$0x1C2A0];
	[tilespmem:s2+$0x1CC90] =	vst v9  }
0x4a2: {  	v9 =	vmul.f32 v15, v18;
	v15 =	vld [tilespmem:s9+$0xC2A0];
	[tilespmem:s9+$0x1E300] =	vst v17  }
0x4a3: {  	v13 =	vmul.f32 v13, v18;
	v17 =	vld [tilespmem:s9+$0x102A0];
	[tilespmem:s2+$0x1CCA0] =	vst v10  }
0x4a4: {  	[tilespmem:s9+$0x1DC90] =	vst v9;
	v9 =	vmul.f32 v16, v18;
	v10 =	vld [tilespmem:s9+$0x142A0]  }
0x4a5: {  	[tilespmem:s9+$0x1DE90] =	vst v13;
	v13 =	vmul.f32 v14, v18;
	v14 =	vld [tilespmem:s9+$0x182A0]  }
0x4a6: {  	[tilespmem:s9+$0x1E090] =	vst v9;
	v9 =	vld [tilespmem:s9+$0x1C2B0]  }
0x4a7: {  	[tilespmem:s9+$0x1E290] =	vst v13;
	v13 =	vmul.f32 v15, v12;
	v15 =	vld [tilespmem:s9+$0xC2B0]  }
0x4a8: {  	v16 =	vmul.f32 v17, v12;
	v17 =	vld [tilespmem:s9+$0x102B0];
	[tilespmem:s2+$0x1CCB0] =	vst v8  }
0x4a9: {  	[tilespmem:s9+$0x1DCA0] =	vst v13;
	v8 =	vmul.f32 v10, v12;
	v10 =	vld [tilespmem:s9+$0x142B0]  }
0x4aa: {  	[tilespmem:s9+$0x1DEA0] =	vst v16;
	v12 =	vmul.f32 v14, v12;
	v13 =	vld [tilespmem:s9+$0x182B0]  }
0x4ab: {  	[tilespmem:s9+$0x1E0A0] =	vst v8;
	v8 =	vld [tilespmem:s9+$0x1C2C0]  }
0x4ac: {  	[tilespmem:s9+$0x1E2A0] =	vst v12;
	v12 =	vmul.f32 v15, v9;
	v14 =	vld [tilespmem:s9+$0xC2C0]  }
0x4ad: {  	v15 =	vmul.f32 v17, v9;
	v16 =	vld [tilespmem:s9+$0x102C0];
	[tilespmem:s2+$0x1CCC0] =	vst v7  }
0x4ae: {  	[tilespmem:s9+$0x1DCB0] =	vst v12;
	v7 =	vmul.f32 v10, v9;
	v10 =	vld [tilespmem:s9+$0x142C0]  }
0x4af: {  	[tilespmem:s9+$0x1DEB0] =	vst v15;
	v9 =	vmul.f32 v13, v9;
	v12 =	vld [tilespmem:s9+$0x182C0]  }
0x4b0: {  	[tilespmem:s9+$0x1E0B0] =	vst v7;
	v7 =	vld [tilespmem:s9+$0x1C2D0]  }
0x4b1: {  	[tilespmem:s9+$0x1E2B0] =	vst v9;
	v9 =	vmul.f32 v14, v8;
	v13 =	vld [tilespmem:s9+$0xC2D0]  }
0x4b2: {  	v14 =	vmul.f32 v16, v8;
	v15 =	vld [tilespmem:s9+$0x102D0];
	[tilespmem:s2+$0x1CCD0] =	vst v6  }
0x4b3: {  	[tilespmem:s9+$0x1DCC0] =	vst v9;
	v6 =	vmul.f32 v10, v8;
	v9 =	vld [tilespmem:s9+$0x142D0]  }
0x4b4: {  	[tilespmem:s9+$0x1DEC0] =	vst v14;
	v8 =	vmul.f32 v12, v8;
	v10 =	vld [tilespmem:s9+$0x182D0]  }
0x4b5: {  	[tilespmem:s9+$0x1E0C0] =	vst v6;
	v6 =	vld [tilespmem:s9+$0x1C2E0]  }
0x4b6: {  	[tilespmem:s9+$0x1E2C0] =	vst v8;
	v8 =	vmul.f32 v13, v7;
	v12 =	vld [tilespmem:s9+$0xC2E0]  }
0x4b7: {  	v13 =	vmul.f32 v15, v7;
	v14 =	vld [tilespmem:s9+$0x102E0];
	[tilespmem:s2+$0x1CCE0] =	vst v5  }
0x4b8: {  	[tilespmem:s9+$0x1DCD0] =	vst v8;
	v5 =	vmul.f32 v9, v7;
	v8 =	vld [tilespmem:s9+$0x142E0]  }
0x4b9: {  	[tilespmem:s9+$0x1DED0] =	vst v13;
	v7 =	vmul.f32 v10, v7;
	v9 =	vld [tilespmem:s9+$0x182E0]  }
0x4ba: {  	[tilespmem:s9+$0x1E0D0] =	vst v5;
	v5 =	vld [tilespmem:s9+$0x1C2F0]  }
0x4bb: {  	[tilespmem:s9+$0x1E2D0] =	vst v7;
	v7 =	vmul.f32 v12, v6;
	v10 =	vld [tilespmem:s9+$0xC2F0]  }
0x4bc: {  	v12 =	vmul.f32 v14, v6;
	v13 =	vld [tilespmem:s9+$0x102F0];
	[tilespmem:s2+$0x1CCF0] =	vst v4  }
0x4bd: {  	[tilespmem:s9+$0x1DCE0] =	vst v7;
	v4 =	vmul.f32 v8, v6;
	v7 =	vld [tilespmem:s9+$0x142F0]  }
0x4be: {  	[tilespmem:s9+$0x1DEE0] =	vst v12;
	v6 =	vmul.f32 v9, v6;
	v8 =	vld [tilespmem:s9+$0x182F0]  }
0x4bf: {  	[tilespmem:s9+$0x1E0E0] =	vst v4;
	v4 =	vld [tilespmem:s9+$0xC300]  }
0x4c0: {  	[tilespmem:s9+$0x1E2E0] =	vst v6;
	v6 =	vmul.f32 v10, v5;
	v12 =	vld [tilespmem:s9+$0x10300]  }
0x4c1: {  	v13 =	vmul.f32 v13, v5;
	v14 =	vld [tilespmem:s9+$0x14300];
	[tilespmem:s2+$0x1CD00] =	vst v3;
	s2 =	smov.u32 s9  }
0x4c2: {  	v9 =	vld [tilespmem:s2+$0x8290];
	[tilespmem:s2+$0x1DCF0] =	vst v6;
	v3 =	vmul.f32 v7, v5  }
0x4c3: {  	v10 =	vld [tilespmem:s2+$0x82A0];
	[tilespmem:s2+$0x1DEF0] =	vst v13;
	v5 =	vmul.f32 v8, v5  }
0x4c4: {  	v8 =	vld [tilespmem:s2+$0x82B0];
	[tilespmem:s2+$0x1E0F0] =	vst v3;
	v3 =	vmul.f32 v4, v11  }
0x4c5: {  	v7 =	vld [tilespmem:s2+$0x82C0];
	[tilespmem:s2+$0x1E2F0] =	vst v5;
	v4 =	vmul.f32 v12, v11  }
0x4c6: {  	v6 =	vld [tilespmem:s2+$0x82D0];
	[tilespmem:s2+$0x1DD00] =	vst v3;
	v3 =	vmul.f32 v14, v11  }
0x4c7: {  	v11 =	vadd.s32 $0x1, v9;
	v12 =	vadd.s32 $0x200, v9;
	v13 =	vadd.s32 $0x201, v9;
	v5 =	vld [tilespmem:s2+$0x82E0];
	[tilespmem:s2+$0x1DF00] =	vst v4  }
0x4c8: {  	v14 =	vadd.s32 $0x1, v10;
	v15 =	vadd.s32 $0x200, v10;
	v16 =	vadd.s32 $0x201, v10;
	v4 =	vld [tilespmem:s2+$0x82F0];
	[tilespmem:s2+$0x1E100] =	vst v3  }
0x4c9: {  	[tilespmem:s2+$0x1CE90] =	vst v11;
	v19 =	vadd.s32 $0x1, v8;
	v20 =	vadd.s32 $0x200, v8;
	v21 =	vadd.s32 $0x201, v8;
	v3 =	vld [tilespmem:s2+$0x8300]  }
0x4ca: {  	[tilespmem:s2+$0x1D090] =	vst v12;
	v22 =	vadd.s32 $0x1, v7;
	v23 =	vadd.s32 $0x200, v7;
	v24 =	vadd.s32 $0x201, v7  }
0x4cb: {  	[tilespmem:s2+$0x1D290] =	vst v13;
	v25 =	vadd.s32 $0x1, v6;
	v26 =	vadd.s32 $0x200, v6;
	v27 =	vadd.s32 $0x201, v6  }
0x4cc: {  	[tilespmem:s2+$0x1CEA0] =	vst v14;
	v28 =	vadd.s32 $0x1, v5;
	v11 =	vadd.s32 $0x200, v5;
	v17 =	vadd.s32 $0x201, v5  }
0x4cd: {  	[tilespmem:s2+$0x1D0A0] =	vst v15;
	v18 =	vadd.s32 $0x1, v4;
	v15 =	vadd.s32 $0x200, v4;
	v13 =	vadd.s32 $0x201, v4  }
0x4ce: {  	[tilespmem:s2+$0x1D2A0] =	vst v16;
	v16 =	vadd.s32 $0x1, v3;
	v14 =	vadd.s32 $0x200, v3;
	v12 =	vadd.s32 $0x201, v3  }
0x4cf: {  	[tilespmem:s2+$0x1CEB0] =	vst v19  }
0x4d0: {  	[tilespmem:s2+$0x1D0B0] =	vst v20  }
0x4d1: {  	[tilespmem:s2+$0x1D2B0] =	vst v21  }
0x4d2: {  	[tilespmem:s2+$0x1CEC0] =	vst v22  }
0x4d3: {  	[tilespmem:s2+$0x1D0C0] =	vst v23  }
.Ltmp10:
0x4d4: {  	[tilespmem:s2+$0x1D2C0] =	vst v24;
	(pc) =	sbr.rel @p0 .LBB2_23-.Ltmp10, $4  }
0x4d5: {  	[tilespmem:s2+$0x1CED0] =	vst v25  }
0x4d6: {  	[tilespmem:s2+$0x1D0D0] =	vst v26  }
0x4d7: {  	[tilespmem:s2+$0x1D2D0] =	vst v27  }
0x4d8: {  	s7 =	sadd.s32 $0x200, s7;
	[tilespmem:s2+$0x1CEE0] =	vst v28  }
0x4d9: {  	[tilespmem:s2+$0x1D0E0] =	vst v11  }
0x4da: {  	[tilespmem:s2+$0x1D2E0] =	vst v17  }
0x4db: {  	[tilespmem:s2+$0x1CEF0] =	vst v18  }
0x4dc: {  	[tilespmem:s2+$0x1D0F0] =	vst v15  }
0x4dd: {  	[tilespmem:s2+$0x1D2F0] =	vst v13  }
0x4de: {  	[tilespmem:s2+$0x1CF00] =	vst v16  }
0x4df: {  	[tilespmem:s2+$0x1D100] =	vst v14  }
0x4e0: {  	[tilespmem:s2+$0x1D300] =	vst v12  }
0x4e1: {  	[tilespmem:s2+$0x1CC90] =	vst v9  }
0x4e2: {  	[tilespmem:s2+$0x1CCA0] =	vst v10  }
0x4e3: {  	[tilespmem:s2+$0x1CCB0] =	vst v8  }
0x4e4: {  	[tilespmem:s2+$0x1CCC0] =	vst v7  }
0x4e5: {  	[tilespmem:s2+$0x1CCD0] =	vst v6  }
0x4e6: {  	[tilespmem:s2+$0x1CCE0] =	vst v5;
	s22 =	simm.s32 $0x800;
	s5 =	simm.s32 $0x1CC90  }
0x4e7: {  	[tilespmem:s2+$0x1CCF0] =	vst v4;
	s23 =	sshrl.u32 s0, $0x3;
	s20 =	simm.s32 $0x1;
	s30 =	simm.s32 $0x8500  }
0x4e8: {  	[tilespmem:s2+$0x1CD00] =	vst v3;
	s7 =	simm.s32 $0x10500;
	s15 =	simm.s32 $0x14500;
	s9 =	simm.s32 $0x18500  }
0x4e9: {  	s0 =	simm.s32 $0x8700;
	s13 =	simm.s32 $0xC700;
	s25 =	sld [smem:$0x7FC]  }
0x4ea: {  	s14 =	simm.s32 $0x10700;
	s29 =	simm.s32 $0x14700;
	s2 =	simm.s32 $0x18700  }
0x4eb: {  	[spmem:s6] =	stream.indirect.scatter.add.f32 [tilespmem:s18], [sflag:$0x4], $0x1, s5, s22, $0xb8;
	[tilespmem:$0x1E690] =	vst v63  }
0x4ec: {  	[smem:$0x7F6] =	sst s23;
	s22 =	simm.s32 $0xC500;
	s16 =	sadd.s32 s25, s23  }
.LBB2_25:
0x4ed: {  	s10 =	simm.s32 $0x1  }
0x4ee: {  	s5 =	sshll.u32 s20, $0xA;
	_ =	swait.ge [sflag:s10], $0x200  }
0x4ef: {  	s5 =	sadd.s32 s5, s16;
	[sflag:s10] =	ssyncset.done $0x0  }
0x4f0: {  	v3 =	vmov s30;
	s25 =	simm.s32 $0x1C290;
	s5 =	sadd.s32 $0x200, s5;
	[sflag:s10] =	ssyncadd.s32 $0xFFFFFE00  }
0x4f1: {  	[tilespmem:s25], [sflag:$0x2] =	stream.strided.gather [hbm4b:s5+s1], $0x200, s28, s1, $0x38;
	[tilespmem:$0x1E690] =	vst v63  }
0x4f2: {  	_ =	swait.ge [sflag:s24], $0x800  }
0x4f3: {  	[sflag:s24] =	ssyncset.done $0x0  }
0x4f4: {  	s5 =	simm.s32 $0x0;
	[sflag:s24] =	ssyncadd.s32 $0xFFFFF800  }
0x4f5: {  	v15 =	vld.idx.msk [tilespmem:v3+s5+$0x0 ss:$0x1], $0xffff  }
0x4f6: {  	v16 =	vld.idx.msk [tilespmem:v3+s5+$0xFFFFFF90 ss:$0x1], $0xffff  }
0x4f7: {  	v17 =	vld.idx.msk [tilespmem:v3+s5+$0xFFFFFFA0 ss:$0x1], $0xffff  }
0x4f8: {  	v12 =	vld.idx.msk [tilespmem:v3+s5+$0xFFFFFFB0 ss:$0x1], $0xffff  }
0x4f9: {  	v11 =	vld.idx.msk [tilespmem:v3+s5+$0xFFFFFFC0 ss:$0x1], $0xffff  }
0x4fa: {  	v10 =	vld.idx.msk [tilespmem:v3+s5+$0xFFFFFFD0 ss:$0x1], $0xffff  }
0x4fb: {  	v8 =	vld.idx.msk [tilespmem:v3+s5+$0xFFFFFFE0 ss:$0x1], $0xffff  }
0x4fc: {  	v18 =	vld [tilespmem:s5+$0x1C100];
	[tilespmem:s5+$0x1C500] =	vst v15  }
0x4fd: {  	v4 =	vmov s22;
	v9 =	vld.idx.msk [tilespmem:v3+s5+$0xFFFFFFF0 ss:$0x1], $0xffff;
	[tilespmem:s5+$0x1C490] =	vst v16  }
0x4fe: {  	v25 =	vld [tilespmem:s5+$0x1C090];
	[tilespmem:s5+$0x1C4A0] =	vst v17  }
0x4ff: {  	v26 =	vld [tilespmem:s5+$0x1C0A0];
	[tilespmem:s5+$0x1C4B0] =	vst v12  }
0x500: {  	v28 =	vld [tilespmem:s5+$0x1C0B0];
	[tilespmem:s5+$0x1C4C0] =	vst v11  }
0x501: {  	v29 =	vld [tilespmem:s5+$0x1C0C0];
	[tilespmem:s5+$0x1C4D0] =	vst v10  }
0x502: {  	[tilespmem:s5+$0x1C4E0] =	vst v8;
	v6 =	vld.idx.msk [tilespmem:v4+s5+$0x0 ss:$0x1], $0xffff  }
0x503: {  	v13 =	vadd.s32 $0x1, v16;
	[tilespmem:s5+$0x1C4F0] =	vst v9;
	v7 =	vld.idx.msk [tilespmem:v4+s5+$0xFFFFFF90 ss:$0x1], $0xffff  }
0x504: {  	v23 =	vadd.s32 $0x1, v12;
	v14 =	vld.idx.msk [tilespmem:v4+s5+$0xFFFFFFA0 ss:$0x1], $0xffff;
	[tilespmem:s5+$0x1C690] =	vst v13  }
0x505: {  	v27 =	vadd.s32 $0x1, v8;
	v19 =	vld.idx.msk [tilespmem:v4+s5+$0xFFFFFFB0 ss:$0x1], $0xffff;
	[tilespmem:s5+$0x1C6B0] =	vst v23  }
0x506: {  	v5 =	vmov s7;
	v13 =	vadd.s32 $0x1, v15;
	v22 =	vld.idx.msk [tilespmem:v4+s5+$0xFFFFFFE0 ss:$0x1], $0xffff;
	[tilespmem:s5+$0x1C6E0] =	vst v27  }
0x507: {  	v20 =	vld.idx.msk [tilespmem:v4+s5+$0xFFFFFFC0 ss:$0x1], $0xffff;
	v23 =	vadd.s32 $0x1, v10;
	[tilespmem:s5+$0x1C700] =	vst v13  }
0x508: {  	v21 =	vld.idx.msk [tilespmem:v4+s5+$0xFFFFFFD0 ss:$0x1], $0xffff;
	[tilespmem:s5+$0x1C6D0] =	vst v23;
	v23 =	vadd.s32 $0x1, v9;
	v6 =	vmul.f32 v6, v18  }
0x509: {  	v24 =	vld.idx.msk [tilespmem:v4+s5+$0xFFFFFFF0 ss:$0x1], $0xffff;
	[tilespmem:s5+$0x1C6F0] =	vst v23;
	v7 =	vmul.f32 v7, v25  }
0x50a: {  	v56 =	vld [tilespmem:s5+$0x1C0D0];
	v57 =	vmul.f32 v14, v26;
	[tilespmem:s5+$0x1D500] =	vst v6  }
0x50b: {  	[tilespmem:s5+$0x1D490] =	vst v7;
	v13 =	vld.idx.msk [tilespmem:v5+s5+$0x0 ss:$0x1], $0xffff  }
0x50c: {  	v6 =	vadd.s32 $0x1, v17;
	[tilespmem:s5+$0x1D4A0] =	vst v57  }
0x50d: {  	v14 =	vld [tilespmem:s5+$0x1C0F0];
	v7 =	vmul.f32 v19, v28;
	[tilespmem:s5+$0x1C6A0] =	vst v6;
	v6 =	vadd.s32 $0x1, v11  }
0x50e: {  	v20 =	vmul.f32 v20, v29;
	[tilespmem:s5+$0x1C6C0] =	vst v6;
	v6 =	vmov s15  }
0x50f: {  	[tilespmem:s5+$0x1D4B0] =	vst v7;
	v7 =	vmul.f32 v21, v56;
	v21 =	vld.idx.msk [tilespmem:v5+s5+$0xFFFFFFA0 ss:$0x1], $0xffff  }
0x510: {  	v30 =	vadd.s32 $0x200, v15;
	[tilespmem:s5+$0x1D4C0] =	vst v20;
	v23 =	vmul.f32 v13, v18;
	v13 =	vld [tilespmem:s5+$0x1C0E0]  }
0x511: {  	[tilespmem:s5+$0x1C900] =	vst v30  }
0x512: {  	v24 =	vmul.f32 v24, v14;
	v58 =	vld.idx.msk [tilespmem:v5+s5+$0xFFFFFFC0 ss:$0x1], $0xffff;
	[tilespmem:s5+$0x1D700] =	vst v23  }
0x513: {  	[tilespmem:s5+$0x1D4D0] =	vst v7;
	v19 =	vld.idx.msk [tilespmem:v6+s5+$0x0 ss:$0x1], $0xffff  }
0x514: {  	v15 =	vadd.s32 $0x201, v15;
	[tilespmem:s5+$0x1D4F0] =	vst v24;
	v21 =	vmul.f32 v21, v26;
	v23 =	vld.idx.msk [tilespmem:v5+s5+$0xFFFFFF90 ss:$0x1], $0xffff  }
0x515: {  	[tilespmem:s5+$0x1CB00] =	vst v15;
	v20 =	vmul.f32 v22, v13;
	v22 =	vld.idx.msk [tilespmem:v5+s5+$0xFFFFFFB0 ss:$0x1], $0xffff  }
0x516: {  	v15 =	vld.idx.msk [tilespmem:v5+s5+$0xFFFFFFF0 ss:$0x1], $0xffff;
	[tilespmem:s5+$0x1D6A0] =	vst v21  }
0x517: {  	v7 =	vmov s9;
	v21 =	vmul.f32 v58, v29;
	[tilespmem:s5+$0x1D4E0] =	vst v20;
	v20 =	vld.idx.msk [tilespmem:v5+s5+$0xFFFFFFD0 ss:$0x1], $0xffff  }
0x518: {  	v19 =	vmul.f32 v19, v18;
	v59 =	vld.idx.msk [tilespmem:v5+s5+$0xFFFFFFE0 ss:$0x1], $0xffff  }
0x519: {  	[tilespmem:s5+$0x1D6C0] =	vst v21;
	v23 =	vmul.f32 v23, v25  }
0x51a: {  	[tilespmem:s5+$0x1D900] =	vst v19;
	v19 =	vmul.f32 v22, v28  }
0x51b: {  	v15 =	vmul.f32 v15, v14;
	[tilespmem:s5+$0x1D690] =	vst v23  }
0x51c: {  	v22 =	vld.idx.msk [tilespmem:v7+s5+$0x0 ss:$0x1], $0xffff;
	[tilespmem:s5+$0x1D6B0] =	vst v19;
	v19 =	vmul.f32 v20, v56  }
0x51d: {  	[tilespmem:s5+$0x1D6F0] =	vst v15;
	v20 =	vmul.f32 v59, v13  }
0x51e: {  	[tilespmem:s5+$0x1D6D0] =	vst v19  }
0x51f: {  	v19 =	vadd.s32 $0x200, v16;
	[tilespmem:s5+$0x1D6E0] =	vst v20  }
0x520: {  	v16 =	vadd.s32 $0x201, v16;
	[tilespmem:s5+$0x1C890] =	vst v19  }
0x521: {  	v15 =	vmul.f32 v22, v18;
	v18 =	vadd.s32 $0x200, v17;
	v19 =	vld.idx.msk [tilespmem:v6+s5+$0xFFFFFF90 ss:$0x1], $0xffff;
	[tilespmem:s5+$0x1CA90] =	vst v16  }
0x522: {  	[tilespmem:s5+$0x1C8A0] =	vst v18  }
0x523: {  	v18 =	vadd.s32 $0x200, v11;
	[tilespmem:s5+$0x1DB00] =	vst v15  }
0x524: {  	v16 =	vadd.s32 $0x201, v17;
	[tilespmem:s5+$0x1C8C0] =	vst v18  }
0x525: {  	v15 =	vadd.s32 $0x200, v12;
	v20 =	vld.idx.msk [tilespmem:v6+s5+$0xFFFFFFA0 ss:$0x1], $0xffff;
	[tilespmem:s5+$0x1CAA0] =	vst v16  }
0x526: {  	v18 =	vadd.s32 $0x200, v8;
	[tilespmem:s5+$0x1C8B0] =	vst v15  }
0x527: {  	v11 =	vadd.s32 $0x201, v11;
	[tilespmem:s5+$0x1C8E0] =	vst v18  }
0x528: {  	v15 =	vadd.s32 $0x200, v10;
	v22 =	vld.idx.msk [tilespmem:v6+s5+$0xFFFFFFC0 ss:$0x1], $0xffff;
	[tilespmem:s5+$0x1CAC0] =	vst v11  }
0x529: {  	v12 =	vadd.s32 $0x201, v12;
	[tilespmem:s5+$0x1C8D0] =	vst v15  }
0x52a: {  	v21 =	vld.idx.msk [tilespmem:v6+s5+$0xFFFFFFB0 ss:$0x1], $0xffff;
	v15 =	vadd.s32 $0x200, v9;
	[tilespmem:s5+$0x1CAB0] =	vst v12  }
0x52b: {  	v10 =	vadd.s32 $0x201, v10;
	v18 =	vld.idx.msk [tilespmem:v6+s5+$0xFFFFFFD0 ss:$0x1], $0xffff;
	[tilespmem:s5+$0x1C8F0] =	vst v15  }
0x52c: {  	v8 =	vadd.s32 $0x201, v8;
	v19 =	vmul.f32 v19, v25;
	v15 =	vld.idx.msk [tilespmem:v6+s5+$0xFFFFFFE0 ss:$0x1], $0xffff;
	[tilespmem:s5+$0x1CAD0] =	vst v10  }
0x52d: {  	[tilespmem:s5+$0x1CAE0] =	vst v8  }
0x52e: {  	s18 =	simm.s32 $0x80;
	v9 =	vadd.s32 $0x201, v9;
	[tilespmem:s5+$0x1D890] =	vst v19;
	v17 =	vmul.f32 v20, v26;
	v19 =	vld.idx.msk [tilespmem:v6+s5+$0xFFFFFFF0 ss:$0x1], $0xffff  }
0x52f: {  	[tilespmem:s5+$0x1CAF0] =	vst v9;
	v20 =	vld.idx.msk [tilespmem:v3+s18+$0x0 ss:$0x1], $0xffff;
	v16 =	vmul.f32 v21, v28  }
0x530: {  	v38 =	vld [tilespmem:s18+$0x1C090];
	[tilespmem:s5+$0x1D8A0] =	vst v17;
	v17 =	vmul.f32 v22, v29  }
0x531: {  	v21 =	vld.idx.msk [tilespmem:v3+s18+$0xFFFFFF90 ss:$0x1], $0xffff;
	v15 =	vmul.f32 v15, v13;
	[tilespmem:s5+$0x1D8B0] =	vst v16  }
0x532: {  	v22 =	vld.idx.msk [tilespmem:v3+s18+$0xFFFFFFA0 ss:$0x1], $0xffff;
	[tilespmem:s5+$0x1D8C0] =	vst v17  }
0x533: {  	v16 =	vmul.f32 v18, v56;
	v18 =	vld.idx.msk [tilespmem:v3+s18+$0xFFFFFFD0 ss:$0x1], $0xffff;
	[tilespmem:s5+$0x1D8E0] =	vst v15  }
0x534: {  	v15 =	vld.idx.msk [tilespmem:v7+s5+$0xFFFFFFA0 ss:$0x1], $0xffff;
	v12 =	vmul.f32 v19, v14;
	[tilespmem:s18+$0x1C500] =	vst v20  }
0x535: {  	v19 =	vld.idx.msk [tilespmem:v3+s18+$0xFFFFFFF0 ss:$0x1], $0xffff;
	[tilespmem:s5+$0x1D8D0] =	vst v16  }
0x536: {  	v17 =	vld.idx.msk [tilespmem:v7+s5+$0xFFFFFFB0 ss:$0x1], $0xffff;
	[tilespmem:s5+$0x1D8F0] =	vst v12  }
0x537: {  	v16 =	vld.idx.msk [tilespmem:v7+s5+$0xFFFFFF90 ss:$0x1], $0xffff;
	[tilespmem:s18+$0x1C490] =	vst v21  }
0x538: {  	v11 =	vld.idx.msk [tilespmem:v7+s5+$0xFFFFFFC0 ss:$0x1], $0xffff;
	[tilespmem:s18+$0x1C4A0] =	vst v22  }
0x539: {  	v10 =	vld.idx.msk [tilespmem:v7+s5+$0xFFFFFFD0 ss:$0x1], $0xffff;
	[tilespmem:s18+$0x1C4D0] =	vst v18  }
0x53a: {  	v31 =	vld [tilespmem:s18+$0x1C0A0];
	v8 =	vmul.f32 v15, v26;
	[tilespmem:s18+$0x1C4F0] =	vst v19;
	v32 =	vadd.s32 $0x1, v19  }
0x53b: {  	v9 =	vmul.f32 v17, v28;
	v37 =	vld.idx.msk [tilespmem:v4+s18+$0xFFFFFFF0 ss:$0x1], $0xffff;
	[tilespmem:s18+$0x1C6F0] =	vst v32  }
0x53c: {  	v23 =	vld [tilespmem:s18+$0x1C100];
	v12 =	vmul.f32 v16, v25;
	[tilespmem:s5+$0x1DAA0] =	vst v8  }
0x53d: {  	v17 =	vld.idx.msk [tilespmem:v3+s18+$0xFFFFFFC0 ss:$0x1], $0xffff;
	[tilespmem:s5+$0x1DAB0] =	vst v9  }
0x53e: {  	v15 =	vld.idx.msk [tilespmem:v3+s18+$0xFFFFFFE0 ss:$0x1], $0xffff;
	v8 =	vmul.f32 v11, v29;
	v9 =	vmul.f32 v10, v56;
	v10 =	vadd.s32 $0x1, v18;
	[tilespmem:s5+$0x1DA90] =	vst v12  }
0x53f: {  	v62 =	vld.idx.msk [tilespmem:v4+s18+$0xFFFFFFD0 ss:$0x1], $0xffff;
	[tilespmem:s18+$0x1C6D0] =	vst v10  }
0x540: {  	v16 =	vld.idx.msk [tilespmem:v3+s18+$0xFFFFFFB0 ss:$0x1], $0xffff;
	[tilespmem:s5+$0x1DAC0] =	vst v8  }
0x541: {  	v11 =	vld.idx.msk [tilespmem:v4+s18+$0xFFFFFF90 ss:$0x1], $0xffff;
	[tilespmem:s5+$0x1DAD0] =	vst v9  }
0x542: {  	v12 =	vld.idx.msk [tilespmem:v4+s18+$0xFFFFFFA0 ss:$0x1], $0xffff;
	[tilespmem:s18+$0x1C4C0] =	vst v17  }
0x543: {  	v8 =	vld.idx.msk [tilespmem:v4+s18+$0x0 ss:$0x1], $0xffff;
	v9 =	vadd.s32 $0x1, v21;
	[tilespmem:s18+$0x1C4E0] =	vst v15  }
0x544: {  	[tilespmem:s18+$0x1C690] =	vst v9  }
0x545: {  	v10 =	vld [tilespmem:s18+$0x1C0C0];
	v9 =	vadd.s32 $0x1, v20;
	[tilespmem:s18+$0x1C4B0] =	vst v16  }
0x546: {  	v61 =	vld.idx.msk [tilespmem:v4+s18+$0xFFFFFFC0 ss:$0x1], $0xffff;
	[tilespmem:s18+$0x1C700] =	vst v9;
	v9 =	vadd.s32 $0x1, v16;
	v33 =	vmul.f32 v11, v38  }
0x547: {  	v60 =	vld.idx.msk [tilespmem:v4+s18+$0xFFFFFFB0 ss:$0x1], $0xffff;
	[tilespmem:s18+$0x1C6B0] =	vst v9;
	v40 =	vmul.f32 v12, v31  }
0x548: {  	v63 =	vld.idx.msk [tilespmem:v4+s18+$0xFFFFFFE0 ss:$0x1], $0xffff;
	v8 =	vmul.f32 v8, v23;
	[tilespmem:s18+$0x1D490] =	vst v33  }
0x549: {  	v9 =	vld [tilespmem:s18+$0x1C0B0];
	[tilespmem:s18+$0x1D4A0] =	vst v40  }
0x54a: {  	v56 =	vadd.s32 $0x200, v21;
	v41 =	vld.idx.msk [tilespmem:v5+s18+$0xFFFFFF90 ss:$0x1], $0xffff;
	[tilespmem:s18+$0x1D500] =	vst v8  }
0x54b: {  	[tilespmem:s18+$0x1C890] =	vst v56;
	v8 =	vadd.s32 $0x1, v22;
	v36 =	vld.idx.msk [tilespmem:v5+s18+$0x0 ss:$0x1], $0xffff  }
0x54c: {  	v39 =	vadd.s32 $0x200, v20;
	v11 =	vld [tilespmem:s18+$0x1C0E0];
	[tilespmem:s18+$0x1C6A0] =	vst v8  }
0x54d: {  	v12 =	vld [tilespmem:s18+$0x1C0F0];
	v25 =	vmul.f32 v61, v10;
	v8 =	vadd.s32 $0x1, v17;
	[tilespmem:s18+$0x1C900] =	vst v39  }
0x54e: {  	[tilespmem:s18+$0x1C6C0] =	vst v8  }
0x54f: {  	v24 =	vmul.f32 v60, v9;
	v8 =	vadd.s32 $0x1, v15;
	[tilespmem:s18+$0x1D4C0] =	vst v25  }
0x550: {  	v43 =	vld.idx.msk [tilespmem:v5+s18+$0xFFFFFFA0 ss:$0x1], $0xffff;
	[tilespmem:s18+$0x1C6E0] =	vst v8;
	v28 =	vmul.f32 v36, v23  }
0x551: {  	v44 =	vmul.f32 v63, v11;
	v8 =	vld [tilespmem:s18+$0x1C0D0];
	[tilespmem:s18+$0x1D4B0] =	vst v24  }
0x552: {  	v46 =	vmul.f32 v37, v12;
	v47 =	vld.idx.msk [tilespmem:v5+s18+$0xFFFFFFC0 ss:$0x1], $0xffff;
	[tilespmem:s18+$0x1D700] =	vst v28  }
0x553: {  	[tilespmem:s18+$0x1D4E0] =	vst v44;
	v32 =	vmul.f32 v41, v38;
	v28 =	vld.idx.msk [tilespmem:v6+s18+$0x0 ss:$0x1], $0xffff  }
0x554: {  	v45 =	vld.idx.msk [tilespmem:v5+s18+$0xFFFFFFB0 ss:$0x1], $0xffff;
	[tilespmem:s18+$0x1D4F0] =	vst v46  }
0x555: {  	v21 =	vadd.s32 $0x201, v21;
	v50 =	vld.idx.msk [tilespmem:v5+s18+$0xFFFFFFE0 ss:$0x1], $0xffff;
	[tilespmem:s18+$0x1D690] =	vst v32  }
0x556: {  	v20 =	vadd.s32 $0x201, v20;
	v24 =	vld.idx.msk [tilespmem:v6+s18+$0xFFFFFF90 ss:$0x1], $0xffff;
	[tilespmem:s18+$0x1CA90] =	vst v21;
	v42 =	vmul.f32 v62, v8  }
0x557: {  	v26 =	vmul.f32 v43, v31;
	[tilespmem:s18+$0x1CB00] =	vst v20  }
0x558: {  	v20 =	vld.idx.msk [tilespmem:v5+s18+$0xFFFFFFF0 ss:$0x1], $0xffff;
	[tilespmem:s18+$0x1D4D0] =	vst v42;
	v49 =	vmul.f32 v28, v23  }
0x559: {  	v53 =	vmul.f32 v47, v10;
	[tilespmem:s18+$0x1D6A0] =	vst v26;
	v48 =	vld.idx.msk [tilespmem:v5+s18+$0xFFFFFFD0 ss:$0x1], $0xffff  }
0x55a: {  	v51 =	vmul.f32 v45, v9;
	[tilespmem:s18+$0x1D900] =	vst v49  }
0x55b: {  	v55 =	vmul.f32 v50, v11;
	[tilespmem:s18+$0x1D6C0] =	vst v53;
	v52 =	vld.idx.msk [tilespmem:v7+s18+$0x0 ss:$0x1], $0xffff  }
0x55c: {  	[tilespmem:s18+$0x1D6B0] =	vst v51;
	v24 =	vmul.f32 v24, v38  }
0x55d: {  	[tilespmem:s18+$0x1D6E0] =	vst v55;
	v20 =	vmul.f32 v20, v12  }
0x55e: {  	[tilespmem:s18+$0x1D890] =	vst v24;
	v54 =	vmul.f32 v48, v8  }
0x55f: {  	[tilespmem:s18+$0x1D6F0] =	vst v20  }
0x560: {  	[tilespmem:s18+$0x1D6D0] =	vst v54;
	v20 =	vmul.f32 v52, v23;
	v23 =	vadd.s32 $0x200, v22  }
0x561: {  	[tilespmem:s18+$0x1C8A0] =	vst v23  }
0x562: {  	[tilespmem:s18+$0x1DB00] =	vst v20;
	v20 =	vadd.s32 $0x200, v16  }
0x563: {  	v23 =	vadd.s32 $0x200, v17;
	v57 =	vld.idx.msk [tilespmem:v6+s18+$0xFFFFFFA0 ss:$0x1], $0xffff;
	[tilespmem:s18+$0x1C8B0] =	vst v20  }
0x564: {  	[tilespmem:s18+$0x1C8C0] =	vst v23;
	v20 =	vadd.s32 $0x200, v18;
	v58 =	vld.idx.msk [tilespmem:v6+s18+$0xFFFFFFB0 ss:$0x1], $0xffff  }
0x565: {  	v23 =	vadd.s32 $0x200, v15;
	[tilespmem:s18+$0x1C8D0] =	vst v20  }
0x566: {  	[tilespmem:s18+$0x1C8E0] =	vst v23;
	v20 =	vadd.s32 $0x200, v19;
	v23 =	vld.idx.msk [tilespmem:v6+s18+$0xFFFFFFD0 ss:$0x1], $0xffff  }
0x567: {  	v21 =	vadd.s32 $0x201, v22;
	v59 =	vld.idx.msk [tilespmem:v6+s18+$0xFFFFFFC0 ss:$0x1], $0xffff;
	[tilespmem:s18+$0x1C8F0] =	vst v20  }
0x568: {  	v17 =	vadd.s32 $0x201, v17;
	[tilespmem:s18+$0x1CAA0] =	vst v21;
	v22 =	vld.idx.msk [tilespmem:v6+s18+$0xFFFFFFF0 ss:$0x1], $0xffff;
	v60 =	vmul.f32 v57, v31  }
0x569: {  	[tilespmem:s18+$0x1CAC0] =	vst v17;
	v21 =	vmul.f32 v58, v9  }
0x56a: {  	v20 =	vld.idx.msk [tilespmem:v6+s18+$0xFFFFFFE0 ss:$0x1], $0xffff;
	[tilespmem:s18+$0x1D8A0] =	vst v60  }
0x56b: {  	v62 =	vld.idx.msk [tilespmem:v7+s5+$0xFFFFFFF0 ss:$0x1], $0xffff;
	v16 =	vadd.s32 $0x201, v16;
	[tilespmem:s18+$0x1D8B0] =	vst v21;
	v21 =	vmul.f32 v23, v8  }
0x56c: {  	[tilespmem:s18+$0x1CAB0] =	vst v16;
	v63 =	vld.idx.msk [tilespmem:v7+s18+$0xFFFFFFA0 ss:$0x1], $0xffff  }
0x56d: {  	v18 =	vadd.s32 $0x201, v18;
	v61 =	vmul.f32 v59, v10;
	[tilespmem:s18+$0x1D8D0] =	vst v21;
	v21 =	vmul.f32 v22, v12;
	v22 =	vld.idx.msk [tilespmem:v7+s18+$0xFFFFFF90 ss:$0x1], $0xffff  }
0x56e: {  	[tilespmem:s18+$0x1CAD0] =	vst v18;
	v23 =	vld.idx.msk [tilespmem:v7+s5+$0xFFFFFFE0 ss:$0x1], $0xffff  }
0x56f: {  	v17 =	vadd.s32 $0x201, v15;
	[tilespmem:s18+$0x1D8C0] =	vst v61;
	v20 =	vmul.f32 v20, v11  }
0x570: {  	[tilespmem:s18+$0x1CAE0] =	vst v17;
	v16 =	vld.idx.msk [tilespmem:v7+s18+$0xFFFFFFC0 ss:$0x1], $0xffff  }
0x571: {  	v18 =	vadd.s32 $0x201, v19;
	[tilespmem:s18+$0x1D8E0] =	vst v20;
	v20 =	vld.idx.msk [tilespmem:v7+s18+$0xFFFFFFB0 ss:$0x1], $0xffff  }
0x572: {  	[tilespmem:s18+$0x1CAF0] =	vst v18;
	v17 =	vld.idx.msk [tilespmem:v7+s18+$0xFFFFFFE0 ss:$0x1], $0xffff;
	v19 =	vmul.f32 v63, v31;
	v22 =	vmul.f32 v22, v38  }
0x573: {  	s23 =	simm.s32 $0x8;
	s10 =	simm.s32 $0x400;
	[tilespmem:s18+$0x1D8F0] =	vst v21;
	v15 =	vmul.f32 v23, v13;
	v13 =	vmul.f32 v62, v14;
	v14 =	vld.idx.msk [tilespmem:v7+s18+$0xFFFFFFD0 ss:$0x1], $0xffff  }
.LBB2_26:
0x574: {  	s25 =	sshra.s32 s10, $0x2;
	s23 =	sadd.s32 $0x8, s23;
	[tilespmem:s18+$0x1DA90] =	vst v22;
	v18 =	vld.idx.msk [tilespmem:v7+s18+$0xFFFFFFF0 ss:$0x1], $0xffff  }
0x575: {  	v22 =	vld.idx.msk [tilespmem:v3+s25+$0x0 ss:$0x1], $0xffff;
	p0 =	slt.u32 s23, $0x18;
	[tilespmem:s18+$0x1DAA0] =	vst v19  }
0x576: {  	v9 =	vmul.f32 v20, v9;
	v19 =	vld.idx.msk [tilespmem:v3+s25+$0xFFFFFF90 ss:$0x1], $0xffff;
	[tilespmem:s5+$0x1DAE0] =	vst v15  }
0x577: {  	v10 =	vmul.f32 v16, v10;
	v21 =	vld.idx.msk [tilespmem:v3+s25+$0xFFFFFFA0 ss:$0x1], $0xffff;
	[tilespmem:s5+$0x1DAF0] =	vst v13;
	s5 =	smov.u32 s18;
	s18 =	smov.u32 s25  }
0x578: {  	v8 =	vmul.f32 v14, v8;
	v16 =	vld.idx.msk [tilespmem:v3+s18+$0xFFFFFFB0 ss:$0x1], $0xffff;
	[tilespmem:s5+$0x1DAB0] =	vst v9  }
0x579: {  	v15 =	vmul.f32 v17, v11;
	v9 =	vld.idx.msk [tilespmem:v3+s18+$0xFFFFFFC0 ss:$0x1], $0xffff;
	[tilespmem:s5+$0x1DAC0] =	vst v10  }
0x57a: {  	v13 =	vmul.f32 v18, v12;
	v10 =	vld.idx.msk [tilespmem:v3+s18+$0xFFFFFFD0 ss:$0x1], $0xffff;
	[tilespmem:s5+$0x1DAD0] =	vst v8  }
0x57b: {  	v8 =	vld.idx.msk [tilespmem:v3+s18+$0xFFFFFFE0 ss:$0x1], $0xffff;
	[tilespmem:s18+$0x1C500] =	vst v22  }
0x57c: {  	v11 =	vadd.s32 $0x1, v19;
	v23 =	vadd.s32 $0x200, v19;
	v20 =	vadd.s32 $0x201, v19;
	[tilespmem:s18+$0x1C490] =	vst v19;
	v12 =	vld.idx.msk [tilespmem:v4+s18+$0x0 ss:$0x1], $0xffff  }
0x57d: {  	v25 =	vadd.s32 $0x1, v21;
	v24 =	vadd.s32 $0x200, v21;
	v19 =	vadd.s32 $0x201, v21;
	[tilespmem:s18+$0x1C4A0] =	vst v21;
	v28 =	vld [tilespmem:s18+$0x1C100]  }
0x57e: {  	v29 =	vadd.s32 $0x1, v16;
	v26 =	vadd.s32 $0x200, v16;
	v14 =	vadd.s32 $0x201, v16;
	[tilespmem:s18+$0x1C4B0] =	vst v16;
	v27 =	vld.idx.msk [tilespmem:v3+s18+$0xFFFFFFF0 ss:$0x1], $0xffff  }
0x57f: {  	v31 =	vadd.s32 $0x1, v9;
	v32 =	vadd.s32 $0x200, v9;
	v16 =	vadd.s32 $0x201, v9;
	v30 =	vld.idx.msk [tilespmem:v4+s18+$0xFFFFFF90 ss:$0x1], $0xffff;
	[tilespmem:s18+$0x1C4C0] =	vst v9  }
0x580: {  	v34 =	vadd.s32 $0x1, v10;
	v35 =	vadd.s32 $0x200, v10;
	v17 =	vadd.s32 $0x201, v10;
	v33 =	vld.idx.msk [tilespmem:v4+s18+$0xFFFFFFA0 ss:$0x1], $0xffff;
	[tilespmem:s18+$0x1C4D0] =	vst v10  }
0x581: {  	v37 =	vadd.s32 $0x1, v8;
	v38 =	vadd.s32 $0x200, v8;
	v18 =	vadd.s32 $0x201, v8;
	v36 =	vld.idx.msk [tilespmem:v4+s18+$0xFFFFFFB0 ss:$0x1], $0xffff;
	[tilespmem:s18+$0x1C4E0] =	vst v8  }
0x582: {  	v9 =	vadd.s32 $0x1, v22;
	[tilespmem:s18+$0x1C690] =	vst v11;
	v39 =	vld.idx.msk [tilespmem:v4+s18+$0xFFFFFFC0 ss:$0x1], $0xffff;
	v8 =	vmul.f32 v12, v28  }
0x583: {  	v40 =	vld.idx.msk [tilespmem:v4+s18+$0xFFFFFFD0 ss:$0x1], $0xffff;
	[tilespmem:s18+$0x1C700] =	vst v9  }
0x584: {  	v11 =	vadd.s32 $0x1, v27;
	v42 =	vadd.s32 $0x200, v27;
	v21 =	vadd.s32 $0x201, v27;
	v41 =	vld.idx.msk [tilespmem:v4+s18+$0xFFFFFFE0 ss:$0x1], $0xffff;
	[tilespmem:s18+$0x1D500] =	vst v8  }
0x585: {  	[tilespmem:s18+$0x1C4F0] =	vst v27;
	v12 =	vld.idx.msk [tilespmem:v5+s18+$0x0 ss:$0x1], $0xffff  }
0x586: {  	[tilespmem:s18+$0x1C6A0] =	vst v25;
	v43 =	vld.idx.msk [tilespmem:v4+s18+$0xFFFFFFF0 ss:$0x1], $0xffff  }
0x587: {  	v27 =	vld [tilespmem:s18+$0x1C090];
	[tilespmem:s18+$0x1C6B0] =	vst v29  }
0x588: {  	v25 =	vld [tilespmem:s18+$0x1C0A0];
	[tilespmem:s18+$0x1C6C0] =	vst v31  }
0x589: {  	v9 =	vld [tilespmem:s18+$0x1C0B0];
	[tilespmem:s18+$0x1C6D0] =	vst v34  }
0x58a: {  	v10 =	vld [tilespmem:s18+$0x1C0C0];
	[tilespmem:s18+$0x1C6E0] =	vst v37  }
0x58b: {  	v29 =	vmul.f32 v12, v28;
	v12 =	vadd.s32 $0x200, v22;
	v8 =	vld [tilespmem:s18+$0x1C0D0];
	[tilespmem:s18+$0x1C6F0] =	vst v11  }
0x58c: {  	v30 =	vmul.f32 v30, v27;
	v11 =	vld [tilespmem:s18+$0x1C0E0];
	[tilespmem:s18+$0x1C900] =	vst v12  }
0x58d: {  	v31 =	vmul.f32 v33, v25;
	v12 =	vld [tilespmem:s18+$0x1C0F0];
	[tilespmem:s18+$0x1D700] =	vst v29  }
0x58e: {  	[tilespmem:s18+$0x1D490] =	vst v30;
	v29 =	vmul.f32 v36, v9;
	v30 =	vld.idx.msk [tilespmem:v6+s18+$0x0 ss:$0x1], $0xffff  }
0x58f: {  	v33 =	vld.idx.msk [tilespmem:v5+s18+$0xFFFFFF90 ss:$0x1], $0xffff;
	[tilespmem:s18+$0x1D4A0] =	vst v31;
	v31 =	vmul.f32 v39, v10  }
0x590: {  	v34 =	vld.idx.msk [tilespmem:v5+s18+$0xFFFFFFA0 ss:$0x1], $0xffff;
	[tilespmem:s18+$0x1D4B0] =	vst v29;
	v29 =	vmul.f32 v40, v8  }
0x591: {  	v36 =	vld.idx.msk [tilespmem:v5+s18+$0xFFFFFFB0 ss:$0x1], $0xffff;
	[tilespmem:s18+$0x1D4C0] =	vst v31;
	v31 =	vmul.f32 v41, v11  }
0x592: {  	v37 =	vld.idx.msk [tilespmem:v5+s18+$0xFFFFFFC0 ss:$0x1], $0xffff;
	[tilespmem:s18+$0x1D4D0] =	vst v29;
	v29 =	vmul.f32 v43, v12  }
0x593: {  	v39 =	vld.idx.msk [tilespmem:v5+s18+$0xFFFFFFD0 ss:$0x1], $0xffff;
	[tilespmem:s18+$0x1D4E0] =	vst v31  }
0x594: {  	v22 =	vadd.s32 $0x201, v22;
	v31 =	vld.idx.msk [tilespmem:v5+s18+$0xFFFFFFE0 ss:$0x1], $0xffff;
	[tilespmem:s18+$0x1D4F0] =	vst v29;
	v29 =	vmul.f32 v30, v28  }
0x595: {  	v30 =	vmul.f32 v33, v27;
	v33 =	vld.idx.msk [tilespmem:v5+s18+$0xFFFFFFF0 ss:$0x1], $0xffff;
	[tilespmem:s18+$0x1CB00] =	vst v22  }
0x596: {  	v22 =	vmul.f32 v34, v25;
	[tilespmem:s18+$0x1D900] =	vst v29  }
0x597: {  	v29 =	vmul.f32 v36, v9;
	[tilespmem:s18+$0x1D690] =	vst v30;
	v30 =	vld.idx.msk [tilespmem:v7+s18+$0x0 ss:$0x1], $0xffff  }
0x598: {  	[tilespmem:s18+$0x1D6A0] =	vst v22;
	v22 =	vmul.f32 v37, v10  }
0x599: {  	[tilespmem:s18+$0x1D6B0] =	vst v29;
	v29 =	vmul.f32 v39, v8  }
0x59a: {  	[tilespmem:s18+$0x1D6C0] =	vst v22;
	v22 =	vmul.f32 v31, v11  }
0x59b: {  	[tilespmem:s18+$0x1D6D0] =	vst v29;
	v29 =	vmul.f32 v33, v12  }
0x59c: {  	[tilespmem:s18+$0x1D6E0] =	vst v22  }
0x59d: {  	v22 =	vmul.f32 v30, v28;
	[tilespmem:s18+$0x1D6F0] =	vst v29  }
0x59e: {  	[tilespmem:s18+$0x1C890] =	vst v23  }
0x59f: {  	v23 =	vld.idx.msk [tilespmem:v6+s18+$0xFFFFFF90 ss:$0x1], $0xffff;
	[tilespmem:s18+$0x1DB00] =	vst v22  }
0x5a0: {  	[tilespmem:s18+$0x1C8A0] =	vst v24  }
0x5a1: {  	v22 =	vld.idx.msk [tilespmem:v6+s18+$0xFFFFFFA0 ss:$0x1], $0xffff;
	[tilespmem:s18+$0x1C8B0] =	vst v26  }
0x5a2: {  	v24 =	vld.idx.msk [tilespmem:v6+s18+$0xFFFFFFB0 ss:$0x1], $0xffff;
	[tilespmem:s18+$0x1C8C0] =	vst v32  }
0x5a3: {  	v26 =	vld.idx.msk [tilespmem:v6+s18+$0xFFFFFFC0 ss:$0x1], $0xffff;
	[tilespmem:s18+$0x1C8D0] =	vst v35  }
0x5a4: {  	v28 =	vld.idx.msk [tilespmem:v6+s18+$0xFFFFFFD0 ss:$0x1], $0xffff;
	[tilespmem:s18+$0x1C8E0] =	vst v38  }
0x5a5: {  	v23 =	vmul.f32 v23, v27;
	v29 =	vld.idx.msk [tilespmem:v6+s18+$0xFFFFFFE0 ss:$0x1], $0xffff;
	[tilespmem:s18+$0x1C8F0] =	vst v42  }
0x5a6: {  	[tilespmem:s18+$0x1CA90] =	vst v20;
	v20 =	vld.idx.msk [tilespmem:v6+s18+$0xFFFFFFF0 ss:$0x1], $0xffff  }
0x5a7: {  	v22 =	vmul.f32 v22, v25;
	[tilespmem:s18+$0x1D890] =	vst v23  }
0x5a8: {  	v23 =	vld.idx.msk [tilespmem:v7+s18+$0xFFFFFF90 ss:$0x1], $0xffff;
	[tilespmem:s18+$0x1CAA0] =	vst v19;
	v19 =	vmul.f32 v24, v9  }
0x5a9: {  	[tilespmem:s18+$0x1D8A0] =	vst v22;
	v22 =	vmul.f32 v26, v10  }
0x5aa: {  	v24 =	vld.idx.msk [tilespmem:v7+s18+$0xFFFFFFA0 ss:$0x1], $0xffff;
	[tilespmem:s18+$0x1D8B0] =	vst v19;
	v19 =	vmul.f32 v28, v8  }
0x5ab: {  	[tilespmem:s18+$0x1D8C0] =	vst v22;
	v22 =	vmul.f32 v29, v11  }
0x5ac: {  	[tilespmem:s18+$0x1D8D0] =	vst v19;
	v19 =	vmul.f32 v20, v12  }
0x5ad: {  	[tilespmem:s18+$0x1D8E0] =	vst v22  }
0x5ae: {  	v22 =	vmul.f32 v23, v27;
	[tilespmem:s18+$0x1D8F0] =	vst v19  }
.Ltmp11:
0x5af: {  	[tilespmem:s18+$0x1CAB0] =	vst v14;
	(pc) =	sbr.rel @p0 .LBB2_26-.Ltmp11, $4  }
0x5b0: {  	v19 =	vmul.f32 v24, v25;
	v20 =	vld.idx.msk [tilespmem:v7+s18+$0xFFFFFFB0 ss:$0x1], $0xffff;
	[tilespmem:s18+$0x1CAC0] =	vst v16  }
0x5b1: {  	v16 =	vld.idx.msk [tilespmem:v7+s18+$0xFFFFFFC0 ss:$0x1], $0xffff;
	[tilespmem:s18+$0x1CAD0] =	vst v17  }
0x5b2: {  	v14 =	vld.idx.msk [tilespmem:v7+s18+$0xFFFFFFD0 ss:$0x1], $0xffff;
	[tilespmem:s18+$0x1CAE0] =	vst v18  }
0x5b3: {  	s10 =	sadd.s32 $0x200, s10;
	v17 =	vld.idx.msk [tilespmem:v7+s18+$0xFFFFFFE0 ss:$0x1], $0xffff;
	[tilespmem:s18+$0x1CAF0] =	vst v21  }
0x5b4: {  	_ =	sdelay $0x2  }
0x5b5: {  	[tilespmem:s18+$0x1DA90] =	vst v22  }
0x5b6: {  	v3 =	vld.idx.msk [tilespmem:v7+s18+$0xFFFFFFF0 ss:$0x1], $0xffff;
	[tilespmem:s18+$0x1DAA0] =	vst v19  }
0x5b7: {  	[tilespmem:s5+$0x1DAE0] =	vst v15;
	v4 =	vmul.f32 v20, v9  }
0x5b8: {  	[tilespmem:s5+$0x1DAF0] =	vst v13;
	v5 =	vmul.f32 v16, v10  }
0x5b9: {  	[tilespmem:s18+$0x1DAB0] =	vst v4;
	v4 =	vmul.f32 v14, v8  }
0x5ba: {  	[tilespmem:s18+$0x1DAC0] =	vst v5;
	v5 =	vmul.f32 v17, v11  }
0x5bb: {  	[tilespmem:s18+$0x1DAD0] =	vst v4;
	v3 =	vmul.f32 v3, v12  }
0x5bc: {  	s23 =	sshll.u32 s20, $0xD;
	s10 =	simm.s32 $0x800;
	[tilespmem:s18+$0x1DAE0] =	vst v5  }
0x5bd: {  	s25 =	simm.s32 $0x1C490;
	s5 =	sadd.s32 $0x2000, s23;
	s23 =	simm.s32 $0x2;
	[tilespmem:s18+$0x1DAF0] =	vst v3  }
0x5be: {  	[spmem:s6] =	stream.indirect.scatter.add.f32 [tilespmem:s31], [sflag:$0x3], $0x1, s25, s10, $0xb8;
	[tilespmem:$0x1E690] =	vst v63  }
0x5bf: {  	_ =	swait.ge [sflag:s23], $0x200  }
0x5c0: {  	s5 =	sand.u32 $0x1E000, s5;
	[sflag:s23] =	ssyncset.done $0x0  }
0x5c1: {  	s5 =	sor.u32 s8, s5;
	[sflag:s23] =	ssyncadd.s32 $0xFFFFFE00  }
0x5c2: {  	s5 =	sshrl.u32 s5, $0x3;
	s10 =	rddreg [dreg:$0x0]  }
0x5c3: {  	v3 =	vmov s0;
	s25 =	simm.s32 $0x1C090;
	s5 =	sadd.s32 s10, s5  }
0x5c4: {  	[tilespmem:s25], [sflag:$0x1] =	stream.strided.gather [hbm4b:s5+s1], $0x200, s28, s1, $0x38;
	[tilespmem:$0x1E690] =	vst v63  }
0x5c5: {  	_ =	swait.ge [sflag:s26], $0x800  }
0x5c6: {  	[sflag:s26] =	ssyncset.done $0x0  }
0x5c7: {  	s5 =	simm.s32 $0x0;
	[sflag:s26] =	ssyncadd.s32 $0xFFFFF800  }
0x5c8: {  	v15 =	vld.idx.msk [tilespmem:v3+s5+$0x0 ss:$0x1], $0xffff  }
0x5c9: {  	v16 =	vld.idx.msk [tilespmem:v3+s5+$0xFFFFFF90 ss:$0x1], $0xffff  }
0x5ca: {  	v17 =	vld.idx.msk [tilespmem:v3+s5+$0xFFFFFFA0 ss:$0x1], $0xffff  }
0x5cb: {  	v12 =	vld.idx.msk [tilespmem:v3+s5+$0xFFFFFFB0 ss:$0x1], $0xffff  }
0x5cc: {  	v11 =	vld.idx.msk [tilespmem:v3+s5+$0xFFFFFFC0 ss:$0x1], $0xffff  }
0x5cd: {  	v10 =	vld.idx.msk [tilespmem:v3+s5+$0xFFFFFFD0 ss:$0x1], $0xffff  }
0x5ce: {  	v8 =	vld.idx.msk [tilespmem:v3+s5+$0xFFFFFFE0 ss:$0x1], $0xffff  }
0x5cf: {  	v18 =	vld [tilespmem:s5+$0x1C300];
	[tilespmem:s5+$0x1CD00] =	vst v15  }
0x5d0: {  	v4 =	vmov s13;
	v9 =	vld.idx.msk [tilespmem:v3+s5+$0xFFFFFFF0 ss:$0x1], $0xffff;
	[tilespmem:s5+$0x1CC90] =	vst v16  }
0x5d1: {  	v25 =	vld [tilespmem:s5+$0x1C290];
	[tilespmem:s5+$0x1CCA0] =	vst v17  }
0x5d2: {  	v26 =	vld [tilespmem:s5+$0x1C2A0];
	[tilespmem:s5+$0x1CCB0] =	vst v12  }
0x5d3: {  	v28 =	vld [tilespmem:s5+$0x1C2B0];
	[tilespmem:s5+$0x1CCC0] =	vst v11  }
0x5d4: {  	v29 =	vld [tilespmem:s5+$0x1C2C0];
	[tilespmem:s5+$0x1CCD0] =	vst v10  }
0x5d5: {  	[tilespmem:s5+$0x1CCE0] =	vst v8;
	v6 =	vld.idx.msk [tilespmem:v4+s5+$0x0 ss:$0x1], $0xffff  }
0x5d6: {  	v13 =	vadd.s32 $0x1, v16;
	[tilespmem:s5+$0x1CCF0] =	vst v9;
	v7 =	vld.idx.msk [tilespmem:v4+s5+$0xFFFFFF90 ss:$0x1], $0xffff  }
0x5d7: {  	v23 =	vadd.s32 $0x1, v12;
	v14 =	vld.idx.msk [tilespmem:v4+s5+$0xFFFFFFA0 ss:$0x1], $0xffff;
	[tilespmem:s5+$0x1CE90] =	vst v13  }
0x5d8: {  	v27 =	vadd.s32 $0x1, v8;
	v19 =	vld.idx.msk [tilespmem:v4+s5+$0xFFFFFFB0 ss:$0x1], $0xffff;
	[tilespmem:s5+$0x1CEB0] =	vst v23  }
0x5d9: {  	v5 =	vmov s14;
	v13 =	vadd.s32 $0x1, v15;
	v22 =	vld.idx.msk [tilespmem:v4+s5+$0xFFFFFFE0 ss:$0x1], $0xffff;
	[tilespmem:s5+$0x1CEE0] =	vst v27  }
0x5da: {  	v20 =	vld.idx.msk [tilespmem:v4+s5+$0xFFFFFFC0 ss:$0x1], $0xffff;
	v23 =	vadd.s32 $0x1, v10;
	[tilespmem:s5+$0x1CF00] =	vst v13  }
0x5db: {  	v21 =	vld.idx.msk [tilespmem:v4+s5+$0xFFFFFFD0 ss:$0x1], $0xffff;
	[tilespmem:s5+$0x1CED0] =	vst v23;
	v23 =	vadd.s32 $0x1, v9;
	v6 =	vmul.f32 v6, v18  }
0x5dc: {  	v24 =	vld.idx.msk [tilespmem:v4+s5+$0xFFFFFFF0 ss:$0x1], $0xffff;
	[tilespmem:s5+$0x1CEF0] =	vst v23;
	v7 =	vmul.f32 v7, v25  }
0x5dd: {  	v56 =	vld [tilespmem:s5+$0x1C2D0];
	v57 =	vmul.f32 v14, v26;
	[tilespmem:s5+$0x1DD00] =	vst v6  }
0x5de: {  	[tilespmem:s5+$0x1DC90] =	vst v7;
	v13 =	vld.idx.msk [tilespmem:v5+s5+$0x0 ss:$0x1], $0xffff  }
0x5df: {  	v6 =	vadd.s32 $0x1, v17;
	[tilespmem:s5+$0x1DCA0] =	vst v57  }
0x5e0: {  	v14 =	vld [tilespmem:s5+$0x1C2F0];
	v7 =	vmul.f32 v19, v28;
	[tilespmem:s5+$0x1CEA0] =	vst v6;
	v6 =	vadd.s32 $0x1, v11  }
0x5e1: {  	v20 =	vmul.f32 v20, v29;
	[tilespmem:s5+$0x1CEC0] =	vst v6;
	v6 =	vmov s29  }
0x5e2: {  	[tilespmem:s5+$0x1DCB0] =	vst v7;
	v7 =	vmul.f32 v21, v56;
	v21 =	vld.idx.msk [tilespmem:v5+s5+$0xFFFFFFA0 ss:$0x1], $0xffff  }
0x5e3: {  	v30 =	vadd.s32 $0x200, v15;
	[tilespmem:s5+$0x1DCC0] =	vst v20;
	v23 =	vmul.f32 v13, v18;
	v13 =	vld [tilespmem:s5+$0x1C2E0]  }
0x5e4: {  	[tilespmem:s5+$0x1D100] =	vst v30  }
0x5e5: {  	v24 =	vmul.f32 v24, v14;
	v58 =	vld.idx.msk [tilespmem:v5+s5+$0xFFFFFFC0 ss:$0x1], $0xffff;
	[tilespmem:s5+$0x1DF00] =	vst v23  }
0x5e6: {  	[tilespmem:s5+$0x1DCD0] =	vst v7;
	v19 =	vld.idx.msk [tilespmem:v6+s5+$0x0 ss:$0x1], $0xffff  }
0x5e7: {  	v15 =	vadd.s32 $0x201, v15;
	[tilespmem:s5+$0x1DCF0] =	vst v24;
	v21 =	vmul.f32 v21, v26;
	v23 =	vld.idx.msk [tilespmem:v5+s5+$0xFFFFFF90 ss:$0x1], $0xffff  }
0x5e8: {  	[tilespmem:s5+$0x1D300] =	vst v15;
	v20 =	vmul.f32 v22, v13;
	v22 =	vld.idx.msk [tilespmem:v5+s5+$0xFFFFFFB0 ss:$0x1], $0xffff  }
0x5e9: {  	v15 =	vld.idx.msk [tilespmem:v5+s5+$0xFFFFFFF0 ss:$0x1], $0xffff;
	[tilespmem:s5+$0x1DEA0] =	vst v21  }
0x5ea: {  	v7 =	vmov s2;
	v21 =	vmul.f32 v58, v29;
	[tilespmem:s5+$0x1DCE0] =	vst v20;
	v20 =	vld.idx.msk [tilespmem:v5+s5+$0xFFFFFFD0 ss:$0x1], $0xffff  }
0x5eb: {  	v19 =	vmul.f32 v19, v18;
	v59 =	vld.idx.msk [tilespmem:v5+s5+$0xFFFFFFE0 ss:$0x1], $0xffff  }
0x5ec: {  	[tilespmem:s5+$0x1DEC0] =	vst v21;
	v23 =	vmul.f32 v23, v25  }
0x5ed: {  	[tilespmem:s5+$0x1E100] =	vst v19;
	v19 =	vmul.f32 v22, v28  }
0x5ee: {  	v15 =	vmul.f32 v15, v14;
	[tilespmem:s5+$0x1DE90] =	vst v23  }
0x5ef: {  	v22 =	vld.idx.msk [tilespmem:v7+s5+$0x0 ss:$0x1], $0xffff;
	[tilespmem:s5+$0x1DEB0] =	vst v19;
	v19 =	vmul.f32 v20, v56  }
0x5f0: {  	[tilespmem:s5+$0x1DEF0] =	vst v15;
	v20 =	vmul.f32 v59, v13  }
0x5f1: {  	[tilespmem:s5+$0x1DED0] =	vst v19  }
0x5f2: {  	v19 =	vadd.s32 $0x200, v16;
	[tilespmem:s5+$0x1DEE0] =	vst v20  }
0x5f3: {  	v16 =	vadd.s32 $0x201, v16;
	[tilespmem:s5+$0x1D090] =	vst v19  }
0x5f4: {  	v15 =	vmul.f32 v22, v18;
	v18 =	vadd.s32 $0x200, v17;
	v19 =	vld.idx.msk [tilespmem:v6+s5+$0xFFFFFF90 ss:$0x1], $0xffff;
	[tilespmem:s5+$0x1D290] =	vst v16  }
0x5f5: {  	[tilespmem:s5+$0x1D0A0] =	vst v18  }
0x5f6: {  	v18 =	vadd.s32 $0x200, v11;
	[tilespmem:s5+$0x1E300] =	vst v15  }
0x5f7: {  	v16 =	vadd.s32 $0x201, v17;
	[tilespmem:s5+$0x1D0C0] =	vst v18  }
0x5f8: {  	v15 =	vadd.s32 $0x200, v12;
	v20 =	vld.idx.msk [tilespmem:v6+s5+$0xFFFFFFA0 ss:$0x1], $0xffff;
	[tilespmem:s5+$0x1D2A0] =	vst v16  }
0x5f9: {  	v18 =	vadd.s32 $0x200, v8;
	[tilespmem:s5+$0x1D0B0] =	vst v15  }
0x5fa: {  	v11 =	vadd.s32 $0x201, v11;
	[tilespmem:s5+$0x1D0E0] =	vst v18  }
0x5fb: {  	v15 =	vadd.s32 $0x200, v10;
	v22 =	vld.idx.msk [tilespmem:v6+s5+$0xFFFFFFC0 ss:$0x1], $0xffff;
	[tilespmem:s5+$0x1D2C0] =	vst v11  }
0x5fc: {  	v12 =	vadd.s32 $0x201, v12;
	[tilespmem:s5+$0x1D0D0] =	vst v15  }
0x5fd: {  	v21 =	vld.idx.msk [tilespmem:v6+s5+$0xFFFFFFB0 ss:$0x1], $0xffff;
	v15 =	vadd.s32 $0x200, v9;
	[tilespmem:s5+$0x1D2B0] =	vst v12  }
0x5fe: {  	v10 =	vadd.s32 $0x201, v10;
	v18 =	vld.idx.msk [tilespmem:v6+s5+$0xFFFFFFD0 ss:$0x1], $0xffff;
	[tilespmem:s5+$0x1D0F0] =	vst v15  }
0x5ff: {  	v8 =	vadd.s32 $0x201, v8;
	v19 =	vmul.f32 v19, v25;
	v15 =	vld.idx.msk [tilespmem:v6+s5+$0xFFFFFFE0 ss:$0x1], $0xffff;
	[tilespmem:s5+$0x1D2D0] =	vst v10  }
0x600: {  	[tilespmem:s5+$0x1D2E0] =	vst v8  }
0x601: {  	s18 =	simm.s32 $0x80;
	v9 =	vadd.s32 $0x201, v9;
	[tilespmem:s5+$0x1E090] =	vst v19;
	v17 =	vmul.f32 v20, v26;
	v19 =	vld.idx.msk [tilespmem:v6+s5+$0xFFFFFFF0 ss:$0x1], $0xffff  }
0x602: {  	[tilespmem:s5+$0x1D2F0] =	vst v9;
	v20 =	vld.idx.msk [tilespmem:v3+s18+$0x0 ss:$0x1], $0xffff;
	v16 =	vmul.f32 v21, v28  }
0x603: {  	v38 =	vld [tilespmem:s18+$0x1C290];
	[tilespmem:s5+$0x1E0A0] =	vst v17;
	v17 =	vmul.f32 v22, v29  }
0x604: {  	v21 =	vld.idx.msk [tilespmem:v3+s18+$0xFFFFFF90 ss:$0x1], $0xffff;
	v15 =	vmul.f32 v15, v13;
	[tilespmem:s5+$0x1E0B0] =	vst v16  }
0x605: {  	v22 =	vld.idx.msk [tilespmem:v3+s18+$0xFFFFFFA0 ss:$0x1], $0xffff;
	[tilespmem:s5+$0x1E0C0] =	vst v17  }
0x606: {  	v16 =	vmul.f32 v18, v56;
	v18 =	vld.idx.msk [tilespmem:v3+s18+$0xFFFFFFD0 ss:$0x1], $0xffff;
	[tilespmem:s5+$0x1E0E0] =	vst v15  }
0x607: {  	v15 =	vld.idx.msk [tilespmem:v7+s5+$0xFFFFFFA0 ss:$0x1], $0xffff;
	v12 =	vmul.f32 v19, v14;
	[tilespmem:s18+$0x1CD00] =	vst v20  }
0x608: {  	v19 =	vld.idx.msk [tilespmem:v3+s18+$0xFFFFFFF0 ss:$0x1], $0xffff;
	[tilespmem:s5+$0x1E0D0] =	vst v16  }
0x609: {  	v17 =	vld.idx.msk [tilespmem:v7+s5+$0xFFFFFFB0 ss:$0x1], $0xffff;
	[tilespmem:s5+$0x1E0F0] =	vst v12  }
0x60a: {  	v16 =	vld.idx.msk [tilespmem:v7+s5+$0xFFFFFF90 ss:$0x1], $0xffff;
	[tilespmem:s18+$0x1CC90] =	vst v21  }
0x60b: {  	v11 =	vld.idx.msk [tilespmem:v7+s5+$0xFFFFFFC0 ss:$0x1], $0xffff;
	[tilespmem:s18+$0x1CCA0] =	vst v22  }
0x60c: {  	v10 =	vld.idx.msk [tilespmem:v7+s5+$0xFFFFFFD0 ss:$0x1], $0xffff;
	[tilespmem:s18+$0x1CCD0] =	vst v18  }
0x60d: {  	v31 =	vld [tilespmem:s18+$0x1C2A0];
	v8 =	vmul.f32 v15, v26;
	[tilespmem:s18+$0x1CCF0] =	vst v19;
	v32 =	vadd.s32 $0x1, v19  }
0x60e: {  	v9 =	vmul.f32 v17, v28;
	v37 =	vld.idx.msk [tilespmem:v4+s18+$0xFFFFFFF0 ss:$0x1], $0xffff;
	[tilespmem:s18+$0x1CEF0] =	vst v32  }
0x60f: {  	v23 =	vld [tilespmem:s18+$0x1C300];
	v12 =	vmul.f32 v16, v25;
	[tilespmem:s5+$0x1E2A0] =	vst v8  }
0x610: {  	v17 =	vld.idx.msk [tilespmem:v3+s18+$0xFFFFFFC0 ss:$0x1], $0xffff;
	[tilespmem:s5+$0x1E2B0] =	vst v9  }
0x611: {  	v15 =	vld.idx.msk [tilespmem:v3+s18+$0xFFFFFFE0 ss:$0x1], $0xffff;
	v8 =	vmul.f32 v11, v29;
	v9 =	vmul.f32 v10, v56;
	v10 =	vadd.s32 $0x1, v18;
	[tilespmem:s5+$0x1E290] =	vst v12  }
0x612: {  	v62 =	vld.idx.msk [tilespmem:v4+s18+$0xFFFFFFD0 ss:$0x1], $0xffff;
	[tilespmem:s18+$0x1CED0] =	vst v10  }
0x613: {  	v16 =	vld.idx.msk [tilespmem:v3+s18+$0xFFFFFFB0 ss:$0x1], $0xffff;
	[tilespmem:s5+$0x1E2C0] =	vst v8  }
0x614: {  	v11 =	vld.idx.msk [tilespmem:v4+s18+$0xFFFFFF90 ss:$0x1], $0xffff;
	[tilespmem:s5+$0x1E2D0] =	vst v9  }
0x615: {  	v12 =	vld.idx.msk [tilespmem:v4+s18+$0xFFFFFFA0 ss:$0x1], $0xffff;
	[tilespmem:s18+$0x1CCC0] =	vst v17  }
0x616: {  	v8 =	vld.idx.msk [tilespmem:v4+s18+$0x0 ss:$0x1], $0xffff;
	v9 =	vadd.s32 $0x1, v21;
	[tilespmem:s18+$0x1CCE0] =	vst v15  }
0x617: {  	[tilespmem:s18+$0x1CE90] =	vst v9  }
0x618: {  	v10 =	vld [tilespmem:s18+$0x1C2C0];
	v9 =	vadd.s32 $0x1, v20;
	[tilespmem:s18+$0x1CCB0] =	vst v16  }
0x619: {  	v61 =	vld.idx.msk [tilespmem:v4+s18+$0xFFFFFFC0 ss:$0x1], $0xffff;
	[tilespmem:s18+$0x1CF00] =	vst v9;
	v9 =	vadd.s32 $0x1, v16;
	v33 =	vmul.f32 v11, v38  }
0x61a: {  	v60 =	vld.idx.msk [tilespmem:v4+s18+$0xFFFFFFB0 ss:$0x1], $0xffff;
	[tilespmem:s18+$0x1CEB0] =	vst v9;
	v40 =	vmul.f32 v12, v31  }
0x61b: {  	v63 =	vld.idx.msk [tilespmem:v4+s18+$0xFFFFFFE0 ss:$0x1], $0xffff;
	v8 =	vmul.f32 v8, v23;
	[tilespmem:s18+$0x1DC90] =	vst v33  }
0x61c: {  	v9 =	vld [tilespmem:s18+$0x1C2B0];
	[tilespmem:s18+$0x1DCA0] =	vst v40  }
0x61d: {  	v56 =	vadd.s32 $0x200, v21;
	v41 =	vld.idx.msk [tilespmem:v5+s18+$0xFFFFFF90 ss:$0x1], $0xffff;
	[tilespmem:s18+$0x1DD00] =	vst v8  }
0x61e: {  	[tilespmem:s18+$0x1D090] =	vst v56;
	v8 =	vadd.s32 $0x1, v22;
	v36 =	vld.idx.msk [tilespmem:v5+s18+$0x0 ss:$0x1], $0xffff  }
0x61f: {  	v39 =	vadd.s32 $0x200, v20;
	v11 =	vld [tilespmem:s18+$0x1C2E0];
	[tilespmem:s18+$0x1CEA0] =	vst v8  }
0x620: {  	v12 =	vld [tilespmem:s18+$0x1C2F0];
	v25 =	vmul.f32 v61, v10;
	v8 =	vadd.s32 $0x1, v17;
	[tilespmem:s18+$0x1D100] =	vst v39  }
0x621: {  	[tilespmem:s18+$0x1CEC0] =	vst v8  }
0x622: {  	v24 =	vmul.f32 v60, v9;
	v8 =	vadd.s32 $0x1, v15;
	[tilespmem:s18+$0x1DCC0] =	vst v25  }
0x623: {  	v43 =	vld.idx.msk [tilespmem:v5+s18+$0xFFFFFFA0 ss:$0x1], $0xffff;
	[tilespmem:s18+$0x1CEE0] =	vst v8;
	v28 =	vmul.f32 v36, v23  }
0x624: {  	v44 =	vmul.f32 v63, v11;
	v8 =	vld [tilespmem:s18+$0x1C2D0];
	[tilespmem:s18+$0x1DCB0] =	vst v24  }
0x625: {  	v46 =	vmul.f32 v37, v12;
	v47 =	vld.idx.msk [tilespmem:v5+s18+$0xFFFFFFC0 ss:$0x1], $0xffff;
	[tilespmem:s18+$0x1DF00] =	vst v28  }
0x626: {  	[tilespmem:s18+$0x1DCE0] =	vst v44;
	v32 =	vmul.f32 v41, v38;
	v28 =	vld.idx.msk [tilespmem:v6+s18+$0x0 ss:$0x1], $0xffff  }
0x627: {  	v45 =	vld.idx.msk [tilespmem:v5+s18+$0xFFFFFFB0 ss:$0x1], $0xffff;
	[tilespmem:s18+$0x1DCF0] =	vst v46  }
0x628: {  	v21 =	vadd.s32 $0x201, v21;
	v50 =	vld.idx.msk [tilespmem:v5+s18+$0xFFFFFFE0 ss:$0x1], $0xffff;
	[tilespmem:s18+$0x1DE90] =	vst v32  }
0x629: {  	v20 =	vadd.s32 $0x201, v20;
	v24 =	vld.idx.msk [tilespmem:v6+s18+$0xFFFFFF90 ss:$0x1], $0xffff;
	[tilespmem:s18+$0x1D290] =	vst v21;
	v42 =	vmul.f32 v62, v8  }
0x62a: {  	v26 =	vmul.f32 v43, v31;
	[tilespmem:s18+$0x1D300] =	vst v20  }
0x62b: {  	v20 =	vld.idx.msk [tilespmem:v5+s18+$0xFFFFFFF0 ss:$0x1], $0xffff;
	[tilespmem:s18+$0x1DCD0] =	vst v42;
	v49 =	vmul.f32 v28, v23  }
0x62c: {  	v53 =	vmul.f32 v47, v10;
	[tilespmem:s18+$0x1DEA0] =	vst v26;
	v48 =	vld.idx.msk [tilespmem:v5+s18+$0xFFFFFFD0 ss:$0x1], $0xffff  }
0x62d: {  	v51 =	vmul.f32 v45, v9;
	[tilespmem:s18+$0x1E100] =	vst v49  }
0x62e: {  	v55 =	vmul.f32 v50, v11;
	[tilespmem:s18+$0x1DEC0] =	vst v53;
	v52 =	vld.idx.msk [tilespmem:v7+s18+$0x0 ss:$0x1], $0xffff  }
0x62f: {  	[tilespmem:s18+$0x1DEB0] =	vst v51;
	v24 =	vmul.f32 v24, v38  }
0x630: {  	[tilespmem:s18+$0x1DEE0] =	vst v55;
	v20 =	vmul.f32 v20, v12  }
0x631: {  	[tilespmem:s18+$0x1E090] =	vst v24;
	v54 =	vmul.f32 v48, v8  }
0x632: {  	[tilespmem:s18+$0x1DEF0] =	vst v20  }
0x633: {  	[tilespmem:s18+$0x1DED0] =	vst v54;
	v20 =	vmul.f32 v52, v23;
	v23 =	vadd.s32 $0x200, v22  }
0x634: {  	[tilespmem:s18+$0x1D0A0] =	vst v23  }
0x635: {  	[tilespmem:s18+$0x1E300] =	vst v20;
	v20 =	vadd.s32 $0x200, v16  }
0x636: {  	v23 =	vadd.s32 $0x200, v17;
	v57 =	vld.idx.msk [tilespmem:v6+s18+$0xFFFFFFA0 ss:$0x1], $0xffff;
	[tilespmem:s18+$0x1D0B0] =	vst v20  }
0x637: {  	[tilespmem:s18+$0x1D0C0] =	vst v23;
	v20 =	vadd.s32 $0x200, v18;
	v58 =	vld.idx.msk [tilespmem:v6+s18+$0xFFFFFFB0 ss:$0x1], $0xffff  }
0x638: {  	v23 =	vadd.s32 $0x200, v15;
	[tilespmem:s18+$0x1D0D0] =	vst v20  }
0x639: {  	[tilespmem:s18+$0x1D0E0] =	vst v23;
	v20 =	vadd.s32 $0x200, v19;
	v23 =	vld.idx.msk [tilespmem:v6+s18+$0xFFFFFFD0 ss:$0x1], $0xffff  }
0x63a: {  	v21 =	vadd.s32 $0x201, v22;
	v59 =	vld.idx.msk [tilespmem:v6+s18+$0xFFFFFFC0 ss:$0x1], $0xffff;
	[tilespmem:s18+$0x1D0F0] =	vst v20  }
0x63b: {  	v17 =	vadd.s32 $0x201, v17;
	[tilespmem:s18+$0x1D2A0] =	vst v21;
	v22 =	vld.idx.msk [tilespmem:v6+s18+$0xFFFFFFF0 ss:$0x1], $0xffff;
	v60 =	vmul.f32 v57, v31  }
0x63c: {  	[tilespmem:s18+$0x1D2C0] =	vst v17;
	v21 =	vmul.f32 v58, v9  }
0x63d: {  	v20 =	vld.idx.msk [tilespmem:v6+s18+$0xFFFFFFE0 ss:$0x1], $0xffff;
	[tilespmem:s18+$0x1E0A0] =	vst v60  }
0x63e: {  	v62 =	vld.idx.msk [tilespmem:v7+s5+$0xFFFFFFF0 ss:$0x1], $0xffff;
	v16 =	vadd.s32 $0x201, v16;
	[tilespmem:s18+$0x1E0B0] =	vst v21;
	v21 =	vmul.f32 v23, v8  }
0x63f: {  	[tilespmem:s18+$0x1D2B0] =	vst v16;
	v63 =	vld.idx.msk [tilespmem:v7+s18+$0xFFFFFFA0 ss:$0x1], $0xffff  }
0x640: {  	v18 =	vadd.s32 $0x201, v18;
	v61 =	vmul.f32 v59, v10;
	[tilespmem:s18+$0x1E0D0] =	vst v21;
	v21 =	vmul.f32 v22, v12;
	v22 =	vld.idx.msk [tilespmem:v7+s18+$0xFFFFFF90 ss:$0x1], $0xffff  }
0x641: {  	[tilespmem:s18+$0x1D2D0] =	vst v18;
	v23 =	vld.idx.msk [tilespmem:v7+s5+$0xFFFFFFE0 ss:$0x1], $0xffff  }
0x642: {  	v17 =	vadd.s32 $0x201, v15;
	[tilespmem:s18+$0x1E0C0] =	vst v61;
	v20 =	vmul.f32 v20, v11  }
0x643: {  	[tilespmem:s18+$0x1D2E0] =	vst v17;
	v16 =	vld.idx.msk [tilespmem:v7+s18+$0xFFFFFFC0 ss:$0x1], $0xffff  }
0x644: {  	v18 =	vadd.s32 $0x201, v19;
	[tilespmem:s18+$0x1E0E0] =	vst v20;
	v20 =	vld.idx.msk [tilespmem:v7+s18+$0xFFFFFFB0 ss:$0x1], $0xffff  }
0x645: {  	[tilespmem:s18+$0x1D2F0] =	vst v18;
	v17 =	vld.idx.msk [tilespmem:v7+s18+$0xFFFFFFE0 ss:$0x1], $0xffff;
	v19 =	vmul.f32 v63, v31;
	v22 =	vmul.f32 v22, v38  }
0x646: {  	s23 =	simm.s32 $0x8;
	s10 =	simm.s32 $0x400;
	[tilespmem:s18+$0x1E0F0] =	vst v21;
	v15 =	vmul.f32 v23, v13;
	v13 =	vmul.f32 v62, v14;
	v14 =	vld.idx.msk [tilespmem:v7+s18+$0xFFFFFFD0 ss:$0x1], $0xffff  }
.LBB2_28:
0x647: {  	s25 =	sshra.s32 s10, $0x2;
	s23 =	sadd.s32 $0x8, s23;
	[tilespmem:s18+$0x1E290] =	vst v22;
	v18 =	vld.idx.msk [tilespmem:v7+s18+$0xFFFFFFF0 ss:$0x1], $0xffff  }
0x648: {  	v22 =	vld.idx.msk [tilespmem:v3+s25+$0x0 ss:$0x1], $0xffff;
	p0 =	slt.u32 s23, $0x18;
	[tilespmem:s18+$0x1E2A0] =	vst v19  }
0x649: {  	v9 =	vmul.f32 v20, v9;
	v19 =	vld.idx.msk [tilespmem:v3+s25+$0xFFFFFF90 ss:$0x1], $0xffff;
	[tilespmem:s5+$0x1E2E0] =	vst v15  }
0x64a: {  	v10 =	vmul.f32 v16, v10;
	v21 =	vld.idx.msk [tilespmem:v3+s25+$0xFFFFFFA0 ss:$0x1], $0xffff;
	[tilespmem:s5+$0x1E2F0] =	vst v13;
	s5 =	smov.u32 s18;
	s18 =	smov.u32 s25  }
0x64b: {  	v8 =	vmul.f32 v14, v8;
	v16 =	vld.idx.msk [tilespmem:v3+s18+$0xFFFFFFB0 ss:$0x1], $0xffff;
	[tilespmem:s5+$0x1E2B0] =	vst v9  }
0x64c: {  	v15 =	vmul.f32 v17, v11;
	v9 =	vld.idx.msk [tilespmem:v3+s18+$0xFFFFFFC0 ss:$0x1], $0xffff;
	[tilespmem:s5+$0x1E2C0] =	vst v10  }
0x64d: {  	v13 =	vmul.f32 v18, v12;
	v10 =	vld.idx.msk [tilespmem:v3+s18+$0xFFFFFFD0 ss:$0x1], $0xffff;
	[tilespmem:s5+$0x1E2D0] =	vst v8  }
0x64e: {  	v8 =	vld.idx.msk [tilespmem:v3+s18+$0xFFFFFFE0 ss:$0x1], $0xffff;
	[tilespmem:s18+$0x1CD00] =	vst v22  }
0x64f: {  	v11 =	vadd.s32 $0x1, v19;
	v23 =	vadd.s32 $0x200, v19;
	v20 =	vadd.s32 $0x201, v19;
	[tilespmem:s18+$0x1CC90] =	vst v19;
	v12 =	vld.idx.msk [tilespmem:v4+s18+$0x0 ss:$0x1], $0xffff  }
0x650: {  	v25 =	vadd.s32 $0x1, v21;
	v24 =	vadd.s32 $0x200, v21;
	v19 =	vadd.s32 $0x201, v21;
	[tilespmem:s18+$0x1CCA0] =	vst v21;
	v28 =	vld [tilespmem:s18+$0x1C300]  }
0x651: {  	v29 =	vadd.s32 $0x1, v16;
	v26 =	vadd.s32 $0x200, v16;
	v14 =	vadd.s32 $0x201, v16;
	[tilespmem:s18+$0x1CCB0] =	vst v16;
	v27 =	vld.idx.msk [tilespmem:v3+s18+$0xFFFFFFF0 ss:$0x1], $0xffff  }
0x652: {  	v31 =	vadd.s32 $0x1, v9;
	v32 =	vadd.s32 $0x200, v9;
	v16 =	vadd.s32 $0x201, v9;
	v30 =	vld.idx.msk [tilespmem:v4+s18+$0xFFFFFF90 ss:$0x1], $0xffff;
	[tilespmem:s18+$0x1CCC0] =	vst v9  }
0x653: {  	v34 =	vadd.s32 $0x1, v10;
	v35 =	vadd.s32 $0x200, v10;
	v17 =	vadd.s32 $0x201, v10;
	v33 =	vld.idx.msk [tilespmem:v4+s18+$0xFFFFFFA0 ss:$0x1], $0xffff;
	[tilespmem:s18+$0x1CCD0] =	vst v10  }
0x654: {  	v37 =	vadd.s32 $0x1, v8;
	v38 =	vadd.s32 $0x200, v8;
	v18 =	vadd.s32 $0x201, v8;
	v36 =	vld.idx.msk [tilespmem:v4+s18+$0xFFFFFFB0 ss:$0x1], $0xffff;
	[tilespmem:s18+$0x1CCE0] =	vst v8  }
0x655: {  	v9 =	vadd.s32 $0x1, v22;
	[tilespmem:s18+$0x1CE90] =	vst v11;
	v39 =	vld.idx.msk [tilespmem:v4+s18+$0xFFFFFFC0 ss:$0x1], $0xffff;
	v8 =	vmul.f32 v12, v28  }
0x656: {  	v40 =	vld.idx.msk [tilespmem:v4+s18+$0xFFFFFFD0 ss:$0x1], $0xffff;
	[tilespmem:s18+$0x1CF00] =	vst v9  }
0x657: {  	v11 =	vadd.s32 $0x1, v27;
	v42 =	vadd.s32 $0x200, v27;
	v21 =	vadd.s32 $0x201, v27;
	v41 =	vld.idx.msk [tilespmem:v4+s18+$0xFFFFFFE0 ss:$0x1], $0xffff;
	[tilespmem:s18+$0x1DD00] =	vst v8  }
0x658: {  	[tilespmem:s18+$0x1CCF0] =	vst v27;
	v12 =	vld.idx.msk [tilespmem:v5+s18+$0x0 ss:$0x1], $0xffff  }
0x659: {  	[tilespmem:s18+$0x1CEA0] =	vst v25;
	v43 =	vld.idx.msk [tilespmem:v4+s18+$0xFFFFFFF0 ss:$0x1], $0xffff  }
0x65a: {  	v27 =	vld [tilespmem:s18+$0x1C290];
	[tilespmem:s18+$0x1CEB0] =	vst v29  }
0x65b: {  	v25 =	vld [tilespmem:s18+$0x1C2A0];
	[tilespmem:s18+$0x1CEC0] =	vst v31  }
0x65c: {  	v9 =	vld [tilespmem:s18+$0x1C2B0];
	[tilespmem:s18+$0x1CED0] =	vst v34  }
0x65d: {  	v10 =	vld [tilespmem:s18+$0x1C2C0];
	[tilespmem:s18+$0x1CEE0] =	vst v37  }
0x65e: {  	v29 =	vmul.f32 v12, v28;
	v12 =	vadd.s32 $0x200, v22;
	v8 =	vld [tilespmem:s18+$0x1C2D0];
	[tilespmem:s18+$0x1CEF0] =	vst v11  }
0x65f: {  	v30 =	vmul.f32 v30, v27;
	v11 =	vld [tilespmem:s18+$0x1C2E0];
	[tilespmem:s18+$0x1D100] =	vst v12  }
0x660: {  	v31 =	vmul.f32 v33, v25;
	v12 =	vld [tilespmem:s18+$0x1C2F0];
	[tilespmem:s18+$0x1DF00] =	vst v29  }
0x661: {  	[tilespmem:s18+$0x1DC90] =	vst v30;
	v29 =	vmul.f32 v36, v9;
	v30 =	vld.idx.msk [tilespmem:v6+s18+$0x0 ss:$0x1], $0xffff  }
0x662: {  	v33 =	vld.idx.msk [tilespmem:v5+s18+$0xFFFFFF90 ss:$0x1], $0xffff;
	[tilespmem:s18+$0x1DCA0] =	vst v31;
	v31 =	vmul.f32 v39, v10  }
0x663: {  	v34 =	vld.idx.msk [tilespmem:v5+s18+$0xFFFFFFA0 ss:$0x1], $0xffff;
	[tilespmem:s18+$0x1DCB0] =	vst v29;
	v29 =	vmul.f32 v40, v8  }
0x664: {  	v36 =	vld.idx.msk [tilespmem:v5+s18+$0xFFFFFFB0 ss:$0x1], $0xffff;
	[tilespmem:s18+$0x1DCC0] =	vst v31;
	v31 =	vmul.f32 v41, v11  }
0x665: {  	v37 =	vld.idx.msk [tilespmem:v5+s18+$0xFFFFFFC0 ss:$0x1], $0xffff;
	[tilespmem:s18+$0x1DCD0] =	vst v29;
	v29 =	vmul.f32 v43, v12  }
0x666: {  	v39 =	vld.idx.msk [tilespmem:v5+s18+$0xFFFFFFD0 ss:$0x1], $0xffff;
	[tilespmem:s18+$0x1DCE0] =	vst v31  }
0x667: {  	v22 =	vadd.s32 $0x201, v22;
	v31 =	vld.idx.msk [tilespmem:v5+s18+$0xFFFFFFE0 ss:$0x1], $0xffff;
	[tilespmem:s18+$0x1DCF0] =	vst v29;
	v29 =	vmul.f32 v30, v28  }
0x668: {  	v30 =	vmul.f32 v33, v27;
	v33 =	vld.idx.msk [tilespmem:v5+s18+$0xFFFFFFF0 ss:$0x1], $0xffff;
	[tilespmem:s18+$0x1D300] =	vst v22  }
0x669: {  	v22 =	vmul.f32 v34, v25;
	[tilespmem:s18+$0x1E100] =	vst v29  }
0x66a: {  	v29 =	vmul.f32 v36, v9;
	[tilespmem:s18+$0x1DE90] =	vst v30;
	v30 =	vld.idx.msk [tilespmem:v7+s18+$0x0 ss:$0x1], $0xffff  }
0x66b: {  	[tilespmem:s18+$0x1DEA0] =	vst v22;
	v22 =	vmul.f32 v37, v10  }
0x66c: {  	[tilespmem:s18+$0x1DEB0] =	vst v29;
	v29 =	vmul.f32 v39, v8  }
0x66d: {  	[tilespmem:s18+$0x1DEC0] =	vst v22;
	v22 =	vmul.f32 v31, v11  }
0x66e: {  	[tilespmem:s18+$0x1DED0] =	vst v29;
	v29 =	vmul.f32 v33, v12  }
0x66f: {  	[tilespmem:s18+$0x1DEE0] =	vst v22  }
0x670: {  	v22 =	vmul.f32 v30, v28;
	[tilespmem:s18+$0x1DEF0] =	vst v29  }
0x671: {  	[tilespmem:s18+$0x1D090] =	vst v23  }
0x672: {  	v23 =	vld.idx.msk [tilespmem:v6+s18+$0xFFFFFF90 ss:$0x1], $0xffff;
	[tilespmem:s18+$0x1E300] =	vst v22  }
0x673: {  	[tilespmem:s18+$0x1D0A0] =	vst v24  }
0x674: {  	v22 =	vld.idx.msk [tilespmem:v6+s18+$0xFFFFFFA0 ss:$0x1], $0xffff;
	[tilespmem:s18+$0x1D0B0] =	vst v26  }
0x675: {  	v24 =	vld.idx.msk [tilespmem:v6+s18+$0xFFFFFFB0 ss:$0x1], $0xffff;
	[tilespmem:s18+$0x1D0C0] =	vst v32  }
0x676: {  	v26 =	vld.idx.msk [tilespmem:v6+s18+$0xFFFFFFC0 ss:$0x1], $0xffff;
	[tilespmem:s18+$0x1D0D0] =	vst v35  }
0x677: {  	v28 =	vld.idx.msk [tilespmem:v6+s18+$0xFFFFFFD0 ss:$0x1], $0xffff;
	[tilespmem:s18+$0x1D0E0] =	vst v38  }
0x678: {  	v23 =	vmul.f32 v23, v27;
	v29 =	vld.idx.msk [tilespmem:v6+s18+$0xFFFFFFE0 ss:$0x1], $0xffff;
	[tilespmem:s18+$0x1D0F0] =	vst v42  }
0x679: {  	[tilespmem:s18+$0x1D290] =	vst v20;
	v20 =	vld.idx.msk [tilespmem:v6+s18+$0xFFFFFFF0 ss:$0x1], $0xffff  }
0x67a: {  	v22 =	vmul.f32 v22, v25;
	[tilespmem:s18+$0x1E090] =	vst v23  }
0x67b: {  	v23 =	vld.idx.msk [tilespmem:v7+s18+$0xFFFFFF90 ss:$0x1], $0xffff;
	[tilespmem:s18+$0x1D2A0] =	vst v19;
	v19 =	vmul.f32 v24, v9  }
0x67c: {  	[tilespmem:s18+$0x1E0A0] =	vst v22;
	v22 =	vmul.f32 v26, v10  }
0x67d: {  	v24 =	vld.idx.msk [tilespmem:v7+s18+$0xFFFFFFA0 ss:$0x1], $0xffff;
	[tilespmem:s18+$0x1E0B0] =	vst v19;
	v19 =	vmul.f32 v28, v8  }
0x67e: {  	[tilespmem:s18+$0x1E0C0] =	vst v22;
	v22 =	vmul.f32 v29, v11  }
0x67f: {  	[tilespmem:s18+$0x1E0D0] =	vst v19;
	v19 =	vmul.f32 v20, v12  }
0x680: {  	[tilespmem:s18+$0x1E0E0] =	vst v22  }
0x681: {  	v22 =	vmul.f32 v23, v27;
	[tilespmem:s18+$0x1E0F0] =	vst v19  }
.Ltmp12:
0x682: {  	[tilespmem:s18+$0x1D2B0] =	vst v14;
	(pc) =	sbr.rel @p0 .LBB2_28-.Ltmp12, $4  }
0x683: {  	v19 =	vmul.f32 v24, v25;
	v20 =	vld.idx.msk [tilespmem:v7+s18+$0xFFFFFFB0 ss:$0x1], $0xffff;
	[tilespmem:s18+$0x1D2C0] =	vst v16  }
0x684: {  	v16 =	vld.idx.msk [tilespmem:v7+s18+$0xFFFFFFC0 ss:$0x1], $0xffff;
	[tilespmem:s18+$0x1D2D0] =	vst v17  }
0x685: {  	v14 =	vld.idx.msk [tilespmem:v7+s18+$0xFFFFFFD0 ss:$0x1], $0xffff;
	[tilespmem:s18+$0x1D2E0] =	vst v18  }
0x686: {  	s10 =	sadd.s32 $0x200, s10;
	v17 =	vld.idx.msk [tilespmem:v7+s18+$0xFFFFFFE0 ss:$0x1], $0xffff;
	[tilespmem:s18+$0x1D2F0] =	vst v21  }
0x687: {  	_ =	sdelay $0x2  }
0x688: {  	[tilespmem:s18+$0x1E290] =	vst v22  }
0x689: {  	v3 =	vld.idx.msk [tilespmem:v7+s18+$0xFFFFFFF0 ss:$0x1], $0xffff;
	[tilespmem:s18+$0x1E2A0] =	vst v19  }
0x68a: {  	[tilespmem:s5+$0x1E2E0] =	vst v15;
	v4 =	vmul.f32 v20, v9  }
0x68b: {  	[tilespmem:s5+$0x1E2F0] =	vst v13;
	s20 =	sadd.s32 $0x1, s20;
	v5 =	vmul.f32 v16, v10  }
0x68c: {  	s25 =	simm.s32 $0x800;
	s10 =	simm.s32 $0x1CC90;
	p0 =	sne.s32 s20, $0x10;
	[tilespmem:s18+$0x1E2B0] =	vst v4;
	v62 =	vmul.f32 v14, v8  }
.Ltmp13:
0x68d: {  	s30 =	sadd.s32 $0x400, s30;
	s22 =	sadd.s32 $0x400, s22;
	[tilespmem:s18+$0x1E2C0] =	vst v5;
	v63 =	vmul.f32 v17, v11;
	(pc) =	sbr.rel @p0 .LBB2_25-.Ltmp13, $4  }
0x68e: {  	s7 =	sadd.s32 $0x400, s7;
	s15 =	sadd.s32 $0x400, s15;
	s9 =	sadd.s32 $0x400, s9;
	[tilespmem:s18+$0x1E2D0] =	vst v62;
	v3 =	vmul.f32 v3, v12  }
0x68f: {  	s0 =	sadd.s32 $0x400, s0;
	s13 =	sadd.s32 $0x400, s13;
	s14 =	sadd.s32 $0x400, s14;
	[tilespmem:s18+$0x1E2E0] =	vst v63  }
0x690: {  	s29 =	sadd.s32 $0x400, s29;
	s2 =	sadd.s32 $0x400, s2;
	[tilespmem:s18+$0x1E2F0] =	vst v3;
	s18 =	simm.s32 $0x1DC90  }
0x691: {  	[spmem:s6] =	stream.indirect.scatter.add.f32 [tilespmem:s18], [sflag:$0x4], $0x1, s10, s25, $0xb8;
	[tilespmem:$0x1E690] =	vst v63  }
0x692: {  	s0 =	simm.s32 $0x1  }
0x693: {  	_ =	swait.ge [sflag:s0], $0x200  }
0x694: {  	[sflag:s0] =	ssyncset.done $0x0  }
0x695: {  	[sflag:s0] =	ssyncadd.s32 $0xFFFFFE00  }
0x696: {  	_ =	swait.ge [sflag:s24], $0x800  }
0x697: {  	[sflag:s24] =	ssyncset.done $0x0  }
0x698: {  	[sflag:s24] =	ssyncadd.s32 $0xFFFFF800  }
0x699: {  	_ =	swait.ge [sflag:s26], $0x800  }
0x69a: {  	[sflag:s26] =	ssyncset.done $0x0  }
0x69b: {  	[sflag:s26] =	ssyncadd.s32 $0xFFFFF800  }
0x69c: {  	s22 =	simm.s32 $0x1D490;
	[bflag:$0x0] =	sbarrier.arrive $0xFFFF  }
0x69d: {  	[tilespmem:s22], [sflag:$0x7] =	stream.linear.gather [spmem:s19], $0x200, $0x38;
	[tilespmem:$0x1E690] =	vst v63  }
0x69e: {  	s25 =	simm.s32 $0x1D690;
	s2 =	rddreg [dreg:$0x12]  }
0x69f: {  	[tilespmem:s25], [sflag:$0x7] =	stream.linear.gather [spmem:s2], $0x200, $0x38;
	[tilespmem:$0x1E690] =	vst v63  }
0x6a0: {  	s16 =	simm.s32 $0x1D890;
	s29 =	rddreg [dreg:$0x13]  }
0x6a1: {  	[tilespmem:s16], [sflag:$0x8] =	stream.linear.gather [spmem:s29], $0x200, $0x38;
	[tilespmem:$0x1E690] =	vst v63  }
0x6a2: {  	s20 =	simm.s32 $0x1DA90;
	s31 =	rddreg [dreg:$0x14]  }
0x6a3: {  	[tilespmem:s20], [sflag:$0x8] =	stream.linear.gather [spmem:s31], $0x200, $0x38;
	[tilespmem:$0x1E690] =	vst v63  }
0x6a4: {  	_ =	swait.ge [sflag:s3], $0x400  }
0x6a5: {  	[sflag:s3] =	ssyncset.done $0x0  }
0x6a6: {  	[sflag:s3] =	ssyncadd.s32 $0xFFFFFC00  }
0x6a7: {  	v3 =	vld [tilespmem:s25+$0x70]  }
0x6a8: {  	v4 =	vld [tilespmem:s25+$0x0]  }
0x6a9: {  	v5 =	vld [tilespmem:s25+$0x10]  }
0x6aa: {  	v6 =	vld [tilespmem:s25+$0x20]  }
0x6ab: {  	v7 =	vld [tilespmem:s25+$0x30]  }
0x6ac: {  	v8 =	vld [tilespmem:s25+$0x40]  }
0x6ad: {  	v9 =	vld [tilespmem:s25+$0x50]  }
0x6ae: {  	v10 =	vld [tilespmem:s25+$0x60]  }
0x6af: {  	v11 =	vld [tilespmem:s25+$0xFFFFFE10]  }
0x6b0: {  	v12 =	vld [tilespmem:s25+$0xFFFFFE20];
	v3 =	vadd.f32 $1.000000010e-07, v3  }
0x6b1: {  	v13 =	vld [tilespmem:s25+$0xFFFFFE30];
	v4 =	vadd.f32 $1.000000010e-07, v4  }
0x6b2: {  	v14 =	vld [tilespmem:s25+$0xFFFFFE40];
	v5 =	vadd.f32 $1.000000010e-07, v5;
	(erf) = vrcp.f32 v3  }
0x6b3: {  	s5 =	simm.s32 $0x1D710;
	v15 =	vld [tilespmem:s25+$0xFFFFFE50];
	(erf) = vrcp.f32 v4;
	v4 =	vadd.f32 $1.000000010e-07, v6  }
0x6b4: {  	v16 =	vld [tilespmem:s5+$0x30];
	(erf) = vrcp.f32 v5;
	v5 =	vadd.f32 $1.000000010e-07, v7  }
0x6b5: {  	v3 =	vld [tilespmem:s25+$0xFFFFFE70];
	v6 =	vadd.f32 $1.000000010e-07, v8;
	(erf) = vrcp.f32 v4  }
0x6b6: {  	v8 =	vadd.f32 $1.000000010e-07, v9;
	(erf) = vrcp.f32 v5;
	v5 =	vld [tilespmem:s5+$0x70]  }
0x6b7: {  	v9 =	vadd.f32 $1.000000010e-07, v10;
	(erf) = vrcp.f32 v6;
	v6 =	vld [tilespmem:s5+$0x0]  }
0x6b8: {  	v4 =	vld [tilespmem:s25+$0xFFFFFE00];
	(erf) = vrcp.f32 v8  }
0x6b9: {  	v8 =	vld [tilespmem:s5+$0x10];
	(erf) = vrcp.f32 v9  }
0x6ba: {  	v9 =	vld [tilespmem:s5+$0x20]  }
0x6bb: {  	v18 =	vld [tilespmem:s5+$0x40];
	v10 =	vpop (erf);
	v5 =	vadd.f32 $1.000000010e-07, v5  }
0x6bc: {  	v19 =	vld [tilespmem:s5+$0x50];
	v17 =	vpop (erf);
	v3 =	vmul.f32 v10, v3;
	v6 =	vadd.f32 $1.000000010e-07, v6  }
0x6bd: {  	s0 =	simm.s32 $0x1DCD0;
	v7 =	vld [tilespmem:s25+$0xFFFFFE60];
	v10 =	vpop (erf);
	v17 =	vmul.f32 v17, v4  }
0x6be: {  	v8 =	vadd.f32 $1.000000010e-07, v8;
	(erf) = vrcp.f32 v5;
	v10 =	vmul.f32 v10, v11;
	v11 =	vld [tilespmem:s5+$0x60];
	[tilespmem:s0+$0x30] =	vst v3;
	v4 =	vpop (erf)  }
0x6bf: {  	v3 =	vld [tilespmem:s5+$0xFFFFFE10];
	v9 =	vadd.f32 $1.000000010e-07, v9;
	(erf) = vrcp.f32 v6;
	v12 =	vmul.f32 v4, v12;
	v5 =	vpop (erf);
	[tilespmem:s0+$0xFFFFFFC0] =	vst v17  }
0x6c0: {  	v59 =	vadd.f32 $1.000000010e-07, v16;
	v4 =	vld [tilespmem:s5+$0xFFFFFE20];
	(erf) = vrcp.f32 v8;
	[tilespmem:s0+$0xFFFFFFD0] =	vst v10;
	v10 =	vmul.f32 v5, v13;
	v6 =	vpop (erf)  }
0x6c1: {  	v61 =	vadd.f32 $1.000000010e-07, v18;
	v5 =	vld [tilespmem:s5+$0xFFFFFE30];
	(erf) = vrcp.f32 v9;
	v8 =	vmul.f32 v6, v14;
	v60 =	vpop (erf);
	[tilespmem:s0+$0xFFFFFFE0] =	vst v12  }
0x6c2: {  	v9 =	vld [tilespmem:s5+$0xFFFFFE70];
	(erf) = vrcp.f32 v59;
	v14 =	vmul.f32 v60, v15;
	v62 =	vpop (erf);
	[tilespmem:s0+$0xFFFFFFF0] =	vst v10;
	v10 =	vadd.f32 $1.000000010e-07, v19  }
0x6c3: {  	v6 =	vld [tilespmem:s5+$0xFFFFFE40];
	(erf) = vrcp.f32 v61;
	v63 =	vmul.f32 v62, v7;
	[tilespmem:s0+$0x0] =	vst v8;
	v11 =	vadd.f32 $1.000000010e-07, v11  }
0x6c4: {  	v8 =	vld [tilespmem:s5+$0xFFFFFE50];
	[tilespmem:s0+$0x10] =	vst v14;
	(erf) = vrcp.f32 v10  }
0x6c5: {  	v7 =	vld [tilespmem:s5+$0xFFFFFE60];
	[tilespmem:s0+$0x20] =	vst v63;
	(erf) = vrcp.f32 v11  }
0x6c6: {  	s2 =	simm.s32 $0x8;
	v10 =	vld [tilespmem:s5+$0xFFFFFE00];
	s5 =	simm.s32 $0x1D790;
	s30 =	rddreg [dreg:$0x1a]  }
.LBB2_31:
0x6c7: {  	v11 =	vld [tilespmem:s5+$0x70];
	s2 =	sadd.s32 $0x8, s2;
	v12 =	vpop (erf)  }
0x6c8: {  	v13 =	vld [tilespmem:s5+$0x0];
	p0 =	slt.u32 s2, $0x18;
	v17 =	vmul.f32 v12, v9;
	v12 =	vpop (erf)  }
0x6c9: {  	s0 =	sadd.s32 $0x80, s0;
	v14 =	vld [tilespmem:s5+$0x10];
	v15 =	vpop (erf)  }
0x6ca: {  	v16 =	vld [tilespmem:s5+$0x20];
	v18 =	vmul.f32 v15, v3;
	[tilespmem:s0+$0x30] =	vst v17;
	v9 =	vpop (erf)  }
0x6cb: {  	v15 =	vld [tilespmem:s5+$0x30];
	v10 =	vmul.f32 v12, v10;
	v17 =	vmul.f32 v9, v4;
	v9 =	vpop (erf)  }
0x6cc: {  	v12 =	vld [tilespmem:s5+$0x40];
	v11 =	vadd.f32 $1.000000010e-07, v11;
	[tilespmem:s0+$0xFFFFFFD0] =	vst v18;
	v5 =	vmul.f32 v9, v5;
	v3 =	vpop (erf)  }
0x6cd: {  	v9 =	vadd.f32 $1.000000010e-07, v13;
	v13 =	vld [tilespmem:s5+$0x50];
	[tilespmem:s0+$0xFFFFFFC0] =	vst v10;
	v6 =	vmul.f32 v3, v6;
	v3 =	vpop (erf)  }
0x6ce: {  	v10 =	vadd.f32 $1.000000010e-07, v14;
	v14 =	vld [tilespmem:s5+$0x60];
	(erf) = vrcp.f32 v11;
	[tilespmem:s0+$0xFFFFFFE0] =	vst v17;
	v8 =	vmul.f32 v3, v8;
	v4 =	vpop (erf)  }
0x6cf: {  	v3 =	vld [tilespmem:s5+$0xFFFFFE10];
	v11 =	vadd.f32 $1.000000010e-07, v16;
	(erf) = vrcp.f32 v9;
	[tilespmem:s0+$0xFFFFFFF0] =	vst v5;
	v7 =	vmul.f32 v4, v7  }
0x6d0: {  	v4 =	vld [tilespmem:s5+$0xFFFFFE20];
	v9 =	vadd.f32 $1.000000010e-07, v15;
	(erf) = vrcp.f32 v10;
	[tilespmem:s0+$0x0] =	vst v6  }
0x6d1: {  	v5 =	vld [tilespmem:s5+$0xFFFFFE30];
	v10 =	vadd.f32 $1.000000010e-07, v12;
	(erf) = vrcp.f32 v11;
	[tilespmem:s0+$0x10] =	vst v8  }
.Ltmp14:
0x6d2: {  	v6 =	vld [tilespmem:s5+$0xFFFFFE40];
	v11 =	vadd.f32 $1.000000010e-07, v13;
	(erf) = vrcp.f32 v9;
	[tilespmem:s0+$0x20] =	vst v7;
	(pc) =	sbr.rel @p0 .LBB2_31-.Ltmp14, $4  }
0x6d3: {  	v12 =	vadd.f32 $1.000000010e-07, v14;
	v9 =	vld [tilespmem:s5+$0xFFFFFE70];
	(erf) = vrcp.f32 v10  }
0x6d4: {  	v8 =	vld [tilespmem:s5+$0xFFFFFE50];
	(erf) = vrcp.f32 v11  }
0x6d5: {  	v7 =	vld [tilespmem:s5+$0xFFFFFE60];
	(erf) = vrcp.f32 v12  }
0x6d6: {  	v10 =	vld [tilespmem:s5+$0xFFFFFE00];
	s5 =	sadd.s32 $0x80, s5  }
0x6d7: {  	v11 =	vpop (erf)  }
0x6d8: {  	v9 =	vmul.f32 v11, v9  }
0x6d9: {  	v12 =	vpop (erf)  }
0x6da: {  	v11 =	vpop (erf)  }
0x6db: {  	s0 =	sadd.s32 $0x80, s0;
	v3 =	vmul.f32 v11, v3  }
0x6dc: {  	[tilespmem:s0+$0x30] =	vst v9;
	v10 =	vmul.f32 v12, v10;
	v9 =	vpop (erf)  }
0x6dd: {  	[tilespmem:s0+$0xFFFFFFD0] =	vst v3;
	v4 =	vmul.f32 v9, v4;
	v9 =	vpop (erf)  }
0x6de: {  	[tilespmem:s0+$0xFFFFFFC0] =	vst v10;
	v3 =	vmul.f32 v9, v5;
	v5 =	vpop (erf)  }
0x6df: {  	v5 =	vmul.f32 v5, v6;
	v6 =	vpop (erf);
	[tilespmem:s0+$0xFFFFFFE0] =	vst v4  }
0x6e0: {  	v4 =	vmul.f32 v6, v8;
	v6 =	vpop (erf);
	[tilespmem:s0+$0xFFFFFFF0] =	vst v3  }
0x6e1: {  	v3 =	vmul.f32 v6, v7;
	[tilespmem:s0+$0x0] =	vst v5  }
0x6e2: {  	[tilespmem:s0+$0x10] =	vst v4  }
0x6e3: {  	[tilespmem:s0+$0x20] =	vst v3  }
0x6e4: {  	s0 =	sld [smem:$0x7FA];
	_ =	sdelay $0x1  }
0x6e5: {  	s14 =	rddreg [dreg:$0x3]  }
0x6e6: {  	s0 =	sadd.s32 s14, s0  }
0x6e7: {  	[hbm4b:s0+s1] =	stream.strided.scatter [tilespmem:s18], [sflag:$0x5], $0x200, s28, s1, $0x38;
	[tilespmem:$0x1E690] =	vst v63  }
0x6e8: {  	_ = 	snop  }
0x6e9: {  	[spmem:s19] =	stream.linear.scatter [tilespmem:s17], [sflag:$0x9], $0x200, $0x38;
	[tilespmem:$0x1E690] =	vst v63  }
0x6ea: {  	s13 =	rddreg [dreg:$0x1b]  }
0x6eb: {  	[tilespmem:s22], [sflag:$0x7] =	stream.linear.gather [spmem:s13], $0x200, $0x38;
	[tilespmem:$0x1E690] =	vst v63  }
0x6ec: {  	s23 =	simm.s32 $0x1D690;
	s15 =	rddreg [dreg:$0x1c]  }
0x6ed: {  	[tilespmem:s23], [sflag:$0x7] =	stream.linear.gather [spmem:s15], $0x200, $0x38;
	[tilespmem:$0x1E690] =	vst v63  }
0x6ee: {  	_ =	swait.ge [sflag:s11], $0x400  }
0x6ef: {  	[sflag:s11] =	ssyncset.done $0x0  }
0x6f0: {  	s25 =	simm.s32 $0x1DB00;
	[sflag:s11] =	ssyncadd.s32 $0xFFFFFC00  }
0x6f1: {  	v3 =	vld [tilespmem:s25+$0x0]  }
0x6f2: {  	v4 =	vld [tilespmem:s25+$0xFFFFFF90]  }
0x6f3: {  	v5 =	vld [tilespmem:s25+$0xFFFFFFA0]  }
0x6f4: {  	v6 =	vld [tilespmem:s25+$0xFFFFFFB0]  }
0x6f5: {  	v7 =	vld [tilespmem:s25+$0xFFFFFFC0]  }
0x6f6: {  	v8 =	vld [tilespmem:s25+$0xFFFFFFD0]  }
0x6f7: {  	v9 =	vld [tilespmem:s25+$0xFFFFFFE0]  }
0x6f8: {  	v10 =	vld [tilespmem:s25+$0xFFFFFFF0]  }
0x6f9: {  	v11 =	vld [tilespmem:s25+$0xFFFFFDA0]  }
0x6fa: {  	v58 =	vld [tilespmem:s25+$0xFFFFFDB0];
	v3 =	vadd.f32 $1.000000010e-07, v3  }
0x6fb: {  	v13 =	vld [tilespmem:s25+$0xFFFFFDC0];
	v4 =	vadd.f32 $1.000000010e-07, v4  }
0x6fc: {  	v14 =	vld [tilespmem:s25+$0xFFFFFDD0];
	v5 =	vadd.f32 $1.000000010e-07, v5;
	(erf) = vrcp.f32 v3  }
0x6fd: {  	s5 =	simm.s32 $0x1DB80;
	v15 =	vld [tilespmem:s25+$0xFFFFFDE0];
	(erf) = vrcp.f32 v4;
	v4 =	vadd.f32 $1.000000010e-07, v6  }
0x6fe: {  	v16 =	vld [tilespmem:s5+$0xFFFFFFC0];
	(erf) = vrcp.f32 v5;
	v5 =	vadd.f32 $1.000000010e-07, v7  }
0x6ff: {  	v3 =	vld [tilespmem:s25+$0xFFFFFE00];
	v6 =	vadd.f32 $1.000000010e-07, v8;
	(erf) = vrcp.f32 v4  }
0x700: {  	v8 =	vadd.f32 $1.000000010e-07, v9;
	(erf) = vrcp.f32 v5;
	v5 =	vld [tilespmem:s5+$0x0]  }
0x701: {  	v9 =	vadd.f32 $1.000000010e-07, v10;
	(erf) = vrcp.f32 v6;
	v6 =	vld [tilespmem:s5+$0xFFFFFF90]  }
0x702: {  	v4 =	vld [tilespmem:s25+$0xFFFFFD90];
	(erf) = vrcp.f32 v8  }
0x703: {  	v8 =	vld [tilespmem:s5+$0xFFFFFFA0];
	(erf) = vrcp.f32 v9  }
0x704: {  	v9 =	vld [tilespmem:s5+$0xFFFFFFB0]  }
0x705: {  	v18 =	vld [tilespmem:s5+$0xFFFFFFD0];
	v10 =	vpop (erf);
	v5 =	vadd.f32 $1.000000010e-07, v5  }
0x706: {  	v19 =	vld [tilespmem:s5+$0xFFFFFFE0];
	v17 =	vpop (erf);
	v3 =	vmul.f32 v10, v3;
	v6 =	vadd.f32 $1.000000010e-07, v6  }
0x707: {  	s0 =	simm.s32 $0x1DF00;
	v7 =	vld [tilespmem:s25+$0xFFFFFDF0];
	v10 =	vpop (erf);
	v17 =	vmul.f32 v17, v4  }
0x708: {  	v8 =	vadd.f32 $1.000000010e-07, v8;
	(erf) = vrcp.f32 v5;
	v10 =	vmul.f32 v10, v11;
	v11 =	vld [tilespmem:s5+$0xFFFFFFF0];
	[tilespmem:s0+$0x0] =	vst v3;
	v4 =	vpop (erf)  }
0x709: {  	v3 =	vld [tilespmem:s5+$0xFFFFFDA0];
	v9 =	vadd.f32 $1.000000010e-07, v9;
	(erf) = vrcp.f32 v6;
	v12 =	vmul.f32 v4, v58;
	v5 =	vpop (erf);
	[tilespmem:s0+$0xFFFFFF90] =	vst v17  }
0x70a: {  	v59 =	vadd.f32 $1.000000010e-07, v16;
	v4 =	vld [tilespmem:s5+$0xFFFFFDB0];
	(erf) = vrcp.f32 v8;
	[tilespmem:s0+$0xFFFFFFA0] =	vst v10;
	v10 =	vmul.f32 v5, v13;
	v6 =	vpop (erf)  }
0x70b: {  	v61 =	vadd.f32 $1.000000010e-07, v18;
	v5 =	vld [tilespmem:s5+$0xFFFFFDC0];
	(erf) = vrcp.f32 v9;
	v8 =	vmul.f32 v6, v14;
	v60 =	vpop (erf);
	[tilespmem:s0+$0xFFFFFFB0] =	vst v12  }
0x70c: {  	v9 =	vld [tilespmem:s5+$0xFFFFFE00];
	(erf) = vrcp.f32 v59;
	v14 =	vmul.f32 v60, v15;
	v62 =	vpop (erf);
	[tilespmem:s0+$0xFFFFFFC0] =	vst v10;
	v10 =	vadd.f32 $1.000000010e-07, v19  }
0x70d: {  	v6 =	vld [tilespmem:s5+$0xFFFFFDD0];
	(erf) = vrcp.f32 v61;
	v63 =	vmul.f32 v62, v7;
	[tilespmem:s0+$0xFFFFFFD0] =	vst v8;
	v11 =	vadd.f32 $1.000000010e-07, v11  }
0x70e: {  	v8 =	vld [tilespmem:s5+$0xFFFFFDE0];
	[tilespmem:s0+$0xFFFFFFE0] =	vst v14;
	(erf) = vrcp.f32 v10  }
0x70f: {  	s2 =	simm.s32 $0x8;
	s25 =	rddreg [dreg:$0x4];
	v7 =	vld [tilespmem:s5+$0xFFFFFDF0];
	[tilespmem:s0+$0xFFFFFFF0] =	vst v63;
	(erf) = vrcp.f32 v11  }
0x710: {  	s31 =	simm.s32 $0x1DE90;
	v10 =	vld [tilespmem:s5+$0xFFFFFD90];
	s5 =	simm.s32 $0x1DC00;
	s15 =	rddreg [dreg:$0x1d]  }
.LBB2_33:
0x711: {  	v11 =	vld [tilespmem:s5+$0x0];
	s2 =	sadd.s32 $0x8, s2;
	v12 =	vpop (erf)  }
0x712: {  	v13 =	vld [tilespmem:s5+$0xFFFFFF90];
	p0 =	slt.u32 s2, $0x18;
	v17 =	vmul.f32 v12, v9;
	v12 =	vpop (erf)  }
0x713: {  	s0 =	sadd.s32 $0x80, s0;
	v14 =	vld [tilespmem:s5+$0xFFFFFFA0];
	v15 =	vpop (erf)  }
0x714: {  	v16 =	vld [tilespmem:s5+$0xFFFFFFB0];
	v18 =	vmul.f32 v15, v3;
	[tilespmem:s0+$0x0] =	vst v17;
	v9 =	vpop (erf)  }
0x715: {  	v15 =	vld [tilespmem:s5+$0xFFFFFFC0];
	v10 =	vmul.f32 v12, v10;
	v17 =	vmul.f32 v9, v4;
	v9 =	vpop (erf)  }
0x716: {  	v12 =	vld [tilespmem:s5+$0xFFFFFFD0];
	v11 =	vadd.f32 $1.000000010e-07, v11;
	[tilespmem:s0+$0xFFFFFFA0] =	vst v18;
	v5 =	vmul.f32 v9, v5;
	v3 =	vpop (erf)  }
0x717: {  	v9 =	vadd.f32 $1.000000010e-07, v13;
	v13 =	vld [tilespmem:s5+$0xFFFFFFE0];
	[tilespmem:s0+$0xFFFFFF90] =	vst v10;
	v6 =	vmul.f32 v3, v6;
	v3 =	vpop (erf)  }
0x718: {  	v10 =	vadd.f32 $1.000000010e-07, v14;
	v14 =	vld [tilespmem:s5+$0xFFFFFFF0];
	(erf) = vrcp.f32 v11;
	[tilespmem:s0+$0xFFFFFFB0] =	vst v17;
	v8 =	vmul.f32 v3, v8;
	v4 =	vpop (erf)  }
0x719: {  	v3 =	vld [tilespmem:s5+$0xFFFFFDA0];
	v11 =	vadd.f32 $1.000000010e-07, v16;
	(erf) = vrcp.f32 v9;
	[tilespmem:s0+$0xFFFFFFC0] =	vst v5;
	v7 =	vmul.f32 v4, v7  }
0x71a: {  	v4 =	vld [tilespmem:s5+$0xFFFFFDB0];
	v9 =	vadd.f32 $1.000000010e-07, v15;
	(erf) = vrcp.f32 v10;
	[tilespmem:s0+$0xFFFFFFD0] =	vst v6  }
0x71b: {  	v5 =	vld [tilespmem:s5+$0xFFFFFDC0];
	v10 =	vadd.f32 $1.000000010e-07, v12;
	(erf) = vrcp.f32 v11;
	[tilespmem:s0+$0xFFFFFFE0] =	vst v8  }
.Ltmp15:
0x71c: {  	v6 =	vld [tilespmem:s5+$0xFFFFFDD0];
	v11 =	vadd.f32 $1.000000010e-07, v13;
	(erf) = vrcp.f32 v9;
	[tilespmem:s0+$0xFFFFFFF0] =	vst v7;
	(pc) =	sbr.rel @p0 .LBB2_33-.Ltmp15, $4  }
0x71d: {  	v12 =	vadd.f32 $1.000000010e-07, v14;
	v9 =	vld [tilespmem:s5+$0xFFFFFE00];
	(erf) = vrcp.f32 v10  }
0x71e: {  	v8 =	vld [tilespmem:s5+$0xFFFFFDE0];
	(erf) = vrcp.f32 v11  }
0x71f: {  	v7 =	vld [tilespmem:s5+$0xFFFFFDF0];
	(erf) = vrcp.f32 v12  }
0x720: {  	v10 =	vld [tilespmem:s5+$0xFFFFFD90];
	s5 =	sadd.s32 $0x80, s5  }
0x721: {  	v11 =	vpop (erf)  }
0x722: {  	v12 =	vpop (erf)  }
0x723: {  	v9 =	vmul.f32 v11, v9;
	v57 =	vpop (erf)  }
0x724: {  	s0 =	sadd.s32 $0x80, s0;
	v3 =	vmul.f32 v57, v3  }
0x725: {  	[tilespmem:s0+$0x0] =	vst v9;
	v58 =	vpop (erf);
	v10 =	vmul.f32 v12, v10  }
0x726: {  	v4 =	vmul.f32 v58, v4;
	v59 =	vpop (erf);
	[tilespmem:s0+$0xFFFFFFA0] =	vst v3  }
0x727: {  	v3 =	vmul.f32 v59, v5;
	v60 =	vpop (erf);
	[tilespmem:s0+$0xFFFFFF90] =	vst v10  }
0x728: {  	v5 =	vmul.f32 v60, v6;
	v61 =	vpop (erf);
	[tilespmem:s0+$0xFFFFFFB0] =	vst v4  }
0x729: {  	v62 =	vmul.f32 v61, v8;
	v63 =	vpop (erf);
	[tilespmem:s0+$0xFFFFFFC0] =	vst v3  }
0x72a: {  	v3 =	vmul.f32 v63, v7;
	[tilespmem:s0+$0xFFFFFFD0] =	vst v5  }
0x72b: {  	[tilespmem:s0+$0xFFFFFFE0] =	vst v62  }
0x72c: {  	[tilespmem:s0+$0xFFFFFFF0] =	vst v3  }
0x72d: {  	s0 =	sld [smem:$0x7FB];
	_ =	sdelay $0x2  }
0x72e: {  	s0 =	sadd.s32 s14, s0  }
0x72f: {  	[hbm4b:s0+s1] =	stream.strided.scatter [tilespmem:s31], [sflag:$0x6], $0x200, s28, s1, $0x38;
	[tilespmem:$0x1E690] =	vst v63  }
0x730: {  	s2 =	sld [smem:$0x7F6]  }
0x731: {  	[spmem:s29] =	stream.linear.scatter [tilespmem:s17], [sflag:$0x9], $0x200, $0x38;
	[tilespmem:$0x1E690] =	vst v63  }
0x732: {  	s29 =	sld [smem:$0x7FD]  }
0x733: {  	s10 =	rddreg [dreg:$0x1e]  }
0x734: {  	[tilespmem:s16], [sflag:$0x8] =	stream.linear.gather [spmem:s10], $0x200, $0x38;
	[tilespmem:$0x1E690] =	vst v63  }
0x735: {  	s13 =	rddreg [dreg:$0x1f];
	s0 =	sadd.s32 s29, s2;
	s2 =	simm.s32 $0x1  }
0x736: {  	[tilespmem:s20], [sflag:$0x8] =	stream.linear.gather [spmem:s13], $0x200, $0x38;
	[tilespmem:$0x1E690] =	vst v63  }
.LBB2_35:
0x737: {  	_ =	swait.ge [sflag:s3], $0x400  }
0x738: {  	[sflag:s3] =	ssyncset.done $0x0  }
0x739: {  	[sflag:s3] =	ssyncadd.s32 $0xFFFFFC00  }
0x73a: {  	_ =	swait.ge [sflag:s4], $0x200  }
0x73b: {  	[sflag:s4] =	ssyncset.done $0x0  }
0x73c: {  	s5 =	simm.s32 $0x1D690;
	[sflag:s4] =	ssyncadd.s32 $0xFFFFFE00  }
0x73d: {  	v3 =	vld [tilespmem:s5+$0x70]  }
0x73e: {  	v4 =	vld [tilespmem:s5+$0x0]  }
0x73f: {  	v5 =	vld [tilespmem:s5+$0x10]  }
0x740: {  	v6 =	vld [tilespmem:s5+$0x20]  }
0x741: {  	v7 =	vld [tilespmem:s5+$0x30]  }
0x742: {  	v8 =	vld [tilespmem:s5+$0x40]  }
0x743: {  	v9 =	vld [tilespmem:s5+$0x50]  }
0x744: {  	v10 =	vld [tilespmem:s5+$0x60]  }
0x745: {  	v11 =	vld [tilespmem:s5+$0xFFFFFE10]  }
0x746: {  	v12 =	vld [tilespmem:s5+$0xFFFFFE20];
	v3 =	vadd.f32 $1.000000010e-07, v3  }
0x747: {  	v13 =	vld [tilespmem:s5+$0xFFFFFE30];
	v4 =	vadd.f32 $1.000000010e-07, v4  }
0x748: {  	v14 =	vld [tilespmem:s5+$0xFFFFFE40];
	v5 =	vadd.f32 $1.000000010e-07, v5;
	(erf) = vrcp.f32 v3  }
0x749: {  	s10 =	simm.s32 $0x1D710;
	v15 =	vld [tilespmem:s5+$0xFFFFFE50];
	(erf) = vrcp.f32 v4;
	v4 =	vadd.f32 $1.000000010e-07, v6  }
0x74a: {  	v16 =	vld [tilespmem:s10+$0x30];
	(erf) = vrcp.f32 v5;
	v5 =	vadd.f32 $1.000000010e-07, v7  }
0x74b: {  	v3 =	vld [tilespmem:s5+$0xFFFFFE70];
	(erf) = vrcp.f32 v4  }
0x74c: {  	v6 =	vadd.f32 $1.000000010e-07, v8;
	(erf) = vrcp.f32 v5;
	v5 =	vld [tilespmem:s10+$0x70]  }
0x74d: {  	v8 =	vadd.f32 $1.000000010e-07, v9;
	v4 =	vld [tilespmem:s5+$0xFFFFFE00]  }
0x74e: {  	v9 =	vadd.f32 $1.000000010e-07, v10;
	(erf) = vrcp.f32 v6;
	v6 =	vld [tilespmem:s10+$0x0]  }
0x74f: {  	(erf) = vrcp.f32 v8;
	v8 =	vld [tilespmem:s10+$0x10]  }
0x750: {  	(erf) = vrcp.f32 v9;
	v9 =	vld [tilespmem:s10+$0x20]  }
0x751: {  	v18 =	vld [tilespmem:s10+$0x40];
	v10 =	vpop (erf);
	v5 =	vadd.f32 $1.000000010e-07, v5  }
0x752: {  	v19 =	vld [tilespmem:s10+$0x50];
	v17 =	vpop (erf)  }
0x753: {  	v7 =	vld [tilespmem:s5+$0xFFFFFE60];
	v3 =	vmul.f32 v10, v3;
	v6 =	vadd.f32 $1.000000010e-07, v6;
	v10 =	vpop (erf);
	v17 =	vmul.f32 v17, v4  }
0x754: {  	s7 =	simm.s32 $0x1DCD0;
	v8 =	vadd.f32 $1.000000010e-07, v8;
	(erf) = vrcp.f32 v5;
	v10 =	vmul.f32 v10, v11;
	v11 =	vld [tilespmem:s10+$0x60];
	v4 =	vpop (erf)  }
0x755: {  	[tilespmem:s7+$0x30] =	vst v3;
	v3 =	vld [tilespmem:s10+$0xFFFFFE10];
	v9 =	vadd.f32 $1.000000010e-07, v9;
	(erf) = vrcp.f32 v6;
	v12 =	vmul.f32 v4, v12;
	v5 =	vpop (erf)  }
0x756: {  	v59 =	vadd.f32 $1.000000010e-07, v16;
	v4 =	vld [tilespmem:s10+$0xFFFFFE20];
	(erf) = vrcp.f32 v8;
	[tilespmem:s7+$0xFFFFFFD0] =	vst v10;
	v10 =	vmul.f32 v5, v13  }
0x757: {  	v61 =	vadd.f32 $1.000000010e-07, v18;
	[tilespmem:s7+$0xFFFFFFC0] =	vst v17;
	v6 =	vpop (erf);
	v5 =	vld [tilespmem:s10+$0xFFFFFE30];
	(erf) = vrcp.f32 v9  }
0x758: {  	v9 =	vld [tilespmem:s10+$0xFFFFFE70];
	v8 =	vmul.f32 v6, v14;
	v60 =	vpop (erf);
	(erf) = vrcp.f32 v59;
	[tilespmem:s7+$0xFFFFFFF0] =	vst v10;
	v10 =	vadd.f32 $1.000000010e-07, v19  }
0x759: {  	[tilespmem:s7+$0xFFFFFFE0] =	vst v12;
	v6 =	vld [tilespmem:s10+$0xFFFFFE40];
	v14 =	vmul.f32 v60, v15;
	v62 =	vpop (erf);
	(erf) = vrcp.f32 v61;
	v11 =	vadd.f32 $1.000000010e-07, v11  }
0x75a: {  	v63 =	vmul.f32 v62, v7;
	[tilespmem:s7+$0x0] =	vst v8;
	v8 =	vld [tilespmem:s10+$0xFFFFFE50];
	(erf) = vrcp.f32 v10  }
0x75b: {  	s5 =	sshll.u32 s2, $0xA;
	v7 =	vld [tilespmem:s10+$0xFFFFFE60];
	[tilespmem:s7+$0x10] =	vst v14;
	(erf) = vrcp.f32 v11  }
0x75c: {  	s9 =	simm.s32 $0x8;
	s8 =	sadd.s32 s0, s5;
	v10 =	vld [tilespmem:s10+$0xFFFFFE00];
	s10 =	simm.s32 $0x1D790;
	[tilespmem:s7+$0x20] =	vst v63  }
.LBB2_36:
0x75d: {  	v11 =	vld [tilespmem:s10+$0x70];
	s9 =	sadd.s32 $0x8, s9;
	v12 =	vpop (erf)  }
0x75e: {  	v13 =	vld [tilespmem:s10+$0x0];
	p0 =	slt.u32 s9, $0x18;
	v17 =	vmul.f32 v12, v9;
	v12 =	vpop (erf)  }
0x75f: {  	s7 =	sadd.s32 $0x80, s7;
	v14 =	vld [tilespmem:s10+$0x10];
	v15 =	vpop (erf)  }
0x760: {  	v16 =	vld [tilespmem:s10+$0x20];
	v18 =	vmul.f32 v15, v3;
	[tilespmem:s7+$0x30] =	vst v17;
	v9 =	vpop (erf)  }
0x761: {  	v15 =	vld [tilespmem:s10+$0x30];
	v10 =	vmul.f32 v12, v10;
	v17 =	vmul.f32 v9, v4;
	v9 =	vpop (erf)  }
0x762: {  	v12 =	vld [tilespmem:s10+$0x40];
	v11 =	vadd.f32 $1.000000010e-07, v11;
	[tilespmem:s7+$0xFFFFFFD0] =	vst v18;
	v5 =	vmul.f32 v9, v5;
	v3 =	vpop (erf)  }
0x763: {  	v9 =	vadd.f32 $1.000000010e-07, v13;
	v13 =	vld [tilespmem:s10+$0x50];
	[tilespmem:s7+$0xFFFFFFC0] =	vst v10;
	v6 =	vmul.f32 v3, v6;
	v3 =	vpop (erf)  }
0x764: {  	v10 =	vadd.f32 $1.000000010e-07, v14;
	v14 =	vld [tilespmem:s10+$0x60];
	(erf) = vrcp.f32 v11;
	[tilespmem:s7+$0xFFFFFFE0] =	vst v17;
	v8 =	vmul.f32 v3, v8;
	v4 =	vpop (erf)  }
0x765: {  	v3 =	vld [tilespmem:s10+$0xFFFFFE10];
	v11 =	vadd.f32 $1.000000010e-07, v16;
	(erf) = vrcp.f32 v9;
	[tilespmem:s7+$0xFFFFFFF0] =	vst v5;
	v7 =	vmul.f32 v4, v7  }
0x766: {  	v4 =	vld [tilespmem:s10+$0xFFFFFE20];
	v9 =	vadd.f32 $1.000000010e-07, v15;
	(erf) = vrcp.f32 v10;
	[tilespmem:s7+$0x0] =	vst v6  }
0x767: {  	v5 =	vld [tilespmem:s10+$0xFFFFFE30];
	v10 =	vadd.f32 $1.000000010e-07, v12;
	(erf) = vrcp.f32 v11;
	[tilespmem:s7+$0x10] =	vst v8  }
.Ltmp16:
0x768: {  	v6 =	vld [tilespmem:s10+$0xFFFFFE40];
	v11 =	vadd.f32 $1.000000010e-07, v13;
	(erf) = vrcp.f32 v9;
	[tilespmem:s7+$0x20] =	vst v7;
	(pc) =	sbr.rel @p0 .LBB2_36-.Ltmp16, $4  }
0x769: {  	v12 =	vadd.f32 $1.000000010e-07, v14;
	v9 =	vld [tilespmem:s10+$0xFFFFFE70];
	(erf) = vrcp.f32 v10  }
0x76a: {  	v8 =	vld [tilespmem:s10+$0xFFFFFE50];
	(erf) = vrcp.f32 v11  }
0x76b: {  	v7 =	vld [tilespmem:s10+$0xFFFFFE60];
	(erf) = vrcp.f32 v12  }
0x76c: {  	v10 =	vld [tilespmem:s10+$0xFFFFFE00];
	s10 =	sadd.s32 $0x80, s10  }
0x76d: {  	v11 =	vpop (erf)  }
0x76e: {  	v9 =	vmul.f32 v11, v9  }
0x76f: {  	v12 =	vpop (erf)  }
0x770: {  	v11 =	vpop (erf)  }
0x771: {  	s7 =	sadd.s32 $0x80, s7;
	v3 =	vmul.f32 v11, v3  }
0x772: {  	[tilespmem:s7+$0x30] =	vst v9;
	v10 =	vmul.f32 v12, v10;
	v9 =	vpop (erf)  }
0x773: {  	[tilespmem:s7+$0xFFFFFFD0] =	vst v3;
	v4 =	vmul.f32 v9, v4;
	v9 =	vpop (erf)  }
0x774: {  	[tilespmem:s7+$0xFFFFFFC0] =	vst v10;
	v3 =	vmul.f32 v9, v5;
	v5 =	vpop (erf)  }
0x775: {  	v5 =	vmul.f32 v5, v6;
	v6 =	vpop (erf);
	[tilespmem:s7+$0xFFFFFFE0] =	vst v4  }
0x776: {  	v4 =	vmul.f32 v6, v8;
	v6 =	vpop (erf);
	[tilespmem:s7+$0xFFFFFFF0] =	vst v3  }
0x777: {  	v3 =	vmul.f32 v6, v7;
	[tilespmem:s7+$0x0] =	vst v5  }
0x778: {  	[tilespmem:s7+$0x10] =	vst v4  }
0x779: {  	[tilespmem:s7+$0x20] =	vst v3  }
0x77a: {  	[hbm4b:s8+s1] =	stream.strided.scatter [tilespmem:s18], [sflag:$0x5], $0x200, s28, s1, $0x38;
	[tilespmem:$0x1E690] =	vst v63  }
0x77b: {  	s9 =	sadd.s32 s5, s19;
	s10 =	sadd.s32 s5, s30  }
0x77c: {  	[spmem:s9] =	stream.linear.scatter [tilespmem:s17], [sflag:$0x9], $0x200, $0x38;
	[tilespmem:$0x1E690] =	vst v63  }
0x77d: {  	s13 =	sadd.s32 s10, s6  }
0x77e: {  	[tilespmem:s22], [sflag:$0x7] =	stream.linear.gather [spmem:s13], $0x200, $0x38;
	[tilespmem:$0x1E690] =	vst v63  }
0x77f: {  	s7 =	sadd.s32 s10, s25  }
0x780: {  	[tilespmem:s23], [sflag:$0x7] =	stream.linear.gather [spmem:s7], $0x200, $0x38;
	[tilespmem:$0x1E690] =	vst v63  }
0x781: {  	_ =	swait.ge [sflag:s11], $0x400  }
0x782: {  	[sflag:s11] =	ssyncset.done $0x0  }
0x783: {  	[sflag:s11] =	ssyncadd.s32 $0xFFFFFC00  }
0x784: {  	_ =	swait.ge [sflag:s21], $0x200  }
0x785: {  	[sflag:s21] =	ssyncset.done $0x0  }
0x786: {  	s29 =	simm.s32 $0x1DB00;
	[sflag:s21] =	ssyncadd.s32 $0xFFFFFE00  }
0x787: {  	v3 =	vld [tilespmem:s29+$0x0]  }
0x788: {  	v4 =	vld [tilespmem:s29+$0xFFFFFF90]  }
0x789: {  	v5 =	vld [tilespmem:s29+$0xFFFFFFA0]  }
0x78a: {  	v6 =	vld [tilespmem:s29+$0xFFFFFFB0]  }
0x78b: {  	v7 =	vld [tilespmem:s29+$0xFFFFFFC0]  }
0x78c: {  	v8 =	vld [tilespmem:s29+$0xFFFFFFD0]  }
0x78d: {  	v9 =	vld [tilespmem:s29+$0xFFFFFFE0]  }
0x78e: {  	v10 =	vld [tilespmem:s29+$0xFFFFFFF0]  }
0x78f: {  	v11 =	vld [tilespmem:s29+$0xFFFFFDA0]  }
0x790: {  	v58 =	vld [tilespmem:s29+$0xFFFFFDB0];
	v3 =	vadd.f32 $1.000000010e-07, v3  }
0x791: {  	v13 =	vld [tilespmem:s29+$0xFFFFFDC0];
	v4 =	vadd.f32 $1.000000010e-07, v4  }
0x792: {  	v14 =	vld [tilespmem:s29+$0xFFFFFDD0];
	v5 =	vadd.f32 $1.000000010e-07, v5;
	(erf) = vrcp.f32 v3  }
0x793: {  	s13 =	simm.s32 $0x1DB80;
	v15 =	vld [tilespmem:s29+$0xFFFFFDE0];
	(erf) = vrcp.f32 v4;
	v4 =	vadd.f32 $1.000000010e-07, v6  }
0x794: {  	v16 =	vld [tilespmem:s13+$0xFFFFFFC0];
	(erf) = vrcp.f32 v5;
	v5 =	vadd.f32 $1.000000010e-07, v7  }
0x795: {  	v3 =	vld [tilespmem:s29+$0xFFFFFE00];
	(erf) = vrcp.f32 v4  }
0x796: {  	v6 =	vadd.f32 $1.000000010e-07, v8;
	(erf) = vrcp.f32 v5;
	v5 =	vld [tilespmem:s13+$0x0]  }
0x797: {  	v8 =	vadd.f32 $1.000000010e-07, v9;
	v4 =	vld [tilespmem:s29+$0xFFFFFD90]  }
0x798: {  	v9 =	vadd.f32 $1.000000010e-07, v10;
	(erf) = vrcp.f32 v6;
	v6 =	vld [tilespmem:s13+$0xFFFFFF90]  }
0x799: {  	(erf) = vrcp.f32 v8;
	v8 =	vld [tilespmem:s13+$0xFFFFFFA0]  }
0x79a: {  	(erf) = vrcp.f32 v9;
	v9 =	vld [tilespmem:s13+$0xFFFFFFB0]  }
0x79b: {  	v18 =	vld [tilespmem:s13+$0xFFFFFFD0];
	v10 =	vpop (erf);
	v5 =	vadd.f32 $1.000000010e-07, v5  }
0x79c: {  	v19 =	vld [tilespmem:s13+$0xFFFFFFE0];
	v17 =	vpop (erf)  }
0x79d: {  	v7 =	vld [tilespmem:s29+$0xFFFFFDF0];
	v3 =	vmul.f32 v10, v3;
	v6 =	vadd.f32 $1.000000010e-07, v6;
	v10 =	vpop (erf);
	v17 =	vmul.f32 v17, v4  }
0x79e: {  	s7 =	simm.s32 $0x1DF00;
	v8 =	vadd.f32 $1.000000010e-07, v8;
	(erf) = vrcp.f32 v5;
	v10 =	vmul.f32 v10, v11;
	v11 =	vld [tilespmem:s13+$0xFFFFFFF0];
	v4 =	vpop (erf)  }
0x79f: {  	[tilespmem:s7+$0x0] =	vst v3;
	v3 =	vld [tilespmem:s13+$0xFFFFFDA0];
	v9 =	vadd.f32 $1.000000010e-07, v9;
	(erf) = vrcp.f32 v6;
	v12 =	vmul.f32 v4, v58;
	v5 =	vpop (erf)  }
0x7a0: {  	v59 =	vadd.f32 $1.000000010e-07, v16;
	v4 =	vld [tilespmem:s13+$0xFFFFFDB0];
	(erf) = vrcp.f32 v8;
	[tilespmem:s7+$0xFFFFFFA0] =	vst v10;
	v10 =	vmul.f32 v5, v13  }
0x7a1: {  	v61 =	vadd.f32 $1.000000010e-07, v18;
	[tilespmem:s7+$0xFFFFFF90] =	vst v17;
	v6 =	vpop (erf);
	v5 =	vld [tilespmem:s13+$0xFFFFFDC0];
	(erf) = vrcp.f32 v9  }
0x7a2: {  	v9 =	vld [tilespmem:s13+$0xFFFFFE00];
	v8 =	vmul.f32 v6, v14;
	v60 =	vpop (erf);
	(erf) = vrcp.f32 v59;
	[tilespmem:s7+$0xFFFFFFC0] =	vst v10;
	v10 =	vadd.f32 $1.000000010e-07, v19  }
0x7a3: {  	[tilespmem:s7+$0xFFFFFFB0] =	vst v12;
	v6 =	vld [tilespmem:s13+$0xFFFFFDD0];
	v14 =	vmul.f32 v60, v15;
	v62 =	vpop (erf);
	(erf) = vrcp.f32 v61;
	v11 =	vadd.f32 $1.000000010e-07, v11  }
0x7a4: {  	v63 =	vmul.f32 v62, v7;
	[tilespmem:s7+$0xFFFFFFD0] =	vst v8;
	v8 =	vld [tilespmem:s13+$0xFFFFFDE0];
	(erf) = vrcp.f32 v10  }
0x7a5: {  	s8 =	sor.u32 $0x200, s5;
	v7 =	vld [tilespmem:s13+$0xFFFFFDF0];
	[tilespmem:s7+$0xFFFFFFE0] =	vst v14;
	(erf) = vrcp.f32 v11  }
0x7a6: {  	s10 =	simm.s32 $0x8;
	s9 =	sadd.s32 s0, s8;
	v10 =	vld [tilespmem:s13+$0xFFFFFD90];
	s13 =	simm.s32 $0x1DC00;
	[tilespmem:s7+$0xFFFFFFF0] =	vst v63  }
.LBB2_38:
0x7a7: {  	v11 =	vld [tilespmem:s13+$0x0];
	s10 =	sadd.s32 $0x8, s10;
	v12 =	vpop (erf)  }
0x7a8: {  	v13 =	vld [tilespmem:s13+$0xFFFFFF90];
	p0 =	slt.u32 s10, $0x18;
	v17 =	vmul.f32 v12, v9;
	v12 =	vpop (erf)  }
0x7a9: {  	s7 =	sadd.s32 $0x80, s7;
	v14 =	vld [tilespmem:s13+$0xFFFFFFA0];
	v15 =	vpop (erf)  }
0x7aa: {  	v16 =	vld [tilespmem:s13+$0xFFFFFFB0];
	v18 =	vmul.f32 v15, v3;
	[tilespmem:s7+$0x0] =	vst v17;
	v9 =	vpop (erf)  }
0x7ab: {  	v15 =	vld [tilespmem:s13+$0xFFFFFFC0];
	v10 =	vmul.f32 v12, v10;
	v17 =	vmul.f32 v9, v4;
	v9 =	vpop (erf)  }
0x7ac: {  	v12 =	vld [tilespmem:s13+$0xFFFFFFD0];
	v11 =	vadd.f32 $1.000000010e-07, v11;
	[tilespmem:s7+$0xFFFFFFA0] =	vst v18;
	v5 =	vmul.f32 v9, v5;
	v3 =	vpop (erf)  }
0x7ad: {  	v9 =	vadd.f32 $1.000000010e-07, v13;
	v13 =	vld [tilespmem:s13+$0xFFFFFFE0];
	[tilespmem:s7+$0xFFFFFF90] =	vst v10;
	v6 =	vmul.f32 v3, v6;
	v3 =	vpop (erf)  }
0x7ae: {  	v10 =	vadd.f32 $1.000000010e-07, v14;
	v14 =	vld [tilespmem:s13+$0xFFFFFFF0];
	(erf) = vrcp.f32 v11;
	[tilespmem:s7+$0xFFFFFFB0] =	vst v17;
	v8 =	vmul.f32 v3, v8;
	v4 =	vpop (erf)  }
0x7af: {  	v3 =	vld [tilespmem:s13+$0xFFFFFDA0];
	v11 =	vadd.f32 $1.000000010e-07, v16;
	(erf) = vrcp.f32 v9;
	[tilespmem:s7+$0xFFFFFFC0] =	vst v5;
	v7 =	vmul.f32 v4, v7  }
0x7b0: {  	v4 =	vld [tilespmem:s13+$0xFFFFFDB0];
	v9 =	vadd.f32 $1.000000010e-07, v15;
	(erf) = vrcp.f32 v10;
	[tilespmem:s7+$0xFFFFFFD0] =	vst v6  }
0x7b1: {  	v5 =	vld [tilespmem:s13+$0xFFFFFDC0];
	v10 =	vadd.f32 $1.000000010e-07, v12;
	(erf) = vrcp.f32 v11;
	[tilespmem:s7+$0xFFFFFFE0] =	vst v8  }
.Ltmp17:
0x7b2: {  	v6 =	vld [tilespmem:s13+$0xFFFFFDD0];
	v11 =	vadd.f32 $1.000000010e-07, v13;
	(erf) = vrcp.f32 v9;
	[tilespmem:s7+$0xFFFFFFF0] =	vst v7;
	(pc) =	sbr.rel @p0 .LBB2_38-.Ltmp17, $4  }
0x7b3: {  	v12 =	vadd.f32 $1.000000010e-07, v14;
	v9 =	vld [tilespmem:s13+$0xFFFFFE00];
	(erf) = vrcp.f32 v10  }
0x7b4: {  	v8 =	vld [tilespmem:s13+$0xFFFFFDE0];
	(erf) = vrcp.f32 v11  }
0x7b5: {  	v7 =	vld [tilespmem:s13+$0xFFFFFDF0];
	(erf) = vrcp.f32 v12  }
0x7b6: {  	v10 =	vld [tilespmem:s13+$0xFFFFFD90];
	s13 =	sadd.s32 $0x80, s13  }
0x7b7: {  	v11 =	vpop (erf)  }
0x7b8: {  	v12 =	vpop (erf)  }
0x7b9: {  	v9 =	vmul.f32 v11, v9;
	v57 =	vpop (erf)  }
0x7ba: {  	s7 =	sadd.s32 $0x80, s7;
	v3 =	vmul.f32 v57, v3  }
0x7bb: {  	[tilespmem:s7+$0x0] =	vst v9;
	v58 =	vpop (erf);
	v10 =	vmul.f32 v12, v10  }
0x7bc: {  	v4 =	vmul.f32 v58, v4;
	v59 =	vpop (erf);
	[tilespmem:s7+$0xFFFFFFA0] =	vst v3  }
0x7bd: {  	v3 =	vmul.f32 v59, v5;
	v60 =	vpop (erf);
	[tilespmem:s7+$0xFFFFFF90] =	vst v10  }
0x7be: {  	v5 =	vmul.f32 v60, v6;
	v61 =	vpop (erf);
	[tilespmem:s7+$0xFFFFFFB0] =	vst v4  }
0x7bf: {  	v62 =	vmul.f32 v61, v8;
	v63 =	vpop (erf);
	[tilespmem:s7+$0xFFFFFFC0] =	vst v3  }
0x7c0: {  	v3 =	vmul.f32 v63, v7;
	[tilespmem:s7+$0xFFFFFFD0] =	vst v5  }
0x7c1: {  	[tilespmem:s7+$0xFFFFFFE0] =	vst v62  }
0x7c2: {  	s2 =	sadd.s32 $0x1, s2;
	[tilespmem:s7+$0xFFFFFFF0] =	vst v3  }
0x7c3: {  	[hbm4b:s9+s1] =	stream.strided.scatter [tilespmem:s31], [sflag:$0x6], $0x200, s28, s1, $0x38;
	[tilespmem:$0x1E690] =	vst v63  }
0x7c4: {  	s13 =	sadd.s32 s8, s19;
	p0 =	sne.s32 s2, $0xF  }
0x7c5: {  	[spmem:s13] =	stream.linear.scatter [tilespmem:s17], [sflag:$0x9], $0x200, $0x38;
	[tilespmem:$0x1E690] =	vst v63  }
.Ltmp18:
0x7c6: {  	s5 =	sadd.s32 s5, s15;
	(pc) =	sbr.rel @p0 .LBB2_35-.Ltmp18, $4  }
0x7c7: {  	s29 =	sadd.s32 s5, s6  }
0x7c8: {  	[tilespmem:s16], [sflag:$0x8] =	stream.linear.gather [spmem:s29], $0x200, $0x38;
	[tilespmem:$0x1E690] =	vst v63  }
0x7c9: {  	s5 =	sadd.s32 s5, s25  }
0x7ca: {  	[tilespmem:s20], [sflag:$0x8] =	stream.linear.gather [spmem:s5], $0x200, $0x38;
	[tilespmem:$0x1E690] =	vst v63  }
0x7cb: {  	_ =	swait.ge [sflag:s3], $0x400  }
0x7cc: {  	[sflag:s3] =	ssyncset.done $0x0  }
0x7cd: {  	[sflag:s3] =	ssyncadd.s32 $0xFFFFFC00  }
0x7ce: {  	_ =	swait.ge [sflag:s4], $0x200  }
0x7cf: {  	[sflag:s4] =	ssyncset.done $0x0  }
0x7d0: {  	s0 =	simm.s32 $0x1D690;
	[sflag:s4] =	ssyncadd.s32 $0xFFFFFE00  }
0x7d1: {  	v3 =	vld [tilespmem:s0+$0x70]  }
0x7d2: {  	v4 =	vld [tilespmem:s0+$0x0]  }
0x7d3: {  	v5 =	vld [tilespmem:s0+$0x10]  }
0x7d4: {  	v6 =	vld [tilespmem:s0+$0x20]  }
0x7d5: {  	v7 =	vld [tilespmem:s0+$0x30]  }
0x7d6: {  	v8 =	vld [tilespmem:s0+$0x40]  }
0x7d7: {  	v9 =	vld [tilespmem:s0+$0x50];
	v3 =	vadd.f32 $1.000000010e-07, v3  }
0x7d8: {  	v10 =	vld [tilespmem:s0+$0x60];
	v4 =	vadd.f32 $1.000000010e-07, v4  }
0x7d9: {  	v11 =	vld [tilespmem:s0+$0xFFFFFE10];
	v5 =	vadd.f32 $1.000000010e-07, v5;
	(erf) = vrcp.f32 v3  }
0x7da: {  	v12 =	vld [tilespmem:s0+$0xFFFFFE20];
	(erf) = vrcp.f32 v4;
	v4 =	vadd.f32 $1.000000010e-07, v6  }
0x7db: {  	v13 =	vld [tilespmem:s0+$0xFFFFFE30];
	(erf) = vrcp.f32 v5  }
0x7dc: {  	v14 =	vld [tilespmem:s0+$0xFFFFFE40];
	v5 =	vadd.f32 $1.000000010e-07, v7;
	(erf) = vrcp.f32 v4  }
0x7dd: {  	s7 =	simm.s32 $0x1D710;
	v3 =	vld [tilespmem:s0+$0xFFFFFE70]  }
0x7de: {  	(erf) = vrcp.f32 v5;
	v5 =	vld [tilespmem:s7+$0x70]  }
0x7df: {  	v4 =	vld [tilespmem:s0+$0xFFFFFE00]  }
0x7e0: {  	v15 =	vld [tilespmem:s0+$0xFFFFFE50];
	v6 =	vadd.f32 $1.000000010e-07, v8  }
0x7e1: {  	v8 =	vadd.f32 $1.000000010e-07, v9;
	v7 =	vld [tilespmem:s0+$0xFFFFFE60]  }
0x7e2: {  	v9 =	vadd.f32 $1.000000010e-07, v10;
	(erf) = vrcp.f32 v6;
	v6 =	vld [tilespmem:s7+$0x0];
	v10 =	vpop (erf)  }
0x7e3: {  	(erf) = vrcp.f32 v8;
	v8 =	vld [tilespmem:s7+$0x10];
	v5 =	vadd.f32 $1.000000010e-07, v5;
	v17 =	vpop (erf);
	v3 =	vmul.f32 v10, v3  }
0x7e4: {  	s0 =	simm.s32 $0x1DCD0;
	(erf) = vrcp.f32 v9;
	v9 =	vld [tilespmem:s7+$0x20];
	v10 =	vpop (erf);
	v17 =	vmul.f32 v17, v4  }
0x7e5: {  	v16 =	vld [tilespmem:s7+$0x30];
	v10 =	vmul.f32 v10, v11;
	[tilespmem:s0+$0x30] =	vst v3;
	v4 =	vpop (erf)  }
0x7e6: {  	v18 =	vld [tilespmem:s7+$0x40];
	v12 =	vmul.f32 v4, v12;
	[tilespmem:s0+$0xFFFFFFC0] =	vst v17  }
0x7e7: {  	v19 =	vld [tilespmem:s7+$0x50];
	v6 =	vadd.f32 $1.000000010e-07, v6;
	(erf) = vrcp.f32 v5;
	v5 =	vpop (erf);
	[tilespmem:s0+$0xFFFFFFD0] =	vst v10  }
0x7e8: {  	v8 =	vadd.f32 $1.000000010e-07, v8;
	v11 =	vld [tilespmem:s7+$0x60];
	v10 =	vmul.f32 v5, v13;
	[tilespmem:s0+$0xFFFFFFE0] =	vst v12  }
0x7e9: {  	v3 =	vld [tilespmem:s7+$0xFFFFFE10];
	v9 =	vadd.f32 $1.000000010e-07, v9;
	(erf) = vrcp.f32 v6;
	s2 =	rddreg [dreg:$0x18]  }
0x7ea: {  	v59 =	vadd.f32 $1.000000010e-07, v16;
	v4 =	vld [tilespmem:s7+$0xFFFFFE20];
	(erf) = vrcp.f32 v8;
	s9 =	sld [smem:$0x7F7];
	[tilespmem:s0+$0xFFFFFFF0] =	vst v10  }
0x7eb: {  	v61 =	vadd.f32 $1.000000010e-07, v18;
	v6 =	vpop (erf);
	v5 =	vld [tilespmem:s7+$0xFFFFFE30];
	(erf) = vrcp.f32 v9;
	s8 =	sld [smem:$0x7F8]  }
0x7ec: {  	v9 =	vld [tilespmem:s7+$0xFFFFFE70];
	v8 =	vmul.f32 v6, v14;
	v60 =	vpop (erf);
	(erf) = vrcp.f32 v59;
	v10 =	vadd.f32 $1.000000010e-07, v19  }
0x7ed: {  	v6 =	vld [tilespmem:s7+$0xFFFFFE40];
	v14 =	vmul.f32 v60, v15;
	v62 =	vpop (erf);
	(erf) = vrcp.f32 v61;
	v11 =	vadd.f32 $1.000000010e-07, v11;
	s2 =	sor.u32 s2, s9  }
0x7ee: {  	v63 =	vmul.f32 v62, v7;
	[tilespmem:s0+$0x0] =	vst v8;
	v8 =	vld [tilespmem:s7+$0xFFFFFE50];
	(erf) = vrcp.f32 v10;
	s2 =	sor.u32 s8, s2  }
0x7ef: {  	v7 =	vld [tilespmem:s7+$0xFFFFFE60];
	[tilespmem:s0+$0x10] =	vst v14;
	(erf) = vrcp.f32 v11;
	s2 =	sshrl.u32 s2, $0x3  }
0x7f0: {  	s5 =	simm.s32 $0x8;
	v10 =	vld [tilespmem:s7+$0xFFFFFE00];
	s7 =	simm.s32 $0x1D790;
	[tilespmem:s0+$0x20] =	vst v63;
	s2 =	sadd.s32 s14, s2  }
.LBB2_41:
0x7f1: {  	v11 =	vld [tilespmem:s7+$0x70];
	s5 =	sadd.s32 $0x8, s5;
	v12 =	vpop (erf)  }
0x7f2: {  	v13 =	vld [tilespmem:s7+$0x0];
	p0 =	slt.u32 s5, $0x18;
	v17 =	vmul.f32 v12, v9;
	v12 =	vpop (erf)  }
0x7f3: {  	s0 =	sadd.s32 $0x80, s0;
	v14 =	vld [tilespmem:s7+$0x10];
	v15 =	vpop (erf)  }
0x7f4: {  	v16 =	vld [tilespmem:s7+$0x20];
	v18 =	vmul.f32 v15, v3;
	[tilespmem:s0+$0x30] =	vst v17;
	v9 =	vpop (erf)  }
0x7f5: {  	v15 =	vld [tilespmem:s7+$0x30];
	v10 =	vmul.f32 v12, v10;
	v17 =	vmul.f32 v9, v4;
	v9 =	vpop (erf)  }
0x7f6: {  	v12 =	vld [tilespmem:s7+$0x40];
	v11 =	vadd.f32 $1.000000010e-07, v11;
	[tilespmem:s0+$0xFFFFFFD0] =	vst v18;
	v5 =	vmul.f32 v9, v5;
	v3 =	vpop (erf)  }
0x7f7: {  	v9 =	vadd.f32 $1.000000010e-07, v13;
	v13 =	vld [tilespmem:s7+$0x50];
	[tilespmem:s0+$0xFFFFFFC0] =	vst v10;
	v6 =	vmul.f32 v3, v6;
	v3 =	vpop (erf)  }
0x7f8: {  	v10 =	vadd.f32 $1.000000010e-07, v14;
	v14 =	vld [tilespmem:s7+$0x60];
	(erf) = vrcp.f32 v11;
	[tilespmem:s0+$0xFFFFFFE0] =	vst v17;
	v8 =	vmul.f32 v3, v8;
	v4 =	vpop (erf)  }
0x7f9: {  	v3 =	vld [tilespmem:s7+$0xFFFFFE10];
	v11 =	vadd.f32 $1.000000010e-07, v16;
	(erf) = vrcp.f32 v9;
	[tilespmem:s0+$0xFFFFFFF0] =	vst v5;
	v7 =	vmul.f32 v4, v7  }
0x7fa: {  	v4 =	vld [tilespmem:s7+$0xFFFFFE20];
	v9 =	vadd.f32 $1.000000010e-07, v15;
	(erf) = vrcp.f32 v10;
	[tilespmem:s0+$0x0] =	vst v6  }
0x7fb: {  	v5 =	vld [tilespmem:s7+$0xFFFFFE30];
	v10 =	vadd.f32 $1.000000010e-07, v12;
	(erf) = vrcp.f32 v11;
	[tilespmem:s0+$0x10] =	vst v8  }
.Ltmp19:
0x7fc: {  	v6 =	vld [tilespmem:s7+$0xFFFFFE40];
	v11 =	vadd.f32 $1.000000010e-07, v13;
	(erf) = vrcp.f32 v9;
	[tilespmem:s0+$0x20] =	vst v7;
	(pc) =	sbr.rel @p0 .LBB2_41-.Ltmp19, $4  }
0x7fd: {  	v12 =	vadd.f32 $1.000000010e-07, v14;
	v9 =	vld [tilespmem:s7+$0xFFFFFE70];
	(erf) = vrcp.f32 v10  }
0x7fe: {  	v8 =	vld [tilespmem:s7+$0xFFFFFE50];
	(erf) = vrcp.f32 v11  }
0x7ff: {  	v7 =	vld [tilespmem:s7+$0xFFFFFE60];
	(erf) = vrcp.f32 v12  }
0x800: {  	v10 =	vld [tilespmem:s7+$0xFFFFFE00];
	s7 =	sadd.s32 $0x80, s7  }
0x801: {  	v11 =	vpop (erf)  }
0x802: {  	v9 =	vmul.f32 v11, v9  }
0x803: {  	v12 =	vpop (erf)  }
0x804: {  	v11 =	vpop (erf)  }
0x805: {  	s0 =	sadd.s32 $0x80, s0;
	v3 =	vmul.f32 v11, v3  }
0x806: {  	[tilespmem:s0+$0x30] =	vst v9;
	v10 =	vmul.f32 v12, v10;
	v9 =	vpop (erf)  }
0x807: {  	[tilespmem:s0+$0xFFFFFFD0] =	vst v3;
	v4 =	vmul.f32 v9, v4;
	v9 =	vpop (erf)  }
0x808: {  	[tilespmem:s0+$0xFFFFFFC0] =	vst v10;
	v3 =	vmul.f32 v9, v5;
	v5 =	vpop (erf)  }
0x809: {  	v5 =	vmul.f32 v5, v6;
	v6 =	vpop (erf);
	[tilespmem:s0+$0xFFFFFFE0] =	vst v4  }
0x80a: {  	v4 =	vmul.f32 v6, v8;
	v6 =	vpop (erf);
	[tilespmem:s0+$0xFFFFFFF0] =	vst v3  }
0x80b: {  	v3 =	vmul.f32 v6, v7;
	[tilespmem:s0+$0x0] =	vst v5  }
0x80c: {  	[tilespmem:s0+$0x10] =	vst v4  }
0x80d: {  	[tilespmem:s0+$0x20] =	vst v3  }
0x80e: {  	[hbm4b:s2+s1] =	stream.strided.scatter [tilespmem:s18], [sflag:$0x5], $0x200, s28, s1, $0x38;
	[tilespmem:$0x1E690] =	vst v63  }
0x80f: {  	s0 =	rddreg [dreg:$0x15]  }
0x810: {  	[spmem:s0] =	stream.linear.scatter [tilespmem:s17], [sflag:$0x9], $0x200, $0x38;
	[tilespmem:$0x1E690] =	vst v63  }
0x811: {  	_ =	swait.ge [sflag:s11], $0x400  }
0x812: {  	[sflag:s11] =	ssyncset.done $0x0  }
0x813: {  	[sflag:s11] =	ssyncadd.s32 $0xFFFFFC00  }
0x814: {  	_ =	swait.ge [sflag:s21], $0x200  }
0x815: {  	[sflag:s21] =	ssyncset.done $0x0  }
0x816: {  	s29 =	simm.s32 $0x1DB00;
	[sflag:s21] =	ssyncadd.s32 $0xFFFFFE00  }
0x817: {  	v3 =	vld [tilespmem:s29+$0x0]  }
0x818: {  	v4 =	vld [tilespmem:s29+$0xFFFFFF90]  }
0x819: {  	v5 =	vld [tilespmem:s29+$0xFFFFFFA0]  }
0x81a: {  	v6 =	vld [tilespmem:s29+$0xFFFFFFB0]  }
0x81b: {  	v7 =	vld [tilespmem:s29+$0xFFFFFFC0]  }
0x81c: {  	v8 =	vld [tilespmem:s29+$0xFFFFFFD0]  }
0x81d: {  	v9 =	vld [tilespmem:s29+$0xFFFFFFE0]  }
0x81e: {  	v10 =	vld [tilespmem:s29+$0xFFFFFFF0]  }
0x81f: {  	v11 =	vld [tilespmem:s29+$0xFFFFFDA0]  }
0x820: {  	v58 =	vld [tilespmem:s29+$0xFFFFFDB0];
	v3 =	vadd.f32 $1.000000010e-07, v3  }
0x821: {  	v13 =	vld [tilespmem:s29+$0xFFFFFDC0];
	v4 =	vadd.f32 $1.000000010e-07, v4  }
0x822: {  	v14 =	vld [tilespmem:s29+$0xFFFFFDD0];
	v5 =	vadd.f32 $1.000000010e-07, v5;
	(erf) = vrcp.f32 v3  }
0x823: {  	s7 =	simm.s32 $0x1DB80;
	v15 =	vld [tilespmem:s29+$0xFFFFFDE0];
	(erf) = vrcp.f32 v4;
	v4 =	vadd.f32 $1.000000010e-07, v6  }
0x824: {  	v16 =	vld [tilespmem:s7+$0xFFFFFFC0];
	(erf) = vrcp.f32 v5;
	v5 =	vadd.f32 $1.000000010e-07, v7  }
0x825: {  	v3 =	vld [tilespmem:s29+$0xFFFFFE00];
	(erf) = vrcp.f32 v4  }
0x826: {  	v6 =	vadd.f32 $1.000000010e-07, v8;
	(erf) = vrcp.f32 v5;
	v5 =	vld [tilespmem:s7+$0x0]  }
0x827: {  	v8 =	vadd.f32 $1.000000010e-07, v9;
	v4 =	vld [tilespmem:s29+$0xFFFFFD90]  }
0x828: {  	v9 =	vadd.f32 $1.000000010e-07, v10;
	(erf) = vrcp.f32 v6;
	v6 =	vld [tilespmem:s7+$0xFFFFFF90]  }
0x829: {  	(erf) = vrcp.f32 v8;
	v8 =	vld [tilespmem:s7+$0xFFFFFFA0]  }
0x82a: {  	(erf) = vrcp.f32 v9;
	v9 =	vld [tilespmem:s7+$0xFFFFFFB0]  }
0x82b: {  	v18 =	vld [tilespmem:s7+$0xFFFFFFD0];
	v10 =	vpop (erf);
	v5 =	vadd.f32 $1.000000010e-07, v5  }
0x82c: {  	v19 =	vld [tilespmem:s7+$0xFFFFFFE0];
	v17 =	vpop (erf);
	v3 =	vmul.f32 v10, v3  }
0x82d: {  	s0 =	simm.s32 $0x1DF00;
	v7 =	vld [tilespmem:s29+$0xFFFFFDF0];
	v6 =	vadd.f32 $1.000000010e-07, v6;
	v10 =	vpop (erf);
	v17 =	vmul.f32 v17, v4  }
0x82e: {  	v8 =	vadd.f32 $1.000000010e-07, v8;
	(erf) = vrcp.f32 v5;
	v10 =	vmul.f32 v10, v11;
	v11 =	vld [tilespmem:s7+$0xFFFFFFF0];
	[tilespmem:s0+$0x0] =	vst v3;
	v4 =	vpop (erf)  }
0x82f: {  	v3 =	vld [tilespmem:s7+$0xFFFFFDA0];
	v9 =	vadd.f32 $1.000000010e-07, v9;
	(erf) = vrcp.f32 v6;
	v12 =	vmul.f32 v4, v58;
	v5 =	vpop (erf);
	[tilespmem:s0+$0xFFFFFF90] =	vst v17  }
0x830: {  	v59 =	vadd.f32 $1.000000010e-07, v16;
	v4 =	vld [tilespmem:s7+$0xFFFFFDB0];
	(erf) = vrcp.f32 v8;
	[tilespmem:s0+$0xFFFFFFA0] =	vst v10;
	v10 =	vmul.f32 v5, v13  }
0x831: {  	v61 =	vadd.f32 $1.000000010e-07, v18;
	v6 =	vpop (erf);
	v5 =	vld [tilespmem:s7+$0xFFFFFDC0];
	(erf) = vrcp.f32 v9;
	[tilespmem:s0+$0xFFFFFFB0] =	vst v12  }
0x832: {  	v9 =	vld [tilespmem:s7+$0xFFFFFE00];
	v8 =	vmul.f32 v6, v14;
	v60 =	vpop (erf);
	(erf) = vrcp.f32 v59;
	s30 =	rddreg [dreg:$0x19];
	[tilespmem:s0+$0xFFFFFFC0] =	vst v10;
	v10 =	vadd.f32 $1.000000010e-07, v19  }
0x833: {  	v6 =	vld [tilespmem:s7+$0xFFFFFDD0];
	v14 =	vmul.f32 v60, v15;
	v62 =	vpop (erf);
	(erf) = vrcp.f32 v61;
	s2 =	sor.u32 s30, s9;
	v11 =	vadd.f32 $1.000000010e-07, v11  }
0x834: {  	v63 =	vmul.f32 v62, v7;
	[tilespmem:s0+$0xFFFFFFD0] =	vst v8;
	v8 =	vld [tilespmem:s7+$0xFFFFFDE0];
	s2 =	sor.u32 s8, s2;
	(erf) = vrcp.f32 v10  }
0x835: {  	v7 =	vld [tilespmem:s7+$0xFFFFFDF0];
	[tilespmem:s0+$0xFFFFFFE0] =	vst v14;
	s2 =	sshrl.u32 s2, $0x3;
	(erf) = vrcp.f32 v11  }
0x836: {  	s5 =	simm.s32 $0x8;
	v10 =	vld [tilespmem:s7+$0xFFFFFD90];
	s7 =	simm.s32 $0x1DC00;
	[tilespmem:s0+$0xFFFFFFF0] =	vst v63;
	s2 =	sadd.s32 s14, s2  }
.LBB2_43:
0x837: {  	v11 =	vld [tilespmem:s7+$0x0];
	s5 =	sadd.s32 $0x8, s5;
	v12 =	vpop (erf)  }
0x838: {  	v13 =	vld [tilespmem:s7+$0xFFFFFF90];
	p0 =	slt.u32 s5, $0x18;
	v17 =	vmul.f32 v12, v9;
	v12 =	vpop (erf)  }
0x839: {  	s0 =	sadd.s32 $0x80, s0;
	v14 =	vld [tilespmem:s7+$0xFFFFFFA0];
	v15 =	vpop (erf)  }
0x83a: {  	v16 =	vld [tilespmem:s7+$0xFFFFFFB0];
	v18 =	vmul.f32 v15, v3;
	[tilespmem:s0+$0x0] =	vst v17;
	v9 =	vpop (erf)  }
0x83b: {  	v15 =	vld [tilespmem:s7+$0xFFFFFFC0];
	v10 =	vmul.f32 v12, v10;
	v17 =	vmul.f32 v9, v4;
	v9 =	vpop (erf)  }
0x83c: {  	v12 =	vld [tilespmem:s7+$0xFFFFFFD0];
	v11 =	vadd.f32 $1.000000010e-07, v11;
	[tilespmem:s0+$0xFFFFFFA0] =	vst v18;
	v5 =	vmul.f32 v9, v5;
	v3 =	vpop (erf)  }
0x83d: {  	v9 =	vadd.f32 $1.000000010e-07, v13;
	v13 =	vld [tilespmem:s7+$0xFFFFFFE0];
	[tilespmem:s0+$0xFFFFFF90] =	vst v10;
	v6 =	vmul.f32 v3, v6;
	v3 =	vpop (erf)  }
0x83e: {  	v10 =	vadd.f32 $1.000000010e-07, v14;
	v14 =	vld [tilespmem:s7+$0xFFFFFFF0];
	(erf) = vrcp.f32 v11;
	[tilespmem:s0+$0xFFFFFFB0] =	vst v17;
	v8 =	vmul.f32 v3, v8;
	v4 =	vpop (erf)  }
0x83f: {  	v3 =	vld [tilespmem:s7+$0xFFFFFDA0];
	v11 =	vadd.f32 $1.000000010e-07, v16;
	(erf) = vrcp.f32 v9;
	[tilespmem:s0+$0xFFFFFFC0] =	vst v5;
	v7 =	vmul.f32 v4, v7  }
0x840: {  	v4 =	vld [tilespmem:s7+$0xFFFFFDB0];
	v9 =	vadd.f32 $1.000000010e-07, v15;
	(erf) = vrcp.f32 v10;
	[tilespmem:s0+$0xFFFFFFD0] =	vst v6  }
0x841: {  	v5 =	vld [tilespmem:s7+$0xFFFFFDC0];
	v10 =	vadd.f32 $1.000000010e-07, v12;
	(erf) = vrcp.f32 v11;
	[tilespmem:s0+$0xFFFFFFE0] =	vst v8  }
.Ltmp20:
0x842: {  	v6 =	vld [tilespmem:s7+$0xFFFFFDD0];
	v11 =	vadd.f32 $1.000000010e-07, v13;
	(erf) = vrcp.f32 v9;
	[tilespmem:s0+$0xFFFFFFF0] =	vst v7;
	(pc) =	sbr.rel @p0 .LBB2_43-.Ltmp20, $4  }
0x843: {  	v12 =	vadd.f32 $1.000000010e-07, v14;
	v9 =	vld [tilespmem:s7+$0xFFFFFE00];
	(erf) = vrcp.f32 v10  }
0x844: {  	v8 =	vld [tilespmem:s7+$0xFFFFFDE0];
	(erf) = vrcp.f32 v11  }
0x845: {  	v7 =	vld [tilespmem:s7+$0xFFFFFDF0];
	(erf) = vrcp.f32 v12  }
0x846: {  	v10 =	vld [tilespmem:s7+$0xFFFFFD90];
	s7 =	sadd.s32 $0x80, s7  }
0x847: {  	v11 =	vpop (erf)  }
0x848: {  	v12 =	vpop (erf)  }
0x849: {  	v9 =	vmul.f32 v11, v9;
	v57 =	vpop (erf)  }
0x84a: {  	s0 =	sadd.s32 $0x80, s0;
	v3 =	vmul.f32 v57, v3  }
0x84b: {  	[tilespmem:s0+$0x0] =	vst v9;
	v58 =	vpop (erf);
	v10 =	vmul.f32 v12, v10  }
0x84c: {  	v4 =	vmul.f32 v58, v4;
	v59 =	vpop (erf);
	[tilespmem:s0+$0xFFFFFFA0] =	vst v3  }
0x84d: {  	v3 =	vmul.f32 v59, v5;
	v60 =	vpop (erf);
	[tilespmem:s0+$0xFFFFFF90] =	vst v10  }
0x84e: {  	v5 =	vmul.f32 v60, v6;
	v61 =	vpop (erf);
	[tilespmem:s0+$0xFFFFFFB0] =	vst v4  }
0x84f: {  	v62 =	vmul.f32 v61, v8;
	v63 =	vpop (erf);
	[tilespmem:s0+$0xFFFFFFC0] =	vst v3  }
0x850: {  	v3 =	vmul.f32 v63, v7;
	[tilespmem:s0+$0xFFFFFFD0] =	vst v5  }
0x851: {  	[tilespmem:s0+$0xFFFFFFE0] =	vst v62  }
0x852: {  	[tilespmem:s0+$0xFFFFFFF0] =	vst v3  }
0x853: {  	[hbm4b:s2+s1] =	stream.strided.scatter [tilespmem:s31], [sflag:$0x6], $0x200, s28, s1, $0x38;
	[tilespmem:$0x1E690] =	vst v63  }
0x854: {  	s0 =	rddreg [dreg:$0x16]  }
0x855: {  	[spmem:s0] =	stream.linear.scatter [tilespmem:s17], [sflag:$0x9], $0x200, $0x38;
	[tilespmem:$0x1E690] =	vst v63  }
0x856: {  	_ =	swait.ge [sflag:s4], $0x200  }
0x857: {  	[sflag:s4] =	ssyncset.done $0x0  }
0x858: {  	[sflag:s4] =	ssyncadd.s32 $0xFFFFFE00  }
0x859: {  	_ =	swait.ge [sflag:s21], $0x200  }
0x85a: {  	[sflag:s21] =	ssyncset.done $0x0  }
0x85b: {  	s30 =	simm.s32 $0x9;
	[sflag:s21] =	ssyncadd.s32 $0xFFFFFE00  }
0x85c: {  	_ =	swait.ge [sflag:s30], $0x4000  }
0x85d: {  	s31 =	sld [smem:$0x7F9];
	_ =	sdelay $0x2  }
0x85e: {  	s2 =	sadd.s32 $0x1, s31  }
0x85f: {  	p0 =	sne.s32 s2, $0x60  }
.Ltmp21:
0x860: {  	_ = 	snop;
	(pc) =	sbr.rel @p0 .LBB2_20-.Ltmp21, $3  }
0x861: {  	[sflag:s30] =	ssyncset.done $0x0  }
0x862: {  	[sflag:s30] =	ssyncadd.s32 $0xFFFFC000  }
0x863: {  	[bflag:$0x0] =	sbarrier.arrive $0xFFFF;
	_ =	sdelay $0x1  }
0x864: {  	s7 =	rddreg [dreg:$0x7]  }
0x865: {  	s0 =	rddreg [dreg:$0x17];
	s7 =	sadd.s32 $0x1, s7  }
0x866: {  	p0 =	sne.s32 s7, s0  }
.Ltmp22:
0x867: {  	_ = 	snop;
	(pc) =	sbr.rel @p0 .LBB2_1-.Ltmp22, $1  }
0x868: {  	_ =	sdelay $0x3  }
0x869: {  	_ =	sfence.sel $0x180000  }
0x86a: {  	[bflag:$0x0] =	sbarrier.arrive $0xFFFF  }
0x86b: {  	_ =	strace $0x90000047  }
0x86c: {  	s0 =	stileid.u32;
	[bflag:$0x2] =	sbarrier.arrive $0xFFFF  }
0x86d: {  	p0 =	sne.s32 s0, $0x0;
	s0 =	rddreg [dreg:$0x6]  }
0x86e: {  	s0 =	sadd.s32 @!p0 $0x100000, s0  }
0x86f: {  	[sflag:s0] =	ssyncadd.tile.s32 @!p0 $0x1;
	_ =	shalt  }
.Lfunc_end2:
_tile_overlayer_lowered:
.L_overlay_start_2:
0x870: {  	(tag) =	ssettag $0x2  }
0x871: {  	s0 =	rddreg [dreg:$0x0];
	s2 =	stileid.u32  }
0x872: {  	s1 =	rddreg [dreg:$0x1];
	p0 =	sne.s32 s2, $0x0  }
0x873: {  	s3 =	rddreg [dreg:$0x2];
	[bflag:$0x3] =	sbarrier.arrive $0xFFFF;
	s2 =	simm.s32 @!p0 $0x1C0A  }
0x874: {  	[timem:s3], [sflag:s2] =	dma.local @!p0 [hbm:s0], s1  }
0x875: {  	s0 =	simm.s32 @!p0 $0xA  }
0x876: {  	_ =	swait.ge @!p0 [sflag:s0], s1  }
0x877: {  	s1 =	ssub.s32 @!p0 $0x0, s1;
	[sflag:s0] =	ssyncset.done @!p0 $0x0  }
0x878: {  	[sflag:s0] =	ssyncadd.s32 @!p0 s1  }
0x879: {  	[bflag:$0x3] =	sbarrier.arrive $0xFFFF  }
0x87a: {  	_ =	shalt  }

</sc_bundles>
